<compile_context>
chip_gen: v7x
topology: tpu7x:2x2x1
jax: 0.10.2.dev20260603
libtpu: 0.0.44.dev20260713+nightly
codegen_flags: <defaults>
</compile_context>

<pallas_src>
import functools

import jax
import jax.numpy as jnp
from jax import lax
from jax.experimental import pallas as pl
from jax.experimental.pallas import tpu as pltpu
from jax.experimental.pallas import tpu_sc as plsc

NC = 2
NS = 16
CH = 128
NB = 6
G = 64
F32 = jnp.float32


def _sc_mesh():
  return plsc.VectorSubcoreMesh(core_axis_name="c", subcore_axis_name="s")


def _row_split(N):
  r_sm = 8 * (N // (8 * NS))
  r_lg = N - r_sm * (NS - 1)
  return r_sm, r_lg


def _for_tile_rows(s, r_sm, r_lg, do):

  @pl.when(s < NS - 1)
  def _():
    do(pl.multiple_of(s * r_sm, 8), r_sm)

  @pl.when(s == NS - 1)
  def _():
    do((NS - 1) * r_sm, r_lg)


def _make_sc_edge_layer(N, H, E):
  NW = NC * NS
  tch = E // CH
  nchunk = tch // NW
  extra = tch - nchunk * NW
  nouter = nchunk // NB
  r_sm, r_lg = _row_split(N)

  @functools.partial(
      pl.kernel,
      out_type=jax.ShapeDtypeStruct((NC, N, H), F32),
      mesh=_sc_mesh(),
      compiler_params=pltpu.CompilerParams(use_tc_tiling_on_sc=False),
      scratch_types=[
          pltpu.VMEM((nchunk, 2, CH), jnp.int32),
          pltpu.VMEM((1, 2, CH), jnp.int32),
          tuple(pltpu.VMEM((CH, H), F32) for _ in range(NB)),
          tuple(pltpu.SemaphoreType.DMA for _ in range(NB)),
          tuple(pltpu.SemaphoreType.DMA for _ in range(NB)),
          pltpu.VMEM_SHARED((N, H), F32),
      ],
  )
  def k(y_hbm, ei3, zeros_hbm, out_hbm, eiv, extrav, rows, gsem, ssem, acc):
    c = lax.axis_index("c")
    s = lax.axis_index("s")
    wid = c * NS + s
    i0 = pltpu.async_copy(ei3.at[pl.ds(wid * nchunk, nchunk)], eiv, gsem[0])

    @pl.when(wid < extra)
    def _():
      pltpu.sync_copy(ei3.at[pl.ds(tch - extra + wid, 1)], extrav)

    _for_tile_rows(s, r_sm, r_lg, lambda o, n: pltpu.sync_copy(
        zeros_hbm.at[pl.ds(0, n)], acc.at[pl.ds(o, n)]))
    i0.wait()
    plsc.subcore_barrier()

    @pl.when(wid < extra)
    def _():
      pltpu.sync_copy(y_hbm.at[extrav.at[0, 0]], rows[NB - 1])
      pltpu.sync_copy(rows[NB - 1], acc.at[extrav.at[0, 1]], add=True)

    def g_start(j, b):
      pltpu.async_copy(y_hbm.at[eiv.at[j, 0]], rows[b], gsem[b])

    def g_wait(j, b):
      pltpu.make_async_copy(y_hbm.at[eiv.at[j, 0]], rows[b], gsem[b]).wait()

    def s_start(j, b):
      pltpu.async_copy(rows[b], acc.at[eiv.at[j, 1]], ssem[b], add=True)

    def s_wait(j, b):
      pltpu.make_async_copy(rows[b], acc.at[eiv.at[j, 1]], ssem[b]).wait()

    AH = NB - 2
    for b in range(AH):
      g_start(b, b)

    def outer(i, carry):
      for b in range(NB):
        j = i * NB + b
        g_wait(j, b)
        s_start(j, b)
        jn = j + AH
        b2 = (b + AH) % NB
        jp = jn - NB
        if b < NB - AH:

          @pl.when(i > 0)
          def _():
            s_wait(jp, b2)
            g_start(jn, b2)

          @pl.when(i == 0)
          def _():
            g_start(jn, b2)
        else:

          @pl.when(jn < nchunk)
          def _():
            s_wait(jp, b2)
            g_start(jn, b2)
      return carry

    lax.fori_loop(0, nouter, outer, 0)
    for j in range(nchunk - NB, nchunk):
      s_wait(j, j % NB)
    plsc.subcore_barrier()
    _for_tile_rows(s, r_sm, r_lg, lambda o, n: pltpu.sync_copy(
        acc.at[pl.ds(o, n)], out_hbm.at[c].at[pl.ds(o, n)]))

  return k


def _make_sc_deg(N, E, W):
  NW = NC * NS
  tch = E // CH
  nchunk = tch // NW
  extra = tch - nchunk * NW
  r_sm, r_lg = _row_split(N)

  @functools.partial(
      pl.kernel,
      out_type=jax.ShapeDtypeStruct((NC, N, W), F32),
      mesh=_sc_mesh(),
      compiler_params=pltpu.CompilerParams(use_tc_tiling_on_sc=False),
      scratch_types=[
          pltpu.VMEM((nchunk, 2, CH), jnp.int32),
          pltpu.VMEM((1, 2, CH), jnp.int32),
          pltpu.VMEM((CH, W), F32),
          tuple(pltpu.SemaphoreType.DMA for _ in range(NB)),
          pltpu.VMEM_SHARED((N, W), F32),
      ],
  )
  def k(ei3, ones_hbm, zeros_hbm, out_hbm, eiv, extrav, ones_v, ssem, acc):
    c = lax.axis_index("c")
    s = lax.axis_index("s")
    wid = c * NS + s
    i0 = pltpu.async_copy(ei3.at[pl.ds(wid * nchunk, nchunk)], eiv, ssem[0])
    i2 = pltpu.async_copy(ones_hbm, ones_v, ssem[2])

    @pl.when(wid < extra)
    def _():
      pltpu.sync_copy(ei3.at[pl.ds(tch - extra + wid, 1)], extrav)

    _for_tile_rows(s, r_sm, r_lg, lambda o, n: pltpu.sync_copy(
        zeros_hbm.at[pl.ds(0, n)], acc.at[pl.ds(o, n)]))
    i0.wait()
    i2.wait()
    plsc.subcore_barrier()

    @pl.when(wid < extra)
    def _():
      pltpu.sync_copy(ones_v, acc.at[extrav.at[0, 1]], add=True)

    def s_start(j, b):
      pltpu.async_copy(ones_v, acc.at[eiv.at[j, 1]], ssem[b], add=True)

    def s_wait(j, b):
      pltpu.make_async_copy(ones_v, acc.at[eiv.at[j, 1]], ssem[b]).wait()

    def outer(i, carry):
      for b in range(NB):
        j = i * NB + b

        @pl.when(i > 0)
        def _():
          s_wait(j - NB, b)

        s_start(j, b)
      return carry

    lax.fori_loop(0, nchunk // NB, outer, 0)
    for b in range(NB):
      s_wait(nchunk - NB + b, b)
    plsc.subcore_barrier()
    _for_tile_rows(s, r_sm, r_lg, lambda o, n: pltpu.sync_copy(
        acc.at[pl.ds(o, n)], out_hbm.at[c].at[pl.ds(o, n)]))

  return k


def _blockdiag2(w, z):
  return jnp.concatenate(
      [jnp.concatenate([w, z], axis=1), jnp.concatenate([z, w], axis=1)], axis=0)


def _tc_first(x2, W1, degp2, N, H, DW):
  NP = N // 2

  def body(x_ref, w_ref, degp_ref, dinv_ref, y_ref):
    degpair = degp_ref[0] + degp_ref[1]
    de = lax.rsqrt(degpair[:, 0:1] + 1.0)
    do = lax.rsqrt(degpair[:, DW:DW + 1] + 1.0)
    dinv2 = jnp.concatenate([jnp.broadcast_to(de, (NP, H)),
                             jnp.broadcast_to(do, (NP, H))], axis=1)
    dinv_ref[...] = dinv2
    z = jnp.zeros_like(w_ref[...])
    xw = jnp.dot(x_ref[...], _blockdiag2(w_ref[...], z),
                 preferred_element_type=F32)
    y_ref[...] = xw * dinv2

  return pl.pallas_call(
      body,
      out_shape=(jax.ShapeDtypeStruct((NP, 2 * H), F32),
                 jax.ShapeDtypeStruct((NP, 2 * H), F32)),
  )(x2, W1, degp2)


def _tc_mid(p2, y2, dinv2, b, Wn, N, H):

  def body(p_ref, y_ref, dinv_ref, b_ref, w_ref, out_ref):
    b2 = jnp.concatenate([b_ref[...], b_ref[...]], axis=1)
    x = (p_ref[0] + p_ref[1] + y_ref[...]) * dinv_ref[...] + b2
    z = jnp.zeros_like(w_ref[...])
    out_ref[...] = jnp.dot(x, _blockdiag2(w_ref[...], z),
                           preferred_element_type=F32) * dinv_ref[...]

  return pl.pallas_call(
      body, out_shape=jax.ShapeDtypeStruct((N // 2, 2 * H), F32),
  )(p2, y2, dinv2, b, Wn)


def _tc_last(p2, y2, dinv2, b, sege, sego, Wlin, blin, N, H):
  C = Wlin.shape[1]
  NP = N // 2

  def body(p_ref, y_ref, dinv_ref, b_ref, sege_ref, sego_ref, wl_ref, bl_ref,
           out_ref):
    b2 = jnp.concatenate([b_ref[...], b_ref[...]], axis=1)
    x3 = (p_ref[0] + p_ref[1] + y_ref[...]) * dinv_ref[...] + b2
    gids = lax.broadcasted_iota(jnp.int32, (G, NP), 0)
    Me = (sege_ref[...] == gids).astype(F32)
    Mo = (sego_ref[...] == gids).astype(F32)
    sums = (jnp.dot(Me, x3[:, 0:H], preferred_element_type=F32) +
            jnp.dot(Mo, x3[:, H:2 * H], preferred_element_type=F32))
    counts = jnp.sum(Me, axis=1, keepdims=True) + jnp.sum(Mo, axis=1, keepdims=True)
    pooled = sums / jnp.maximum(counts, 1.0)
    out_ref[...] = jnp.dot(pooled, wl_ref[...], preferred_element_type=F32) + bl_ref[...]

  return pl.pallas_call(
      body, out_shape=jax.ShapeDtypeStruct((G, C), F32),
  )(p2, y2, dinv2, b, sege, sego, Wlin, blin)


def kernel(inputs, edge_index, batch_indexes, W1, b1, W2, b2, W3, b3, Wlin, blin):
  N, D = inputs.shape
  H = W1.shape[1]
  E = edge_index.shape[1]
  C = Wlin.shape[1]
  ei3 = jnp.swapaxes(edge_index.reshape(2, E // CH, CH), 0, 1)

  DW = 8
  _, r_lg = _row_split(N)
  zeros_h = jnp.zeros((r_lg, H), F32)
  zeros_d = jnp.zeros((r_lg, DW), F32)
  ones_d = jnp.ones((CH, DW), F32)

  sc_deg = _make_sc_deg(N, E, DW)
  sc_layer = _make_sc_edge_layer(N, H, E)

  NP = N // 2

  def as_sc(y2d):
    return y2d.reshape(N, H)

  def as_tc(p):
    return p.reshape(NC, NP, 2 * H)

  x2 = inputs.reshape(NP, 2 * D)
  sege = batch_indexes[0::2].reshape(1, NP)
  sego = batch_indexes[1::2].reshape(1, NP)

  degp = sc_deg(ei3, ones_d, zeros_d)
  dinv2, y1 = _tc_first(x2, W1, degp.reshape(NC, NP, 2 * DW), N, H, DW)
  p1 = sc_layer(as_sc(y1), ei3, zeros_h)
  y2 = _tc_mid(as_tc(p1), y1, dinv2, b1.reshape(1, H), W2, N, H)
  p2 = sc_layer(as_sc(y2), ei3, zeros_h)
  y3 = _tc_mid(as_tc(p2), y2, dinv2, b2.reshape(1, H), W3, N, H)
  p3 = sc_layer(as_sc(y3), ei3, zeros_h)
  return _tc_last(as_tc(p3), y3, dinv2, b3.reshape(1, H), sege, sego, Wlin,
                  blin.reshape(1, C), N, H)

# --- scband reference (transcript-rebuilt; emitter-appended) ---
"""Pipeline reference for scband-gcn-46909632807261 (READ-ONLY COPY).

The authoritative reference and input builder live on the scoring server;
editing this copy changes nothing except your own understanding.
"""

import jax, jax.numpy as jnp
import numpy as np

N = 10000
E = 320000
D = 128
H = 64
C = 16
G = 64


def setup_inputs(seed: int = 0) -> dict:
    key = jax.random.key(seed)
    ks = jax.random.split(key, 12)
    inputs = jax.random.normal(ks[0], (N, D), dtype=jnp.float32)
    edge_index = jax.random.randint(ks[1], (2, E), 0, N, dtype=jnp.int32)
    batch_indexes = jnp.sort(jax.random.randint(ks[2], (N,), 0, G, dtype=jnp.int32))
    W1 = jax.random.normal(ks[3], (D, H), dtype=jnp.float32) * (1.0 / np.sqrt(D))
    b1 = jnp.zeros((H,), dtype=jnp.float32)
    W2 = jax.random.normal(ks[4], (H, H), dtype=jnp.float32) * (1.0 / np.sqrt(H))
    b2 = jnp.zeros((H,), dtype=jnp.float32)
    W3 = jax.random.normal(ks[5], (H, H), dtype=jnp.float32) * (1.0 / np.sqrt(H))
    b3 = jnp.zeros((H,), dtype=jnp.float32)
    Wlin = jax.random.normal(ks[6], (H, C), dtype=jnp.float32) * (1.0 / np.sqrt(H))
    blin = jnp.zeros((C,), dtype=jnp.float32)
    return {"inputs": inputs, "edge_index": edge_index, "batch_indexes": batch_indexes,
            "W1": W1, "b1": b1, "W2": W2, "b2": b2, "W3": W3, "b3": b3,
            "Wlin": Wlin, "blin": blin}


def _gcn_conv(x, src, dst, W, b):
    # torch_geometric GCNConv: add self-loops, symmetric normalization, then linear + bias
    n = x.shape[0]
    loop = jnp.arange(n, dtype=src.dtype)
    s = jnp.concatenate([src, loop])
    d = jnp.concatenate([dst, loop])
    deg = jnp.zeros((n,), x.dtype).at[d].add(1.0)
    dinv = jnp.where(deg > 0, jax.lax.rsqrt(deg), 0.0)
    norm = dinv[s] * dinv[d]
    xw = x @ W
    out = jnp.zeros((n, W.shape[1]), x.dtype).at[d].add(xw[s] * norm[:, None])
    return out + b


def reference(inputs, edge_index, batch_indexes, W1, b1, W2, b2, W3, b3, Wlin, blin):
    src, dst = edge_index[0], edge_index[1]
    x = _gcn_conv(inputs, src, dst, W1, b1)
    x = _gcn_conv(x, src, dst, W2, b2)
    x = _gcn_conv(x, src, dst, W3, b3)
    # global_mean_pool over batch_indexes
    sums = jax.ops.segment_sum(x, batch_indexes, num_segments=G)
    counts = jax.ops.segment_sum(jnp.ones((x.shape[0], 1), x.dtype), batch_indexes, num_segments=G)
    pooled = sums / jnp.clip(counts, 1.0)
    return pooled @ Wlin + blin

if __name__ == "__main__":
    import jax
    _d = setup_inputs()
    print(jax.jit(kernel)(*tuple(_d.values())))

</pallas_src>

<mosaic_0001>
#map = affine_map<(d0, d1) -> (0, 0)>
#map1 = affine_map<(d0, d1) -> (0, 0, 0)>
module attributes {stable_mosaic.version = 14 : i64} {
  func.func @k(%arg0: i32, %arg1: i32, %arg2: memref<10000x64xf32, #tpu.memory_space<hbm>>, %arg3: memref<2500x2x128xi32, #tpu.memory_space<hbm>>, %arg4: memref<640x64xf32, #tpu.memory_space<hbm>>, %arg5: memref<2x10000x64xf32, #tpu.memory_space<hbm>>, %arg6: memref<78x2x128xi32, #tpu.memory_space<vmem>>, %arg7: memref<1x2x128xi32, #tpu.memory_space<vmem>>, %arg8: memref<128x64xf32, #tpu.memory_space<vmem>>, %arg9: memref<128x64xf32, #tpu.memory_space<vmem>>, %arg10: memref<128x64xf32, #tpu.memory_space<vmem>>, %arg11: memref<128x64xf32, #tpu.memory_space<vmem>>, %arg12: memref<128x64xf32, #tpu.memory_space<vmem>>, %arg13: memref<128x64xf32, #tpu.memory_space<vmem>>, %arg14: memref<!tpu.dma_semaphore, #tpu.memory_space<semaphore_mem>>, %arg15: memref<!tpu.dma_semaphore, #tpu.memory_space<semaphore_mem>>, %arg16: memref<!tpu.dma_semaphore, #tpu.memory_space<semaphore_mem>>, %arg17: memref<!tpu.dma_semaphore, #tpu.memory_space<semaphore_mem>>, %arg18: memref<!tpu.dma_semaphore, #tpu.memory_space<semaphore_mem>>, %arg19: memref<!tpu.dma_semaphore, #tpu.memory_space<semaphore_mem>>, %arg20: memref<!tpu.dma_semaphore, #tpu.memory_space<semaphore_mem>>, %arg21: memref<!tpu.dma_semaphore, #tpu.memory_space<semaphore_mem>>, %arg22: memref<!tpu.dma_semaphore, #tpu.memory_space<semaphore_mem>>, %arg23: memref<!tpu.dma_semaphore, #tpu.memory_space<semaphore_mem>>, %arg24: memref<!tpu.dma_semaphore, #tpu.memory_space<semaphore_mem>>, %arg25: memref<!tpu.dma_semaphore, #tpu.memory_space<semaphore_mem>>, %arg26: memref<10000x64xf32, #tpu.memory_space<vmem_shared>>) attributes {dimension_semantics = [#tpu.dimension_semantics<core_parallel>, #tpu.dimension_semantics<subcore_parallel>], iteration_bounds = array<i64: 2, 16>, scalar_prefetch = 0 : i64, scratch_operands = 21 : i64, tpu.core_type = #tpu.core_type<sc_vector_subcore>, window_params = [{transform_indices = #map}, {transform_indices = #map1}, {transform_indices = #map}, {transform_indices = #map1}]} {
    %mul3A = arith.constant 16 : i32
    %mul3A_0 = arith.muli %arg0, %mul3A : i32
    %add3A = arith.addi %mul3A_0, %arg1 : i32
    %mul3A_1 = arith.constant 78 : i32
    %mul3A_2 = arith.muli %add3A, %mul3A_1 : i32
    %dma_start3A = arith.constant 0 : i32
    %dma_start3A_3 = arith.constant 0 : i32
    %dma_start3A_4 = tpu.memref_slice %arg3[%mul3A_2, %dma_start3A, %dma_start3A_3] : memref<2500x2x128xi32, #tpu.memory_space<hbm>> -> memref<78x2x128xi32, #tpu.memory_space<hbm>>
    %dma_start3A_5 = arith.constant 0 : i32
    %dma_start3A_6 = arith.constant 0 : i32
    %dma_start3A_7 = tpu.memref_slice %arg3[%mul3A_2, %dma_start3A_5, %dma_start3A_6] : memref<2500x2x128xi32, #tpu.memory_space<hbm>> -> memref<78x2x128xi32, #tpu.memory_space<hbm>>
    tpu.enqueue_dma source(%dma_start3A_7 : memref<78x2x128xi32, #tpu.memory_space<hbm>>) target(%arg6 : memref<78x2x128xi32, #tpu.memory_space<vmem>>) target_semaphore(%arg14 : memref<!tpu.dma_semaphore, #tpu.memory_space<semaphore_mem>>)
    %lt3A = arith.constant 4 : i32
    %lt3A_8 = arith.cmpi slt, %add3A, %lt3A : i32
    %convert_element_type3A = arith.extui %lt3A_8 : i1 to i32
    %cond3A = arith.constant 0 : i32
    %cond3A_9 = arith.cmpi ne, %convert_element_type3A, %cond3A : i32
    scf.if %cond3A_9 {
      %add3A_125 = arith.constant 2496 : i32
      %add3A_126 = arith.addi %add3A_125, %add3A : i32
      "tpu.region"() ({
        %run_scoped3A = tpu.sem_alloc : memref<!tpu.dma_semaphore, #tpu.memory_space<semaphore_mem>>
        %dma_start3A_127 = arith.constant 0 : i32
        %dma_start3A_128 = arith.constant 0 : i32
        %dma_start3A_129 = tpu.memref_slice %arg3[%add3A_126, %dma_start3A_127, %dma_start3A_128] : memref<2500x2x128xi32, #tpu.memory_space<hbm>> -> memref<1x2x128xi32, #tpu.memory_space<hbm>>
        %dma_start3A_130 = arith.constant 0 : i32
        %dma_start3A_131 = arith.constant 0 : i32
        %dma_start3A_132 = tpu.memref_slice %arg3[%add3A_126, %dma_start3A_130, %dma_start3A_131] : memref<2500x2x128xi32, #tpu.memory_space<hbm>> -> memref<1x2x128xi32, #tpu.memory_space<hbm>>
        tpu.enqueue_dma source(%dma_start3A_132 : memref<1x2x128xi32, #tpu.memory_space<hbm>>) target(%arg7 : memref<1x2x128xi32, #tpu.memory_space<vmem>>) target_semaphore(%run_scoped3A : memref<!tpu.dma_semaphore, #tpu.memory_space<semaphore_mem>>)
        %dma_wait3A_133 = arith.constant 0 : i32
        %dma_wait3A_134 = arith.constant 0 : i32
        %dma_wait3A_135 = tpu.memref_slice %arg3[%add3A_126, %dma_wait3A_133, %dma_wait3A_134] : memref<2500x2x128xi32, #tpu.memory_space<hbm>> -> memref<1x2x128xi32, #tpu.memory_space<hbm>>
        %dma_wait3A_136 = arith.constant 0 : i32
        %dma_wait3A_137 = arith.constant 0 : i32
        %dma_wait3A_138 = tpu.memref_slice %arg3[%add3A_126, %dma_wait3A_136, %dma_wait3A_137] : memref<2500x2x128xi32, #tpu.memory_space<hbm>> -> memref<1x2x128xi32, #tpu.memory_space<hbm>>
        tpu.wait_dma2 semaphore(%run_scoped3A : memref<!tpu.dma_semaphore, #tpu.memory_space<semaphore_mem>>) src(%dma_wait3A_138 : memref<1x2x128xi32, #tpu.memory_space<hbm>>) dst(%arg7 : memref<1x2x128xi32, #tpu.memory_space<vmem>>)
        tpu.yield
      }) : () -> ()
    } else {
    }
    %lt3A_10 = arith.constant 15 : i32
    %lt3A_11 = arith.cmpi slt, %arg1, %lt3A_10 : i32
    %convert_element_type3A_12 = arith.extui %lt3A_11 : i1 to i32
    %cond3A_13 = arith.constant 0 : i32
    %cond3A_14 = arith.cmpi ne, %convert_element_type3A_12, %cond3A_13 : i32
    scf.if %cond3A_14 {
      %mul3A_125 = arith.constant 624 : i32
      %mul3A_126 = arith.muli %arg1, %mul3A_125 : i32
      %multiple_of3A = tpu.assume_multiple %mul3A_126, 8 : i32
      "tpu.region"() ({
        %run_scoped3A = tpu.sem_alloc : memref<!tpu.dma_semaphore, #tpu.memory_space<semaphore_mem>>
        %dma_start3A_127 = arith.constant 0 : i32
        %dma_start3A_128 = tpu.memref_slice %arg26[%multiple_of3A, %dma_start3A_127] : memref<10000x64xf32, #tpu.memory_space<vmem_shared>> -> memref<624x64xf32, #tpu.memory_space<vmem_shared>>
        %dma_start3A_129 = arith.constant 0 : i32
        %dma_start3A_130 = arith.constant 0 : i32
        %dma_start3A_131 = tpu.memref_slice %arg4[%dma_start3A_129, %dma_start3A_130] : memref<640x64xf32, #tpu.memory_space<hbm>> -> memref<624x64xf32, #tpu.memory_space<hbm>>
        tpu.enqueue_dma source(%dma_start3A_131 : memref<624x64xf32, #tpu.memory_space<hbm>>) target(%dma_start3A_128 : memref<624x64xf32, #tpu.memory_space<vmem_shared>>) target_semaphore(%run_scoped3A : memref<!tpu.dma_semaphore, #tpu.memory_space<semaphore_mem>>)
        %dma_wait3A_132 = arith.constant 0 : i32
        %dma_wait3A_133 = tpu.memref_slice %arg26[%multiple_of3A, %dma_wait3A_132] : memref<10000x64xf32, #tpu.memory_space<vmem_shared>> -> memref<624x64xf32, #tpu.memory_space<vmem_shared>>
        %dma_wait3A_134 = arith.constant 0 : i32
        %dma_wait3A_135 = arith.constant 0 : i32
        %dma_wait3A_136 = tpu.memref_slice %arg4[%dma_wait3A_134, %dma_wait3A_135] : memref<640x64xf32, #tpu.memory_space<hbm>> -> memref<624x64xf32, #tpu.memory_space<hbm>>
        tpu.wait_dma2 semaphore(%run_scoped3A : memref<!tpu.dma_semaphore, #tpu.memory_space<semaphore_mem>>) src(%dma_wait3A_136 : memref<624x64xf32, #tpu.memory_space<hbm>>) dst(%dma_wait3A_133 : memref<624x64xf32, #tpu.memory_space<vmem_shared>>)
        tpu.yield
      }) : () -> ()
    } else {
    }
    %eq3A = arith.constant 15 : i32
    %eq3A_15 = arith.cmpi eq, %arg1, %eq3A : i32
    %convert_element_type3A_16 = arith.extui %eq3A_15 : i1 to i32
    %cond3A_17 = arith.constant 0 : i32
    %cond3A_18 = arith.cmpi ne, %convert_element_type3A_16, %cond3A_17 : i32
    scf.if %cond3A_18 {
      "tpu.region"() ({
        %run_scoped3A = tpu.sem_alloc : memref<!tpu.dma_semaphore, #tpu.memory_space<semaphore_mem>>
        %dma_start3A_125 = arith.constant 9360 : i32
        %dma_start3A_126 = arith.constant 0 : i32
        %dma_start3A_127 = tpu.memref_slice %arg26[%dma_start3A_125, %dma_start3A_126] : memref<10000x64xf32, #tpu.memory_space<vmem_shared>> -> memref<640x64xf32, #tpu.memory_space<vmem_shared>>
        %dma_start3A_128 = arith.constant 0 : i32
        %dma_start3A_129 = arith.constant 0 : i32
        %dma_start3A_130 = tpu.memref_slice %arg4[%dma_start3A_128, %dma_start3A_129] : memref<640x64xf32, #tpu.memory_space<hbm>> -> memref<640x64xf32, #tpu.memory_space<hbm>>
        tpu.enqueue_dma source(%dma_start3A_130 : memref<640x64xf32, #tpu.memory_space<hbm>>) target(%dma_start3A_127 : memref<640x64xf32, #tpu.memory_space<vmem_shared>>) target_semaphore(%run_scoped3A : memref<!tpu.dma_semaphore, #tpu.memory_space<semaphore_mem>>)
        %dma_wait3A_131 = arith.constant 9360 : i32
        %dma_wait3A_132 = arith.constant 0 : i32
        %dma_wait3A_133 = tpu.memref_slice %arg26[%dma_wait3A_131, %dma_wait3A_132] : memref<10000x64xf32, #tpu.memory_space<vmem_shared>> -> memref<640x64xf32, #tpu.memory_space<vmem_shared>>
        %dma_wait3A_134 = arith.constant 0 : i32
        %dma_wait3A_135 = arith.constant 0 : i32
        %dma_wait3A_136 = tpu.memref_slice %arg4[%dma_wait3A_134, %dma_wait3A_135] : memref<640x64xf32, #tpu.memory_space<hbm>> -> memref<640x64xf32, #tpu.memory_space<hbm>>
        tpu.wait_dma2 semaphore(%run_scoped3A : memref<!tpu.dma_semaphore, #tpu.memory_space<semaphore_mem>>) src(%dma_wait3A_136 : memref<640x64xf32, #tpu.memory_space<hbm>>) dst(%dma_wait3A_133 : memref<640x64xf32, #tpu.memory_space<vmem_shared>>)
        tpu.yield
      }) : () -> ()
    } else {
    }
    %dma_wait3A = arith.constant 0 : i32
    %dma_wait3A_19 = arith.constant 0 : i32
    %dma_wait3A_20 = tpu.memref_slice %arg3[%mul3A_2, %dma_wait3A, %dma_wait3A_19] : memref<2500x2x128xi32, #tpu.memory_space<hbm>> -> memref<78x2x128xi32, #tpu.memory_space<hbm>>
    %dma_wait3A_21 = arith.constant 0 : i32
    %dma_wait3A_22 = arith.constant 0 : i32
    %dma_wait3A_23 = tpu.memref_slice %arg3[%mul3A_2, %dma_wait3A_21, %dma_wait3A_22] : memref<2500x2x128xi32, #tpu.memory_space<hbm>> -> memref<78x2x128xi32, #tpu.memory_space<hbm>>
    tpu.wait_dma2 semaphore(%arg14 : memref<!tpu.dma_semaphore, #tpu.memory_space<semaphore_mem>>) src(%dma_wait3A_23 : memref<78x2x128xi32, #tpu.memory_space<hbm>>) dst(%arg6 : memref<78x2x128xi32, #tpu.memory_space<vmem>>)
    %barrier3A = arith.constant 0 : index
    tpu.barrier barrier_id(%barrier3A)
    %lt3A_24 = arith.constant 4 : i32
    %lt3A_25 = arith.cmpi slt, %add3A, %lt3A_24 : i32
    %convert_element_type3A_26 = arith.extui %lt3A_25 : i1 to i32
    %cond3A_27 = arith.constant 0 : i32
    %cond3A_28 = arith.cmpi ne, %convert_element_type3A_26, %cond3A_27 : i32
    scf.if %cond3A_28 {
      %run_scoped3A = arith.constant 0 : i32
      %run_scoped3A_125 = arith.constant 0 : i32
      "tpu.region"() ({
        %run_scoped3A_128 = tpu.sem_alloc : memref<!tpu.dma_semaphore, #tpu.memory_space<semaphore_mem>>
        %dma_start3A_129 = arith.constant 0 : i32
        %dma_start3A_130 = tpu.memref_slice %arg7[%run_scoped3A, %run_scoped3A_125, %dma_start3A_129] : memref<1x2x128xi32, #tpu.memory_space<vmem>> -> memref<1x1x128xi32, #tpu.memory_space<vmem>>
        %dma_start3A_131 = tpu.memref_squeeze %dma_start3A_130 : memref<1x1x128xi32, #tpu.memory_space<vmem>> -> memref<128xi32, #tpu.memory_space<vmem>>
        %dma_start3A_132 = arith.constant 0 : i32
        %dma_start3A_133 = arith.constant 0 : i32
        %dma_start3A_134 = tpu.memref_slice %arg2[%dma_start3A_132, %dma_start3A_133] : memref<10000x64xf32, #tpu.memory_space<hbm>> -> memref<10000x64xf32, #tpu.memory_space<hbm>>
        tpu.enqueue_indirect_dma source(%dma_start3A_134 : memref<10000x64xf32, #tpu.memory_space<hbm>>) target(%arg13 : memref<128x64xf32, #tpu.memory_space<vmem>>) offsets(%dma_start3A_131 : memref<128xi32, #tpu.memory_space<vmem>>) semaphore(%run_scoped3A_128 : memref<!tpu.dma_semaphore, #tpu.memory_space<semaphore_mem>>)
        %dma_wait3A_135 = arith.constant 0 : i32
        %dma_wait3A_136 = tpu.memref_slice %arg7[%run_scoped3A, %run_scoped3A_125, %dma_wait3A_135] : memref<1x2x128xi32, #tpu.memory_space<vmem>> -> memref<1x1x128xi32, #tpu.memory_space<vmem>>
        %dma_wait3A_137 = tpu.memref_squeeze %dma_wait3A_136 : memref<1x1x128xi32, #tpu.memory_space<vmem>> -> memref<128xi32, #tpu.memory_space<vmem>>
        %dma_wait3A_138 = arith.constant 0 : i32
        %dma_wait3A_139 = arith.constant 0 : i32
        %dma_wait3A_140 = tpu.memref_slice %arg2[%dma_wait3A_138, %dma_wait3A_139] : memref<10000x64xf32, #tpu.memory_space<hbm>> -> memref<10000x64xf32, #tpu.memory_space<hbm>>
        tpu.wait_indirect_dma semaphore(%run_scoped3A_128 : memref<!tpu.dma_semaphore, #tpu.memory_space<semaphore_mem>>) src(%dma_wait3A_140 : memref<10000x64xf32, #tpu.memory_space<hbm>>) dst(%arg13 : memref<128x64xf32, #tpu.memory_space<vmem>>)
        tpu.yield
      }) : () -> ()
      %run_scoped3A_126 = arith.constant 0 : i32
      %run_scoped3A_127 = arith.constant 1 : i32
      "tpu.region"() ({
        %run_scoped3A_128 = tpu.sem_alloc : memref<!tpu.dma_semaphore, #tpu.memory_space<semaphore_mem>>
        %dma_start3A_129 = arith.constant 0 : i32
        %dma_start3A_130 = tpu.memref_slice %arg7[%run_scoped3A_126, %run_scoped3A_127, %dma_start3A_129] : memref<1x2x128xi32, #tpu.memory_space<vmem>> -> memref<1x1x128xi32, #tpu.memory_space<vmem>>
        %dma_start3A_131 = tpu.memref_squeeze %dma_start3A_130 : memref<1x1x128xi32, #tpu.memory_space<vmem>> -> memref<128xi32, #tpu.memory_space<vmem>>
        %dma_start3A_132 = arith.constant 0 : i32
        %dma_start3A_133 = arith.constant 0 : i32
        %dma_start3A_134 = tpu.memref_slice %arg26[%dma_start3A_132, %dma_start3A_133] : memref<10000x64xf32, #tpu.memory_space<vmem_shared>> -> memref<10000x64xf32, #tpu.memory_space<vmem_shared>>
        tpu.enqueue_indirect_dma source(%arg13 : memref<128x64xf32, #tpu.memory_space<vmem>>) target(%dma_start3A_134 : memref<10000x64xf32, #tpu.memory_space<vmem_shared>>) offsets(%dma_start3A_131 : memref<128xi32, #tpu.memory_space<vmem>>) semaphore(%run_scoped3A_128 : memref<!tpu.dma_semaphore, #tpu.memory_space<semaphore_mem>>) {add = true}
        %dma_wait3A_135 = arith.constant 0 : i32
        %dma_wait3A_136 = tpu.memref_slice %arg7[%run_scoped3A_126, %run_scoped3A_127, %dma_wait3A_135] : memref<1x2x128xi32, #tpu.memory_space<vmem>> -> memref<1x1x128xi32, #tpu.memory_space<vmem>>
        %dma_wait3A_137 = tpu.memref_squeeze %dma_wait3A_136 : memref<1x1x128xi32, #tpu.memory_space<vmem>> -> memref<128xi32, #tpu.memory_space<vmem>>
        %dma_wait3A_138 = arith.constant 0 : i32
        %dma_wait3A_139 = arith.constant 0 : i32
        %dma_wait3A_140 = tpu.memref_slice %arg26[%dma_wait3A_138, %dma_wait3A_139] : memref<10000x64xf32, #tpu.memory_space<vmem_shared>> -> memref<10000x64xf32, #tpu.memory_space<vmem_shared>>
        tpu.wait_indirect_dma semaphore(%run_scoped3A_128 : memref<!tpu.dma_semaphore, #tpu.memory_space<semaphore_mem>>) src(%arg13 : memref<128x64xf32, #tpu.memory_space<vmem>>) dst(%dma_wait3A_140 : memref<10000x64xf32, #tpu.memory_space<vmem_shared>>)
        tpu.yield
      }) : () -> ()
    } else {
    }
    %dma_start3A_29 = arith.constant 0 : i32
    %dma_start3A_30 = arith.constant 0 : i32
    %dma_start3A_31 = arith.constant 0 : i32
    %dma_start3A_32 = tpu.memref_slice %arg6[%dma_start3A_29, %dma_start3A_30, %dma_start3A_31] : memref<78x2x128xi32, #tpu.memory_space<vmem>> -> memref<1x1x128xi32, #tpu.memory_space<vmem>>
    %dma_start3A_33 = tpu.memref_squeeze %dma_start3A_32 : memref<1x1x128xi32, #tpu.memory_space<vmem>> -> memref<128xi32, #tpu.memory_space<vmem>>
    %dma_start3A_34 = arith.constant 0 : i32
    %dma_start3A_35 = arith.constant 0 : i32
    %dma_start3A_36 = tpu.memref_slice %arg2[%dma_start3A_34, %dma_start3A_35] : memref<10000x64xf32, #tpu.memory_space<hbm>> -> memref<10000x64xf32, #tpu.memory_space<hbm>>
    tpu.enqueue_indirect_dma source(%dma_start3A_36 : memref<10000x64xf32, #tpu.memory_space<hbm>>) target(%arg8 : memref<128x64xf32, #tpu.memory_space<vmem>>) offsets(%dma_start3A_33 : memref<128xi32, #tpu.memory_space<vmem>>) semaphore(%arg14 : memref<!tpu.dma_semaphore, #tpu.memory_space<semaphore_mem>>)
    %dma_start3A_37 = arith.constant 1 : i32
    %dma_start3A_38 = arith.constant 0 : i32
    %dma_start3A_39 = arith.constant 0 : i32
    %dma_start3A_40 = tpu.memref_slice %arg6[%dma_start3A_37, %dma_start3A_38, %dma_start3A_39] : memref<78x2x128xi32, #tpu.memory_space<vmem>> -> memref<1x1x128xi32, #tpu.memory_space<vmem>>
    %dma_start3A_41 = tpu.memref_squeeze %dma_start3A_40 : memref<1x1x128xi32, #tpu.memory_space<vmem>> -> memref<128xi32, #tpu.memory_space<vmem>>
    %dma_start3A_42 = arith.constant 0 : i32
    %dma_start3A_43 = arith.constant 0 : i32
    %dma_start3A_44 = tpu.memref_slice %arg2[%dma_start3A_42, %dma_start3A_43] : memref<10000x64xf32, #tpu.memory_space<hbm>> -> memref<10000x64xf32, #tpu.memory_space<hbm>>
    tpu.enqueue_indirect_dma source(%dma_start3A_44 : memref<10000x64xf32, #tpu.memory_space<hbm>>) target(%arg9 : memref<128x64xf32, #tpu.memory_space<vmem>>) offsets(%dma_start3A_41 : memref<128xi32, #tpu.memory_space<vmem>>) semaphore(%arg15 : memref<!tpu.dma_semaphore, #tpu.memory_space<semaphore_mem>>)
    %dma_start3A_45 = arith.constant 2 : i32
    %dma_start3A_46 = arith.constant 0 : i32
    %dma_start3A_47 = arith.constant 0 : i32
    %dma_start3A_48 = tpu.memref_slice %arg6[%dma_start3A_45, %dma_start3A_46, %dma_start3A_47] : memref<78x2x128xi32, #tpu.memory_space<vmem>> -> memref<1x1x128xi32, #tpu.memory_space<vmem>>
    %dma_start3A_49 = tpu.memref_squeeze %dma_start3A_48 : memref<1x1x128xi32, #tpu.memory_space<vmem>> -> memref<128xi32, #tpu.memory_space<vmem>>
    %dma_start3A_50 = arith.constant 0 : i32
    %dma_start3A_51 = arith.constant 0 : i32
    %dma_start3A_52 = tpu.memref_slice %arg2[%dma_start3A_50, %dma_start3A_51] : memref<10000x64xf32, #tpu.memory_space<hbm>> -> memref<10000x64xf32, #tpu.memory_space<hbm>>
    tpu.enqueue_indirect_dma source(%dma_start3A_52 : memref<10000x64xf32, #tpu.memory_space<hbm>>) target(%arg10 : memref<128x64xf32, #tpu.memory_space<vmem>>) offsets(%dma_start3A_49 : memref<128xi32, #tpu.memory_space<vmem>>) semaphore(%arg16 : memref<!tpu.dma_semaphore, #tpu.memory_space<semaphore_mem>>)
    %dma_start3A_53 = arith.constant 3 : i32
    %dma_start3A_54 = arith.constant 0 : i32
    %dma_start3A_55 = arith.constant 0 : i32
    %dma_start3A_56 = tpu.memref_slice %arg6[%dma_start3A_53, %dma_start3A_54, %dma_start3A_55] : memref<78x2x128xi32, #tpu.memory_space<vmem>> -> memref<1x1x128xi32, #tpu.memory_space<vmem>>
    %dma_start3A_57 = tpu.memref_squeeze %dma_start3A_56 : memref<1x1x128xi32, #tpu.memory_space<vmem>> -> memref<128xi32, #tpu.memory_space<vmem>>
    %dma_start3A_58 = arith.constant 0 : i32
    %dma_start3A_59 = arith.constant 0 : i32
    %dma_start3A_60 = tpu.memref_slice %arg2[%dma_start3A_58, %dma_start3A_59] : memref<10000x64xf32, #tpu.memory_space<hbm>> -> memref<10000x64xf32, #tpu.memory_space<hbm>>
    tpu.enqueue_indirect_dma source(%dma_start3A_60 : memref<10000x64xf32, #tpu.memory_space<hbm>>) target(%arg11 : memref<128x64xf32, #tpu.memory_space<vmem>>) offsets(%dma_start3A_57 : memref<128xi32, #tpu.memory_space<vmem>>) semaphore(%arg17 : memref<!tpu.dma_semaphore, #tpu.memory_space<semaphore_mem>>)
    %scan3A = arith.constant 0 : i32
    %scan3A_61 = arith.constant 0 : i32
    %scan3A_62 = arith.constant 13 : i32
    %scan3A_63 = arith.addi %scan3A_61, %scan3A_62 : i32
    %scan3A_64 = arith.constant 1 : i32
    scf.for %scan3A_125 = %scan3A_61 to %scan3A_63 step %scan3A_64  : i32 {
      %mul3A_126 = arith.constant 6 : i32
      %mul3A_127 = arith.muli %scan3A_125, %mul3A_126 : i32
      %add3A_128 = arith.constant 0 : i32
      %add3A_129 = arith.addi %mul3A_127, %add3A_128 : i32
      %dma_wait3A_130 = arith.constant 0 : i32
      %dma_wait3A_131 = arith.constant 0 : i32
      %dma_wait3A_132 = tpu.memref_slice %arg6[%add3A_129, %dma_wait3A_130, %dma_wait3A_131] : memref<78x2x128xi32, #tpu.memory_space<vmem>> -> memref<1x1x128xi32, #tpu.memory_space<vmem>>
      %dma_wait3A_133 = tpu.memref_squeeze %dma_wait3A_132 : memref<1x1x128xi32, #tpu.memory_space<vmem>> -> memref<128xi32, #tpu.memory_space<vmem>>
      %dma_wait3A_134 = arith.constant 0 : i32
      %dma_wait3A_135 = arith.constant 0 : i32
      %dma_wait3A_136 = tpu.memref_slice %arg2[%dma_wait3A_134, %dma_wait3A_135] : memref<10000x64xf32, #tpu.memory_space<hbm>> -> memref<10000x64xf32, #tpu.memory_space<hbm>>
      tpu.wait_indirect_dma semaphore(%arg14 : memref<!tpu.dma_semaphore, #tpu.memory_space<semaphore_mem>>) src(%dma_wait3A_136 : memref<10000x64xf32, #tpu.memory_space<hbm>>) dst(%arg8 : memref<128x64xf32, #tpu.memory_space<vmem>>)
      %dma_start3A_137 = arith.constant 1 : i32
      %dma_start3A_138 = arith.constant 0 : i32
      %dma_start3A_139 = tpu.memref_slice %arg6[%add3A_129, %dma_start3A_137, %dma_start3A_138] : memref<78x2x128xi32, #tpu.memory_space<vmem>> -> memref<1x1x128xi32, #tpu.memory_space<vmem>>
      %dma_start3A_140 = tpu.memref_squeeze %dma_start3A_139 : memref<1x1x128xi32, #tpu.memory_space<vmem>> -> memref<128xi32, #tpu.memory_space<vmem>>
      %dma_start3A_141 = arith.constant 0 : i32
      %dma_start3A_142 = arith.constant 0 : i32
      %dma_start3A_143 = tpu.memref_slice %arg26[%dma_start3A_141, %dma_start3A_142] : memref<10000x64xf32, #tpu.memory_space<vmem_shared>> -> memref<10000x64xf32, #tpu.memory_space<vmem_shared>>
      tpu.enqueue_indirect_dma source(%arg8 : memref<128x64xf32, #tpu.memory_space<vmem>>) target(%dma_start3A_143 : memref<10000x64xf32, #tpu.memory_space<vmem_shared>>) offsets(%dma_start3A_140 : memref<128xi32, #tpu.memory_space<vmem>>) semaphore(%arg20 : memref<!tpu.dma_semaphore, #tpu.memory_space<semaphore_mem>>) {add = true}
      %add3A_144 = arith.constant 4 : i32
      %add3A_145 = arith.addi %add3A_129, %add3A_144 : i32
      %sub3A = arith.constant 6 : i32
      %sub3A_146 = arith.subi %add3A_145, %sub3A : i32
      %gt3A = arith.constant 0 : i32
      %gt3A_147 = arith.cmpi sgt, %scan3A_125, %gt3A : i32
      %convert_element_type3A_148 = arith.extui %gt3A_147 : i1 to i32
      %cond3A_149 = arith.constant 0 : i32
      %cond3A_150 = arith.cmpi ne, %convert_element_type3A_148, %cond3A_149 : i32
      scf.if %cond3A_150 {
        %dma_wait3A_296 = arith.constant 1 : i32
        %dma_wait3A_297 = arith.constant 0 : i32
        %dma_wait3A_298 = tpu.memref_slice %arg6[%sub3A_146, %dma_wait3A_296, %dma_wait3A_297] : memref<78x2x128xi32, #tpu.memory_space<vmem>> -> memref<1x1x128xi32, #tpu.memory_space<vmem>>
        %dma_wait3A_299 = tpu.memref_squeeze %dma_wait3A_298 : memref<1x1x128xi32, #tpu.memory_space<vmem>> -> memref<128xi32, #tpu.memory_space<vmem>>
        %dma_wait3A_300 = arith.constant 0 : i32
        %dma_wait3A_301 = arith.constant 0 : i32
        %dma_wait3A_302 = tpu.memref_slice %arg26[%dma_wait3A_300, %dma_wait3A_301] : memref<10000x64xf32, #tpu.memory_space<vmem_shared>> -> memref<10000x64xf32, #tpu.memory_space<vmem_shared>>
        tpu.wait_indirect_dma semaphore(%arg24 : memref<!tpu.dma_semaphore, #tpu.memory_space<semaphore_mem>>) src(%arg12 : memref<128x64xf32, #tpu.memory_space<vmem>>) dst(%dma_wait3A_302 : memref<10000x64xf32, #tpu.memory_space<vmem_shared>>)
        %dma_start3A_303 = arith.constant 0 : i32
        %dma_start3A_304 = arith.constant 0 : i32
        %dma_start3A_305 = tpu.memref_slice %arg6[%add3A_145, %dma_start3A_303, %dma_start3A_304] : memref<78x2x128xi32, #tpu.memory_space<vmem>> -> memref<1x1x128xi32, #tpu.memory_space<vmem>>
        %dma_start3A_306 = tpu.memref_squeeze %dma_start3A_305 : memref<1x1x128xi32, #tpu.memory_space<vmem>> -> memref<128xi32, #tpu.memory_space<vmem>>
        %dma_start3A_307 = arith.constant 0 : i32
        %dma_start3A_308 = arith.constant 0 : i32
        %dma_start3A_309 = tpu.memref_slice %arg2[%dma_start3A_307, %dma_start3A_308] : memref<10000x64xf32, #tpu.memory_space<hbm>> -> memref<10000x64xf32, #tpu.memory_space<hbm>>
        tpu.enqueue_indirect_dma source(%dma_start3A_309 : memref<10000x64xf32, #tpu.memory_space<hbm>>) target(%arg12 : memref<128x64xf32, #tpu.memory_space<vmem>>) offsets(%dma_start3A_306 : memref<128xi32, #tpu.memory_space<vmem>>) semaphore(%arg18 : memref<!tpu.dma_semaphore, #tpu.memory_space<semaphore_mem>>)
      } else {
      }
      %eq3A_151 = arith.constant 0 : i32
      %eq3A_152 = arith.cmpi eq, %scan3A_125, %eq3A_151 : i32
      %convert_element_type3A_153 = arith.extui %eq3A_152 : i1 to i32
      %cond3A_154 = arith.constant 0 : i32
      %cond3A_155 = arith.cmpi ne, %convert_element_type3A_153, %cond3A_154 : i32
      scf.if %cond3A_155 {
        %dma_start3A_296 = arith.constant 0 : i32
        %dma_start3A_297 = arith.constant 0 : i32
        %dma_start3A_298 = tpu.memref_slice %arg6[%add3A_145, %dma_start3A_296, %dma_start3A_297] : memref<78x2x128xi32, #tpu.memory_space<vmem>> -> memref<1x1x128xi32, #tpu.memory_space<vmem>>
        %dma_start3A_299 = tpu.memref_squeeze %dma_start3A_298 : memref<1x1x128xi32, #tpu.memory_space<vmem>> -> memref<128xi32, #tpu.memory_space<vmem>>
        %dma_start3A_300 = arith.constant 0 : i32
        %dma_start3A_301 = arith.constant 0 : i32
        %dma_start3A_302 = tpu.memref_slice %arg2[%dma_start3A_300, %dma_start3A_301] : memref<10000x64xf32, #tpu.memory_space<hbm>> -> memref<10000x64xf32, #tpu.memory_space<hbm>>
        tpu.enqueue_indirect_dma source(%dma_start3A_302 : memref<10000x64xf32, #tpu.memory_space<hbm>>) target(%arg12 : memref<128x64xf32, #tpu.memory_space<vmem>>) offsets(%dma_start3A_299 : memref<128xi32, #tpu.memory_space<vmem>>) semaphore(%arg18 : memref<!tpu.dma_semaphore, #tpu.memory_space<semaphore_mem>>)
      } else {
      }
      %mul3A_156 = arith.constant 6 : i32
      %mul3A_157 = arith.muli %scan3A_125, %mul3A_156 : i32
      %add3A_158 = arith.constant 1 : i32
      %add3A_159 = arith.addi %mul3A_157, %add3A_158 : i32
      %dma_wait3A_160 = arith.constant 0 : i32
      %dma_wait3A_161 = arith.constant 0 : i32
      %dma_wait3A_162 = tpu.memref_slice %arg6[%add3A_159, %dma_wait3A_160, %dma_wait3A_161] : memref<78x2x128xi32, #tpu.memory_space<vmem>> -> memref<1x1x128xi32, #tpu.memory_space<vmem>>
      %dma_wait3A_163 = tpu.memref_squeeze %dma_wait3A_162 : memref<1x1x128xi32, #tpu.memory_space<vmem>> -> memref<128xi32, #tpu.memory_space<vmem>>
      %dma_wait3A_164 = arith.constant 0 : i32
      %dma_wait3A_165 = arith.constant 0 : i32
      %dma_wait3A_166 = tpu.memref_slice %arg2[%dma_wait3A_164, %dma_wait3A_165] : memref<10000x64xf32, #tpu.memory_space<hbm>> -> memref<10000x64xf32, #tpu.memory_space<hbm>>
      tpu.wait_indirect_dma semaphore(%arg15 : memref<!tpu.dma_semaphore, #tpu.memory_space<semaphore_mem>>) src(%dma_wait3A_166 : memref<10000x64xf32, #tpu.memory_space<hbm>>) dst(%arg9 : memref<128x64xf32, #tpu.memory_space<vmem>>)
      %dma_start3A_167 = arith.constant 1 : i32
      %dma_start3A_168 = arith.constant 0 : i32
      %dma_start3A_169 = tpu.memref_slice %arg6[%add3A_159, %dma_start3A_167, %dma_start3A_168] : memref<78x2x128xi32, #tpu.memory_space<vmem>> -> memref<1x1x128xi32, #tpu.memory_space<vmem>>
      %dma_start3A_170 = tpu.memref_squeeze %dma_start3A_169 : memref<1x1x128xi32, #tpu.memory_space<vmem>> -> memref<128xi32, #tpu.memory_space<vmem>>
      %dma_start3A_171 = arith.constant 0 : i32
      %dma_start3A_172 = arith.constant 0 : i32
      %dma_start3A_173 = tpu.memref_slice %arg26[%dma_start3A_171, %dma_start3A_172] : memref<10000x64xf32, #tpu.memory_space<vmem_shared>> -> memref<10000x64xf32, #tpu.memory_space<vmem_shared>>
      tpu.enqueue_indirect_dma source(%arg9 : memref<128x64xf32, #tpu.memory_space<vmem>>) target(%dma_start3A_173 : memref<10000x64xf32, #tpu.memory_space<vmem_shared>>) offsets(%dma_start3A_170 : memref<128xi32, #tpu.memory_space<vmem>>) semaphore(%arg21 : memref<!tpu.dma_semaphore, #tpu.memory_space<semaphore_mem>>) {add = true}
      %add3A_174 = arith.constant 4 : i32
      %add3A_175 = arith.addi %add3A_159, %add3A_174 : i32
      %sub3A_176 = arith.constant 6 : i32
      %sub3A_177 = arith.subi %add3A_175, %sub3A_176 : i32
      %gt3A_178 = arith.constant 0 : i32
      %gt3A_179 = arith.cmpi sgt, %scan3A_125, %gt3A_178 : i32
      %convert_element_type3A_180 = arith.extui %gt3A_179 : i1 to i32
      %cond3A_181 = arith.constant 0 : i32
      %cond3A_182 = arith.cmpi ne, %convert_element_type3A_180, %cond3A_181 : i32
      scf.if %cond3A_182 {
        %dma_wait3A_296 = arith.constant 1 : i32
        %dma_wait3A_297 = arith.constant 0 : i32
        %dma_wait3A_298 = tpu.memref_slice %arg6[%sub3A_177, %dma_wait3A_296, %dma_wait3A_297] : memref<78x2x128xi32, #tpu.memory_space<vmem>> -> memref<1x1x128xi32, #tpu.memory_space<vmem>>
        %dma_wait3A_299 = tpu.memref_squeeze %dma_wait3A_298 : memref<1x1x128xi32, #tpu.memory_space<vmem>> -> memref<128xi32, #tpu.memory_space<vmem>>
        %dma_wait3A_300 = arith.constant 0 : i32
        %dma_wait3A_301 = arith.constant 0 : i32
        %dma_wait3A_302 = tpu.memref_slice %arg26[%dma_wait3A_300, %dma_wait3A_301] : memref<10000x64xf32, #tpu.memory_space<vmem_shared>> -> memref<10000x64xf32, #tpu.memory_space<vmem_shared>>
        tpu.wait_indirect_dma semaphore(%arg25 : memref<!tpu.dma_semaphore, #tpu.memory_space<semaphore_mem>>) src(%arg13 : memref<128x64xf32, #tpu.memory_space<vmem>>) dst(%dma_wait3A_302 : memref<10000x64xf32, #tpu.memory_space<vmem_shared>>)
        %dma_start3A_303 = arith.constant 0 : i32
        %dma_start3A_304 = arith.constant 0 : i32
        %dma_start3A_305 = tpu.memref_slice %arg6[%add3A_175, %dma_start3A_303, %dma_start3A_304] : memref<78x2x128xi32, #tpu.memory_space<vmem>> -> memref<1x1x128xi32, #tpu.memory_space<vmem>>
        %dma_start3A_306 = tpu.memref_squeeze %dma_start3A_305 : memref<1x1x128xi32, #tpu.memory_space<vmem>> -> memref<128xi32, #tpu.memory_space<vmem>>
        %dma_start3A_307 = arith.constant 0 : i32
        %dma_start3A_308 = arith.constant 0 : i32
        %dma_start3A_309 = tpu.memref_slice %arg2[%dma_start3A_307, %dma_start3A_308] : memref<10000x64xf32, #tpu.memory_space<hbm>> -> memref<10000x64xf32, #tpu.memory_space<hbm>>
        tpu.enqueue_indirect_dma source(%dma_start3A_309 : memref<10000x64xf32, #tpu.memory_space<hbm>>) target(%arg13 : memref<128x64xf32, #tpu.memory_space<vmem>>) offsets(%dma_start3A_306 : memref<128xi32, #tpu.memory_space<vmem>>) semaphore(%arg19 : memref<!tpu.dma_semaphore, #tpu.memory_space<semaphore_mem>>)
      } else {
      }
      %eq3A_183 = arith.constant 0 : i32
      %eq3A_184 = arith.cmpi eq, %scan3A_125, %eq3A_183 : i32
      %convert_element_type3A_185 = arith.extui %eq3A_184 : i1 to i32
      %cond3A_186 = arith.constant 0 : i32
      %cond3A_187 = arith.cmpi ne, %convert_element_type3A_185, %cond3A_186 : i32
      scf.if %cond3A_187 {
        %dma_start3A_296 = arith.constant 0 : i32
        %dma_start3A_297 = arith.constant 0 : i32
        %dma_start3A_298 = tpu.memref_slice %arg6[%add3A_175, %dma_start3A_296, %dma_start3A_297] : memref<78x2x128xi32, #tpu.memory_space<vmem>> -> memref<1x1x128xi32, #tpu.memory_space<vmem>>
        %dma_start3A_299 = tpu.memref_squeeze %dma_start3A_298 : memref<1x1x128xi32, #tpu.memory_space<vmem>> -> memref<128xi32, #tpu.memory_space<vmem>>
        %dma_start3A_300 = arith.constant 0 : i32
        %dma_start3A_301 = arith.constant 0 : i32
        %dma_start3A_302 = tpu.memref_slice %arg2[%dma_start3A_300, %dma_start3A_301] : memref<10000x64xf32, #tpu.memory_space<hbm>> -> memref<10000x64xf32, #tpu.memory_space<hbm>>
        tpu.enqueue_indirect_dma source(%dma_start3A_302 : memref<10000x64xf32, #tpu.memory_space<hbm>>) target(%arg13 : memref<128x64xf32, #tpu.memory_space<vmem>>) offsets(%dma_start3A_299 : memref<128xi32, #tpu.memory_space<vmem>>) semaphore(%arg19 : memref<!tpu.dma_semaphore, #tpu.memory_space<semaphore_mem>>)
      } else {
      }
      %mul3A_188 = arith.constant 6 : i32
      %mul3A_189 = arith.muli %scan3A_125, %mul3A_188 : i32
      %add3A_190 = arith.constant 2 : i32
      %add3A_191 = arith.addi %mul3A_189, %add3A_190 : i32
      %dma_wait3A_192 = arith.constant 0 : i32
      %dma_wait3A_193 = arith.constant 0 : i32
      %dma_wait3A_194 = tpu.memref_slice %arg6[%add3A_191, %dma_wait3A_192, %dma_wait3A_193] : memref<78x2x128xi32, #tpu.memory_space<vmem>> -> memref<1x1x128xi32, #tpu.memory_space<vmem>>
      %dma_wait3A_195 = tpu.memref_squeeze %dma_wait3A_194 : memref<1x1x128xi32, #tpu.memory_space<vmem>> -> memref<128xi32, #tpu.memory_space<vmem>>
      %dma_wait3A_196 = arith.constant 0 : i32
      %dma_wait3A_197 = arith.constant 0 : i32
      %dma_wait3A_198 = tpu.memref_slice %arg2[%dma_wait3A_196, %dma_wait3A_197] : memref<10000x64xf32, #tpu.memory_space<hbm>> -> memref<10000x64xf32, #tpu.memory_space<hbm>>
      tpu.wait_indirect_dma semaphore(%arg16 : memref<!tpu.dma_semaphore, #tpu.memory_space<semaphore_mem>>) src(%dma_wait3A_198 : memref<10000x64xf32, #tpu.memory_space<hbm>>) dst(%arg10 : memref<128x64xf32, #tpu.memory_space<vmem>>)
      %dma_start3A_199 = arith.constant 1 : i32
      %dma_start3A_200 = arith.constant 0 : i32
      %dma_start3A_201 = tpu.memref_slice %arg6[%add3A_191, %dma_start3A_199, %dma_start3A_200] : memref<78x2x128xi32, #tpu.memory_space<vmem>> -> memref<1x1x128xi32, #tpu.memory_space<vmem>>
      %dma_start3A_202 = tpu.memref_squeeze %dma_start3A_201 : memref<1x1x128xi32, #tpu.memory_space<vmem>> -> memref<128xi32, #tpu.memory_space<vmem>>
      %dma_start3A_203 = arith.constant 0 : i32
      %dma_start3A_204 = arith.constant 0 : i32
      %dma_start3A_205 = tpu.memref_slice %arg26[%dma_start3A_203, %dma_start3A_204] : memref<10000x64xf32, #tpu.memory_space<vmem_shared>> -> memref<10000x64xf32, #tpu.memory_space<vmem_shared>>
      tpu.enqueue_indirect_dma source(%arg10 : memref<128x64xf32, #tpu.memory_space<vmem>>) target(%dma_start3A_205 : memref<10000x64xf32, #tpu.memory_space<vmem_shared>>) offsets(%dma_start3A_202 : memref<128xi32, #tpu.memory_space<vmem>>) semaphore(%arg22 : memref<!tpu.dma_semaphore, #tpu.memory_space<semaphore_mem>>) {add = true}
      %add3A_206 = arith.constant 4 : i32
      %add3A_207 = arith.addi %add3A_191, %add3A_206 : i32
      %sub3A_208 = arith.constant 6 : i32
      %sub3A_209 = arith.subi %add3A_207, %sub3A_208 : i32
      %lt3A_210 = arith.constant 78 : i32
      %lt3A_211 = arith.cmpi slt, %add3A_207, %lt3A_210 : i32
      %convert_element_type3A_212 = arith.extui %lt3A_211 : i1 to i32
      %cond3A_213 = arith.constant 0 : i32
      %cond3A_214 = arith.cmpi ne, %convert_element_type3A_212, %cond3A_213 : i32
      scf.if %cond3A_214 {
        %dma_wait3A_296 = arith.constant 1 : i32
        %dma_wait3A_297 = arith.constant 0 : i32
        %dma_wait3A_298 = tpu.memref_slice %arg6[%sub3A_209, %dma_wait3A_296, %dma_wait3A_297] : memref<78x2x128xi32, #tpu.memory_space<vmem>> -> memref<1x1x128xi32, #tpu.memory_space<vmem>>
        %dma_wait3A_299 = tpu.memref_squeeze %dma_wait3A_298 : memref<1x1x128xi32, #tpu.memory_space<vmem>> -> memref<128xi32, #tpu.memory_space<vmem>>
        %dma_wait3A_300 = arith.constant 0 : i32
        %dma_wait3A_301 = arith.constant 0 : i32
        %dma_wait3A_302 = tpu.memref_slice %arg26[%dma_wait3A_300, %dma_wait3A_301] : memref<10000x64xf32, #tpu.memory_space<vmem_shared>> -> memref<10000x64xf32, #tpu.memory_space<vmem_shared>>
        tpu.wait_indirect_dma semaphore(%arg20 : memref<!tpu.dma_semaphore, #tpu.memory_space<semaphore_mem>>) src(%arg8 : memref<128x64xf32, #tpu.memory_space<vmem>>) dst(%dma_wait3A_302 : memref<10000x64xf32, #tpu.memory_space<vmem_shared>>)
        %dma_start3A_303 = arith.constant 0 : i32
        %dma_start3A_304 = arith.constant 0 : i32
        %dma_start3A_305 = tpu.memref_slice %arg6[%add3A_207, %dma_start3A_303, %dma_start3A_304] : memref<78x2x128xi32, #tpu.memory_space<vmem>> -> memref<1x1x128xi32, #tpu.memory_space<vmem>>
        %dma_start3A_306 = tpu.memref_squeeze %dma_start3A_305 : memref<1x1x128xi32, #tpu.memory_space<vmem>> -> memref<128xi32, #tpu.memory_space<vmem>>
        %dma_start3A_307 = arith.constant 0 : i32
        %dma_start3A_308 = arith.constant 0 : i32
        %dma_start3A_309 = tpu.memref_slice %arg2[%dma_start3A_307, %dma_start3A_308] : memref<10000x64xf32, #tpu.memory_space<hbm>> -> memref<10000x64xf32, #tpu.memory_space<hbm>>
        tpu.enqueue_indirect_dma source(%dma_start3A_309 : memref<10000x64xf32, #tpu.memory_space<hbm>>) target(%arg8 : memref<128x64xf32, #tpu.memory_space<vmem>>) offsets(%dma_start3A_306 : memref<128xi32, #tpu.memory_space<vmem>>) semaphore(%arg14 : memref<!tpu.dma_semaphore, #tpu.memory_space<semaphore_mem>>)
      } else {
      }
      %mul3A_215 = arith.constant 6 : i32
      %mul3A_216 = arith.muli %scan3A_125, %mul3A_215 : i32
      %add3A_217 = arith.constant 3 : i32
      %add3A_218 = arith.addi %mul3A_216, %add3A_217 : i32
      %dma_wait3A_219 = arith.constant 0 : i32
      %dma_wait3A_220 = arith.constant 0 : i32
      %dma_wait3A_221 = tpu.memref_slice %arg6[%add3A_218, %dma_wait3A_219, %dma_wait3A_220] : memref<78x2x128xi32, #tpu.memory_space<vmem>> -> memref<1x1x128xi32, #tpu.memory_space<vmem>>
      %dma_wait3A_222 = tpu.memref_squeeze %dma_wait3A_221 : memref<1x1x128xi32, #tpu.memory_space<vmem>> -> memref<128xi32, #tpu.memory_space<vmem>>
      %dma_wait3A_223 = arith.constant 0 : i32
      %dma_wait3A_224 = arith.constant 0 : i32
      %dma_wait3A_225 = tpu.memref_slice %arg2[%dma_wait3A_223, %dma_wait3A_224] : memref<10000x64xf32, #tpu.memory_space<hbm>> -> memref<10000x64xf32, #tpu.memory_space<hbm>>
      tpu.wait_indirect_dma semaphore(%arg17 : memref<!tpu.dma_semaphore, #tpu.memory_space<semaphore_mem>>) src(%dma_wait3A_225 : memref<10000x64xf32, #tpu.memory_space<hbm>>) dst(%arg11 : memref<128x64xf32, #tpu.memory_space<vmem>>)
      %dma_start3A_226 = arith.constant 1 : i32
      %dma_start3A_227 = arith.constant 0 : i32
      %dma_start3A_228 = tpu.memref_slice %arg6[%add3A_218, %dma_start3A_226, %dma_start3A_227] : memref<78x2x128xi32, #tpu.memory_space<vmem>> -> memref<1x1x128xi32, #tpu.memory_space<vmem>>
      %dma_start3A_229 = tpu.memref_squeeze %dma_start3A_228 : memref<1x1x128xi32, #tpu.memory_space<vmem>> -> memref<128xi32, #tpu.memory_space<vmem>>
      %dma_start3A_230 = arith.constant 0 : i32
      %dma_start3A_231 = arith.constant 0 : i32
      %dma_start3A_232 = tpu.memref_slice %arg26[%dma_start3A_230, %dma_start3A_231] : memref<10000x64xf32, #tpu.memory_space<vmem_shared>> -> memref<10000x64xf32, #tpu.memory_space<vmem_shared>>
      tpu.enqueue_indirect_dma source(%arg11 : memref<128x64xf32, #tpu.memory_space<vmem>>) target(%dma_start3A_232 : memref<10000x64xf32, #tpu.memory_space<vmem_shared>>) offsets(%dma_start3A_229 : memref<128xi32, #tpu.memory_space<vmem>>) semaphore(%arg23 : memref<!tpu.dma_semaphore, #tpu.memory_space<semaphore_mem>>) {add = true}
      %add3A_233 = arith.constant 4 : i32
      %add3A_234 = arith.addi %add3A_218, %add3A_233 : i32
      %sub3A_235 = arith.constant 6 : i32
      %sub3A_236 = arith.subi %add3A_234, %sub3A_235 : i32
      %lt3A_237 = arith.constant 78 : i32
      %lt3A_238 = arith.cmpi slt, %add3A_234, %lt3A_237 : i32
      %convert_element_type3A_239 = arith.extui %lt3A_238 : i1 to i32
      %cond3A_240 = arith.constant 0 : i32
      %cond3A_241 = arith.cmpi ne, %convert_element_type3A_239, %cond3A_240 : i32
      scf.if %cond3A_241 {
        %dma_wait3A_296 = arith.constant 1 : i32
        %dma_wait3A_297 = arith.constant 0 : i32
        %dma_wait3A_298 = tpu.memref_slice %arg6[%sub3A_236, %dma_wait3A_296, %dma_wait3A_297] : memref<78x2x128xi32, #tpu.memory_space<vmem>> -> memref<1x1x128xi32, #tpu.memory_space<vmem>>
        %dma_wait3A_299 = tpu.memref_squeeze %dma_wait3A_298 : memref<1x1x128xi32, #tpu.memory_space<vmem>> -> memref<128xi32, #tpu.memory_space<vmem>>
        %dma_wait3A_300 = arith.constant 0 : i32
        %dma_wait3A_301 = arith.constant 0 : i32
        %dma_wait3A_302 = tpu.memref_slice %arg26[%dma_wait3A_300, %dma_wait3A_301] : memref<10000x64xf32, #tpu.memory_space<vmem_shared>> -> memref<10000x64xf32, #tpu.memory_space<vmem_shared>>
        tpu.wait_indirect_dma semaphore(%arg21 : memref<!tpu.dma_semaphore, #tpu.memory_space<semaphore_mem>>) src(%arg9 : memref<128x64xf32, #tpu.memory_space<vmem>>) dst(%dma_wait3A_302 : memref<10000x64xf32, #tpu.memory_space<vmem_shared>>)
        %dma_start3A_303 = arith.constant 0 : i32
        %dma_start3A_304 = arith.constant 0 : i32
        %dma_start3A_305 = tpu.memref_slice %arg6[%add3A_234, %dma_start3A_303, %dma_start3A_304] : memref<78x2x128xi32, #tpu.memory_space<vmem>> -> memref<1x1x128xi32, #tpu.memory_space<vmem>>
        %dma_start3A_306 = tpu.memref_squeeze %dma_start3A_305 : memref<1x1x128xi32, #tpu.memory_space<vmem>> -> memref<128xi32, #tpu.memory_space<vmem>>
        %dma_start3A_307 = arith.constant 0 : i32
        %dma_start3A_308 = arith.constant 0 : i32
        %dma_start3A_309 = tpu.memref_slice %arg2[%dma_start3A_307, %dma_start3A_308] : memref<10000x64xf32, #tpu.memory_space<hbm>> -> memref<10000x64xf32, #tpu.memory_space<hbm>>
        tpu.enqueue_indirect_dma source(%dma_start3A_309 : memref<10000x64xf32, #tpu.memory_space<hbm>>) target(%arg9 : memref<128x64xf32, #tpu.memory_space<vmem>>) offsets(%dma_start3A_306 : memref<128xi32, #tpu.memory_space<vmem>>) semaphore(%arg15 : memref<!tpu.dma_semaphore, #tpu.memory_space<semaphore_mem>>)
      } else {
      }
      %mul3A_242 = arith.constant 6 : i32
      %mul3A_243 = arith.muli %scan3A_125, %mul3A_242 : i32
      %add3A_244 = arith.constant 4 : i32
      %add3A_245 = arith.addi %mul3A_243, %add3A_244 : i32
      %dma_wait3A_246 = arith.constant 0 : i32
      %dma_wait3A_247 = arith.constant 0 : i32
      %dma_wait3A_248 = tpu.memref_slice %arg6[%add3A_245, %dma_wait3A_246, %dma_wait3A_247] : memref<78x2x128xi32, #tpu.memory_space<vmem>> -> memref<1x1x128xi32, #tpu.memory_space<vmem>>
      %dma_wait3A_249 = tpu.memref_squeeze %dma_wait3A_248 : memref<1x1x128xi32, #tpu.memory_space<vmem>> -> memref<128xi32, #tpu.memory_space<vmem>>
      %dma_wait3A_250 = arith.constant 0 : i32
      %dma_wait3A_251 = arith.constant 0 : i32
      %dma_wait3A_252 = tpu.memref_slice %arg2[%dma_wait3A_250, %dma_wait3A_251] : memref<10000x64xf32, #tpu.memory_space<hbm>> -> memref<10000x64xf32, #tpu.memory_space<hbm>>
      tpu.wait_indirect_dma semaphore(%arg18 : memref<!tpu.dma_semaphore, #tpu.memory_space<semaphore_mem>>) src(%dma_wait3A_252 : memref<10000x64xf32, #tpu.memory_space<hbm>>) dst(%arg12 : memref<128x64xf32, #tpu.memory_space<vmem>>)
      %dma_start3A_253 = arith.constant 1 : i32
      %dma_start3A_254 = arith.constant 0 : i32
      %dma_start3A_255 = tpu.memref_slice %arg6[%add3A_245, %dma_start3A_253, %dma_start3A_254] : memref<78x2x128xi32, #tpu.memory_space<vmem>> -> memref<1x1x128xi32, #tpu.memory_space<vmem>>
      %dma_start3A_256 = tpu.memref_squeeze %dma_start3A_255 : memref<1x1x128xi32, #tpu.memory_space<vmem>> -> memref<128xi32, #tpu.memory_space<vmem>>
      %dma_start3A_257 = arith.constant 0 : i32
      %dma_start3A_258 = arith.constant 0 : i32
      %dma_start3A_259 = tpu.memref_slice %arg26[%dma_start3A_257, %dma_start3A_258] : memref<10000x64xf32, #tpu.memory_space<vmem_shared>> -> memref<10000x64xf32, #tpu.memory_space<vmem_shared>>
      tpu.enqueue_indirect_dma source(%arg12 : memref<128x64xf32, #tpu.memory_space<vmem>>) target(%dma_start3A_259 : memref<10000x64xf32, #tpu.memory_space<vmem_shared>>) offsets(%dma_start3A_256 : memref<128xi32, #tpu.memory_space<vmem>>) semaphore(%arg24 : memref<!tpu.dma_semaphore, #tpu.memory_space<semaphore_mem>>) {add = true}
      %add3A_260 = arith.constant 4 : i32
      %add3A_261 = arith.addi %add3A_245, %add3A_260 : i32
      %sub3A_262 = arith.constant 6 : i32
      %sub3A_263 = arith.subi %add3A_261, %sub3A_262 : i32
      %lt3A_264 = arith.constant 78 : i32
      %lt3A_265 = arith.cmpi slt, %add3A_261, %lt3A_264 : i32
      %convert_element_type3A_266 = arith.extui %lt3A_265 : i1 to i32
      %cond3A_267 = arith.constant 0 : i32
      %cond3A_268 = arith.cmpi ne, %convert_element_type3A_266, %cond3A_267 : i32
      scf.if %cond3A_268 {
        %dma_wait3A_296 = arith.constant 1 : i32
        %dma_wait3A_297 = arith.constant 0 : i32
        %dma_wait3A_298 = tpu.memref_slice %arg6[%sub3A_263, %dma_wait3A_296, %dma_wait3A_297] : memref<78x2x128xi32, #tpu.memory_space<vmem>> -> memref<1x1x128xi32, #tpu.memory_space<vmem>>
        %dma_wait3A_299 = tpu.memref_squeeze %dma_wait3A_298 : memref<1x1x128xi32, #tpu.memory_space<vmem>> -> memref<128xi32, #tpu.memory_space<vmem>>
        %dma_wait3A_300 = arith.constant 0 : i32
        %dma_wait3A_301 = arith.constant 0 : i32
        %dma_wait3A_302 = tpu.memref_slice %arg26[%dma_wait3A_300, %dma_wait3A_301] : memref<10000x64xf32, #tpu.memory_space<vmem_shared>> -> memref<10000x64xf32, #tpu.memory_space<vmem_shared>>
        tpu.wait_indirect_dma semaphore(%arg22 : memref<!tpu.dma_semaphore, #tpu.memory_space<semaphore_mem>>) src(%arg10 : memref<128x64xf32, #tpu.memory_space<vmem>>) dst(%dma_wait3A_302 : memref<10000x64xf32, #tpu.memory_space<vmem_shared>>)
        %dma_start3A_303 = arith.constant 0 : i32
        %dma_start3A_304 = arith.constant 0 : i32
        %dma_start3A_305 = tpu.memref_slice %arg6[%add3A_261, %dma_start3A_303, %dma_start3A_304] : memref<78x2x128xi32, #tpu.memory_space<vmem>> -> memref<1x1x128xi32, #tpu.memory_space<vmem>>
        %dma_start3A_306 = tpu.memref_squeeze %dma_start3A_305 : memref<1x1x128xi32, #tpu.memory_space<vmem>> -> memref<128xi32, #tpu.memory_space<vmem>>
        %dma_start3A_307 = arith.constant 0 : i32
        %dma_start3A_308 = arith.constant 0 : i32
        %dma_start3A_309 = tpu.memref_slice %arg2[%dma_start3A_307, %dma_start3A_308] : memref<10000x64xf32, #tpu.memory_space<hbm>> -> memref<10000x64xf32, #tpu.memory_space<hbm>>
        tpu.enqueue_indirect_dma source(%dma_start3A_309 : memref<10000x64xf32, #tpu.memory_space<hbm>>) target(%arg10 : memref<128x64xf32, #tpu.memory_space<vmem>>) offsets(%dma_start3A_306 : memref<128xi32, #tpu.memory_space<vmem>>) semaphore(%arg16 : memref<!tpu.dma_semaphore, #tpu.memory_space<semaphore_mem>>)
      } else {
      }
      %mul3A_269 = arith.constant 6 : i32
      %mul3A_270 = arith.muli %scan3A_125, %mul3A_269 : i32
      %add3A_271 = arith.constant 5 : i32
      %add3A_272 = arith.addi %mul3A_270, %add3A_271 : i32
      %dma_wait3A_273 = arith.constant 0 : i32
      %dma_wait3A_274 = arith.constant 0 : i32
      %dma_wait3A_275 = tpu.memref_slice %arg6[%add3A_272, %dma_wait3A_273, %dma_wait3A_274] : memref<78x2x128xi32, #tpu.memory_space<vmem>> -> memref<1x1x128xi32, #tpu.memory_space<vmem>>
      %dma_wait3A_276 = tpu.memref_squeeze %dma_wait3A_275 : memref<1x1x128xi32, #tpu.memory_space<vmem>> -> memref<128xi32, #tpu.memory_space<vmem>>
      %dma_wait3A_277 = arith.constant 0 : i32
      %dma_wait3A_278 = arith.constant 0 : i32
      %dma_wait3A_279 = tpu.memref_slice %arg2[%dma_wait3A_277, %dma_wait3A_278] : memref<10000x64xf32, #tpu.memory_space<hbm>> -> memref<10000x64xf32, #tpu.memory_space<hbm>>
      tpu.wait_indirect_dma semaphore(%arg19 : memref<!tpu.dma_semaphore, #tpu.memory_space<semaphore_mem>>) src(%dma_wait3A_279 : memref<10000x64xf32, #tpu.memory_space<hbm>>) dst(%arg13 : memref<128x64xf32, #tpu.memory_space<vmem>>)
      %dma_start3A_280 = arith.constant 1 : i32
      %dma_start3A_281 = arith.constant 0 : i32
      %dma_start3A_282 = tpu.memref_slice %arg6[%add3A_272, %dma_start3A_280, %dma_start3A_281] : memref<78x2x128xi32, #tpu.memory_space<vmem>> -> memref<1x1x128xi32, #tpu.memory_space<vmem>>
      %dma_start3A_283 = tpu.memref_squeeze %dma_start3A_282 : memref<1x1x128xi32, #tpu.memory_space<vmem>> -> memref<128xi32, #tpu.memory_space<vmem>>
      %dma_start3A_284 = arith.constant 0 : i32
      %dma_start3A_285 = arith.constant 0 : i32
      %dma_start3A_286 = tpu.memref_slice %arg26[%dma_start3A_284, %dma_start3A_285] : memref<10000x64xf32, #tpu.memory_space<vmem_shared>> -> memref<10000x64xf32, #tpu.memory_space<vmem_shared>>
      tpu.enqueue_indirect_dma source(%arg13 : memref<128x64xf32, #tpu.memory_space<vmem>>) target(%dma_start3A_286 : memref<10000x64xf32, #tpu.memory_space<vmem_shared>>) offsets(%dma_start3A_283 : memref<128xi32, #tpu.memory_space<vmem>>) semaphore(%arg25 : memref<!tpu.dma_semaphore, #tpu.memory_space<semaphore_mem>>) {add = true}
      %add3A_287 = arith.constant 4 : i32
      %add3A_288 = arith.addi %add3A_272, %add3A_287 : i32
      %sub3A_289 = arith.constant 6 : i32
      %sub3A_290 = arith.subi %add3A_288, %sub3A_289 : i32
      %lt3A_291 = arith.constant 78 : i32
      %lt3A_292 = arith.cmpi slt, %add3A_288, %lt3A_291 : i32
      %convert_element_type3A_293 = arith.extui %lt3A_292 : i1 to i32
      %cond3A_294 = arith.constant 0 : i32
      %cond3A_295 = arith.cmpi ne, %convert_element_type3A_293, %cond3A_294 : i32
      scf.if %cond3A_295 {
        %dma_wait3A_296 = arith.constant 1 : i32
        %dma_wait3A_297 = arith.constant 0 : i32
        %dma_wait3A_298 = tpu.memref_slice %arg6[%sub3A_290, %dma_wait3A_296, %dma_wait3A_297] : memref<78x2x128xi32, #tpu.memory_space<vmem>> -> memref<1x1x128xi32, #tpu.memory_space<vmem>>
        %dma_wait3A_299 = tpu.memref_squeeze %dma_wait3A_298 : memref<1x1x128xi32, #tpu.memory_space<vmem>> -> memref<128xi32, #tpu.memory_space<vmem>>
        %dma_wait3A_300 = arith.constant 0 : i32
        %dma_wait3A_301 = arith.constant 0 : i32
        %dma_wait3A_302 = tpu.memref_slice %arg26[%dma_wait3A_300, %dma_wait3A_301] : memref<10000x64xf32, #tpu.memory_space<vmem_shared>> -> memref<10000x64xf32, #tpu.memory_space<vmem_shared>>
        tpu.wait_indirect_dma semaphore(%arg23 : memref<!tpu.dma_semaphore, #tpu.memory_space<semaphore_mem>>) src(%arg11 : memref<128x64xf32, #tpu.memory_space<vmem>>) dst(%dma_wait3A_302 : memref<10000x64xf32, #tpu.memory_space<vmem_shared>>)
        %dma_start3A_303 = arith.constant 0 : i32
        %dma_start3A_304 = arith.constant 0 : i32
        %dma_start3A_305 = tpu.memref_slice %arg6[%add3A_288, %dma_start3A_303, %dma_start3A_304] : memref<78x2x128xi32, #tpu.memory_space<vmem>> -> memref<1x1x128xi32, #tpu.memory_space<vmem>>
        %dma_start3A_306 = tpu.memref_squeeze %dma_start3A_305 : memref<1x1x128xi32, #tpu.memory_space<vmem>> -> memref<128xi32, #tpu.memory_space<vmem>>
        %dma_start3A_307 = arith.constant 0 : i32
        %dma_start3A_308 = arith.constant 0 : i32
        %dma_start3A_309 = tpu.memref_slice %arg2[%dma_start3A_307, %dma_start3A_308] : memref<10000x64xf32, #tpu.memory_space<hbm>> -> memref<10000x64xf32, #tpu.memory_space<hbm>>
        tpu.enqueue_indirect_dma source(%dma_start3A_309 : memref<10000x64xf32, #tpu.memory_space<hbm>>) target(%arg11 : memref<128x64xf32, #tpu.memory_space<vmem>>) offsets(%dma_start3A_306 : memref<128xi32, #tpu.memory_space<vmem>>) semaphore(%arg17 : memref<!tpu.dma_semaphore, #tpu.memory_space<semaphore_mem>>)
      } else {
      }
    }
    %scan3A_65 = arith.constant 13 : i32
    %dma_wait3A_66 = arith.constant 72 : i32
    %dma_wait3A_67 = arith.constant 1 : i32
    %dma_wait3A_68 = arith.constant 0 : i32
    %dma_wait3A_69 = tpu.memref_slice %arg6[%dma_wait3A_66, %dma_wait3A_67, %dma_wait3A_68] : memref<78x2x128xi32, #tpu.memory_space<vmem>> -> memref<1x1x128xi32, #tpu.memory_space<vmem>>
    %dma_wait3A_70 = tpu.memref_squeeze %dma_wait3A_69 : memref<1x1x128xi32, #tpu.memory_space<vmem>> -> memref<128xi32, #tpu.memory_space<vmem>>
    %dma_wait3A_71 = arith.constant 0 : i32
    %dma_wait3A_72 = arith.constant 0 : i32
    %dma_wait3A_73 = tpu.memref_slice %arg26[%dma_wait3A_71, %dma_wait3A_72] : memref<10000x64xf32, #tpu.memory_space<vmem_shared>> -> memref<10000x64xf32, #tpu.memory_space<vmem_shared>>
    tpu.wait_indirect_dma semaphore(%arg20 : memref<!tpu.dma_semaphore, #tpu.memory_space<semaphore_mem>>) src(%arg8 : memref<128x64xf32, #tpu.memory_space<vmem>>) dst(%dma_wait3A_73 : memref<10000x64xf32, #tpu.memory_space<vmem_shared>>)
    %dma_wait3A_74 = arith.constant 73 : i32
    %dma_wait3A_75 = arith.constant 1 : i32
    %dma_wait3A_76 = arith.constant 0 : i32
    %dma_wait3A_77 = tpu.memref_slice %arg6[%dma_wait3A_74, %dma_wait3A_75, %dma_wait3A_76] : memref<78x2x128xi32, #tpu.memory_space<vmem>> -> memref<1x1x128xi32, #tpu.memory_space<vmem>>
    %dma_wait3A_78 = tpu.memref_squeeze %dma_wait3A_77 : memref<1x1x128xi32, #tpu.memory_space<vmem>> -> memref<128xi32, #tpu.memory_space<vmem>>
    %dma_wait3A_79 = arith.constant 0 : i32
    %dma_wait3A_80 = arith.constant 0 : i32
    %dma_wait3A_81 = tpu.memref_slice %arg26[%dma_wait3A_79, %dma_wait3A_80] : memref<10000x64xf32, #tpu.memory_space<vmem_shared>> -> memref<10000x64xf32, #tpu.memory_space<vmem_shared>>
    tpu.wait_indirect_dma semaphore(%arg21 : memref<!tpu.dma_semaphore, #tpu.memory_space<semaphore_mem>>) src(%arg9 : memref<128x64xf32, #tpu.memory_space<vmem>>) dst(%dma_wait3A_81 : memref<10000x64xf32, #tpu.memory_space<vmem_shared>>)
    %dma_wait3A_82 = arith.constant 74 : i32
    %dma_wait3A_83 = arith.constant 1 : i32
    %dma_wait3A_84 = arith.constant 0 : i32
    %dma_wait3A_85 = tpu.memref_slice %arg6[%dma_wait3A_82, %dma_wait3A_83, %dma_wait3A_84] : memref<78x2x128xi32, #tpu.memory_space<vmem>> -> memref<1x1x128xi32, #tpu.memory_space<vmem>>
    %dma_wait3A_86 = tpu.memref_squeeze %dma_wait3A_85 : memref<1x1x128xi32, #tpu.memory_space<vmem>> -> memref<128xi32, #tpu.memory_space<vmem>>
    %dma_wait3A_87 = arith.constant 0 : i32
    %dma_wait3A_88 = arith.constant 0 : i32
    %dma_wait3A_89 = tpu.memref_slice %arg26[%dma_wait3A_87, %dma_wait3A_88] : memref<10000x64xf32, #tpu.memory_space<vmem_shared>> -> memref<10000x64xf32, #tpu.memory_space<vmem_shared>>
    tpu.wait_indirect_dma semaphore(%arg22 : memref<!tpu.dma_semaphore, #tpu.memory_space<semaphore_mem>>) src(%arg10 : memref<128x64xf32, #tpu.memory_space<vmem>>) dst(%dma_wait3A_89 : memref<10000x64xf32, #tpu.memory_space<vmem_shared>>)
    %dma_wait3A_90 = arith.constant 75 : i32
    %dma_wait3A_91 = arith.constant 1 : i32
    %dma_wait3A_92 = arith.constant 0 : i32
    %dma_wait3A_93 = tpu.memref_slice %arg6[%dma_wait3A_90, %dma_wait3A_91, %dma_wait3A_92] : memref<78x2x128xi32, #tpu.memory_space<vmem>> -> memref<1x1x128xi32, #tpu.memory_space<vmem>>
    %dma_wait3A_94 = tpu.memref_squeeze %dma_wait3A_93 : memref<1x1x128xi32, #tpu.memory_space<vmem>> -> memref<128xi32, #tpu.memory_space<vmem>>
    %dma_wait3A_95 = arith.constant 0 : i32
    %dma_wait3A_96 = arith.constant 0 : i32
    %dma_wait3A_97 = tpu.memref_slice %arg26[%dma_wait3A_95, %dma_wait3A_96] : memref<10000x64xf32, #tpu.memory_space<vmem_shared>> -> memref<10000x64xf32, #tpu.memory_space<vmem_shared>>
    tpu.wait_indirect_dma semaphore(%arg23 : memref<!tpu.dma_semaphore, #tpu.memory_space<semaphore_mem>>) src(%arg11 : memref<128x64xf32, #tpu.memory_space<vmem>>) dst(%dma_wait3A_97 : memref<10000x64xf32, #tpu.memory_space<vmem_shared>>)
    %dma_wait3A_98 = arith.constant 76 : i32
    %dma_wait3A_99 = arith.constant 1 : i32
    %dma_wait3A_100 = arith.constant 0 : i32
    %dma_wait3A_101 = tpu.memref_slice %arg6[%dma_wait3A_98, %dma_wait3A_99, %dma_wait3A_100] : memref<78x2x128xi32, #tpu.memory_space<vmem>> -> memref<1x1x128xi32, #tpu.memory_space<vmem>>
    %dma_wait3A_102 = tpu.memref_squeeze %dma_wait3A_101 : memref<1x1x128xi32, #tpu.memory_space<vmem>> -> memref<128xi32, #tpu.memory_space<vmem>>
    %dma_wait3A_103 = arith.constant 0 : i32
    %dma_wait3A_104 = arith.constant 0 : i32
    %dma_wait3A_105 = tpu.memref_slice %arg26[%dma_wait3A_103, %dma_wait3A_104] : memref<10000x64xf32, #tpu.memory_space<vmem_shared>> -> memref<10000x64xf32, #tpu.memory_space<vmem_shared>>
    tpu.wait_indirect_dma semaphore(%arg24 : memref<!tpu.dma_semaphore, #tpu.memory_space<semaphore_mem>>) src(%arg12 : memref<128x64xf32, #tpu.memory_space<vmem>>) dst(%dma_wait3A_105 : memref<10000x64xf32, #tpu.memory_space<vmem_shared>>)
    %dma_wait3A_106 = arith.constant 77 : i32
    %dma_wait3A_107 = arith.constant 1 : i32
    %dma_wait3A_108 = arith.constant 0 : i32
    %dma_wait3A_109 = tpu.memref_slice %arg6[%dma_wait3A_106, %dma_wait3A_107, %dma_wait3A_108] : memref<78x2x128xi32, #tpu.memory_space<vmem>> -> memref<1x1x128xi32, #tpu.memory_space<vmem>>
    %dma_wait3A_110 = tpu.memref_squeeze %dma_wait3A_109 : memref<1x1x128xi32, #tpu.memory_space<vmem>> -> memref<128xi32, #tpu.memory_space<vmem>>
    %dma_wait3A_111 = arith.constant 0 : i32
    %dma_wait3A_112 = arith.constant 0 : i32
    %dma_wait3A_113 = tpu.memref_slice %arg26[%dma_wait3A_111, %dma_wait3A_112] : memref<10000x64xf32, #tpu.memory_space<vmem_shared>> -> memref<10000x64xf32, #tpu.memory_space<vmem_shared>>
    tpu.wait_indirect_dma semaphore(%arg25 : memref<!tpu.dma_semaphore, #tpu.memory_space<semaphore_mem>>) src(%arg13 : memref<128x64xf32, #tpu.memory_space<vmem>>) dst(%dma_wait3A_113 : memref<10000x64xf32, #tpu.memory_space<vmem_shared>>)
    %barrier3A_114 = arith.constant 0 : index
    tpu.barrier barrier_id(%barrier3A_114)
    %lt3A_115 = arith.constant 15 : i32
    %lt3A_116 = arith.cmpi slt, %arg1, %lt3A_115 : i32
    %convert_element_type3A_117 = arith.extui %lt3A_116 : i1 to i32
    %cond3A_118 = arith.constant 0 : i32
    %cond3A_119 = arith.cmpi ne, %convert_element_type3A_117, %cond3A_118 : i32
    scf.if %cond3A_119 {
      %mul3A_125 = arith.constant 624 : i32
      %mul3A_126 = arith.muli %arg1, %mul3A_125 : i32
      %multiple_of3A = tpu.assume_multiple %mul3A_126, 8 : i32
      "tpu.region"() ({
        %run_scoped3A = tpu.sem_alloc : memref<!tpu.dma_semaphore, #tpu.memory_space<semaphore_mem>>
        %dma_start3A_127 = arith.constant 0 : i32
        %dma_start3A_128 = arith.constant 0 : i32
        %dma_start3A_129 = tpu.memref_slice %arg5[%arg0, %dma_start3A_127, %dma_start3A_128] : memref<2x10000x64xf32, #tpu.memory_space<hbm>> -> memref<1x10000x64xf32, #tpu.memory_space<hbm>>
        %dma_start3A_130 = tpu.memref_squeeze %dma_start3A_129 : memref<1x10000x64xf32, #tpu.memory_space<hbm>> -> memref<10000x64xf32, #tpu.memory_space<hbm>>
        %dma_start3A_131 = arith.constant 0 : i32
        %dma_start3A_132 = tpu.memref_slice %dma_start3A_130[%multiple_of3A, %dma_start3A_131] : memref<10000x64xf32, #tpu.memory_space<hbm>> -> memref<624x64xf32, #tpu.memory_space<hbm>>
        %dma_start3A_133 = arith.constant 0 : i32
        %dma_start3A_134 = tpu.memref_slice %arg26[%multiple_of3A, %dma_start3A_133] : memref<10000x64xf32, #tpu.memory_space<vmem_shared>> -> memref<624x64xf32, #tpu.memory_space<vmem_shared>>
        tpu.enqueue_dma source(%dma_start3A_134 : memref<624x64xf32, #tpu.memory_space<vmem_shared>>) target(%dma_start3A_132 : memref<624x64xf32, #tpu.memory_space<hbm>>) target_semaphore(%run_scoped3A : memref<!tpu.dma_semaphore, #tpu.memory_space<semaphore_mem>>)
        %dma_wait3A_135 = arith.constant 0 : i32
        %dma_wait3A_136 = arith.constant 0 : i32
        %dma_wait3A_137 = tpu.memref_slice %arg5[%arg0, %dma_wait3A_135, %dma_wait3A_136] : memref<2x10000x64xf32, #tpu.memory_space<hbm>> -> memref<1x10000x64xf32, #tpu.memory_space<hbm>>
        %dma_wait3A_138 = tpu.memref_squeeze %dma_wait3A_137 : memref<1x10000x64xf32, #tpu.memory_space<hbm>> -> memref<10000x64xf32, #tpu.memory_space<hbm>>
        %dma_wait3A_139 = arith.constant 0 : i32
        %dma_wait3A_140 = tpu.memref_slice %dma_wait3A_138[%multiple_of3A, %dma_wait3A_139] : memref<10000x64xf32, #tpu.memory_space<hbm>> -> memref<624x64xf32, #tpu.memory_space<hbm>>
        %dma_wait3A_141 = arith.constant 0 : i32
        %dma_wait3A_142 = tpu.memref_slice %arg26[%multiple_of3A, %dma_wait3A_141] : memref<10000x64xf32, #tpu.memory_space<vmem_shared>> -> memref<624x64xf32, #tpu.memory_space<vmem_shared>>
        tpu.wait_dma2 semaphore(%run_scoped3A : memref<!tpu.dma_semaphore, #tpu.memory_space<semaphore_mem>>) src(%dma_wait3A_142 : memref<624x64xf32, #tpu.memory_space<vmem_shared>>) dst(%dma_wait3A_140 : memref<624x64xf32, #tpu.memory_space<hbm>>)
        tpu.yield
      }) : () -> ()
    } else {
    }
    %eq3A_120 = arith.constant 15 : i32
    %eq3A_121 = arith.cmpi eq, %arg1, %eq3A_120 : i32
    %convert_element_type3A_122 = arith.extui %eq3A_121 : i1 to i32
    %cond3A_123 = arith.constant 0 : i32
    %cond3A_124 = arith.cmpi ne, %convert_element_type3A_122, %cond3A_123 : i32
    scf.if %cond3A_124 {
      "tpu.region"() ({
        %run_scoped3A = tpu.sem_alloc : memref<!tpu.dma_semaphore, #tpu.memory_space<semaphore_mem>>
        %dma_start3A_125 = arith.constant 0 : i32
        %dma_start3A_126 = arith.constant 0 : i32
        %dma_start3A_127 = tpu.memref_slice %arg5[%arg0, %dma_start3A_125, %dma_start3A_126] : memref<2x10000x64xf32, #tpu.memory_space<hbm>> -> memref<1x10000x64xf32, #tpu.memory_space<hbm>>
        %dma_start3A_128 = tpu.memref_squeeze %dma_start3A_127 : memref<1x10000x64xf32, #tpu.memory_space<hbm>> -> memref<10000x64xf32, #tpu.memory_space<hbm>>
        %dma_start3A_129 = arith.constant 9360 : i32
        %dma_start3A_130 = arith.constant 0 : i32
        %dma_start3A_131 = tpu.memref_slice %dma_start3A_128[%dma_start3A_129, %dma_start3A_130] : memref<10000x64xf32, #tpu.memory_space<hbm>> -> memref<640x64xf32, #tpu.memory_space<hbm>>
        %dma_start3A_132 = arith.constant 9360 : i32
        %dma_start3A_133 = arith.constant 0 : i32
        %dma_start3A_134 = tpu.memref_slice %arg26[%dma_start3A_132, %dma_start3A_133] : memref<10000x64xf32, #tpu.memory_space<vmem_shared>> -> memref<640x64xf32, #tpu.memory_space<vmem_shared>>
        tpu.enqueue_dma source(%dma_start3A_134 : memref<640x64xf32, #tpu.memory_space<vmem_shared>>) target(%dma_start3A_131 : memref<640x64xf32, #tpu.memory_space<hbm>>) target_semaphore(%run_scoped3A : memref<!tpu.dma_semaphore, #tpu.memory_space<semaphore_mem>>)
        %dma_wait3A_135 = arith.constant 0 : i32
        %dma_wait3A_136 = arith.constant 0 : i32
        %dma_wait3A_137 = tpu.memref_slice %arg5[%arg0, %dma_wait3A_135, %dma_wait3A_136] : memref<2x10000x64xf32, #tpu.memory_space<hbm>> -> memref<1x10000x64xf32, #tpu.memory_space<hbm>>
        %dma_wait3A_138 = tpu.memref_squeeze %dma_wait3A_137 : memref<1x10000x64xf32, #tpu.memory_space<hbm>> -> memref<10000x64xf32, #tpu.memory_space<hbm>>
        %dma_wait3A_139 = arith.constant 9360 : i32
        %dma_wait3A_140 = arith.constant 0 : i32
        %dma_wait3A_141 = tpu.memref_slice %dma_wait3A_138[%dma_wait3A_139, %dma_wait3A_140] : memref<10000x64xf32, #tpu.memory_space<hbm>> -> memref<640x64xf32, #tpu.memory_space<hbm>>
        %dma_wait3A_142 = arith.constant 9360 : i32
        %dma_wait3A_143 = arith.constant 0 : i32
        %dma_wait3A_144 = tpu.memref_slice %arg26[%dma_wait3A_142, %dma_wait3A_143] : memref<10000x64xf32, #tpu.memory_space<vmem_shared>> -> memref<640x64xf32, #tpu.memory_space<vmem_shared>>
        tpu.wait_dma2 semaphore(%run_scoped3A : memref<!tpu.dma_semaphore, #tpu.memory_space<semaphore_mem>>) src(%dma_wait3A_144 : memref<640x64xf32, #tpu.memory_space<vmem_shared>>) dst(%dma_wait3A_141 : memref<640x64xf32, #tpu.memory_space<hbm>>)
        tpu.yield
      }) : () -> ()
    } else {
    }
    return
  }
}

#map = affine_map<(d0, d1) -> (0, 0, 0)>
#map1 = affine_map<(d0, d1) -> (0, 0)>
module attributes {stable_mosaic.version = 14 : i64} {
  func.func @k(%arg0: i32, %arg1: i32, %arg2: memref<2500x2x128xi32, #tpu.memory_space<hbm>>, %arg3: memref<128x8xf32, #tpu.memory_space<hbm>>, %arg4: memref<640x8xf32, #tpu.memory_space<hbm>>, %arg5: memref<2x10000x8xf32, #tpu.memory_space<hbm>>, %arg6: memref<78x2x128xi32, #tpu.memory_space<vmem>>, %arg7: memref<1x2x128xi32, #tpu.memory_space<vmem>>, %arg8: memref<128x8xf32, #tpu.memory_space<vmem>>, %arg9: memref<!tpu.dma_semaphore, #tpu.memory_space<semaphore_mem>>, %arg10: memref<!tpu.dma_semaphore, #tpu.memory_space<semaphore_mem>>, %arg11: memref<!tpu.dma_semaphore, #tpu.memory_space<semaphore_mem>>, %arg12: memref<!tpu.dma_semaphore, #tpu.memory_space<semaphore_mem>>, %arg13: memref<!tpu.dma_semaphore, #tpu.memory_space<semaphore_mem>>, %arg14: memref<!tpu.dma_semaphore, #tpu.memory_space<semaphore_mem>>, %arg15: memref<10000x8xf32, #tpu.memory_space<vmem_shared>>) attributes {dimension_semantics = [#tpu.dimension_semantics<core_parallel>, #tpu.dimension_semantics<subcore_parallel>], iteration_bounds = array<i64: 2, 16>, scalar_prefetch = 0 : i64, scratch_operands = 10 : i64, tpu.core_type = #tpu.core_type<sc_vector_subcore>, window_params = [{transform_indices = #map}, {transform_indices = #map1}, {transform_indices = #map1}, {transform_indices = #map}]} {
    %mul3A = arith.constant 16 : i32
    %mul3A_0 = arith.muli %arg0, %mul3A : i32
    %add3A = arith.addi %mul3A_0, %arg1 : i32
    %mul3A_1 = arith.constant 78 : i32
    %mul3A_2 = arith.muli %add3A, %mul3A_1 : i32
    %dma_start3A = arith.constant 0 : i32
    %dma_start3A_3 = arith.constant 0 : i32
    %dma_start3A_4 = tpu.memref_slice %arg2[%mul3A_2, %dma_start3A, %dma_start3A_3] : memref<2500x2x128xi32, #tpu.memory_space<hbm>> -> memref<78x2x128xi32, #tpu.memory_space<hbm>>
    %dma_start3A_5 = arith.constant 0 : i32
    %dma_start3A_6 = arith.constant 0 : i32
    %dma_start3A_7 = tpu.memref_slice %arg2[%mul3A_2, %dma_start3A_5, %dma_start3A_6] : memref<2500x2x128xi32, #tpu.memory_space<hbm>> -> memref<78x2x128xi32, #tpu.memory_space<hbm>>
    tpu.enqueue_dma source(%dma_start3A_7 : memref<78x2x128xi32, #tpu.memory_space<hbm>>) target(%arg6 : memref<78x2x128xi32, #tpu.memory_space<vmem>>) target_semaphore(%arg9 : memref<!tpu.dma_semaphore, #tpu.memory_space<semaphore_mem>>)
    tpu.enqueue_dma source(%arg3 : memref<128x8xf32, #tpu.memory_space<hbm>>) target(%arg8 : memref<128x8xf32, #tpu.memory_space<vmem>>) target_semaphore(%arg11 : memref<!tpu.dma_semaphore, #tpu.memory_space<semaphore_mem>>)
    %lt3A = arith.constant 4 : i32
    %lt3A_8 = arith.cmpi slt, %add3A, %lt3A : i32
    %convert_element_type3A = arith.extui %lt3A_8 : i1 to i32
    %cond3A = arith.constant 0 : i32
    %cond3A_9 = arith.cmpi ne, %convert_element_type3A, %cond3A : i32
    scf.if %cond3A_9 {
      %add3A_93 = arith.constant 2496 : i32
      %add3A_94 = arith.addi %add3A_93, %add3A : i32
      "tpu.region"() ({
        %run_scoped3A = tpu.sem_alloc : memref<!tpu.dma_semaphore, #tpu.memory_space<semaphore_mem>>
        %dma_start3A_95 = arith.constant 0 : i32
        %dma_start3A_96 = arith.constant 0 : i32
        %dma_start3A_97 = tpu.memref_slice %arg2[%add3A_94, %dma_start3A_95, %dma_start3A_96] : memref<2500x2x128xi32, #tpu.memory_space<hbm>> -> memref<1x2x128xi32, #tpu.memory_space<hbm>>
        %dma_start3A_98 = arith.constant 0 : i32
        %dma_start3A_99 = arith.constant 0 : i32
        %dma_start3A_100 = tpu.memref_slice %arg2[%add3A_94, %dma_start3A_98, %dma_start3A_99] : memref<2500x2x128xi32, #tpu.memory_space<hbm>> -> memref<1x2x128xi32, #tpu.memory_space<hbm>>
        tpu.enqueue_dma source(%dma_start3A_100 : memref<1x2x128xi32, #tpu.memory_space<hbm>>) target(%arg7 : memref<1x2x128xi32, #tpu.memory_space<vmem>>) target_semaphore(%run_scoped3A : memref<!tpu.dma_semaphore, #tpu.memory_space<semaphore_mem>>)
        %dma_wait3A_101 = arith.constant 0 : i32
        %dma_wait3A_102 = arith.constant 0 : i32
        %dma_wait3A_103 = tpu.memref_slice %arg2[%add3A_94, %dma_wait3A_101, %dma_wait3A_102] : memref<2500x2x128xi32, #tpu.memory_space<hbm>> -> memref<1x2x128xi32, #tpu.memory_space<hbm>>
        %dma_wait3A_104 = arith.constant 0 : i32
        %dma_wait3A_105 = arith.constant 0 : i32
        %dma_wait3A_106 = tpu.memref_slice %arg2[%add3A_94, %dma_wait3A_104, %dma_wait3A_105] : memref<2500x2x128xi32, #tpu.memory_space<hbm>> -> memref<1x2x128xi32, #tpu.memory_space<hbm>>
        tpu.wait_dma2 semaphore(%run_scoped3A : memref<!tpu.dma_semaphore, #tpu.memory_space<semaphore_mem>>) src(%dma_wait3A_106 : memref<1x2x128xi32, #tpu.memory_space<hbm>>) dst(%arg7 : memref<1x2x128xi32, #tpu.memory_space<vmem>>)
        tpu.yield
      }) : () -> ()
    } else {
    }
    %lt3A_10 = arith.constant 15 : i32
    %lt3A_11 = arith.cmpi slt, %arg1, %lt3A_10 : i32
    %convert_element_type3A_12 = arith.extui %lt3A_11 : i1 to i32
    %cond3A_13 = arith.constant 0 : i32
    %cond3A_14 = arith.cmpi ne, %convert_element_type3A_12, %cond3A_13 : i32
    scf.if %cond3A_14 {
      %mul3A_93 = arith.constant 624 : i32
      %mul3A_94 = arith.muli %arg1, %mul3A_93 : i32
      %multiple_of3A = tpu.assume_multiple %mul3A_94, 8 : i32
      "tpu.region"() ({
        %run_scoped3A = tpu.sem_alloc : memref<!tpu.dma_semaphore, #tpu.memory_space<semaphore_mem>>
        %dma_start3A_95 = arith.constant 0 : i32
        %dma_start3A_96 = tpu.memref_slice %arg15[%multiple_of3A, %dma_start3A_95] : memref<10000x8xf32, #tpu.memory_space<vmem_shared>> -> memref<624x8xf32, #tpu.memory_space<vmem_shared>>
        %dma_start3A_97 = arith.constant 0 : i32
        %dma_start3A_98 = arith.constant 0 : i32
        %dma_start3A_99 = tpu.memref_slice %arg4[%dma_start3A_97, %dma_start3A_98] : memref<640x8xf32, #tpu.memory_space<hbm>> -> memref<624x8xf32, #tpu.memory_space<hbm>>
        tpu.enqueue_dma source(%dma_start3A_99 : memref<624x8xf32, #tpu.memory_space<hbm>>) target(%dma_start3A_96 : memref<624x8xf32, #tpu.memory_space<vmem_shared>>) target_semaphore(%run_scoped3A : memref<!tpu.dma_semaphore, #tpu.memory_space<semaphore_mem>>)
        %dma_wait3A_100 = arith.constant 0 : i32
        %dma_wait3A_101 = tpu.memref_slice %arg15[%multiple_of3A, %dma_wait3A_100] : memref<10000x8xf32, #tpu.memory_space<vmem_shared>> -> memref<624x8xf32, #tpu.memory_space<vmem_shared>>
        %dma_wait3A_102 = arith.constant 0 : i32
        %dma_wait3A_103 = arith.constant 0 : i32
        %dma_wait3A_104 = tpu.memref_slice %arg4[%dma_wait3A_102, %dma_wait3A_103] : memref<640x8xf32, #tpu.memory_space<hbm>> -> memref<624x8xf32, #tpu.memory_space<hbm>>
        tpu.wait_dma2 semaphore(%run_scoped3A : memref<!tpu.dma_semaphore, #tpu.memory_space<semaphore_mem>>) src(%dma_wait3A_104 : memref<624x8xf32, #tpu.memory_space<hbm>>) dst(%dma_wait3A_101 : memref<624x8xf32, #tpu.memory_space<vmem_shared>>)
        tpu.yield
      }) : () -> ()
    } else {
    }
    %eq3A = arith.constant 15 : i32
    %eq3A_15 = arith.cmpi eq, %arg1, %eq3A : i32
    %convert_element_type3A_16 = arith.extui %eq3A_15 : i1 to i32
    %cond3A_17 = arith.constant 0 : i32
    %cond3A_18 = arith.cmpi ne, %convert_element_type3A_16, %cond3A_17 : i32
    scf.if %cond3A_18 {
      "tpu.region"() ({
        %run_scoped3A = tpu.sem_alloc : memref<!tpu.dma_semaphore, #tpu.memory_space<semaphore_mem>>
        %dma_start3A_93 = arith.constant 9360 : i32
        %dma_start3A_94 = arith.constant 0 : i32
        %dma_start3A_95 = tpu.memref_slice %arg15[%dma_start3A_93, %dma_start3A_94] : memref<10000x8xf32, #tpu.memory_space<vmem_shared>> -> memref<640x8xf32, #tpu.memory_space<vmem_shared>>
        %dma_start3A_96 = arith.constant 0 : i32
        %dma_start3A_97 = arith.constant 0 : i32
        %dma_start3A_98 = tpu.memref_slice %arg4[%dma_start3A_96, %dma_start3A_97] : memref<640x8xf32, #tpu.memory_space<hbm>> -> memref<640x8xf32, #tpu.memory_space<hbm>>
        tpu.enqueue_dma source(%dma_start3A_98 : memref<640x8xf32, #tpu.memory_space<hbm>>) target(%dma_start3A_95 : memref<640x8xf32, #tpu.memory_space<vmem_shared>>) target_semaphore(%run_scoped3A : memref<!tpu.dma_semaphore, #tpu.memory_space<semaphore_mem>>)
        %dma_wait3A_99 = arith.constant 9360 : i32
        %dma_wait3A_100 = arith.constant 0 : i32
        %dma_wait3A_101 = tpu.memref_slice %arg15[%dma_wait3A_99, %dma_wait3A_100] : memref<10000x8xf32, #tpu.memory_space<vmem_shared>> -> memref<640x8xf32, #tpu.memory_space<vmem_shared>>
        %dma_wait3A_102 = arith.constant 0 : i32
        %dma_wait3A_103 = arith.constant 0 : i32
        %dma_wait3A_104 = tpu.memref_slice %arg4[%dma_wait3A_102, %dma_wait3A_103] : memref<640x8xf32, #tpu.memory_space<hbm>> -> memref<640x8xf32, #tpu.memory_space<hbm>>
        tpu.wait_dma2 semaphore(%run_scoped3A : memref<!tpu.dma_semaphore, #tpu.memory_space<semaphore_mem>>) src(%dma_wait3A_104 : memref<640x8xf32, #tpu.memory_space<hbm>>) dst(%dma_wait3A_101 : memref<640x8xf32, #tpu.memory_space<vmem_shared>>)
        tpu.yield
      }) : () -> ()
    } else {
    }
    %dma_wait3A = arith.constant 0 : i32
    %dma_wait3A_19 = arith.constant 0 : i32
    %dma_wait3A_20 = tpu.memref_slice %arg2[%mul3A_2, %dma_wait3A, %dma_wait3A_19] : memref<2500x2x128xi32, #tpu.memory_space<hbm>> -> memref<78x2x128xi32, #tpu.memory_space<hbm>>
    %dma_wait3A_21 = arith.constant 0 : i32
    %dma_wait3A_22 = arith.constant 0 : i32
    %dma_wait3A_23 = tpu.memref_slice %arg2[%mul3A_2, %dma_wait3A_21, %dma_wait3A_22] : memref<2500x2x128xi32, #tpu.memory_space<hbm>> -> memref<78x2x128xi32, #tpu.memory_space<hbm>>
    tpu.wait_dma2 semaphore(%arg9 : memref<!tpu.dma_semaphore, #tpu.memory_space<semaphore_mem>>) src(%dma_wait3A_23 : memref<78x2x128xi32, #tpu.memory_space<hbm>>) dst(%arg6 : memref<78x2x128xi32, #tpu.memory_space<vmem>>)
    tpu.wait_dma2 semaphore(%arg11 : memref<!tpu.dma_semaphore, #tpu.memory_space<semaphore_mem>>) src(%arg3 : memref<128x8xf32, #tpu.memory_space<hbm>>) dst(%arg8 : memref<128x8xf32, #tpu.memory_space<vmem>>)
    %barrier3A = arith.constant 0 : index
    tpu.barrier barrier_id(%barrier3A)
    %lt3A_24 = arith.constant 4 : i32
    %lt3A_25 = arith.cmpi slt, %add3A, %lt3A_24 : i32
    %convert_element_type3A_26 = arith.extui %lt3A_25 : i1 to i32
    %cond3A_27 = arith.constant 0 : i32
    %cond3A_28 = arith.cmpi ne, %convert_element_type3A_26, %cond3A_27 : i32
    scf.if %cond3A_28 {
      %run_scoped3A = arith.constant 0 : i32
      %run_scoped3A_93 = arith.constant 1 : i32
      "tpu.region"() ({
        %run_scoped3A_94 = tpu.sem_alloc : memref<!tpu.dma_semaphore, #tpu.memory_space<semaphore_mem>>
        %dma_start3A_95 = arith.constant 0 : i32
        %dma_start3A_96 = tpu.memref_slice %arg7[%run_scoped3A, %run_scoped3A_93, %dma_start3A_95] : memref<1x2x128xi32, #tpu.memory_space<vmem>> -> memref<1x1x128xi32, #tpu.memory_space<vmem>>
        %dma_start3A_97 = tpu.memref_squeeze %dma_start3A_96 : memref<1x1x128xi32, #tpu.memory_space<vmem>> -> memref<128xi32, #tpu.memory_space<vmem>>
        %dma_start3A_98 = arith.constant 0 : i32
        %dma_start3A_99 = arith.constant 0 : i32
        %dma_start3A_100 = tpu.memref_slice %arg15[%dma_start3A_98, %dma_start3A_99] : memref<10000x8xf32, #tpu.memory_space<vmem_shared>> -> memref<10000x8xf32, #tpu.memory_space<vmem_shared>>
        tpu.enqueue_indirect_dma source(%arg8 : memref<128x8xf32, #tpu.memory_space<vmem>>) target(%dma_start3A_100 : memref<10000x8xf32, #tpu.memory_space<vmem_shared>>) offsets(%dma_start3A_97 : memref<128xi32, #tpu.memory_space<vmem>>) semaphore(%run_scoped3A_94 : memref<!tpu.dma_semaphore, #tpu.memory_space<semaphore_mem>>) {add = true}
        %dma_wait3A_101 = arith.constant 0 : i32
        %dma_wait3A_102 = tpu.memref_slice %arg7[%run_scoped3A, %run_scoped3A_93, %dma_wait3A_101] : memref<1x2x128xi32, #tpu.memory_space<vmem>> -> memref<1x1x128xi32, #tpu.memory_space<vmem>>
        %dma_wait3A_103 = tpu.memref_squeeze %dma_wait3A_102 : memref<1x1x128xi32, #tpu.memory_space<vmem>> -> memref<128xi32, #tpu.memory_space<vmem>>
        %dma_wait3A_104 = arith.constant 0 : i32
        %dma_wait3A_105 = arith.constant 0 : i32
        %dma_wait3A_106 = tpu.memref_slice %arg15[%dma_wait3A_104, %dma_wait3A_105] : memref<10000x8xf32, #tpu.memory_space<vmem_shared>> -> memref<10000x8xf32, #tpu.memory_space<vmem_shared>>
        tpu.wait_indirect_dma semaphore(%run_scoped3A_94 : memref<!tpu.dma_semaphore, #tpu.memory_space<semaphore_mem>>) src(%arg8 : memref<128x8xf32, #tpu.memory_space<vmem>>) dst(%dma_wait3A_106 : memref<10000x8xf32, #tpu.memory_space<vmem_shared>>)
        tpu.yield
      }) : () -> ()
    } else {
    }
    %scan3A = arith.constant 0 : i32
    %scan3A_29 = arith.constant 0 : i32
    %scan3A_30 = arith.constant 13 : i32
    %scan3A_31 = arith.addi %scan3A_29, %scan3A_30 : i32
    %scan3A_32 = arith.constant 1 : i32
    scf.for %scan3A_93 = %scan3A_29 to %scan3A_31 step %scan3A_32  : i32 {
      %mul3A_94 = arith.constant 6 : i32
      %mul3A_95 = arith.muli %scan3A_93, %mul3A_94 : i32
      %add3A_96 = arith.constant 0 : i32
      %add3A_97 = arith.addi %mul3A_95, %add3A_96 : i32
      %gt3A = arith.constant 0 : i32
      %gt3A_98 = arith.cmpi sgt, %scan3A_93, %gt3A : i32
      %convert_element_type3A_99 = arith.extui %gt3A_98 : i1 to i32
      %cond3A_100 = arith.constant 0 : i32
      %cond3A_101 = arith.cmpi ne, %convert_element_type3A_99, %cond3A_100 : i32
      scf.if %cond3A_101 {
        %sub3A = arith.constant 6 : i32
        %sub3A_189 = arith.subi %add3A_97, %sub3A : i32
        %dma_wait3A_190 = arith.constant 1 : i32
        %dma_wait3A_191 = arith.constant 0 : i32
        %dma_wait3A_192 = tpu.memref_slice %arg6[%sub3A_189, %dma_wait3A_190, %dma_wait3A_191] : memref<78x2x128xi32, #tpu.memory_space<vmem>> -> memref<1x1x128xi32, #tpu.memory_space<vmem>>
        %dma_wait3A_193 = tpu.memref_squeeze %dma_wait3A_192 : memref<1x1x128xi32, #tpu.memory_space<vmem>> -> memref<128xi32, #tpu.memory_space<vmem>>
        %dma_wait3A_194 = arith.constant 0 : i32
        %dma_wait3A_195 = arith.constant 0 : i32
        %dma_wait3A_196 = tpu.memref_slice %arg15[%dma_wait3A_194, %dma_wait3A_195] : memref<10000x8xf32, #tpu.memory_space<vmem_shared>> -> memref<10000x8xf32, #tpu.memory_space<vmem_shared>>
        tpu.wait_indirect_dma semaphore(%arg9 : memref<!tpu.dma_semaphore, #tpu.memory_space<semaphore_mem>>) src(%arg8 : memref<128x8xf32, #tpu.memory_space<vmem>>) dst(%dma_wait3A_196 : memref<10000x8xf32, #tpu.memory_space<vmem_shared>>)
      } else {
      }
      %dma_start3A_102 = arith.constant 1 : i32
      %dma_start3A_103 = arith.constant 0 : i32
      %dma_start3A_104 = tpu.memref_slice %arg6[%add3A_97, %dma_start3A_102, %dma_start3A_103] : memref<78x2x128xi32, #tpu.memory_space<vmem>> -> memref<1x1x128xi32, #tpu.memory_space<vmem>>
      %dma_start3A_105 = tpu.memref_squeeze %dma_start3A_104 : memref<1x1x128xi32, #tpu.memory_space<vmem>> -> memref<128xi32, #tpu.memory_space<vmem>>
      %dma_start3A_106 = arith.constant 0 : i32
      %dma_start3A_107 = arith.constant 0 : i32
      %dma_start3A_108 = tpu.memref_slice %arg15[%dma_start3A_106, %dma_start3A_107] : memref<10000x8xf32, #tpu.memory_space<vmem_shared>> -> memref<10000x8xf32, #tpu.memory_space<vmem_shared>>
      tpu.enqueue_indirect_dma source(%arg8 : memref<128x8xf32, #tpu.memory_space<vmem>>) target(%dma_start3A_108 : memref<10000x8xf32, #tpu.memory_space<vmem_shared>>) offsets(%dma_start3A_105 : memref<128xi32, #tpu.memory_space<vmem>>) semaphore(%arg9 : memref<!tpu.dma_semaphore, #tpu.memory_space<semaphore_mem>>) {add = true}
      %mul3A_109 = arith.constant 6 : i32
      %mul3A_110 = arith.muli %scan3A_93, %mul3A_109 : i32
      %add3A_111 = arith.constant 1 : i32
      %add3A_112 = arith.addi %mul3A_110, %add3A_111 : i32
      %gt3A_113 = arith.constant 0 : i32
      %gt3A_114 = arith.cmpi sgt, %scan3A_93, %gt3A_113 : i32
      %convert_element_type3A_115 = arith.extui %gt3A_114 : i1 to i32
      %cond3A_116 = arith.constant 0 : i32
      %cond3A_117 = arith.cmpi ne, %convert_element_type3A_115, %cond3A_116 : i32
      scf.if %cond3A_117 {
        %sub3A = arith.constant 6 : i32
        %sub3A_189 = arith.subi %add3A_112, %sub3A : i32
        %dma_wait3A_190 = arith.constant 1 : i32
        %dma_wait3A_191 = arith.constant 0 : i32
        %dma_wait3A_192 = tpu.memref_slice %arg6[%sub3A_189, %dma_wait3A_190, %dma_wait3A_191] : memref<78x2x128xi32, #tpu.memory_space<vmem>> -> memref<1x1x128xi32, #tpu.memory_space<vmem>>
        %dma_wait3A_193 = tpu.memref_squeeze %dma_wait3A_192 : memref<1x1x128xi32, #tpu.memory_space<vmem>> -> memref<128xi32, #tpu.memory_space<vmem>>
        %dma_wait3A_194 = arith.constant 0 : i32
        %dma_wait3A_195 = arith.constant 0 : i32
        %dma_wait3A_196 = tpu.memref_slice %arg15[%dma_wait3A_194, %dma_wait3A_195] : memref<10000x8xf32, #tpu.memory_space<vmem_shared>> -> memref<10000x8xf32, #tpu.memory_space<vmem_shared>>
        tpu.wait_indirect_dma semaphore(%arg10 : memref<!tpu.dma_semaphore, #tpu.memory_space<semaphore_mem>>) src(%arg8 : memref<128x8xf32, #tpu.memory_space<vmem>>) dst(%dma_wait3A_196 : memref<10000x8xf32, #tpu.memory_space<vmem_shared>>)
      } else {
      }
      %dma_start3A_118 = arith.constant 1 : i32
      %dma_start3A_119 = arith.constant 0 : i32
      %dma_start3A_120 = tpu.memref_slice %arg6[%add3A_112, %dma_start3A_118, %dma_start3A_119] : memref<78x2x128xi32, #tpu.memory_space<vmem>> -> memref<1x1x128xi32, #tpu.memory_space<vmem>>
      %dma_start3A_121 = tpu.memref_squeeze %dma_start3A_120 : memref<1x1x128xi32, #tpu.memory_space<vmem>> -> memref<128xi32, #tpu.memory_space<vmem>>
      %dma_start3A_122 = arith.constant 0 : i32
      %dma_start3A_123 = arith.constant 0 : i32
      %dma_start3A_124 = tpu.memref_slice %arg15[%dma_start3A_122, %dma_start3A_123] : memref<10000x8xf32, #tpu.memory_space<vmem_shared>> -> memref<10000x8xf32, #tpu.memory_space<vmem_shared>>
      tpu.enqueue_indirect_dma source(%arg8 : memref<128x8xf32, #tpu.memory_space<vmem>>) target(%dma_start3A_124 : memref<10000x8xf32, #tpu.memory_space<vmem_shared>>) offsets(%dma_start3A_121 : memref<128xi32, #tpu.memory_space<vmem>>) semaphore(%arg10 : memref<!tpu.dma_semaphore, #tpu.memory_space<semaphore_mem>>) {add = true}
      %mul3A_125 = arith.constant 6 : i32
      %mul3A_126 = arith.muli %scan3A_93, %mul3A_125 : i32
      %add3A_127 = arith.constant 2 : i32
      %add3A_128 = arith.addi %mul3A_126, %add3A_127 : i32
      %gt3A_129 = arith.constant 0 : i32
      %gt3A_130 = arith.cmpi sgt, %scan3A_93, %gt3A_129 : i32
      %convert_element_type3A_131 = arith.extui %gt3A_130 : i1 to i32
      %cond3A_132 = arith.constant 0 : i32
      %cond3A_133 = arith.cmpi ne, %convert_element_type3A_131, %cond3A_132 : i32
      scf.if %cond3A_133 {
        %sub3A = arith.constant 6 : i32
        %sub3A_189 = arith.subi %add3A_128, %sub3A : i32
        %dma_wait3A_190 = arith.constant 1 : i32
        %dma_wait3A_191 = arith.constant 0 : i32
        %dma_wait3A_192 = tpu.memref_slice %arg6[%sub3A_189, %dma_wait3A_190, %dma_wait3A_191] : memref<78x2x128xi32, #tpu.memory_space<vmem>> -> memref<1x1x128xi32, #tpu.memory_space<vmem>>
        %dma_wait3A_193 = tpu.memref_squeeze %dma_wait3A_192 : memref<1x1x128xi32, #tpu.memory_space<vmem>> -> memref<128xi32, #tpu.memory_space<vmem>>
        %dma_wait3A_194 = arith.constant 0 : i32
        %dma_wait3A_195 = arith.constant 0 : i32
        %dma_wait3A_196 = tpu.memref_slice %arg15[%dma_wait3A_194, %dma_wait3A_195] : memref<10000x8xf32, #tpu.memory_space<vmem_shared>> -> memref<10000x8xf32, #tpu.memory_space<vmem_shared>>
        tpu.wait_indirect_dma semaphore(%arg11 : memref<!tpu.dma_semaphore, #tpu.memory_space<semaphore_mem>>) src(%arg8 : memref<128x8xf32, #tpu.memory_space<vmem>>) dst(%dma_wait3A_196 : memref<10000x8xf32, #tpu.memory_space<vmem_shared>>)
      } else {
      }
      %dma_start3A_134 = arith.constant 1 : i32
      %dma_start3A_135 = arith.constant 0 : i32
      %dma_start3A_136 = tpu.memref_slice %arg6[%add3A_128, %dma_start3A_134, %dma_start3A_135] : memref<78x2x128xi32, #tpu.memory_space<vmem>> -> memref<1x1x128xi32, #tpu.memory_space<vmem>>
      %dma_start3A_137 = tpu.memref_squeeze %dma_start3A_136 : memref<1x1x128xi32, #tpu.memory_space<vmem>> -> memref<128xi32, #tpu.memory_space<vmem>>
      %dma_start3A_138 = arith.constant 0 : i32
      %dma_start3A_139 = arith.constant 0 : i32
      %dma_start3A_140 = tpu.memref_slice %arg15[%dma_start3A_138, %dma_start3A_139] : memref<10000x8xf32, #tpu.memory_space<vmem_shared>> -> memref<10000x8xf32, #tpu.memory_space<vmem_shared>>
      tpu.enqueue_indirect_dma source(%arg8 : memref<128x8xf32, #tpu.memory_space<vmem>>) target(%dma_start3A_140 : memref<10000x8xf32, #tpu.memory_space<vmem_shared>>) offsets(%dma_start3A_137 : memref<128xi32, #tpu.memory_space<vmem>>) semaphore(%arg11 : memref<!tpu.dma_semaphore, #tpu.memory_space<semaphore_mem>>) {add = true}
      %mul3A_141 = arith.constant 6 : i32
      %mul3A_142 = arith.muli %scan3A_93, %mul3A_141 : i32
      %add3A_143 = arith.constant 3 : i32
      %add3A_144 = arith.addi %mul3A_142, %add3A_143 : i32
      %gt3A_145 = arith.constant 0 : i32
      %gt3A_146 = arith.cmpi sgt, %scan3A_93, %gt3A_145 : i32
      %convert_element_type3A_147 = arith.extui %gt3A_146 : i1 to i32
      %cond3A_148 = arith.constant 0 : i32
      %cond3A_149 = arith.cmpi ne, %convert_element_type3A_147, %cond3A_148 : i32
      scf.if %cond3A_149 {
        %sub3A = arith.constant 6 : i32
        %sub3A_189 = arith.subi %add3A_144, %sub3A : i32
        %dma_wait3A_190 = arith.constant 1 : i32
        %dma_wait3A_191 = arith.constant 0 : i32
        %dma_wait3A_192 = tpu.memref_slice %arg6[%sub3A_189, %dma_wait3A_190, %dma_wait3A_191] : memref<78x2x128xi32, #tpu.memory_space<vmem>> -> memref<1x1x128xi32, #tpu.memory_space<vmem>>
        %dma_wait3A_193 = tpu.memref_squeeze %dma_wait3A_192 : memref<1x1x128xi32, #tpu.memory_space<vmem>> -> memref<128xi32, #tpu.memory_space<vmem>>
        %dma_wait3A_194 = arith.constant 0 : i32
        %dma_wait3A_195 = arith.constant 0 : i32
        %dma_wait3A_196 = tpu.memref_slice %arg15[%dma_wait3A_194, %dma_wait3A_195] : memref<10000x8xf32, #tpu.memory_space<vmem_shared>> -> memref<10000x8xf32, #tpu.memory_space<vmem_shared>>
        tpu.wait_indirect_dma semaphore(%arg12 : memref<!tpu.dma_semaphore, #tpu.memory_space<semaphore_mem>>) src(%arg8 : memref<128x8xf32, #tpu.memory_space<vmem>>) dst(%dma_wait3A_196 : memref<10000x8xf32, #tpu.memory_space<vmem_shared>>)
      } else {
      }
      %dma_start3A_150 = arith.constant 1 : i32
      %dma_start3A_151 = arith.constant 0 : i32
      %dma_start3A_152 = tpu.memref_slice %arg6[%add3A_144, %dma_start3A_150, %dma_start3A_151] : memref<78x2x128xi32, #tpu.memory_space<vmem>> -> memref<1x1x128xi32, #tpu.memory_space<vmem>>
      %dma_start3A_153 = tpu.memref_squeeze %dma_start3A_152 : memref<1x1x128xi32, #tpu.memory_space<vmem>> -> memref<128xi32, #tpu.memory_space<vmem>>
      %dma_start3A_154 = arith.constant 0 : i32
      %dma_start3A_155 = arith.constant 0 : i32
      %dma_start3A_156 = tpu.memref_slice %arg15[%dma_start3A_154, %dma_start3A_155] : memref<10000x8xf32, #tpu.memory_space<vmem_shared>> -> memref<10000x8xf32, #tpu.memory_space<vmem_shared>>
      tpu.enqueue_indirect_dma source(%arg8 : memref<128x8xf32, #tpu.memory_space<vmem>>) target(%dma_start3A_156 : memref<10000x8xf32, #tpu.memory_space<vmem_shared>>) offsets(%dma_start3A_153 : memref<128xi32, #tpu.memory_space<vmem>>) semaphore(%arg12 : memref<!tpu.dma_semaphore, #tpu.memory_space<semaphore_mem>>) {add = true}
      %mul3A_157 = arith.constant 6 : i32
      %mul3A_158 = arith.muli %scan3A_93, %mul3A_157 : i32
      %add3A_159 = arith.constant 4 : i32
      %add3A_160 = arith.addi %mul3A_158, %add3A_159 : i32
      %gt3A_161 = arith.constant 0 : i32
      %gt3A_162 = arith.cmpi sgt, %scan3A_93, %gt3A_161 : i32
      %convert_element_type3A_163 = arith.extui %gt3A_162 : i1 to i32
      %cond3A_164 = arith.constant 0 : i32
      %cond3A_165 = arith.cmpi ne, %convert_element_type3A_163, %cond3A_164 : i32
      scf.if %cond3A_165 {
        %sub3A = arith.constant 6 : i32
        %sub3A_189 = arith.subi %add3A_160, %sub3A : i32
        %dma_wait3A_190 = arith.constant 1 : i32
        %dma_wait3A_191 = arith.constant 0 : i32
        %dma_wait3A_192 = tpu.memref_slice %arg6[%sub3A_189, %dma_wait3A_190, %dma_wait3A_191] : memref<78x2x128xi32, #tpu.memory_space<vmem>> -> memref<1x1x128xi32, #tpu.memory_space<vmem>>
        %dma_wait3A_193 = tpu.memref_squeeze %dma_wait3A_192 : memref<1x1x128xi32, #tpu.memory_space<vmem>> -> memref<128xi32, #tpu.memory_space<vmem>>
        %dma_wait3A_194 = arith.constant 0 : i32
        %dma_wait3A_195 = arith.constant 0 : i32
        %dma_wait3A_196 = tpu.memref_slice %arg15[%dma_wait3A_194, %dma_wait3A_195] : memref<10000x8xf32, #tpu.memory_space<vmem_shared>> -> memref<10000x8xf32, #tpu.memory_space<vmem_shared>>
        tpu.wait_indirect_dma semaphore(%arg13 : memref<!tpu.dma_semaphore, #tpu.memory_space<semaphore_mem>>) src(%arg8 : memref<128x8xf32, #tpu.memory_space<vmem>>) dst(%dma_wait3A_196 : memref<10000x8xf32, #tpu.memory_space<vmem_shared>>)
      } else {
      }
      %dma_start3A_166 = arith.constant 1 : i32
      %dma_start3A_167 = arith.constant 0 : i32
      %dma_start3A_168 = tpu.memref_slice %arg6[%add3A_160, %dma_start3A_166, %dma_start3A_167] : memref<78x2x128xi32, #tpu.memory_space<vmem>> -> memref<1x1x128xi32, #tpu.memory_space<vmem>>
      %dma_start3A_169 = tpu.memref_squeeze %dma_start3A_168 : memref<1x1x128xi32, #tpu.memory_space<vmem>> -> memref<128xi32, #tpu.memory_space<vmem>>
      %dma_start3A_170 = arith.constant 0 : i32
      %dma_start3A_171 = arith.constant 0 : i32
      %dma_start3A_172 = tpu.memref_slice %arg15[%dma_start3A_170, %dma_start3A_171] : memref<10000x8xf32, #tpu.memory_space<vmem_shared>> -> memref<10000x8xf32, #tpu.memory_space<vmem_shared>>
      tpu.enqueue_indirect_dma source(%arg8 : memref<128x8xf32, #tpu.memory_space<vmem>>) target(%dma_start3A_172 : memref<10000x8xf32, #tpu.memory_space<vmem_shared>>) offsets(%dma_start3A_169 : memref<128xi32, #tpu.memory_space<vmem>>) semaphore(%arg13 : memref<!tpu.dma_semaphore, #tpu.memory_space<semaphore_mem>>) {add = true}
      %mul3A_173 = arith.constant 6 : i32
      %mul3A_174 = arith.muli %scan3A_93, %mul3A_173 : i32
      %add3A_175 = arith.constant 5 : i32
      %add3A_176 = arith.addi %mul3A_174, %add3A_175 : i32
      %gt3A_177 = arith.constant 0 : i32
      %gt3A_178 = arith.cmpi sgt, %scan3A_93, %gt3A_177 : i32
      %convert_element_type3A_179 = arith.extui %gt3A_178 : i1 to i32
      %cond3A_180 = arith.constant 0 : i32
      %cond3A_181 = arith.cmpi ne, %convert_element_type3A_179, %cond3A_180 : i32
      scf.if %cond3A_181 {
        %sub3A = arith.constant 6 : i32
        %sub3A_189 = arith.subi %add3A_176, %sub3A : i32
        %dma_wait3A_190 = arith.constant 1 : i32
        %dma_wait3A_191 = arith.constant 0 : i32
        %dma_wait3A_192 = tpu.memref_slice %arg6[%sub3A_189, %dma_wait3A_190, %dma_wait3A_191] : memref<78x2x128xi32, #tpu.memory_space<vmem>> -> memref<1x1x128xi32, #tpu.memory_space<vmem>>
        %dma_wait3A_193 = tpu.memref_squeeze %dma_wait3A_192 : memref<1x1x128xi32, #tpu.memory_space<vmem>> -> memref<128xi32, #tpu.memory_space<vmem>>
        %dma_wait3A_194 = arith.constant 0 : i32
        %dma_wait3A_195 = arith.constant 0 : i32
        %dma_wait3A_196 = tpu.memref_slice %arg15[%dma_wait3A_194, %dma_wait3A_195] : memref<10000x8xf32, #tpu.memory_space<vmem_shared>> -> memref<10000x8xf32, #tpu.memory_space<vmem_shared>>
        tpu.wait_indirect_dma semaphore(%arg14 : memref<!tpu.dma_semaphore, #tpu.memory_space<semaphore_mem>>) src(%arg8 : memref<128x8xf32, #tpu.memory_space<vmem>>) dst(%dma_wait3A_196 : memref<10000x8xf32, #tpu.memory_space<vmem_shared>>)
      } else {
      }
      %dma_start3A_182 = arith.constant 1 : i32
      %dma_start3A_183 = arith.constant 0 : i32
      %dma_start3A_184 = tpu.memref_slice %arg6[%add3A_176, %dma_start3A_182, %dma_start3A_183] : memref<78x2x128xi32, #tpu.memory_space<vmem>> -> memref<1x1x128xi32, #tpu.memory_space<vmem>>
      %dma_start3A_185 = tpu.memref_squeeze %dma_start3A_184 : memref<1x1x128xi32, #tpu.memory_space<vmem>> -> memref<128xi32, #tpu.memory_space<vmem>>
      %dma_start3A_186 = arith.constant 0 : i32
      %dma_start3A_187 = arith.constant 0 : i32
      %dma_start3A_188 = tpu.memref_slice %arg15[%dma_start3A_186, %dma_start3A_187] : memref<10000x8xf32, #tpu.memory_space<vmem_shared>> -> memref<10000x8xf32, #tpu.memory_space<vmem_shared>>
      tpu.enqueue_indirect_dma source(%arg8 : memref<128x8xf32, #tpu.memory_space<vmem>>) target(%dma_start3A_188 : memref<10000x8xf32, #tpu.memory_space<vmem_shared>>) offsets(%dma_start3A_185 : memref<128xi32, #tpu.memory_space<vmem>>) semaphore(%arg14 : memref<!tpu.dma_semaphore, #tpu.memory_space<semaphore_mem>>) {add = true}
    }
    %scan3A_33 = arith.constant 13 : i32
    %dma_wait3A_34 = arith.constant 72 : i32
    %dma_wait3A_35 = arith.constant 1 : i32
    %dma_wait3A_36 = arith.constant 0 : i32
    %dma_wait3A_37 = tpu.memref_slice %arg6[%dma_wait3A_34, %dma_wait3A_35, %dma_wait3A_36] : memref<78x2x128xi32, #tpu.memory_space<vmem>> -> memref<1x1x128xi32, #tpu.memory_space<vmem>>
    %dma_wait3A_38 = tpu.memref_squeeze %dma_wait3A_37 : memref<1x1x128xi32, #tpu.memory_space<vmem>> -> memref<128xi32, #tpu.memory_space<vmem>>
    %dma_wait3A_39 = arith.constant 0 : i32
    %dma_wait3A_40 = arith.constant 0 : i32
    %dma_wait3A_41 = tpu.memref_slice %arg15[%dma_wait3A_39, %dma_wait3A_40] : memref<10000x8xf32, #tpu.memory_space<vmem_shared>> -> memref<10000x8xf32, #tpu.memory_space<vmem_shared>>
    tpu.wait_indirect_dma semaphore(%arg9 : memref<!tpu.dma_semaphore, #tpu.memory_space<semaphore_mem>>) src(%arg8 : memref<128x8xf32, #tpu.memory_space<vmem>>) dst(%dma_wait3A_41 : memref<10000x8xf32, #tpu.memory_space<vmem_shared>>)
    %dma_wait3A_42 = arith.constant 73 : i32
    %dma_wait3A_43 = arith.constant 1 : i32
    %dma_wait3A_44 = arith.constant 0 : i32
    %dma_wait3A_45 = tpu.memref_slice %arg6[%dma_wait3A_42, %dma_wait3A_43, %dma_wait3A_44] : memref<78x2x128xi32, #tpu.memory_space<vmem>> -> memref<1x1x128xi32, #tpu.memory_space<vmem>>
    %dma_wait3A_46 = tpu.memref_squeeze %dma_wait3A_45 : memref<1x1x128xi32, #tpu.memory_space<vmem>> -> memref<128xi32, #tpu.memory_space<vmem>>
    %dma_wait3A_47 = arith.constant 0 : i32
    %dma_wait3A_48 = arith.constant 0 : i32
    %dma_wait3A_49 = tpu.memref_slice %arg15[%dma_wait3A_47, %dma_wait3A_48] : memref<10000x8xf32, #tpu.memory_space<vmem_shared>> -> memref<10000x8xf32, #tpu.memory_space<vmem_shared>>
    tpu.wait_indirect_dma semaphore(%arg10 : memref<!tpu.dma_semaphore, #tpu.memory_space<semaphore_mem>>) src(%arg8 : memref<128x8xf32, #tpu.memory_space<vmem>>) dst(%dma_wait3A_49 : memref<10000x8xf32, #tpu.memory_space<vmem_shared>>)
    %dma_wait3A_50 = arith.constant 74 : i32
    %dma_wait3A_51 = arith.constant 1 : i32
    %dma_wait3A_52 = arith.constant 0 : i32
    %dma_wait3A_53 = tpu.memref_slice %arg6[%dma_wait3A_50, %dma_wait3A_51, %dma_wait3A_52] : memref<78x2x128xi32, #tpu.memory_space<vmem>> -> memref<1x1x128xi32, #tpu.memory_space<vmem>>
    %dma_wait3A_54 = tpu.memref_squeeze %dma_wait3A_53 : memref<1x1x128xi32, #tpu.memory_space<vmem>> -> memref<128xi32, #tpu.memory_space<vmem>>
    %dma_wait3A_55 = arith.constant 0 : i32
    %dma_wait3A_56 = arith.constant 0 : i32
    %dma_wait3A_57 = tpu.memref_slice %arg15[%dma_wait3A_55, %dma_wait3A_56] : memref<10000x8xf32, #tpu.memory_space<vmem_shared>> -> memref<10000x8xf32, #tpu.memory_space<vmem_shared>>
    tpu.wait_indirect_dma semaphore(%arg11 : memref<!tpu.dma_semaphore, #tpu.memory_space<semaphore_mem>>) src(%arg8 : memref<128x8xf32, #tpu.memory_space<vmem>>) dst(%dma_wait3A_57 : memref<10000x8xf32, #tpu.memory_space<vmem_shared>>)
    %dma_wait3A_58 = arith.constant 75 : i32
    %dma_wait3A_59 = arith.constant 1 : i32
    %dma_wait3A_60 = arith.constant 0 : i32
    %dma_wait3A_61 = tpu.memref_slice %arg6[%dma_wait3A_58, %dma_wait3A_59, %dma_wait3A_60] : memref<78x2x128xi32, #tpu.memory_space<vmem>> -> memref<1x1x128xi32, #tpu.memory_space<vmem>>
    %dma_wait3A_62 = tpu.memref_squeeze %dma_wait3A_61 : memref<1x1x128xi32, #tpu.memory_space<vmem>> -> memref<128xi32, #tpu.memory_space<vmem>>
    %dma_wait3A_63 = arith.constant 0 : i32
    %dma_wait3A_64 = arith.constant 0 : i32
    %dma_wait3A_65 = tpu.memref_slice %arg15[%dma_wait3A_63, %dma_wait3A_64] : memref<10000x8xf32, #tpu.memory_space<vmem_shared>> -> memref<10000x8xf32, #tpu.memory_space<vmem_shared>>
    tpu.wait_indirect_dma semaphore(%arg12 : memref<!tpu.dma_semaphore, #tpu.memory_space<semaphore_mem>>) src(%arg8 : memref<128x8xf32, #tpu.memory_space<vmem>>) dst(%dma_wait3A_65 : memref<10000x8xf32, #tpu.memory_space<vmem_shared>>)
    %dma_wait3A_66 = arith.constant 76 : i32
    %dma_wait3A_67 = arith.constant 1 : i32
    %dma_wait3A_68 = arith.constant 0 : i32
    %dma_wait3A_69 = tpu.memref_slice %arg6[%dma_wait3A_66, %dma_wait3A_67, %dma_wait3A_68] : memref<78x2x128xi32, #tpu.memory_space<vmem>> -> memref<1x1x128xi32, #tpu.memory_space<vmem>>
    %dma_wait3A_70 = tpu.memref_squeeze %dma_wait3A_69 : memref<1x1x128xi32, #tpu.memory_space<vmem>> -> memref<128xi32, #tpu.memory_space<vmem>>
    %dma_wait3A_71 = arith.constant 0 : i32
    %dma_wait3A_72 = arith.constant 0 : i32
    %dma_wait3A_73 = tpu.memref_slice %arg15[%dma_wait3A_71, %dma_wait3A_72] : memref<10000x8xf32, #tpu.memory_space<vmem_shared>> -> memref<10000x8xf32, #tpu.memory_space<vmem_shared>>
    tpu.wait_indirect_dma semaphore(%arg13 : memref<!tpu.dma_semaphore, #tpu.memory_space<semaphore_mem>>) src(%arg8 : memref<128x8xf32, #tpu.memory_space<vmem>>) dst(%dma_wait3A_73 : memref<10000x8xf32, #tpu.memory_space<vmem_shared>>)
    %dma_wait3A_74 = arith.constant 77 : i32
    %dma_wait3A_75 = arith.constant 1 : i32
    %dma_wait3A_76 = arith.constant 0 : i32
    %dma_wait3A_77 = tpu.memref_slice %arg6[%dma_wait3A_74, %dma_wait3A_75, %dma_wait3A_76] : memref<78x2x128xi32, #tpu.memory_space<vmem>> -> memref<1x1x128xi32, #tpu.memory_space<vmem>>
    %dma_wait3A_78 = tpu.memref_squeeze %dma_wait3A_77 : memref<1x1x128xi32, #tpu.memory_space<vmem>> -> memref<128xi32, #tpu.memory_space<vmem>>
    %dma_wait3A_79 = arith.constant 0 : i32
    %dma_wait3A_80 = arith.constant 0 : i32
    %dma_wait3A_81 = tpu.memref_slice %arg15[%dma_wait3A_79, %dma_wait3A_80] : memref<10000x8xf32, #tpu.memory_space<vmem_shared>> -> memref<10000x8xf32, #tpu.memory_space<vmem_shared>>
    tpu.wait_indirect_dma semaphore(%arg14 : memref<!tpu.dma_semaphore, #tpu.memory_space<semaphore_mem>>) src(%arg8 : memref<128x8xf32, #tpu.memory_space<vmem>>) dst(%dma_wait3A_81 : memref<10000x8xf32, #tpu.memory_space<vmem_shared>>)
    %barrier3A_82 = arith.constant 0 : index
    tpu.barrier barrier_id(%barrier3A_82)
    %lt3A_83 = arith.constant 15 : i32
    %lt3A_84 = arith.cmpi slt, %arg1, %lt3A_83 : i32
    %convert_element_type3A_85 = arith.extui %lt3A_84 : i1 to i32
    %cond3A_86 = arith.constant 0 : i32
    %cond3A_87 = arith.cmpi ne, %convert_element_type3A_85, %cond3A_86 : i32
    scf.if %cond3A_87 {
      %mul3A_93 = arith.constant 624 : i32
      %mul3A_94 = arith.muli %arg1, %mul3A_93 : i32
      %multiple_of3A = tpu.assume_multiple %mul3A_94, 8 : i32
      "tpu.region"() ({
        %run_scoped3A = tpu.sem_alloc : memref<!tpu.dma_semaphore, #tpu.memory_space<semaphore_mem>>
        %dma_start3A_95 = arith.constant 0 : i32
        %dma_start3A_96 = arith.constant 0 : i32
        %dma_start3A_97 = tpu.memref_slice %arg5[%arg0, %dma_start3A_95, %dma_start3A_96] : memref<2x10000x8xf32, #tpu.memory_space<hbm>> -> memref<1x10000x8xf32, #tpu.memory_space<hbm>>
        %dma_start3A_98 = tpu.memref_squeeze %dma_start3A_97 : memref<1x10000x8xf32, #tpu.memory_space<hbm>> -> memref<10000x8xf32, #tpu.memory_space<hbm>>
        %dma_start3A_99 = arith.constant 0 : i32
        %dma_start3A_100 = tpu.memref_slice %dma_start3A_98[%multiple_of3A, %dma_start3A_99] : memref<10000x8xf32, #tpu.memory_space<hbm>> -> memref<624x8xf32, #tpu.memory_space<hbm>>
        %dma_start3A_101 = arith.constant 0 : i32
        %dma_start3A_102 = tpu.memref_slice %arg15[%multiple_of3A, %dma_start3A_101] : memref<10000x8xf32, #tpu.memory_space<vmem_shared>> -> memref<624x8xf32, #tpu.memory_space<vmem_shared>>
        tpu.enqueue_dma source(%dma_start3A_102 : memref<624x8xf32, #tpu.memory_space<vmem_shared>>) target(%dma_start3A_100 : memref<624x8xf32, #tpu.memory_space<hbm>>) target_semaphore(%run_scoped3A : memref<!tpu.dma_semaphore, #tpu.memory_space<semaphore_mem>>)
        %dma_wait3A_103 = arith.constant 0 : i32
        %dma_wait3A_104 = arith.constant 0 : i32
        %dma_wait3A_105 = tpu.memref_slice %arg5[%arg0, %dma_wait3A_103, %dma_wait3A_104] : memref<2x10000x8xf32, #tpu.memory_space<hbm>> -> memref<1x10000x8xf32, #tpu.memory_space<hbm>>
        %dma_wait3A_106 = tpu.memref_squeeze %dma_wait3A_105 : memref<1x10000x8xf32, #tpu.memory_space<hbm>> -> memref<10000x8xf32, #tpu.memory_space<hbm>>
        %dma_wait3A_107 = arith.constant 0 : i32
        %dma_wait3A_108 = tpu.memref_slice %dma_wait3A_106[%multiple_of3A, %dma_wait3A_107] : memref<10000x8xf32, #tpu.memory_space<hbm>> -> memref<624x8xf32, #tpu.memory_space<hbm>>
        %dma_wait3A_109 = arith.constant 0 : i32
        %dma_wait3A_110 = tpu.memref_slice %arg15[%multiple_of3A, %dma_wait3A_109] : memref<10000x8xf32, #tpu.memory_space<vmem_shared>> -> memref<624x8xf32, #tpu.memory_space<vmem_shared>>
        tpu.wait_dma2 semaphore(%run_scoped3A : memref<!tpu.dma_semaphore, #tpu.memory_space<semaphore_mem>>) src(%dma_wait3A_110 : memref<624x8xf32, #tpu.memory_space<vmem_shared>>) dst(%dma_wait3A_108 : memref<624x8xf32, #tpu.memory_space<hbm>>)
        tpu.yield
      }) : () -> ()
    } else {
    }
    %eq3A_88 = arith.constant 15 : i32
    %eq3A_89 = arith.cmpi eq, %arg1, %eq3A_88 : i32
    %convert_element_type3A_90 = arith.extui %eq3A_89 : i1 to i32
    %cond3A_91 = arith.constant 0 : i32
    %cond3A_92 = arith.cmpi ne, %convert_element_type3A_90, %cond3A_91 : i32
    scf.if %cond3A_92 {
      "tpu.region"() ({
        %run_scoped3A = tpu.sem_alloc : memref<!tpu.dma_semaphore, #tpu.memory_space<semaphore_mem>>
        %dma_start3A_93 = arith.constant 0 : i32
        %dma_start3A_94 = arith.constant 0 : i32
        %dma_start3A_95 = tpu.memref_slice %arg5[%arg0, %dma_start3A_93, %dma_start3A_94] : memref<2x10000x8xf32, #tpu.memory_space<hbm>> -> memref<1x10000x8xf32, #tpu.memory_space<hbm>>
        %dma_start3A_96 = tpu.memref_squeeze %dma_start3A_95 : memref<1x10000x8xf32, #tpu.memory_space<hbm>> -> memref<10000x8xf32, #tpu.memory_space<hbm>>
        %dma_start3A_97 = arith.constant 9360 : i32
        %dma_start3A_98 = arith.constant 0 : i32
        %dma_start3A_99 = tpu.memref_slice %dma_start3A_96[%dma_start3A_97, %dma_start3A_98] : memref<10000x8xf32, #tpu.memory_space<hbm>> -> memref<640x8xf32, #tpu.memory_space<hbm>>
        %dma_start3A_100 = arith.constant 9360 : i32
        %dma_start3A_101 = arith.constant 0 : i32
        %dma_start3A_102 = tpu.memref_slice %arg15[%dma_start3A_100, %dma_start3A_101] : memref<10000x8xf32, #tpu.memory_space<vmem_shared>> -> memref<640x8xf32, #tpu.memory_space<vmem_shared>>
        tpu.enqueue_dma source(%dma_start3A_102 : memref<640x8xf32, #tpu.memory_space<vmem_shared>>) target(%dma_start3A_99 : memref<640x8xf32, #tpu.memory_space<hbm>>) target_semaphore(%run_scoped3A : memref<!tpu.dma_semaphore, #tpu.memory_space<semaphore_mem>>)
        %dma_wait3A_103 = arith.constant 0 : i32
        %dma_wait3A_104 = arith.constant 0 : i32
        %dma_wait3A_105 = tpu.memref_slice %arg5[%arg0, %dma_wait3A_103, %dma_wait3A_104] : memref<2x10000x8xf32, #tpu.memory_space<hbm>> -> memref<1x10000x8xf32, #tpu.memory_space<hbm>>
        %dma_wait3A_106 = tpu.memref_squeeze %dma_wait3A_105 : memref<1x10000x8xf32, #tpu.memory_space<hbm>> -> memref<10000x8xf32, #tpu.memory_space<hbm>>
        %dma_wait3A_107 = arith.constant 9360 : i32
        %dma_wait3A_108 = arith.constant 0 : i32
        %dma_wait3A_109 = tpu.memref_slice %dma_wait3A_106[%dma_wait3A_107, %dma_wait3A_108] : memref<10000x8xf32, #tpu.memory_space<hbm>> -> memref<640x8xf32, #tpu.memory_space<hbm>>
        %dma_wait3A_110 = arith.constant 9360 : i32
        %dma_wait3A_111 = arith.constant 0 : i32
        %dma_wait3A_112 = tpu.memref_slice %arg15[%dma_wait3A_110, %dma_wait3A_111] : memref<10000x8xf32, #tpu.memory_space<vmem_shared>> -> memref<640x8xf32, #tpu.memory_space<vmem_shared>>
        tpu.wait_dma2 semaphore(%run_scoped3A : memref<!tpu.dma_semaphore, #tpu.memory_space<semaphore_mem>>) src(%dma_wait3A_112 : memref<640x8xf32, #tpu.memory_space<vmem_shared>>) dst(%dma_wait3A_109 : memref<640x8xf32, #tpu.memory_space<hbm>>)
        tpu.yield
      }) : () -> ()
    } else {
    }
    return
  }
}

#map = affine_map<(d0, d1) -> (0, 0)>
#map1 = affine_map<(d0, d1) -> (0, 0, 0)>
module attributes {stable_mosaic.version = 14 : i64} {
  func.func @k(%arg0: i32, %arg1: i32, %arg2: memref<10000x64xf32, #tpu.memory_space<hbm>>, %arg3: memref<2500x2x128xi32, #tpu.memory_space<hbm>>, %arg4: memref<640x64xf32, #tpu.memory_space<hbm>>, %arg5: memref<2x10000x64xf32, #tpu.memory_space<hbm>>, %arg6: memref<78x2x128xi32, #tpu.memory_space<vmem>>, %arg7: memref<1x2x128xi32, #tpu.memory_space<vmem>>, %arg8: memref<128x64xf32, #tpu.memory_space<vmem>>, %arg9: memref<128x64xf32, #tpu.memory_space<vmem>>, %arg10: memref<128x64xf32, #tpu.memory_space<vmem>>, %arg11: memref<128x64xf32, #tpu.memory_space<vmem>>, %arg12: memref<128x64xf32, #tpu.memory_space<vmem>>, %arg13: memref<128x64xf32, #tpu.memory_space<vmem>>, %arg14: memref<!tpu.dma_semaphore, #tpu.memory_space<semaphore_mem>>, %arg15: memref<!tpu.dma_semaphore, #tpu.memory_space<semaphore_mem>>, %arg16: memref<!tpu.dma_semaphore, #tpu.memory_space<semaphore_mem>>, %arg17: memref<!tpu.dma_semaphore, #tpu.memory_space<semaphore_mem>>, %arg18: memref<!tpu.dma_semaphore, #tpu.memory_space<semaphore_mem>>, %arg19: memref<!tpu.dma_semaphore, #tpu.memory_space<semaphore_mem>>, %arg20: memref<!tpu.dma_semaphore, #tpu.memory_space<semaphore_mem>>, %arg21: memref<!tpu.dma_semaphore, #tpu.memory_space<semaphore_mem>>, %arg22: memref<!tpu.dma_semaphore, #tpu.memory_space<semaphore_mem>>, %arg23: memref<!tpu.dma_semaphore, #tpu.memory_space<semaphore_mem>>, %arg24: memref<!tpu.dma_semaphore, #tpu.memory_space<semaphore_mem>>, %arg25: memref<!tpu.dma_semaphore, #tpu.memory_space<semaphore_mem>>, %arg26: memref<10000x64xf32, #tpu.memory_space<vmem_shared>>) attributes {dimension_semantics = [#tpu.dimension_semantics<core_parallel>, #tpu.dimension_semantics<subcore_parallel>], iteration_bounds = array<i64: 2, 16>, scalar_prefetch = 0 : i64, scratch_operands = 21 : i64, tpu.core_type = #tpu.core_type<sc_vector_subcore>, window_params = [{transform_indices = #map}, {transform_indices = #map1}, {transform_indices = #map}, {transform_indices = #map1}]} {
    %mul3A = arith.constant 16 : i32
    %mul3A_0 = arith.muli %arg0, %mul3A : i32
    %add3A = arith.addi %mul3A_0, %arg1 : i32
    %mul3A_1 = arith.constant 78 : i32
    %mul3A_2 = arith.muli %add3A, %mul3A_1 : i32
    %dma_start3A = arith.constant 0 : i32
    %dma_start3A_3 = arith.constant 0 : i32
    %dma_start3A_4 = tpu.memref_slice %arg3[%mul3A_2, %dma_start3A, %dma_start3A_3] : memref<2500x2x128xi32, #tpu.memory_space<hbm>> -> memref<78x2x128xi32, #tpu.memory_space<hbm>>
    %dma_start3A_5 = arith.constant 0 : i32
    %dma_start3A_6 = arith.constant 0 : i32
    %dma_start3A_7 = tpu.memref_slice %arg3[%mul3A_2, %dma_start3A_5, %dma_start3A_6] : memref<2500x2x128xi32, #tpu.memory_space<hbm>> -> memref<78x2x128xi32, #tpu.memory_space<hbm>>
    tpu.enqueue_dma source(%dma_start3A_7 : memref<78x2x128xi32, #tpu.memory_space<hbm>>) target(%arg6 : memref<78x2x128xi32, #tpu.memory_space<vmem>>) target_semaphore(%arg14 : memref<!tpu.dma_semaphore, #tpu.memory_space<semaphore_mem>>)
    %lt3A = arith.constant 4 : i32
    %lt3A_8 = arith.cmpi slt, %add3A, %lt3A : i32
    %convert_element_type3A = arith.extui %lt3A_8 : i1 to i32
    %cond3A = arith.constant 0 : i32
    %cond3A_9 = arith.cmpi ne, %convert_element_type3A, %cond3A : i32
    scf.if %cond3A_9 {
      %add3A_125 = arith.constant 2496 : i32
      %add3A_126 = arith.addi %add3A_125, %add3A : i32
      "tpu.region"() ({
        %run_scoped3A = tpu.sem_alloc : memref<!tpu.dma_semaphore, #tpu.memory_space<semaphore_mem>>
        %dma_start3A_127 = arith.constant 0 : i32
        %dma_start3A_128 = arith.constant 0 : i32
        %dma_start3A_129 = tpu.memref_slice %arg3[%add3A_126, %dma_start3A_127, %dma_start3A_128] : memref<2500x2x128xi32, #tpu.memory_space<hbm>> -> memref<1x2x128xi32, #tpu.memory_space<hbm>>
        %dma_start3A_130 = arith.constant 0 : i32
        %dma_start3A_131 = arith.constant 0 : i32
        %dma_start3A_132 = tpu.memref_slice %arg3[%add3A_126, %dma_start3A_130, %dma_start3A_131] : memref<2500x2x128xi32, #tpu.memory_space<hbm>> -> memref<1x2x128xi32, #tpu.memory_space<hbm>>
        tpu.enqueue_dma source(%dma_start3A_132 : memref<1x2x128xi32, #tpu.memory_space<hbm>>) target(%arg7 : memref<1x2x128xi32, #tpu.memory_space<vmem>>) target_semaphore(%run_scoped3A : memref<!tpu.dma_semaphore, #tpu.memory_space<semaphore_mem>>)
        %dma_wait3A_133 = arith.constant 0 : i32
        %dma_wait3A_134 = arith.constant 0 : i32
        %dma_wait3A_135 = tpu.memref_slice %arg3[%add3A_126, %dma_wait3A_133, %dma_wait3A_134] : memref<2500x2x128xi32, #tpu.memory_space<hbm>> -> memref<1x2x128xi32, #tpu.memory_space<hbm>>
        %dma_wait3A_136 = arith.constant 0 : i32
        %dma_wait3A_137 = arith.constant 0 : i32
        %dma_wait3A_138 = tpu.memref_slice %arg3[%add3A_126, %dma_wait3A_136, %dma_wait3A_137] : memref<2500x2x128xi32, #tpu.memory_space<hbm>> -> memref<1x2x128xi32, #tpu.memory_space<hbm>>
        tpu.wait_dma2 semaphore(%run_scoped3A : memref<!tpu.dma_semaphore, #tpu.memory_space<semaphore_mem>>) src(%dma_wait3A_138 : memref<1x2x128xi32, #tpu.memory_space<hbm>>) dst(%arg7 : memref<1x2x128xi32, #tpu.memory_space<vmem>>)
        tpu.yield
      }) : () -> ()
    } else {
    }
    %lt3A_10 = arith.constant 15 : i32
    %lt3A_11 = arith.cmpi slt, %arg1, %lt3A_10 : i32
    %convert_element_type3A_12 = arith.extui %lt3A_11 : i1 to i32
    %cond3A_13 = arith.constant 0 : i32
    %cond3A_14 = arith.cmpi ne, %convert_element_type3A_12, %cond3A_13 : i32
    scf.if %cond3A_14 {
      %mul3A_125 = arith.constant 624 : i32
      %mul3A_126 = arith.muli %arg1, %mul3A_125 : i32
      %multiple_of3A = tpu.assume_multiple %mul3A_126, 8 : i32
      "tpu.region"() ({
        %run_scoped3A = tpu.sem_alloc : memref<!tpu.dma_semaphore, #tpu.memory_space<semaphore_mem>>
        %dma_start3A_127 = arith.constant 0 : i32
        %dma_start3A_128 = tpu.memref_slice %arg26[%multiple_of3A, %dma_start3A_127] : memref<10000x64xf32, #tpu.memory_space<vmem_shared>> -> memref<624x64xf32, #tpu.memory_space<vmem_shared>>
        %dma_start3A_129 = arith.constant 0 : i32
        %dma_start3A_130 = arith.constant 0 : i32
        %dma_start3A_131 = tpu.memref_slice %arg4[%dma_start3A_129, %dma_start3A_130] : memref<640x64xf32, #tpu.memory_space<hbm>> -> memref<624x64xf32, #tpu.memory_space<hbm>>
        tpu.enqueue_dma source(%dma_start3A_131 : memref<624x64xf32, #tpu.memory_space<hbm>>) target(%dma_start3A_128 : memref<624x64xf32, #tpu.memory_space<vmem_shared>>) target_semaphore(%run_scoped3A : memref<!tpu.dma_semaphore, #tpu.memory_space<semaphore_mem>>)
        %dma_wait3A_132 = arith.constant 0 : i32
        %dma_wait3A_133 = tpu.memref_slice %arg26[%multiple_of3A, %dma_wait3A_132] : memref<10000x64xf32, #tpu.memory_space<vmem_shared>> -> memref<624x64xf32, #tpu.memory_space<vmem_shared>>
        %dma_wait3A_134 = arith.constant 0 : i32
        %dma_wait3A_135 = arith.constant 0 : i32
        %dma_wait3A_136 = tpu.memref_slice %arg4[%dma_wait3A_134, %dma_wait3A_135] : memref<640x64xf32, #tpu.memory_space<hbm>> -> memref<624x64xf32, #tpu.memory_space<hbm>>
        tpu.wait_dma2 semaphore(%run_scoped3A : memref<!tpu.dma_semaphore, #tpu.memory_space<semaphore_mem>>) src(%dma_wait3A_136 : memref<624x64xf32, #tpu.memory_space<hbm>>) dst(%dma_wait3A_133 : memref<624x64xf32, #tpu.memory_space<vmem_shared>>)
        tpu.yield
      }) : () -> ()
    } else {
    }
    %eq3A = arith.constant 15 : i32
    %eq3A_15 = arith.cmpi eq, %arg1, %eq3A : i32
    %convert_element_type3A_16 = arith.extui %eq3A_15 : i1 to i32
    %cond3A_17 = arith.constant 0 : i32
    %cond3A_18 = arith.cmpi ne, %convert_element_type3A_16, %cond3A_17 : i32
    scf.if %cond3A_18 {
      "tpu.region"() ({
        %run_scoped3A = tpu.sem_alloc : memref<!tpu.dma_semaphore, #tpu.memory_space<semaphore_mem>>
        %dma_start3A_125 = arith.constant 9360 : i32
        %dma_start3A_126 = arith.constant 0 : i32
        %dma_start3A_127 = tpu.memref_slice %arg26[%dma_start3A_125, %dma_start3A_126] : memref<10000x64xf32, #tpu.memory_space<vmem_shared>> -> memref<640x64xf32, #tpu.memory_space<vmem_shared>>
        %dma_start3A_128 = arith.constant 0 : i32
        %dma_start3A_129 = arith.constant 0 : i32
        %dma_start3A_130 = tpu.memref_slice %arg4[%dma_start3A_128, %dma_start3A_129] : memref<640x64xf32, #tpu.memory_space<hbm>> -> memref<640x64xf32, #tpu.memory_space<hbm>>
        tpu.enqueue_dma source(%dma_start3A_130 : memref<640x64xf32, #tpu.memory_space<hbm>>) target(%dma_start3A_127 : memref<640x64xf32, #tpu.memory_space<vmem_shared>>) target_semaphore(%run_scoped3A : memref<!tpu.dma_semaphore, #tpu.memory_space<semaphore_mem>>)
        %dma_wait3A_131 = arith.constant 9360 : i32
        %dma_wait3A_132 = arith.constant 0 : i32
        %dma_wait3A_133 = tpu.memref_slice %arg26[%dma_wait3A_131, %dma_wait3A_132] : memref<10000x64xf32, #tpu.memory_space<vmem_shared>> -> memref<640x64xf32, #tpu.memory_space<vmem_shared>>
        %dma_wait3A_134 = arith.constant 0 : i32
        %dma_wait3A_135 = arith.constant 0 : i32
        %dma_wait3A_136 = tpu.memref_slice %arg4[%dma_wait3A_134, %dma_wait3A_135] : memref<640x64xf32, #tpu.memory_space<hbm>> -> memref<640x64xf32, #tpu.memory_space<hbm>>
        tpu.wait_dma2 semaphore(%run_scoped3A : memref<!tpu.dma_semaphore, #tpu.memory_space<semaphore_mem>>) src(%dma_wait3A_136 : memref<640x64xf32, #tpu.memory_space<hbm>>) dst(%dma_wait3A_133 : memref<640x64xf32, #tpu.memory_space<vmem_shared>>)
        tpu.yield
      }) : () -> ()
    } else {
    }
    %dma_wait3A = arith.constant 0 : i32
    %dma_wait3A_19 = arith.constant 0 : i32
    %dma_wait3A_20 = tpu.memref_slice %arg3[%mul3A_2, %dma_wait3A, %dma_wait3A_19] : memref<2500x2x128xi32, #tpu.memory_space<hbm>> -> memref<78x2x128xi32, #tpu.memory_space<hbm>>
    %dma_wait3A_21 = arith.constant 0 : i32
    %dma_wait3A_22 = arith.constant 0 : i32
    %dma_wait3A_23 = tpu.memref_slice %arg3[%mul3A_2, %dma_wait3A_21, %dma_wait3A_22] : memref<2500x2x128xi32, #tpu.memory_space<hbm>> -> memref<78x2x128xi32, #tpu.memory_space<hbm>>
    tpu.wait_dma2 semaphore(%arg14 : memref<!tpu.dma_semaphore, #tpu.memory_space<semaphore_mem>>) src(%dma_wait3A_23 : memref<78x2x128xi32, #tpu.memory_space<hbm>>) dst(%arg6 : memref<78x2x128xi32, #tpu.memory_space<vmem>>)
    %barrier3A = arith.constant 0 : index
    tpu.barrier barrier_id(%barrier3A)
    %lt3A_24 = arith.constant 4 : i32
    %lt3A_25 = arith.cmpi slt, %add3A, %lt3A_24 : i32
    %convert_element_type3A_26 = arith.extui %lt3A_25 : i1 to i32
    %cond3A_27 = arith.constant 0 : i32
    %cond3A_28 = arith.cmpi ne, %convert_element_type3A_26, %cond3A_27 : i32
    scf.if %cond3A_28 {
      %run_scoped3A = arith.constant 0 : i32
      %run_scoped3A_125 = arith.constant 0 : i32
      "tpu.region"() ({
        %run_scoped3A_128 = tpu.sem_alloc : memref<!tpu.dma_semaphore, #tpu.memory_space<semaphore_mem>>
        %dma_start3A_129 = arith.constant 0 : i32
        %dma_start3A_130 = tpu.memref_slice %arg7[%run_scoped3A, %run_scoped3A_125, %dma_start3A_129] : memref<1x2x128xi32, #tpu.memory_space<vmem>> -> memref<1x1x128xi32, #tpu.memory_space<vmem>>
        %dma_start3A_131 = tpu.memref_squeeze %dma_start3A_130 : memref<1x1x128xi32, #tpu.memory_space<vmem>> -> memref<128xi32, #tpu.memory_space<vmem>>
        %dma_start3A_132 = arith.constant 0 : i32
        %dma_start3A_133 = arith.constant 0 : i32
        %dma_start3A_134 = tpu.memref_slice %arg2[%dma_start3A_132, %dma_start3A_133] : memref<10000x64xf32, #tpu.memory_space<hbm>> -> memref<10000x64xf32, #tpu.memory_space<hbm>>
        tpu.enqueue_indirect_dma source(%dma_start3A_134 : memref<10000x64xf32, #tpu.memory_space<hbm>>) target(%arg13 : memref<128x64xf32, #tpu.memory_space<vmem>>) offsets(%dma_start3A_131 : memref<128xi32, #tpu.memory_space<vmem>>) semaphore(%run_scoped3A_128 : memref<!tpu.dma_semaphore, #tpu.memory_space<semaphore_mem>>)
        %dma_wait3A_135 = arith.constant 0 : i32
        %dma_wait3A_136 = tpu.memref_slice %arg7[%run_scoped3A, %run_scoped3A_125, %dma_wait3A_135] : memref<1x2x128xi32, #tpu.memory_space<vmem>> -> memref<1x1x128xi32, #tpu.memory_space<vmem>>
        %dma_wait3A_137 = tpu.memref_squeeze %dma_wait3A_136 : memref<1x1x128xi32, #tpu.memory_space<vmem>> -> memref<128xi32, #tpu.memory_space<vmem>>
        %dma_wait3A_138 = arith.constant 0 : i32
        %dma_wait3A_139 = arith.constant 0 : i32
        %dma_wait3A_140 = tpu.memref_slice %arg2[%dma_wait3A_138, %dma_wait3A_139] : memref<10000x64xf32, #tpu.memory_space<hbm>> -> memref<10000x64xf32, #tpu.memory_space<hbm>>
        tpu.wait_indirect_dma semaphore(%run_scoped3A_128 : memref<!tpu.dma_semaphore, #tpu.memory_space<semaphore_mem>>) src(%dma_wait3A_140 : memref<10000x64xf32, #tpu.memory_space<hbm>>) dst(%arg13 : memref<128x64xf32, #tpu.memory_space<vmem>>)
        tpu.yield
      }) : () -> ()
      %run_scoped3A_126 = arith.constant 0 : i32
      %run_scoped3A_127 = arith.constant 1 : i32
      "tpu.region"() ({
        %run_scoped3A_128 = tpu.sem_alloc : memref<!tpu.dma_semaphore, #tpu.memory_space<semaphore_mem>>
        %dma_start3A_129 = arith.constant 0 : i32
        %dma_start3A_130 = tpu.memref_slice %arg7[%run_scoped3A_126, %run_scoped3A_127, %dma_start3A_129] : memref<1x2x128xi32, #tpu.memory_space<vmem>> -> memref<1x1x128xi32, #tpu.memory_space<vmem>>
        %dma_start3A_131 = tpu.memref_squeeze %dma_start3A_130 : memref<1x1x128xi32, #tpu.memory_space<vmem>> -> memref<128xi32, #tpu.memory_space<vmem>>
        %dma_start3A_132 = arith.constant 0 : i32
        %dma_start3A_133 = arith.constant 0 : i32
        %dma_start3A_134 = tpu.memref_slice %arg26[%dma_start3A_132, %dma_start3A_133] : memref<10000x64xf32, #tpu.memory_space<vmem_shared>> -> memref<10000x64xf32, #tpu.memory_space<vmem_shared>>
        tpu.enqueue_indirect_dma source(%arg13 : memref<128x64xf32, #tpu.memory_space<vmem>>) target(%dma_start3A_134 : memref<10000x64xf32, #tpu.memory_space<vmem_shared>>) offsets(%dma_start3A_131 : memref<128xi32, #tpu.memory_space<vmem>>) semaphore(%run_scoped3A_128 : memref<!tpu.dma_semaphore, #tpu.memory_space<semaphore_mem>>) {add = true}
        %dma_wait3A_135 = arith.constant 0 : i32
        %dma_wait3A_136 = tpu.memref_slice %arg7[%run_scoped3A_126, %run_scoped3A_127, %dma_wait3A_135] : memref<1x2x128xi32, #tpu.memory_space<vmem>> -> memref<1x1x128xi32, #tpu.memory_space<vmem>>
        %dma_wait3A_137 = tpu.memref_squeeze %dma_wait3A_136 : memref<1x1x128xi32, #tpu.memory_space<vmem>> -> memref<128xi32, #tpu.memory_space<vmem>>
        %dma_wait3A_138 = arith.constant 0 : i32
        %dma_wait3A_139 = arith.constant 0 : i32
        %dma_wait3A_140 = tpu.memref_slice %arg26[%dma_wait3A_138, %dma_wait3A_139] : memref<10000x64xf32, #tpu.memory_space<vmem_shared>> -> memref<10000x64xf32, #tpu.memory_space<vmem_shared>>
        tpu.wait_indirect_dma semaphore(%run_scoped3A_128 : memref<!tpu.dma_semaphore, #tpu.memory_space<semaphore_mem>>) src(%arg13 : memref<128x64xf32, #tpu.memory_space<vmem>>) dst(%dma_wait3A_140 : memref<10000x64xf32, #tpu.memory_space<vmem_shared>>)
        tpu.yield
      }) : () -> ()
    } else {
    }
    %dma_start3A_29 = arith.constant 0 : i32
    %dma_start3A_30 = arith.constant 0 : i32
    %dma_start3A_31 = arith.constant 0 : i32
    %dma_start3A_32 = tpu.memref_slice %arg6[%dma_start3A_29, %dma_start3A_30, %dma_start3A_31] : memref<78x2x128xi32, #tpu.memory_space<vmem>> -> memref<1x1x128xi32, #tpu.memory_space<vmem>>
    %dma_start3A_33 = tpu.memref_squeeze %dma_start3A_32 : memref<1x1x128xi32, #tpu.memory_space<vmem>> -> memref<128xi32, #tpu.memory_space<vmem>>
    %dma_start3A_34 = arith.constant 0 : i32
    %dma_start3A_35 = arith.constant 0 : i32
    %dma_start3A_36 = tpu.memref_slice %arg2[%dma_start3A_34, %dma_start3A_35] : memref<10000x64xf32, #tpu.memory_space<hbm>> -> memref<10000x64xf32, #tpu.memory_space<hbm>>
    tpu.enqueue_indirect_dma source(%dma_start3A_36 : memref<10000x64xf32, #tpu.memory_space<hbm>>) target(%arg8 : memref<128x64xf32, #tpu.memory_space<vmem>>) offsets(%dma_start3A_33 : memref<128xi32, #tpu.memory_space<vmem>>) semaphore(%arg14 : memref<!tpu.dma_semaphore, #tpu.memory_space<semaphore_mem>>)
    %dma_start3A_37 = arith.constant 1 : i32
    %dma_start3A_38 = arith.constant 0 : i32
    %dma_start3A_39 = arith.constant 0 : i32
    %dma_start3A_40 = tpu.memref_slice %arg6[%dma_start3A_37, %dma_start3A_38, %dma_start3A_39] : memref<78x2x128xi32, #tpu.memory_space<vmem>> -> memref<1x1x128xi32, #tpu.memory_space<vmem>>
    %dma_start3A_41 = tpu.memref_squeeze %dma_start3A_40 : memref<1x1x128xi32, #tpu.memory_space<vmem>> -> memref<128xi32, #tpu.memory_space<vmem>>
    %dma_start3A_42 = arith.constant 0 : i32
    %dma_start3A_43 = arith.constant 0 : i32
    %dma_start3A_44 = tpu.memref_slice %arg2[%dma_start3A_42, %dma_start3A_43] : memref<10000x64xf32, #tpu.memory_space<hbm>> -> memref<10000x64xf32, #tpu.memory_space<hbm>>
    tpu.enqueue_indirect_dma source(%dma_start3A_44 : memref<10000x64xf32, #tpu.memory_space<hbm>>) target(%arg9 : memref<128x64xf32, #tpu.memory_space<vmem>>) offsets(%dma_start3A_41 : memref<128xi32, #tpu.memory_space<vmem>>) semaphore(%arg15 : memref<!tpu.dma_semaphore, #tpu.memory_space<semaphore_mem>>)
    %dma_start3A_45 = arith.constant 2 : i32
    %dma_start3A_46 = arith.constant 0 : i32
    %dma_start3A_47 = arith.constant 0 : i32
    %dma_start3A_48 = tpu.memref_slice %arg6[%dma_start3A_45, %dma_start3A_46, %dma_start3A_47] : memref<78x2x128xi32, #tpu.memory_space<vmem>> -> memref<1x1x128xi32, #tpu.memory_space<vmem>>
    %dma_start3A_49 = tpu.memref_squeeze %dma_start3A_48 : memref<1x1x128xi32, #tpu.memory_space<vmem>> -> memref<128xi32, #tpu.memory_space<vmem>>
    %dma_start3A_50 = arith.constant 0 : i32
    %dma_start3A_51 = arith.constant 0 : i32
    %dma_start3A_52 = tpu.memref_slice %arg2[%dma_start3A_50, %dma_start3A_51] : memref<10000x64xf32, #tpu.memory_space<hbm>> -> memref<10000x64xf32, #tpu.memory_space<hbm>>
    tpu.enqueue_indirect_dma source(%dma_start3A_52 : memref<10000x64xf32, #tpu.memory_space<hbm>>) target(%arg10 : memref<128x64xf32, #tpu.memory_space<vmem>>) offsets(%dma_start3A_49 : memref<128xi32, #tpu.memory_space<vmem>>) semaphore(%arg16 : memref<!tpu.dma_semaphore, #tpu.memory_space<semaphore_mem>>)
    %dma_start3A_53 = arith.constant 3 : i32
    %dma_start3A_54 = arith.constant 0 : i32
    %dma_start3A_55 = arith.constant 0 : i32
    %dma_start3A_56 = tpu.memref_slice %arg6[%dma_start3A_53, %dma_start3A_54, %dma_start3A_55] : memref<78x2x128xi32, #tpu.memory_space<vmem>> -> memref<1x1x128xi32, #tpu.memory_space<vmem>>
    %dma_start3A_57 = tpu.memref_squeeze %dma_start3A_56 : memref<1x1x128xi32, #tpu.memory_space<vmem>> -> memref<128xi32, #tpu.memory_space<vmem>>
    %dma_start3A_58 = arith.constant 0 : i32
    %dma_start3A_59 = arith.constant 0 : i32
    %dma_start3A_60 = tpu.memref_slice %arg2[%dma_start3A_58, %dma_start3A_59] : memref<10000x64xf32, #tpu.memory_space<hbm>> -> memref<10000x64xf32, #tpu.memory_space<hbm>>
    tpu.enqueue_indirect_dma source(%dma_start3A_60 : memref<10000x64xf32, #tpu.memory_space<hbm>>) target(%arg11 : memref<128x64xf32, #tpu.memory_space<vmem>>) offsets(%dma_start3A_57 : memref<128xi32, #tpu.memory_space<vmem>>) semaphore(%arg17 : memref<!tpu.dma_semaphore, #tpu.memory_space<semaphore_mem>>)
    %scan3A = arith.constant 0 : i32
    %scan3A_61 = arith.constant 0 : i32
    %scan3A_62 = arith.constant 13 : i32
    %scan3A_63 = arith.addi %scan3A_61, %scan3A_62 : i32
    %scan3A_64 = arith.constant 1 : i32
    scf.for %scan3A_125 = %scan3A_61 to %scan3A_63 step %scan3A_64  : i32 {
      %mul3A_126 = arith.constant 6 : i32
      %mul3A_127 = arith.muli %scan3A_125, %mul3A_126 : i32
      %add3A_128 = arith.constant 0 : i32
      %add3A_129 = arith.addi %mul3A_127, %add3A_128 : i32
      %dma_wait3A_130 = arith.constant 0 : i32
      %dma_wait3A_131 = arith.constant 0 : i32
      %dma_wait3A_132 = tpu.memref_slice %arg6[%add3A_129, %dma_wait3A_130, %dma_wait3A_131] : memref<78x2x128xi32, #tpu.memory_space<vmem>> -> memref<1x1x128xi32, #tpu.memory_space<vmem>>
      %dma_wait3A_133 = tpu.memref_squeeze %dma_wait3A_132 : memref<1x1x128xi32, #tpu.memory_space<vmem>> -> memref<128xi32, #tpu.memory_space<vmem>>
      %dma_wait3A_134 = arith.constant 0 : i32
      %dma_wait3A_135 = arith.constant 0 : i32
      %dma_wait3A_136 = tpu.memref_slice %arg2[%dma_wait3A_134, %dma_wait3A_135] : memref<10000x64xf32, #tpu.memory_space<hbm>> -> memref<10000x64xf32, #tpu.memory_space<hbm>>
      tpu.wait_indirect_dma semaphore(%arg14 : memref<!tpu.dma_semaphore, #tpu.memory_space<semaphore_mem>>) src(%dma_wait3A_136 : memref<10000x64xf32, #tpu.memory_space<hbm>>) dst(%arg8 : memref<128x64xf32, #tpu.memory_space<vmem>>)
      %dma_start3A_137 = arith.constant 1 : i32
      %dma_start3A_138 = arith.constant 0 : i32
      %dma_start3A_139 = tpu.memref_slice %arg6[%add3A_129, %dma_start3A_137, %dma_start3A_138] : memref<78x2x128xi32, #tpu.memory_space<vmem>> -> memref<1x1x128xi32, #tpu.memory_space<vmem>>
      %dma_start3A_140 = tpu.memref_squeeze %dma_start3A_139 : memref<1x1x128xi32, #tpu.memory_space<vmem>> -> memref<128xi32, #tpu.memory_space<vmem>>
      %dma_start3A_141 = arith.constant 0 : i32
      %dma_start3A_142 = arith.constant 0 : i32
      %dma_start3A_143 = tpu.memref_slice %arg26[%dma_start3A_141, %dma_start3A_142] : memref<10000x64xf32, #tpu.memory_space<vmem_shared>> -> memref<10000x64xf32, #tpu.memory_space<vmem_shared>>
      tpu.enqueue_indirect_dma source(%arg8 : memref<128x64xf32, #tpu.memory_space<vmem>>) target(%dma_start3A_143 : memref<10000x64xf32, #tpu.memory_space<vmem_shared>>) offsets(%dma_start3A_140 : memref<128xi32, #tpu.memory_space<vmem>>) semaphore(%arg20 : memref<!tpu.dma_semaphore, #tpu.memory_space<semaphore_mem>>) {add = true}
      %add3A_144 = arith.constant 4 : i32
      %add3A_145 = arith.addi %add3A_129, %add3A_144 : i32
      %sub3A = arith.constant 6 : i32
      %sub3A_146 = arith.subi %add3A_145, %sub3A : i32
      %gt3A = arith.constant 0 : i32
      %gt3A_147 = arith.cmpi sgt, %scan3A_125, %gt3A : i32
      %convert_element_type3A_148 = arith.extui %gt3A_147 : i1 to i32
      %cond3A_149 = arith.constant 0 : i32
      %cond3A_150 = arith.cmpi ne, %convert_element_type3A_148, %cond3A_149 : i32
      scf.if %cond3A_150 {
        %dma_wait3A_296 = arith.constant 1 : i32
        %dma_wait3A_297 = arith.constant 0 : i32
        %dma_wait3A_298 = tpu.memref_slice %arg6[%sub3A_146, %dma_wait3A_296, %dma_wait3A_297] : memref<78x2x128xi32, #tpu.memory_space<vmem>> -> memref<1x1x128xi32, #tpu.memory_space<vmem>>
        %dma_wait3A_299 = tpu.memref_squeeze %dma_wait3A_298 : memref<1x1x128xi32, #tpu.memory_space<vmem>> -> memref<128xi32, #tpu.memory_space<vmem>>
        %dma_wait3A_300 = arith.constant 0 : i32
        %dma_wait3A_301 = arith.constant 0 : i32
        %dma_wait3A_302 = tpu.memref_slice %arg26[%dma_wait3A_300, %dma_wait3A_301] : memref<10000x64xf32, #tpu.memory_space<vmem_shared>> -> memref<10000x64xf32, #tpu.memory_space<vmem_shared>>
        tpu.wait_indirect_dma semaphore(%arg24 : memref<!tpu.dma_semaphore, #tpu.memory_space<semaphore_mem>>) src(%arg12 : memref<128x64xf32, #tpu.memory_space<vmem>>) dst(%dma_wait3A_302 : memref<10000x64xf32, #tpu.memory_space<vmem_shared>>)
        %dma_start3A_303 = arith.constant 0 : i32
        %dma_start3A_304 = arith.constant 0 : i32
        %dma_start3A_305 = tpu.memref_slice %arg6[%add3A_145, %dma_start3A_303, %dma_start3A_304] : memref<78x2x128xi32, #tpu.memory_space<vmem>> -> memref<1x1x128xi32, #tpu.memory_space<vmem>>
        %dma_start3A_306 = tpu.memref_squeeze %dma_start3A_305 : memref<1x1x128xi32, #tpu.memory_space<vmem>> -> memref<128xi32, #tpu.memory_space<vmem>>
        %dma_start3A_307 = arith.constant 0 : i32
        %dma_start3A_308 = arith.constant 0 : i32
        %dma_start3A_309 = tpu.memref_slice %arg2[%dma_start3A_307, %dma_start3A_308] : memref<10000x64xf32, #tpu.memory_space<hbm>> -> memref<10000x64xf32, #tpu.memory_space<hbm>>
        tpu.enqueue_indirect_dma source(%dma_start3A_309 : memref<10000x64xf32, #tpu.memory_space<hbm>>) target(%arg12 : memref<128x64xf32, #tpu.memory_space<vmem>>) offsets(%dma_start3A_306 : memref<128xi32, #tpu.memory_space<vmem>>) semaphore(%arg18 : memref<!tpu.dma_semaphore, #tpu.memory_space<semaphore_mem>>)
      } else {
      }
      %eq3A_151 = arith.constant 0 : i32
      %eq3A_152 = arith.cmpi eq, %scan3A_125, %eq3A_151 : i32
      %convert_element_type3A_153 = arith.extui %eq3A_152 : i1 to i32
      %cond3A_154 = arith.constant 0 : i32
      %cond3A_155 = arith.cmpi ne, %convert_element_type3A_153, %cond3A_154 : i32
      scf.if %cond3A_155 {
        %dma_start3A_296 = arith.constant 0 : i32
        %dma_start3A_297 = arith.constant 0 : i32
        %dma_start3A_298 = tpu.memref_slice %arg6[%add3A_145, %dma_start3A_296, %dma_start3A_297] : memref<78x2x128xi32, #tpu.memory_space<vmem>> -> memref<1x1x128xi32, #tpu.memory_space<vmem>>
        %dma_start3A_299 = tpu.memref_squeeze %dma_start3A_298 : memref<1x1x128xi32, #tpu.memory_space<vmem>> -> memref<128xi32, #tpu.memory_space<vmem>>
        %dma_start3A_300 = arith.constant 0 : i32
        %dma_start3A_301 = arith.constant 0 : i32
        %dma_start3A_302 = tpu.memref_slice %arg2[%dma_start3A_300, %dma_start3A_301] : memref<10000x64xf32, #tpu.memory_space<hbm>> -> memref<10000x64xf32, #tpu.memory_space<hbm>>
        tpu.enqueue_indirect_dma source(%dma_start3A_302 : memref<10000x64xf32, #tpu.memory_space<hbm>>) target(%arg12 : memref<128x64xf32, #tpu.memory_space<vmem>>) offsets(%dma_start3A_299 : memref<128xi32, #tpu.memory_space<vmem>>) semaphore(%arg18 : memref<!tpu.dma_semaphore, #tpu.memory_space<semaphore_mem>>)
      } else {
      }
      %mul3A_156 = arith.constant 6 : i32
      %mul3A_157 = arith.muli %scan3A_125, %mul3A_156 : i32
      %add3A_158 = arith.constant 1 : i32
      %add3A_159 = arith.addi %mul3A_157, %add3A_158 : i32
      %dma_wait3A_160 = arith.constant 0 : i32
      %dma_wait3A_161 = arith.constant 0 : i32
      %dma_wait3A_162 = tpu.memref_slice %arg6[%add3A_159, %dma_wait3A_160, %dma_wait3A_161] : memref<78x2x128xi32, #tpu.memory_space<vmem>> -> memref<1x1x128xi32, #tpu.memory_space<vmem>>
      %dma_wait3A_163 = tpu.memref_squeeze %dma_wait3A_162 : memref<1x1x128xi32, #tpu.memory_space<vmem>> -> memref<128xi32, #tpu.memory_space<vmem>>
      %dma_wait3A_164 = arith.constant 0 : i32
      %dma_wait3A_165 = arith.constant 0 : i32
      %dma_wait3A_166 = tpu.memref_slice %arg2[%dma_wait3A_164, %dma_wait3A_165] : memref<10000x64xf32, #tpu.memory_space<hbm>> -> memref<10000x64xf32, #tpu.memory_space<hbm>>
      tpu.wait_indirect_dma semaphore(%arg15 : memref<!tpu.dma_semaphore, #tpu.memory_space<semaphore_mem>>) src(%dma_wait3A_166 : memref<10000x64xf32, #tpu.memory_space<hbm>>) dst(%arg9 : memref<128x64xf32, #tpu.memory_space<vmem>>)
      %dma_start3A_167 = arith.constant 1 : i32
      %dma_start3A_168 = arith.constant 0 : i32
      %dma_start3A_169 = tpu.memref_slice %arg6[%add3A_159, %dma_start3A_167, %dma_start3A_168] : memref<78x2x128xi32, #tpu.memory_space<vmem>> -> memref<1x1x128xi32, #tpu.memory_space<vmem>>
      %dma_start3A_170 = tpu.memref_squeeze %dma_start3A_169 : memref<1x1x128xi32, #tpu.memory_space<vmem>> -> memref<128xi32, #tpu.memory_space<vmem>>
      %dma_start3A_171 = arith.constant 0 : i32
      %dma_start3A_172 = arith.constant 0 : i32
      %dma_start3A_173 = tpu.memref_slice %arg26[%dma_start3A_171, %dma_start3A_172] : memref<10000x64xf32, #tpu.memory_space<vmem_shared>> -> memref<10000x64xf32, #tpu.memory_space<vmem_shared>>
      tpu.enqueue_indirect_dma source(%arg9 : memref<128x64xf32, #tpu.memory_space<vmem>>) target(%dma_start3A_173 : memref<10000x64xf32, #tpu.memory_space<vmem_shared>>) offsets(%dma_start3A_170 : memref<128xi32, #tpu.memory_space<vmem>>) semaphore(%arg21 : memref<!tpu.dma_semaphore, #tpu.memory_space<semaphore_mem>>) {add = true}
      %add3A_174 = arith.constant 4 : i32
      %add3A_175 = arith.addi %add3A_159, %add3A_174 : i32
      %sub3A_176 = arith.constant 6 : i32
      %sub3A_177 = arith.subi %add3A_175, %sub3A_176 : i32
      %gt3A_178 = arith.constant 0 : i32
      %gt3A_179 = arith.cmpi sgt, %scan3A_125, %gt3A_178 : i32
      %convert_element_type3A_180 = arith.extui %gt3A_179 : i1 to i32
      %cond3A_181 = arith.constant 0 : i32
      %cond3A_182 = arith.cmpi ne, %convert_element_type3A_180, %cond3A_181 : i32
      scf.if %cond3A_182 {
        %dma_wait3A_296 = arith.constant 1 : i32
        %dma_wait3A_297 = arith.constant 0 : i32
        %dma_wait3A_298 = tpu.memref_slice %arg6[%sub3A_177, %dma_wait3A_296, %dma_wait3A_297] : memref<78x2x128xi32, #tpu.memory_space<vmem>> -> memref<1x1x128xi32, #tpu.memory_space<vmem>>
        %dma_wait3A_299 = tpu.memref_squeeze %dma_wait3A_298 : memref<1x1x128xi32, #tpu.memory_space<vmem>> -> memref<128xi32, #tpu.memory_space<vmem>>
        %dma_wait3A_300 = arith.constant 0 : i32
        %dma_wait3A_301 = arith.constant 0 : i32
        %dma_wait3A_302 = tpu.memref_slice %arg26[%dma_wait3A_300, %dma_wait3A_301] : memref<10000x64xf32, #tpu.memory_space<vmem_shared>> -> memref<10000x64xf32, #tpu.memory_space<vmem_shared>>
        tpu.wait_indirect_dma semaphore(%arg25 : memref<!tpu.dma_semaphore, #tpu.memory_space<semaphore_mem>>) src(%arg13 : memref<128x64xf32, #tpu.memory_space<vmem>>) dst(%dma_wait3A_302 : memref<10000x64xf32, #tpu.memory_space<vmem_shared>>)
        %dma_start3A_303 = arith.constant 0 : i32
        %dma_start3A_304 = arith.constant 0 : i32
        %dma_start3A_305 = tpu.memref_slice %arg6[%add3A_175, %dma_start3A_303, %dma_start3A_304] : memref<78x2x128xi32, #tpu.memory_space<vmem>> -> memref<1x1x128xi32, #tpu.memory_space<vmem>>
        %dma_start3A_306 = tpu.memref_squeeze %dma_start3A_305 : memref<1x1x128xi32, #tpu.memory_space<vmem>> -> memref<128xi32, #tpu.memory_space<vmem>>
        %dma_start3A_307 = arith.constant 0 : i32
        %dma_start3A_308 = arith.constant 0 : i32
        %dma_start3A_309 = tpu.memref_slice %arg2[%dma_start3A_307, %dma_start3A_308] : memref<10000x64xf32, #tpu.memory_space<hbm>> -> memref<10000x64xf32, #tpu.memory_space<hbm>>
        tpu.enqueue_indirect_dma source(%dma_start3A_309 : memref<10000x64xf32, #tpu.memory_space<hbm>>) target(%arg13 : memref<128x64xf32, #tpu.memory_space<vmem>>) offsets(%dma_start3A_306 : memref<128xi32, #tpu.memory_space<vmem>>) semaphore(%arg19 : memref<!tpu.dma_semaphore, #tpu.memory_space<semaphore_mem>>)
      } else {
      }
      %eq3A_183 = arith.constant 0 : i32
      %eq3A_184 = arith.cmpi eq, %scan3A_125, %eq3A_183 : i32
      %convert_element_type3A_185 = arith.extui %eq3A_184 : i1 to i32
      %cond3A_186 = arith.constant 0 : i32
      %cond3A_187 = arith.cmpi ne, %convert_element_type3A_185, %cond3A_186 : i32
      scf.if %cond3A_187 {
        %dma_start3A_296 = arith.constant 0 : i32
        %dma_start3A_297 = arith.constant 0 : i32
        %dma_start3A_298 = tpu.memref_slice %arg6[%add3A_175, %dma_start3A_296, %dma_start3A_297] : memref<78x2x128xi32, #tpu.memory_space<vmem>> -> memref<1x1x128xi32, #tpu.memory_space<vmem>>
        %dma_start3A_299 = tpu.memref_squeeze %dma_start3A_298 : memref<1x1x128xi32, #tpu.memory_space<vmem>> -> memref<128xi32, #tpu.memory_space<vmem>>
        %dma_start3A_300 = arith.constant 0 : i32
        %dma_start3A_301 = arith.constant 0 : i32
        %dma_start3A_302 = tpu.memref_slice %arg2[%dma_start3A_300, %dma_start3A_301] : memref<10000x64xf32, #tpu.memory_space<hbm>> -> memref<10000x64xf32, #tpu.memory_space<hbm>>
        tpu.enqueue_indirect_dma source(%dma_start3A_302 : memref<10000x64xf32, #tpu.memory_space<hbm>>) target(%arg13 : memref<128x64xf32, #tpu.memory_space<vmem>>) offsets(%dma_start3A_299 : memref<128xi32, #tpu.memory_space<vmem>>) semaphore(%arg19 : memref<!tpu.dma_semaphore, #tpu.memory_space<semaphore_mem>>)
      } else {
      }
      %mul3A_188 = arith.constant 6 : i32
      %mul3A_189 = arith.muli %scan3A_125, %mul3A_188 : i32
      %add3A_190 = arith.constant 2 : i32
      %add3A_191 = arith.addi %mul3A_189, %add3A_190 : i32
      %dma_wait3A_192 = arith.constant 0 : i32
      %dma_wait3A_193 = arith.constant 0 : i32
      %dma_wait3A_194 = tpu.memref_slice %arg6[%add3A_191, %dma_wait3A_192, %dma_wait3A_193] : memref<78x2x128xi32, #tpu.memory_space<vmem>> -> memref<1x1x128xi32, #tpu.memory_space<vmem>>
      %dma_wait3A_195 = tpu.memref_squeeze %dma_wait3A_194 : memref<1x1x128xi32, #tpu.memory_space<vmem>> -> memref<128xi32, #tpu.memory_space<vmem>>
      %dma_wait3A_196 = arith.constant 0 : i32
      %dma_wait3A_197 = arith.constant 0 : i32
      %dma_wait3A_198 = tpu.memref_slice %arg2[%dma_wait3A_196, %dma_wait3A_197] : memref<10000x64xf32, #tpu.memory_space<hbm>> -> memref<10000x64xf32, #tpu.memory_space<hbm>>
      tpu.wait_indirect_dma semaphore(%arg16 : memref<!tpu.dma_semaphore, #tpu.memory_space<semaphore_mem>>) src(%dma_wait3A_198 : memref<10000x64xf32, #tpu.memory_space<hbm>>) dst(%arg10 : memref<128x64xf32, #tpu.memory_space<vmem>>)
      %dma_start3A_199 = arith.constant 1 : i32
      %dma_start3A_200 = arith.constant 0 : i32
      %dma_start3A_201 = tpu.memref_slice %arg6[%add3A_191, %dma_start3A_199, %dma_start3A_200] : memref<78x2x128xi32, #tpu.memory_space<vmem>> -> memref<1x1x128xi32, #tpu.memory_space<vmem>>
      %dma_start3A_202 = tpu.memref_squeeze %dma_start3A_201 : memref<1x1x128xi32, #tpu.memory_space<vmem>> -> memref<128xi32, #tpu.memory_space<vmem>>
      %dma_start3A_203 = arith.constant 0 : i32
      %dma_start3A_204 = arith.constant 0 : i32
      %dma_start3A_205 = tpu.memref_slice %arg26[%dma_start3A_203, %dma_start3A_204] : memref<10000x64xf32, #tpu.memory_space<vmem_shared>> -> memref<10000x64xf32, #tpu.memory_space<vmem_shared>>
      tpu.enqueue_indirect_dma source(%arg10 : memref<128x64xf32, #tpu.memory_space<vmem>>) target(%dma_start3A_205 : memref<10000x64xf32, #tpu.memory_space<vmem_shared>>) offsets(%dma_start3A_202 : memref<128xi32, #tpu.memory_space<vmem>>) semaphore(%arg22 : memref<!tpu.dma_semaphore, #tpu.memory_space<semaphore_mem>>) {add = true}
      %add3A_206 = arith.constant 4 : i32
      %add3A_207 = arith.addi %add3A_191, %add3A_206 : i32
      %sub3A_208 = arith.constant 6 : i32
      %sub3A_209 = arith.subi %add3A_207, %sub3A_208 : i32
      %lt3A_210 = arith.constant 78 : i32
      %lt3A_211 = arith.cmpi slt, %add3A_207, %lt3A_210 : i32
      %convert_element_type3A_212 = arith.extui %lt3A_211 : i1 to i32
      %cond3A_213 = arith.constant 0 : i32
      %cond3A_214 = arith.cmpi ne, %convert_element_type3A_212, %cond3A_213 : i32
      scf.if %cond3A_214 {
        %dma_wait3A_296 = arith.constant 1 : i32
        %dma_wait3A_297 = arith.constant 0 : i32
        %dma_wait3A_298 = tpu.memref_slice %arg6[%sub3A_209, %dma_wait3A_296, %dma_wait3A_297] : memref<78x2x128xi32, #tpu.memory_space<vmem>> -> memref<1x1x128xi32, #tpu.memory_space<vmem>>
        %dma_wait3A_299 = tpu.memref_squeeze %dma_wait3A_298 : memref<1x1x128xi32, #tpu.memory_space<vmem>> -> memref<128xi32, #tpu.memory_space<vmem>>
        %dma_wait3A_300 = arith.constant 0 : i32
        %dma_wait3A_301 = arith.constant 0 : i32
        %dma_wait3A_302 = tpu.memref_slice %arg26[%dma_wait3A_300, %dma_wait3A_301] : memref<10000x64xf32, #tpu.memory_space<vmem_shared>> -> memref<10000x64xf32, #tpu.memory_space<vmem_shared>>
        tpu.wait_indirect_dma semaphore(%arg20 : memref<!tpu.dma_semaphore, #tpu.memory_space<semaphore_mem>>) src(%arg8 : memref<128x64xf32, #tpu.memory_space<vmem>>) dst(%dma_wait3A_302 : memref<10000x64xf32, #tpu.memory_space<vmem_shared>>)
        %dma_start3A_303 = arith.constant 0 : i32
        %dma_start3A_304 = arith.constant 0 : i32
        %dma_start3A_305 = tpu.memref_slice %arg6[%add3A_207, %dma_start3A_303, %dma_start3A_304] : memref<78x2x128xi32, #tpu.memory_space<vmem>> -> memref<1x1x128xi32, #tpu.memory_space<vmem>>
        %dma_start3A_306 = tpu.memref_squeeze %dma_start3A_305 : memref<1x1x128xi32, #tpu.memory_space<vmem>> -> memref<128xi32, #tpu.memory_space<vmem>>
        %dma_start3A_307 = arith.constant 0 : i32
        %dma_start3A_308 = arith.constant 0 : i32
        %dma_start3A_309 = tpu.memref_slice %arg2[%dma_start3A_307, %dma_start3A_308] : memref<10000x64xf32, #tpu.memory_space<hbm>> -> memref<10000x64xf32, #tpu.memory_space<hbm>>
        tpu.enqueue_indirect_dma source(%dma_start3A_309 : memref<10000x64xf32, #tpu.memory_space<hbm>>) target(%arg8 : memref<128x64xf32, #tpu.memory_space<vmem>>) offsets(%dma_start3A_306 : memref<128xi32, #tpu.memory_space<vmem>>) semaphore(%arg14 : memref<!tpu.dma_semaphore, #tpu.memory_space<semaphore_mem>>)
      } else {
      }
      %mul3A_215 = arith.constant 6 : i32
      %mul3A_216 = arith.muli %scan3A_125, %mul3A_215 : i32
      %add3A_217 = arith.constant 3 : i32
      %add3A_218 = arith.addi %mul3A_216, %add3A_217 : i32
      %dma_wait3A_219 = arith.constant 0 : i32
      %dma_wait3A_220 = arith.constant 0 : i32
      %dma_wait3A_221 = tpu.memref_slice %arg6[%add3A_218, %dma_wait3A_219, %dma_wait3A_220] : memref<78x2x128xi32, #tpu.memory_space<vmem>> -> memref<1x1x128xi32, #tpu.memory_space<vmem>>
      %dma_wait3A_222 = tpu.memref_squeeze %dma_wait3A_221 : memref<1x1x128xi32, #tpu.memory_space<vmem>> -> memref<128xi32, #tpu.memory_space<vmem>>
      %dma_wait3A_223 = arith.constant 0 : i32
      %dma_wait3A_224 = arith.constant 0 : i32
      %dma_wait3A_225 = tpu.memref_slice %arg2[%dma_wait3A_223, %dma_wait3A_224] : memref<10000x64xf32, #tpu.memory_space<hbm>> -> memref<10000x64xf32, #tpu.memory_space<hbm>>
      tpu.wait_indirect_dma semaphore(%arg17 : memref<!tpu.dma_semaphore, #tpu.memory_space<semaphore_mem>>) src(%dma_wait3A_225 : memref<10000x64xf32, #tpu.memory_space<hbm>>) dst(%arg11 : memref<128x64xf32, #tpu.memory_space<vmem>>)
      %dma_start3A_226 = arith.constant 1 : i32
      %dma_start3A_227 = arith.constant 0 : i32
      %dma_start3A_228 = tpu.memref_slice %arg6[%add3A_218, %dma_start3A_226, %dma_start3A_227] : memref<78x2x128xi32, #tpu.memory_space<vmem>> -> memref<1x1x128xi32, #tpu.memory_space<vmem>>
      %dma_start3A_229 = tpu.memref_squeeze %dma_start3A_228 : memref<1x1x128xi32, #tpu.memory_space<vmem>> -> memref<128xi32, #tpu.memory_space<vmem>>
      %dma_start3A_230 = arith.constant 0 : i32
      %dma_start3A_231 = arith.constant 0 : i32
      %dma_start3A_232 = tpu.memref_slice %arg26[%dma_start3A_230, %dma_start3A_231] : memref<10000x64xf32, #tpu.memory_space<vmem_shared>> -> memref<10000x64xf32, #tpu.memory_space<vmem_shared>>
      tpu.enqueue_indirect_dma source(%arg11 : memref<128x64xf32, #tpu.memory_space<vmem>>) target(%dma_start3A_232 : memref<10000x64xf32, #tpu.memory_space<vmem_shared>>) offsets(%dma_start3A_229 : memref<128xi32, #tpu.memory_space<vmem>>) semaphore(%arg23 : memref<!tpu.dma_semaphore, #tpu.memory_space<semaphore_mem>>) {add = true}
      %add3A_233 = arith.constant 4 : i32
      %add3A_234 = arith.addi %add3A_218, %add3A_233 : i32
      %sub3A_235 = arith.constant 6 : i32
      %sub3A_236 = arith.subi %add3A_234, %sub3A_235 : i32
      %lt3A_237 = arith.constant 78 : i32
      %lt3A_238 = arith.cmpi slt, %add3A_234, %lt3A_237 : i32
      %convert_element_type3A_239 = arith.extui %lt3A_238 : i1 to i32
      %cond3A_240 = arith.constant 0 : i32
      %cond3A_241 = arith.cmpi ne, %convert_element_type3A_239, %cond3A_240 : i32
      scf.if %cond3A_241 {
        %dma_wait3A_296 = arith.constant 1 : i32
        %dma_wait3A_297 = arith.constant 0 : i32
        %dma_wait3A_298 = tpu.memref_slice %arg6[%sub3A_236, %dma_wait3A_296, %dma_wait3A_297] : memref<78x2x128xi32, #tpu.memory_space<vmem>> -> memref<1x1x128xi32, #tpu.memory_space<vmem>>
        %dma_wait3A_299 = tpu.memref_squeeze %dma_wait3A_298 : memref<1x1x128xi32, #tpu.memory_space<vmem>> -> memref<128xi32, #tpu.memory_space<vmem>>
        %dma_wait3A_300 = arith.constant 0 : i32
        %dma_wait3A_301 = arith.constant 0 : i32
        %dma_wait3A_302 = tpu.memref_slice %arg26[%dma_wait3A_300, %dma_wait3A_301] : memref<10000x64xf32, #tpu.memory_space<vmem_shared>> -> memref<10000x64xf32, #tpu.memory_space<vmem_shared>>
        tpu.wait_indirect_dma semaphore(%arg21 : memref<!tpu.dma_semaphore, #tpu.memory_space<semaphore_mem>>) src(%arg9 : memref<128x64xf32, #tpu.memory_space<vmem>>) dst(%dma_wait3A_302 : memref<10000x64xf32, #tpu.memory_space<vmem_shared>>)
        %dma_start3A_303 = arith.constant 0 : i32
        %dma_start3A_304 = arith.constant 0 : i32
        %dma_start3A_305 = tpu.memref_slice %arg6[%add3A_234, %dma_start3A_303, %dma_start3A_304] : memref<78x2x128xi32, #tpu.memory_space<vmem>> -> memref<1x1x128xi32, #tpu.memory_space<vmem>>
        %dma_start3A_306 = tpu.memref_squeeze %dma_start3A_305 : memref<1x1x128xi32, #tpu.memory_space<vmem>> -> memref<128xi32, #tpu.memory_space<vmem>>
        %dma_start3A_307 = arith.constant 0 : i32
        %dma_start3A_308 = arith.constant 0 : i32
        %dma_start3A_309 = tpu.memref_slice %arg2[%dma_start3A_307, %dma_start3A_308] : memref<10000x64xf32, #tpu.memory_space<hbm>> -> memref<10000x64xf32, #tpu.memory_space<hbm>>
        tpu.enqueue_indirect_dma source(%dma_start3A_309 : memref<10000x64xf32, #tpu.memory_space<hbm>>) target(%arg9 : memref<128x64xf32, #tpu.memory_space<vmem>>) offsets(%dma_start3A_306 : memref<128xi32, #tpu.memory_space<vmem>>) semaphore(%arg15 : memref<!tpu.dma_semaphore, #tpu.memory_space<semaphore_mem>>)
      } else {
      }
      %mul3A_242 = arith.constant 6 : i32
      %mul3A_243 = arith.muli %scan3A_125, %mul3A_242 : i32
      %add3A_244 = arith.constant 4 : i32
      %add3A_245 = arith.addi %mul3A_243, %add3A_244 : i32
      %dma_wait3A_246 = arith.constant 0 : i32
      %dma_wait3A_247 = arith.constant 0 : i32
      %dma_wait3A_248 = tpu.memref_slice %arg6[%add3A_245, %dma_wait3A_246, %dma_wait3A_247] : memref<78x2x128xi32, #tpu.memory_space<vmem>> -> memref<1x1x128xi32, #tpu.memory_space<vmem>>
      %dma_wait3A_249 = tpu.memref_squeeze %dma_wait3A_248 : memref<1x1x128xi32, #tpu.memory_space<vmem>> -> memref<128xi32, #tpu.memory_space<vmem>>
      %dma_wait3A_250 = arith.constant 0 : i32
      %dma_wait3A_251 = arith.constant 0 : i32
      %dma_wait3A_252 = tpu.memref_slice %arg2[%dma_wait3A_250, %dma_wait3A_251] : memref<10000x64xf32, #tpu.memory_space<hbm>> -> memref<10000x64xf32, #tpu.memory_space<hbm>>
      tpu.wait_indirect_dma semaphore(%arg18 : memref<!tpu.dma_semaphore, #tpu.memory_space<semaphore_mem>>) src(%dma_wait3A_252 : memref<10000x64xf32, #tpu.memory_space<hbm>>) dst(%arg12 : memref<128x64xf32, #tpu.memory_space<vmem>>)
      %dma_start3A_253 = arith.constant 1 : i32
      %dma_start3A_254 = arith.constant 0 : i32
      %dma_start3A_255 = tpu.memref_slice %arg6[%add3A_245, %dma_start3A_253, %dma_start3A_254] : memref<78x2x128xi32, #tpu.memory_space<vmem>> -> memref<1x1x128xi32, #tpu.memory_space<vmem>>
      %dma_start3A_256 = tpu.memref_squeeze %dma_start3A_255 : memref<1x1x128xi32, #tpu.memory_space<vmem>> -> memref<128xi32, #tpu.memory_space<vmem>>
      %dma_start3A_257 = arith.constant 0 : i32
      %dma_start3A_258 = arith.constant 0 : i32
      %dma_start3A_259 = tpu.memref_slice %arg26[%dma_start3A_257, %dma_start3A_258] : memref<10000x64xf32, #tpu.memory_space<vmem_shared>> -> memref<10000x64xf32, #tpu.memory_space<vmem_shared>>
      tpu.enqueue_indirect_dma source(%arg12 : memref<128x64xf32, #tpu.memory_space<vmem>>) target(%dma_start3A_259 : memref<10000x64xf32, #tpu.memory_space<vmem_shared>>) offsets(%dma_start3A_256 : memref<128xi32, #tpu.memory_space<vmem>>) semaphore(%arg24 : memref<!tpu.dma_semaphore, #tpu.memory_space<semaphore_mem>>) {add = true}
      %add3A_260 = arith.constant 4 : i32
      %add3A_261 = arith.addi %add3A_245, %add3A_260 : i32
      %sub3A_262 = arith.constant 6 : i32
      %sub3A_263 = arith.subi %add3A_261, %sub3A_262 : i32
      %lt3A_264 = arith.constant 78 : i32
      %lt3A_265 = arith.cmpi slt, %add3A_261, %lt3A_264 : i32
      %convert_element_type3A_266 = arith.extui %lt3A_265 : i1 to i32
      %cond3A_267 = arith.constant 0 : i32
      %cond3A_268 = arith.cmpi ne, %convert_element_type3A_266, %cond3A_267 : i32
      scf.if %cond3A_268 {
        %dma_wait3A_296 = arith.constant 1 : i32
        %dma_wait3A_297 = arith.constant 0 : i32
        %dma_wait3A_298 = tpu.memref_slice %arg6[%sub3A_263, %dma_wait3A_296, %dma_wait3A_297] : memref<78x2x128xi32, #tpu.memory_space<vmem>> -> memref<1x1x128xi32, #tpu.memory_space<vmem>>
        %dma_wait3A_299 = tpu.memref_squeeze %dma_wait3A_298 : memref<1x1x128xi32, #tpu.memory_space<vmem>> -> memref<128xi32, #tpu.memory_space<vmem>>
        %dma_wait3A_300 = arith.constant 0 : i32
        %dma_wait3A_301 = arith.constant 0 : i32
        %dma_wait3A_302 = tpu.memref_slice %arg26[%dma_wait3A_300, %dma_wait3A_301] : memref<10000x64xf32, #tpu.memory_space<vmem_shared>> -> memref<10000x64xf32, #tpu.memory_space<vmem_shared>>
        tpu.wait_indirect_dma semaphore(%arg22 : memref<!tpu.dma_semaphore, #tpu.memory_space<semaphore_mem>>) src(%arg10 : memref<128x64xf32, #tpu.memory_space<vmem>>) dst(%dma_wait3A_302 : memref<10000x64xf32, #tpu.memory_space<vmem_shared>>)
        %dma_start3A_303 = arith.constant 0 : i32
        %dma_start3A_304 = arith.constant 0 : i32
        %dma_start3A_305 = tpu.memref_slice %arg6[%add3A_261, %dma_start3A_303, %dma_start3A_304] : memref<78x2x128xi32, #tpu.memory_space<vmem>> -> memref<1x1x128xi32, #tpu.memory_space<vmem>>
        %dma_start3A_306 = tpu.memref_squeeze %dma_start3A_305 : memref<1x1x128xi32, #tpu.memory_space<vmem>> -> memref<128xi32, #tpu.memory_space<vmem>>
        %dma_start3A_307 = arith.constant 0 : i32
        %dma_start3A_308 = arith.constant 0 : i32
        %dma_start3A_309 = tpu.memref_slice %arg2[%dma_start3A_307, %dma_start3A_308] : memref<10000x64xf32, #tpu.memory_space<hbm>> -> memref<10000x64xf32, #tpu.memory_space<hbm>>
        tpu.enqueue_indirect_dma source(%dma_start3A_309 : memref<10000x64xf32, #tpu.memory_space<hbm>>) target(%arg10 : memref<128x64xf32, #tpu.memory_space<vmem>>) offsets(%dma_start3A_306 : memref<128xi32, #tpu.memory_space<vmem>>) semaphore(%arg16 : memref<!tpu.dma_semaphore, #tpu.memory_space<semaphore_mem>>)
      } else {
      }
      %mul3A_269 = arith.constant 6 : i32
      %mul3A_270 = arith.muli %scan3A_125, %mul3A_269 : i32
      %add3A_271 = arith.constant 5 : i32
      %add3A_272 = arith.addi %mul3A_270, %add3A_271 : i32
      %dma_wait3A_273 = arith.constant 0 : i32
      %dma_wait3A_274 = arith.constant 0 : i32
      %dma_wait3A_275 = tpu.memref_slice %arg6[%add3A_272, %dma_wait3A_273, %dma_wait3A_274] : memref<78x2x128xi32, #tpu.memory_space<vmem>> -> memref<1x1x128xi32, #tpu.memory_space<vmem>>
      %dma_wait3A_276 = tpu.memref_squeeze %dma_wait3A_275 : memref<1x1x128xi32, #tpu.memory_space<vmem>> -> memref<128xi32, #tpu.memory_space<vmem>>
      %dma_wait3A_277 = arith.constant 0 : i32
      %dma_wait3A_278 = arith.constant 0 : i32
      %dma_wait3A_279 = tpu.memref_slice %arg2[%dma_wait3A_277, %dma_wait3A_278] : memref<10000x64xf32, #tpu.memory_space<hbm>> -> memref<10000x64xf32, #tpu.memory_space<hbm>>
      tpu.wait_indirect_dma semaphore(%arg19 : memref<!tpu.dma_semaphore, #tpu.memory_space<semaphore_mem>>) src(%dma_wait3A_279 : memref<10000x64xf32, #tpu.memory_space<hbm>>) dst(%arg13 : memref<128x64xf32, #tpu.memory_space<vmem>>)
      %dma_start3A_280 = arith.constant 1 : i32
      %dma_start3A_281 = arith.constant 0 : i32
      %dma_start3A_282 = tpu.memref_slice %arg6[%add3A_272, %dma_start3A_280, %dma_start3A_281] : memref<78x2x128xi32, #tpu.memory_space<vmem>> -> memref<1x1x128xi32, #tpu.memory_space<vmem>>
      %dma_start3A_283 = tpu.memref_squeeze %dma_start3A_282 : memref<1x1x128xi32, #tpu.memory_space<vmem>> -> memref<128xi32, #tpu.memory_space<vmem>>
      %dma_start3A_284 = arith.constant 0 : i32
      %dma_start3A_285 = arith.constant 0 : i32
      %dma_start3A_286 = tpu.memref_slice %arg26[%dma_start3A_284, %dma_start3A_285] : memref<10000x64xf32, #tpu.memory_space<vmem_shared>> -> memref<10000x64xf32, #tpu.memory_space<vmem_shared>>
      tpu.enqueue_indirect_dma source(%arg13 : memref<128x64xf32, #tpu.memory_space<vmem>>) target(%dma_start3A_286 : memref<10000x64xf32, #tpu.memory_space<vmem_shared>>) offsets(%dma_start3A_283 : memref<128xi32, #tpu.memory_space<vmem>>) semaphore(%arg25 : memref<!tpu.dma_semaphore, #tpu.memory_space<semaphore_mem>>) {add = true}
      %add3A_287 = arith.constant 4 : i32
      %add3A_288 = arith.addi %add3A_272, %add3A_287 : i32
      %sub3A_289 = arith.constant 6 : i32
      %sub3A_290 = arith.subi %add3A_288, %sub3A_289 : i32
      %lt3A_291 = arith.constant 78 : i32
      %lt3A_292 = arith.cmpi slt, %add3A_288, %lt3A_291 : i32
      %convert_element_type3A_293 = arith.extui %lt3A_292 : i1 to i32
      %cond3A_294 = arith.constant 0 : i32
      %cond3A_295 = arith.cmpi ne, %convert_element_type3A_293, %cond3A_294 : i32
      scf.if %cond3A_295 {
        %dma_wait3A_296 = arith.constant 1 : i32
        %dma_wait3A_297 = arith.constant 0 : i32
        %dma_wait3A_298 = tpu.memref_slice %arg6[%sub3A_290, %dma_wait3A_296, %dma_wait3A_297] : memref<78x2x128xi32, #tpu.memory_space<vmem>> -> memref<1x1x128xi32, #tpu.memory_space<vmem>>
        %dma_wait3A_299 = tpu.memref_squeeze %dma_wait3A_298 : memref<1x1x128xi32, #tpu.memory_space<vmem>> -> memref<128xi32, #tpu.memory_space<vmem>>
        %dma_wait3A_300 = arith.constant 0 : i32
        %dma_wait3A_301 = arith.constant 0 : i32
        %dma_wait3A_302 = tpu.memref_slice %arg26[%dma_wait3A_300, %dma_wait3A_301] : memref<10000x64xf32, #tpu.memory_space<vmem_shared>> -> memref<10000x64xf32, #tpu.memory_space<vmem_shared>>
        tpu.wait_indirect_dma semaphore(%arg23 : memref<!tpu.dma_semaphore, #tpu.memory_space<semaphore_mem>>) src(%arg11 : memref<128x64xf32, #tpu.memory_space<vmem>>) dst(%dma_wait3A_302 : memref<10000x64xf32, #tpu.memory_space<vmem_shared>>)
        %dma_start3A_303 = arith.constant 0 : i32
        %dma_start3A_304 = arith.constant 0 : i32
        %dma_start3A_305 = tpu.memref_slice %arg6[%add3A_288, %dma_start3A_303, %dma_start3A_304] : memref<78x2x128xi32, #tpu.memory_space<vmem>> -> memref<1x1x128xi32, #tpu.memory_space<vmem>>
        %dma_start3A_306 = tpu.memref_squeeze %dma_start3A_305 : memref<1x1x128xi32, #tpu.memory_space<vmem>> -> memref<128xi32, #tpu.memory_space<vmem>>
        %dma_start3A_307 = arith.constant 0 : i32
        %dma_start3A_308 = arith.constant 0 : i32
        %dma_start3A_309 = tpu.memref_slice %arg2[%dma_start3A_307, %dma_start3A_308] : memref<10000x64xf32, #tpu.memory_space<hbm>> -> memref<10000x64xf32, #tpu.memory_space<hbm>>
        tpu.enqueue_indirect_dma source(%dma_start3A_309 : memref<10000x64xf32, #tpu.memory_space<hbm>>) target(%arg11 : memref<128x64xf32, #tpu.memory_space<vmem>>) offsets(%dma_start3A_306 : memref<128xi32, #tpu.memory_space<vmem>>) semaphore(%arg17 : memref<!tpu.dma_semaphore, #tpu.memory_space<semaphore_mem>>)
      } else {
      }
    }
    %scan3A_65 = arith.constant 13 : i32
    %dma_wait3A_66 = arith.constant 72 : i32
    %dma_wait3A_67 = arith.constant 1 : i32
    %dma_wait3A_68 = arith.constant 0 : i32
    %dma_wait3A_69 = tpu.memref_slice %arg6[%dma_wait3A_66, %dma_wait3A_67, %dma_wait3A_68] : memref<78x2x128xi32, #tpu.memory_space<vmem>> -> memref<1x1x128xi32, #tpu.memory_space<vmem>>
    %dma_wait3A_70 = tpu.memref_squeeze %dma_wait3A_69 : memref<1x1x128xi32, #tpu.memory_space<vmem>> -> memref<128xi32, #tpu.memory_space<vmem>>
    %dma_wait3A_71 = arith.constant 0 : i32
    %dma_wait3A_72 = arith.constant 0 : i32
    %dma_wait3A_73 = tpu.memref_slice %arg26[%dma_wait3A_71, %dma_wait3A_72] : memref<10000x64xf32, #tpu.memory_space<vmem_shared>> -> memref<10000x64xf32, #tpu.memory_space<vmem_shared>>
    tpu.wait_indirect_dma semaphore(%arg20 : memref<!tpu.dma_semaphore, #tpu.memory_space<semaphore_mem>>) src(%arg8 : memref<128x64xf32, #tpu.memory_space<vmem>>) dst(%dma_wait3A_73 : memref<10000x64xf32, #tpu.memory_space<vmem_shared>>)
    %dma_wait3A_74 = arith.constant 73 : i32
    %dma_wait3A_75 = arith.constant 1 : i32
    %dma_wait3A_76 = arith.constant 0 : i32
    %dma_wait3A_77 = tpu.memref_slice %arg6[%dma_wait3A_74, %dma_wait3A_75, %dma_wait3A_76] : memref<78x2x128xi32, #tpu.memory_space<vmem>> -> memref<1x1x128xi32, #tpu.memory_space<vmem>>
    %dma_wait3A_78 = tpu.memref_squeeze %dma_wait3A_77 : memref<1x1x128xi32, #tpu.memory_space<vmem>> -> memref<128xi32, #tpu.memory_space<vmem>>
    %dma_wait3A_79 = arith.constant 0 : i32
    %dma_wait3A_80 = arith.constant 0 : i32
    %dma_wait3A_81 = tpu.memref_slice %arg26[%dma_wait3A_79, %dma_wait3A_80] : memref<10000x64xf32, #tpu.memory_space<vmem_shared>> -> memref<10000x64xf32, #tpu.memory_space<vmem_shared>>
    tpu.wait_indirect_dma semaphore(%arg21 : memref<!tpu.dma_semaphore, #tpu.memory_space<semaphore_mem>>) src(%arg9 : memref<128x64xf32, #tpu.memory_space<vmem>>) dst(%dma_wait3A_81 : memref<10000x64xf32, #tpu.memory_space<vmem_shared>>)
    %dma_wait3A_82 = arith.constant 74 : i32
    %dma_wait3A_83 = arith.constant 1 : i32
    %dma_wait3A_84 = arith.constant 0 : i32
    %dma_wait3A_85 = tpu.memref_slice %arg6[%dma_wait3A_82, %dma_wait3A_83, %dma_wait3A_84] : memref<78x2x128xi32, #tpu.memory_space<vmem>> -> memref<1x1x128xi32, #tpu.memory_space<vmem>>
    %dma_wait3A_86 = tpu.memref_squeeze %dma_wait3A_85 : memref<1x1x128xi32, #tpu.memory_space<vmem>> -> memref<128xi32, #tpu.memory_space<vmem>>
    %dma_wait3A_87 = arith.constant 0 : i32
    %dma_wait3A_88 = arith.constant 0 : i32
    %dma_wait3A_89 = tpu.memref_slice %arg26[%dma_wait3A_87, %dma_wait3A_88] : memref<10000x64xf32, #tpu.memory_space<vmem_shared>> -> memref<10000x64xf32, #tpu.memory_space<vmem_shared>>
    tpu.wait_indirect_dma semaphore(%arg22 : memref<!tpu.dma_semaphore, #tpu.memory_space<semaphore_mem>>) src(%arg10 : memref<128x64xf32, #tpu.memory_space<vmem>>) dst(%dma_wait3A_89 : memref<10000x64xf32, #tpu.memory_space<vmem_shared>>)
    %dma_wait3A_90 = arith.constant 75 : i32
    %dma_wait3A_91 = arith.constant 1 : i32
    %dma_wait3A_92 = arith.constant 0 : i32
    %dma_wait3A_93 = tpu.memref_slice %arg6[%dma_wait3A_90, %dma_wait3A_91, %dma_wait3A_92] : memref<78x2x128xi32, #tpu.memory_space<vmem>> -> memref<1x1x128xi32, #tpu.memory_space<vmem>>
    %dma_wait3A_94 = tpu.memref_squeeze %dma_wait3A_93 : memref<1x1x128xi32, #tpu.memory_space<vmem>> -> memref<128xi32, #tpu.memory_space<vmem>>
    %dma_wait3A_95 = arith.constant 0 : i32
    %dma_wait3A_96 = arith.constant 0 : i32
    %dma_wait3A_97 = tpu.memref_slice %arg26[%dma_wait3A_95, %dma_wait3A_96] : memref<10000x64xf32, #tpu.memory_space<vmem_shared>> -> memref<10000x64xf32, #tpu.memory_space<vmem_shared>>
    tpu.wait_indirect_dma semaphore(%arg23 : memref<!tpu.dma_semaphore, #tpu.memory_space<semaphore_mem>>) src(%arg11 : memref<128x64xf32, #tpu.memory_space<vmem>>) dst(%dma_wait3A_97 : memref<10000x64xf32, #tpu.memory_space<vmem_shared>>)
    %dma_wait3A_98 = arith.constant 76 : i32
    %dma_wait3A_99 = arith.constant 1 : i32
    %dma_wait3A_100 = arith.constant 0 : i32
    %dma_wait3A_101 = tpu.memref_slice %arg6[%dma_wait3A_98, %dma_wait3A_99, %dma_wait3A_100] : memref<78x2x128xi32, #tpu.memory_space<vmem>> -> memref<1x1x128xi32, #tpu.memory_space<vmem>>
    %dma_wait3A_102 = tpu.memref_squeeze %dma_wait3A_101 : memref<1x1x128xi32, #tpu.memory_space<vmem>> -> memref<128xi32, #tpu.memory_space<vmem>>
    %dma_wait3A_103 = arith.constant 0 : i32
    %dma_wait3A_104 = arith.constant 0 : i32
    %dma_wait3A_105 = tpu.memref_slice %arg26[%dma_wait3A_103, %dma_wait3A_104] : memref<10000x64xf32, #tpu.memory_space<vmem_shared>> -> memref<10000x64xf32, #tpu.memory_space<vmem_shared>>
    tpu.wait_indirect_dma semaphore(%arg24 : memref<!tpu.dma_semaphore, #tpu.memory_space<semaphore_mem>>) src(%arg12 : memref<128x64xf32, #tpu.memory_space<vmem>>) dst(%dma_wait3A_105 : memref<10000x64xf32, #tpu.memory_space<vmem_shared>>)
    %dma_wait3A_106 = arith.constant 77 : i32
    %dma_wait3A_107 = arith.constant 1 : i32
    %dma_wait3A_108 = arith.constant 0 : i32
    %dma_wait3A_109 = tpu.memref_slice %arg6[%dma_wait3A_106, %dma_wait3A_107, %dma_wait3A_108] : memref<78x2x128xi32, #tpu.memory_space<vmem>> -> memref<1x1x128xi32, #tpu.memory_space<vmem>>
    %dma_wait3A_110 = tpu.memref_squeeze %dma_wait3A_109 : memref<1x1x128xi32, #tpu.memory_space<vmem>> -> memref<128xi32, #tpu.memory_space<vmem>>
    %dma_wait3A_111 = arith.constant 0 : i32
    %dma_wait3A_112 = arith.constant 0 : i32
    %dma_wait3A_113 = tpu.memref_slice %arg26[%dma_wait3A_111, %dma_wait3A_112] : memref<10000x64xf32, #tpu.memory_space<vmem_shared>> -> memref<10000x64xf32, #tpu.memory_space<vmem_shared>>
    tpu.wait_indirect_dma semaphore(%arg25 : memref<!tpu.dma_semaphore, #tpu.memory_space<semaphore_mem>>) src(%arg13 : memref<128x64xf32, #tpu.memory_space<vmem>>) dst(%dma_wait3A_113 : memref<10000x64xf32, #tpu.memory_space<vmem_shared>>)
    %barrier3A_114 = arith.constant 0 : index
    tpu.barrier barrier_id(%barrier3A_114)
    %lt3A_115 = arith.constant 15 : i32
    %lt3A_116 = arith.cmpi slt, %arg1, %lt3A_115 : i32
    %convert_element_type3A_117 = arith.extui %lt3A_116 : i1 to i32
    %cond3A_118 = arith.constant 0 : i32
    %cond3A_119 = arith.cmpi ne, %convert_element_type3A_117, %cond3A_118 : i32
    scf.if %cond3A_119 {
      %mul3A_125 = arith.constant 624 : i32
      %mul3A_126 = arith.muli %arg1, %mul3A_125 : i32
      %multiple_of3A = tpu.assume_multiple %mul3A_126, 8 : i32
      "tpu.region"() ({
        %run_scoped3A = tpu.sem_alloc : memref<!tpu.dma_semaphore, #tpu.memory_space<semaphore_mem>>
        %dma_start3A_127 = arith.constant 0 : i32
        %dma_start3A_128 = arith.constant 0 : i32
        %dma_start3A_129 = tpu.memref_slice %arg5[%arg0, %dma_start3A_127, %dma_start3A_128] : memref<2x10000x64xf32, #tpu.memory_space<hbm>> -> memref<1x10000x64xf32, #tpu.memory_space<hbm>>
        %dma_start3A_130 = tpu.memref_squeeze %dma_start3A_129 : memref<1x10000x64xf32, #tpu.memory_space<hbm>> -> memref<10000x64xf32, #tpu.memory_space<hbm>>
        %dma_start3A_131 = arith.constant 0 : i32
        %dma_start3A_132 = tpu.memref_slice %dma_start3A_130[%multiple_of3A, %dma_start3A_131] : memref<10000x64xf32, #tpu.memory_space<hbm>> -> memref<624x64xf32, #tpu.memory_space<hbm>>
        %dma_start3A_133 = arith.constant 0 : i32
        %dma_start3A_134 = tpu.memref_slice %arg26[%multiple_of3A, %dma_start3A_133] : memref<10000x64xf32, #tpu.memory_space<vmem_shared>> -> memref<624x64xf32, #tpu.memory_space<vmem_shared>>
        tpu.enqueue_dma source(%dma_start3A_134 : memref<624x64xf32, #tpu.memory_space<vmem_shared>>) target(%dma_start3A_132 : memref<624x64xf32, #tpu.memory_space<hbm>>) target_semaphore(%run_scoped3A : memref<!tpu.dma_semaphore, #tpu.memory_space<semaphore_mem>>)
        %dma_wait3A_135 = arith.constant 0 : i32
        %dma_wait3A_136 = arith.constant 0 : i32
        %dma_wait3A_137 = tpu.memref_slice %arg5[%arg0, %dma_wait3A_135, %dma_wait3A_136] : memref<2x10000x64xf32, #tpu.memory_space<hbm>> -> memref<1x10000x64xf32, #tpu.memory_space<hbm>>
        %dma_wait3A_138 = tpu.memref_squeeze %dma_wait3A_137 : memref<1x10000x64xf32, #tpu.memory_space<hbm>> -> memref<10000x64xf32, #tpu.memory_space<hbm>>
        %dma_wait3A_139 = arith.constant 0 : i32
        %dma_wait3A_140 = tpu.memref_slice %dma_wait3A_138[%multiple_of3A, %dma_wait3A_139] : memref<10000x64xf32, #tpu.memory_space<hbm>> -> memref<624x64xf32, #tpu.memory_space<hbm>>
        %dma_wait3A_141 = arith.constant 0 : i32
        %dma_wait3A_142 = tpu.memref_slice %arg26[%multiple_of3A, %dma_wait3A_141] : memref<10000x64xf32, #tpu.memory_space<vmem_shared>> -> memref<624x64xf32, #tpu.memory_space<vmem_shared>>
        tpu.wait_dma2 semaphore(%run_scoped3A : memref<!tpu.dma_semaphore, #tpu.memory_space<semaphore_mem>>) src(%dma_wait3A_142 : memref<624x64xf32, #tpu.memory_space<vmem_shared>>) dst(%dma_wait3A_140 : memref<624x64xf32, #tpu.memory_space<hbm>>)
        tpu.yield
      }) : () -> ()
    } else {
    }
    %eq3A_120 = arith.constant 15 : i32
    %eq3A_121 = arith.cmpi eq, %arg1, %eq3A_120 : i32
    %convert_element_type3A_122 = arith.extui %eq3A_121 : i1 to i32
    %cond3A_123 = arith.constant 0 : i32
    %cond3A_124 = arith.cmpi ne, %convert_element_type3A_122, %cond3A_123 : i32
    scf.if %cond3A_124 {
      "tpu.region"() ({
        %run_scoped3A = tpu.sem_alloc : memref<!tpu.dma_semaphore, #tpu.memory_space<semaphore_mem>>
        %dma_start3A_125 = arith.constant 0 : i32
        %dma_start3A_126 = arith.constant 0 : i32
        %dma_start3A_127 = tpu.memref_slice %arg5[%arg0, %dma_start3A_125, %dma_start3A_126] : memref<2x10000x64xf32, #tpu.memory_space<hbm>> -> memref<1x10000x64xf32, #tpu.memory_space<hbm>>
        %dma_start3A_128 = tpu.memref_squeeze %dma_start3A_127 : memref<1x10000x64xf32, #tpu.memory_space<hbm>> -> memref<10000x64xf32, #tpu.memory_space<hbm>>
        %dma_start3A_129 = arith.constant 9360 : i32
        %dma_start3A_130 = arith.constant 0 : i32
        %dma_start3A_131 = tpu.memref_slice %dma_start3A_128[%dma_start3A_129, %dma_start3A_130] : memref<10000x64xf32, #tpu.memory_space<hbm>> -> memref<640x64xf32, #tpu.memory_space<hbm>>
        %dma_start3A_132 = arith.constant 9360 : i32
        %dma_start3A_133 = arith.constant 0 : i32
        %dma_start3A_134 = tpu.memref_slice %arg26[%dma_start3A_132, %dma_start3A_133] : memref<10000x64xf32, #tpu.memory_space<vmem_shared>> -> memref<640x64xf32, #tpu.memory_space<vmem_shared>>
        tpu.enqueue_dma source(%dma_start3A_134 : memref<640x64xf32, #tpu.memory_space<vmem_shared>>) target(%dma_start3A_131 : memref<640x64xf32, #tpu.memory_space<hbm>>) target_semaphore(%run_scoped3A : memref<!tpu.dma_semaphore, #tpu.memory_space<semaphore_mem>>)
        %dma_wait3A_135 = arith.constant 0 : i32
        %dma_wait3A_136 = arith.constant 0 : i32
        %dma_wait3A_137 = tpu.memref_slice %arg5[%arg0, %dma_wait3A_135, %dma_wait3A_136] : memref<2x10000x64xf32, #tpu.memory_space<hbm>> -> memref<1x10000x64xf32, #tpu.memory_space<hbm>>
        %dma_wait3A_138 = tpu.memref_squeeze %dma_wait3A_137 : memref<1x10000x64xf32, #tpu.memory_space<hbm>> -> memref<10000x64xf32, #tpu.memory_space<hbm>>
        %dma_wait3A_139 = arith.constant 9360 : i32
        %dma_wait3A_140 = arith.constant 0 : i32
        %dma_wait3A_141 = tpu.memref_slice %dma_wait3A_138[%dma_wait3A_139, %dma_wait3A_140] : memref<10000x64xf32, #tpu.memory_space<hbm>> -> memref<640x64xf32, #tpu.memory_space<hbm>>
        %dma_wait3A_142 = arith.constant 9360 : i32
        %dma_wait3A_143 = arith.constant 0 : i32
        %dma_wait3A_144 = tpu.memref_slice %arg26[%dma_wait3A_142, %dma_wait3A_143] : memref<10000x64xf32, #tpu.memory_space<vmem_shared>> -> memref<640x64xf32, #tpu.memory_space<vmem_shared>>
        tpu.wait_dma2 semaphore(%run_scoped3A : memref<!tpu.dma_semaphore, #tpu.memory_space<semaphore_mem>>) src(%dma_wait3A_144 : memref<640x64xf32, #tpu.memory_space<vmem_shared>>) dst(%dma_wait3A_141 : memref<640x64xf32, #tpu.memory_space<hbm>>)
        tpu.yield
      }) : () -> ()
    } else {
    }
    return
  }
}

#map = affine_map<(d0, d1) -> (0, 0)>
#map1 = affine_map<(d0, d1) -> (0, 0, 0)>
module attributes {stable_mosaic.version = 14 : i64} {
  func.func @k(%arg0: i32, %arg1: i32, %arg2: memref<10000x64xf32, #tpu.memory_space<hbm>>, %arg3: memref<2500x2x128xi32, #tpu.memory_space<hbm>>, %arg4: memref<640x64xf32, #tpu.memory_space<hbm>>, %arg5: memref<2x10000x64xf32, #tpu.memory_space<hbm>>, %arg6: memref<78x2x128xi32, #tpu.memory_space<vmem>>, %arg7: memref<1x2x128xi32, #tpu.memory_space<vmem>>, %arg8: memref<128x64xf32, #tpu.memory_space<vmem>>, %arg9: memref<128x64xf32, #tpu.memory_space<vmem>>, %arg10: memref<128x64xf32, #tpu.memory_space<vmem>>, %arg11: memref<128x64xf32, #tpu.memory_space<vmem>>, %arg12: memref<128x64xf32, #tpu.memory_space<vmem>>, %arg13: memref<128x64xf32, #tpu.memory_space<vmem>>, %arg14: memref<!tpu.dma_semaphore, #tpu.memory_space<semaphore_mem>>, %arg15: memref<!tpu.dma_semaphore, #tpu.memory_space<semaphore_mem>>, %arg16: memref<!tpu.dma_semaphore, #tpu.memory_space<semaphore_mem>>, %arg17: memref<!tpu.dma_semaphore, #tpu.memory_space<semaphore_mem>>, %arg18: memref<!tpu.dma_semaphore, #tpu.memory_space<semaphore_mem>>, %arg19: memref<!tpu.dma_semaphore, #tpu.memory_space<semaphore_mem>>, %arg20: memref<!tpu.dma_semaphore, #tpu.memory_space<semaphore_mem>>, %arg21: memref<!tpu.dma_semaphore, #tpu.memory_space<semaphore_mem>>, %arg22: memref<!tpu.dma_semaphore, #tpu.memory_space<semaphore_mem>>, %arg23: memref<!tpu.dma_semaphore, #tpu.memory_space<semaphore_mem>>, %arg24: memref<!tpu.dma_semaphore, #tpu.memory_space<semaphore_mem>>, %arg25: memref<!tpu.dma_semaphore, #tpu.memory_space<semaphore_mem>>, %arg26: memref<10000x64xf32, #tpu.memory_space<vmem_shared>>) attributes {dimension_semantics = [#tpu.dimension_semantics<core_parallel>, #tpu.dimension_semantics<subcore_parallel>], iteration_bounds = array<i64: 2, 16>, scalar_prefetch = 0 : i64, scratch_operands = 21 : i64, tpu.core_type = #tpu.core_type<sc_vector_subcore>, window_params = [{transform_indices = #map}, {transform_indices = #map1}, {transform_indices = #map}, {transform_indices = #map1}]} {
    %mul3A = arith.constant 16 : i32
    %mul3A_0 = arith.muli %arg0, %mul3A : i32
    %add3A = arith.addi %mul3A_0, %arg1 : i32
    %mul3A_1 = arith.constant 78 : i32
    %mul3A_2 = arith.muli %add3A, %mul3A_1 : i32
    %dma_start3A = arith.constant 0 : i32
    %dma_start3A_3 = arith.constant 0 : i32
    %dma_start3A_4 = tpu.memref_slice %arg3[%mul3A_2, %dma_start3A, %dma_start3A_3] : memref<2500x2x128xi32, #tpu.memory_space<hbm>> -> memref<78x2x128xi32, #tpu.memory_space<hbm>>
    %dma_start3A_5 = arith.constant 0 : i32
    %dma_start3A_6 = arith.constant 0 : i32
    %dma_start3A_7 = tpu.memref_slice %arg3[%mul3A_2, %dma_start3A_5, %dma_start3A_6] : memref<2500x2x128xi32, #tpu.memory_space<hbm>> -> memref<78x2x128xi32, #tpu.memory_space<hbm>>
    tpu.enqueue_dma source(%dma_start3A_7 : memref<78x2x128xi32, #tpu.memory_space<hbm>>) target(%arg6 : memref<78x2x128xi32, #tpu.memory_space<vmem>>) target_semaphore(%arg14 : memref<!tpu.dma_semaphore, #tpu.memory_space<semaphore_mem>>)
    %lt3A = arith.constant 4 : i32
    %lt3A_8 = arith.cmpi slt, %add3A, %lt3A : i32
    %convert_element_type3A = arith.extui %lt3A_8 : i1 to i32
    %cond3A = arith.constant 0 : i32
    %cond3A_9 = arith.cmpi ne, %convert_element_type3A, %cond3A : i32
    scf.if %cond3A_9 {
      %add3A_125 = arith.constant 2496 : i32
      %add3A_126 = arith.addi %add3A_125, %add3A : i32
      "tpu.region"() ({
        %run_scoped3A = tpu.sem_alloc : memref<!tpu.dma_semaphore, #tpu.memory_space<semaphore_mem>>
        %dma_start3A_127 = arith.constant 0 : i32
        %dma_start3A_128 = arith.constant 0 : i32
        %dma_start3A_129 = tpu.memref_slice %arg3[%add3A_126, %dma_start3A_127, %dma_start3A_128] : memref<2500x2x128xi32, #tpu.memory_space<hbm>> -> memref<1x2x128xi32, #tpu.memory_space<hbm>>
        %dma_start3A_130 = arith.constant 0 : i32
        %dma_start3A_131 = arith.constant 0 : i32
        %dma_start3A_132 = tpu.memref_slice %arg3[%add3A_126, %dma_start3A_130, %dma_start3A_131] : memref<2500x2x128xi32, #tpu.memory_space<hbm>> -> memref<1x2x128xi32, #tpu.memory_space<hbm>>
        tpu.enqueue_dma source(%dma_start3A_132 : memref<1x2x128xi32, #tpu.memory_space<hbm>>) target(%arg7 : memref<1x2x128xi32, #tpu.memory_space<vmem>>) target_semaphore(%run_scoped3A : memref<!tpu.dma_semaphore, #tpu.memory_space<semaphore_mem>>)
        %dma_wait3A_133 = arith.constant 0 : i32
        %dma_wait3A_134 = arith.constant 0 : i32
        %dma_wait3A_135 = tpu.memref_slice %arg3[%add3A_126, %dma_wait3A_133, %dma_wait3A_134] : memref<2500x2x128xi32, #tpu.memory_space<hbm>> -> memref<1x2x128xi32, #tpu.memory_space<hbm>>
        %dma_wait3A_136 = arith.constant 0 : i32
        %dma_wait3A_137 = arith.constant 0 : i32
        %dma_wait3A_138 = tpu.memref_slice %arg3[%add3A_126, %dma_wait3A_136, %dma_wait3A_137] : memref<2500x2x128xi32, #tpu.memory_space<hbm>> -> memref<1x2x128xi32, #tpu.memory_space<hbm>>
        tpu.wait_dma2 semaphore(%run_scoped3A : memref<!tpu.dma_semaphore, #tpu.memory_space<semaphore_mem>>) src(%dma_wait3A_138 : memref<1x2x128xi32, #tpu.memory_space<hbm>>) dst(%arg7 : memref<1x2x128xi32, #tpu.memory_space<vmem>>)
        tpu.yield
      }) : () -> ()
    } else {
    }
    %lt3A_10 = arith.constant 15 : i32
    %lt3A_11 = arith.cmpi slt, %arg1, %lt3A_10 : i32
    %convert_element_type3A_12 = arith.extui %lt3A_11 : i1 to i32
    %cond3A_13 = arith.constant 0 : i32
    %cond3A_14 = arith.cmpi ne, %convert_element_type3A_12, %cond3A_13 : i32
    scf.if %cond3A_14 {
      %mul3A_125 = arith.constant 624 : i32
      %mul3A_126 = arith.muli %arg1, %mul3A_125 : i32
      %multiple_of3A = tpu.assume_multiple %mul3A_126, 8 : i32
      "tpu.region"() ({
        %run_scoped3A = tpu.sem_alloc : memref<!tpu.dma_semaphore, #tpu.memory_space<semaphore_mem>>
        %dma_start3A_127 = arith.constant 0 : i32
        %dma_start3A_128 = tpu.memref_slice %arg26[%multiple_of3A, %dma_start3A_127] : memref<10000x64xf32, #tpu.memory_space<vmem_shared>> -> memref<624x64xf32, #tpu.memory_space<vmem_shared>>
        %dma_start3A_129 = arith.constant 0 : i32
        %dma_start3A_130 = arith.constant 0 : i32
        %dma_start3A_131 = tpu.memref_slice %arg4[%dma_start3A_129, %dma_start3A_130] : memref<640x64xf32, #tpu.memory_space<hbm>> -> memref<624x64xf32, #tpu.memory_space<hbm>>
        tpu.enqueue_dma source(%dma_start3A_131 : memref<624x64xf32, #tpu.memory_space<hbm>>) target(%dma_start3A_128 : memref<624x64xf32, #tpu.memory_space<vmem_shared>>) target_semaphore(%run_scoped3A : memref<!tpu.dma_semaphore, #tpu.memory_space<semaphore_mem>>)
        %dma_wait3A_132 = arith.constant 0 : i32
        %dma_wait3A_133 = tpu.memref_slice %arg26[%multiple_of3A, %dma_wait3A_132] : memref<10000x64xf32, #tpu.memory_space<vmem_shared>> -> memref<624x64xf32, #tpu.memory_space<vmem_shared>>
        %dma_wait3A_134 = arith.constant 0 : i32
        %dma_wait3A_135 = arith.constant 0 : i32
        %dma_wait3A_136 = tpu.memref_slice %arg4[%dma_wait3A_134, %dma_wait3A_135] : memref<640x64xf32, #tpu.memory_space<hbm>> -> memref<624x64xf32, #tpu.memory_space<hbm>>
        tpu.wait_dma2 semaphore(%run_scoped3A : memref<!tpu.dma_semaphore, #tpu.memory_space<semaphore_mem>>) src(%dma_wait3A_136 : memref<624x64xf32, #tpu.memory_space<hbm>>) dst(%dma_wait3A_133 : memref<624x64xf32, #tpu.memory_space<vmem_shared>>)
        tpu.yield
      }) : () -> ()
    } else {
    }
    %eq3A = arith.constant 15 : i32
    %eq3A_15 = arith.cmpi eq, %arg1, %eq3A : i32
    %convert_element_type3A_16 = arith.extui %eq3A_15 : i1 to i32
    %cond3A_17 = arith.constant 0 : i32
    %cond3A_18 = arith.cmpi ne, %convert_element_type3A_16, %cond3A_17 : i32
    scf.if %cond3A_18 {
      "tpu.region"() ({
        %run_scoped3A = tpu.sem_alloc : memref<!tpu.dma_semaphore, #tpu.memory_space<semaphore_mem>>
        %dma_start3A_125 = arith.constant 9360 : i32
        %dma_start3A_126 = arith.constant 0 : i32
        %dma_start3A_127 = tpu.memref_slice %arg26[%dma_start3A_125, %dma_start3A_126] : memref<10000x64xf32, #tpu.memory_space<vmem_shared>> -> memref<640x64xf32, #tpu.memory_space<vmem_shared>>
        %dma_start3A_128 = arith.constant 0 : i32
        %dma_start3A_129 = arith.constant 0 : i32
        %dma_start3A_130 = tpu.memref_slice %arg4[%dma_start3A_128, %dma_start3A_129] : memref<640x64xf32, #tpu.memory_space<hbm>> -> memref<640x64xf32, #tpu.memory_space<hbm>>
        tpu.enqueue_dma source(%dma_start3A_130 : memref<640x64xf32, #tpu.memory_space<hbm>>) target(%dma_start3A_127 : memref<640x64xf32, #tpu.memory_space<vmem_shared>>) target_semaphore(%run_scoped3A : memref<!tpu.dma_semaphore, #tpu.memory_space<semaphore_mem>>)
        %dma_wait3A_131 = arith.constant 9360 : i32
        %dma_wait3A_132 = arith.constant 0 : i32
        %dma_wait3A_133 = tpu.memref_slice %arg26[%dma_wait3A_131, %dma_wait3A_132] : memref<10000x64xf32, #tpu.memory_space<vmem_shared>> -> memref<640x64xf32, #tpu.memory_space<vmem_shared>>
        %dma_wait3A_134 = arith.constant 0 : i32
        %dma_wait3A_135 = arith.constant 0 : i32
        %dma_wait3A_136 = tpu.memref_slice %arg4[%dma_wait3A_134, %dma_wait3A_135] : memref<640x64xf32, #tpu.memory_space<hbm>> -> memref<640x64xf32, #tpu.memory_space<hbm>>
        tpu.wait_dma2 semaphore(%run_scoped3A : memref<!tpu.dma_semaphore, #tpu.memory_space<semaphore_mem>>) src(%dma_wait3A_136 : memref<640x64xf32, #tpu.memory_space<hbm>>) dst(%dma_wait3A_133 : memref<640x64xf32, #tpu.memory_space<vmem_shared>>)
        tpu.yield
      }) : () -> ()
    } else {
    }
    %dma_wait3A = arith.constant 0 : i32
    %dma_wait3A_19 = arith.constant 0 : i32
    %dma_wait3A_20 = tpu.memref_slice %arg3[%mul3A_2, %dma_wait3A, %dma_wait3A_19] : memref<2500x2x128xi32, #tpu.memory_space<hbm>> -> memref<78x2x128xi32, #tpu.memory_space<hbm>>
    %dma_wait3A_21 = arith.constant 0 : i32
    %dma_wait3A_22 = arith.constant 0 : i32
    %dma_wait3A_23 = tpu.memref_slice %arg3[%mul3A_2, %dma_wait3A_21, %dma_wait3A_22] : memref<2500x2x128xi32, #tpu.memory_space<hbm>> -> memref<78x2x128xi32, #tpu.memory_space<hbm>>
    tpu.wait_dma2 semaphore(%arg14 : memref<!tpu.dma_semaphore, #tpu.memory_space<semaphore_mem>>) src(%dma_wait3A_23 : memref<78x2x128xi32, #tpu.memory_space<hbm>>) dst(%arg6 : memref<78x2x128xi32, #tpu.memory_space<vmem>>)
    %barrier3A = arith.constant 0 : index
    tpu.barrier barrier_id(%barrier3A)
    %lt3A_24 = arith.constant 4 : i32
    %lt3A_25 = arith.cmpi slt, %add3A, %lt3A_24 : i32
    %convert_element_type3A_26 = arith.extui %lt3A_25 : i1 to i32
    %cond3A_27 = arith.constant 0 : i32
    %cond3A_28 = arith.cmpi ne, %convert_element_type3A_26, %cond3A_27 : i32
    scf.if %cond3A_28 {
      %run_scoped3A = arith.constant 0 : i32
      %run_scoped3A_125 = arith.constant 0 : i32
      "tpu.region"() ({
        %run_scoped3A_128 = tpu.sem_alloc : memref<!tpu.dma_semaphore, #tpu.memory_space<semaphore_mem>>
        %dma_start3A_129 = arith.constant 0 : i32
        %dma_start3A_130 = tpu.memref_slice %arg7[%run_scoped3A, %run_scoped3A_125, %dma_start3A_129] : memref<1x2x128xi32, #tpu.memory_space<vmem>> -> memref<1x1x128xi32, #tpu.memory_space<vmem>>
        %dma_start3A_131 = tpu.memref_squeeze %dma_start3A_130 : memref<1x1x128xi32, #tpu.memory_space<vmem>> -> memref<128xi32, #tpu.memory_space<vmem>>
        %dma_start3A_132 = arith.constant 0 : i32
        %dma_start3A_133 = arith.constant 0 : i32
        %dma_start3A_134 = tpu.memref_slice %arg2[%dma_start3A_132, %dma_start3A_133] : memref<10000x64xf32, #tpu.memory_space<hbm>> -> memref<10000x64xf32, #tpu.memory_space<hbm>>
        tpu.enqueue_indirect_dma source(%dma_start3A_134 : memref<10000x64xf32, #tpu.memory_space<hbm>>) target(%arg13 : memref<128x64xf32, #tpu.memory_space<vmem>>) offsets(%dma_start3A_131 : memref<128xi32, #tpu.memory_space<vmem>>) semaphore(%run_scoped3A_128 : memref<!tpu.dma_semaphore, #tpu.memory_space<semaphore_mem>>)
        %dma_wait3A_135 = arith.constant 0 : i32
        %dma_wait3A_136 = tpu.memref_slice %arg7[%run_scoped3A, %run_scoped3A_125, %dma_wait3A_135] : memref<1x2x128xi32, #tpu.memory_space<vmem>> -> memref<1x1x128xi32, #tpu.memory_space<vmem>>
        %dma_wait3A_137 = tpu.memref_squeeze %dma_wait3A_136 : memref<1x1x128xi32, #tpu.memory_space<vmem>> -> memref<128xi32, #tpu.memory_space<vmem>>
        %dma_wait3A_138 = arith.constant 0 : i32
        %dma_wait3A_139 = arith.constant 0 : i32
        %dma_wait3A_140 = tpu.memref_slice %arg2[%dma_wait3A_138, %dma_wait3A_139] : memref<10000x64xf32, #tpu.memory_space<hbm>> -> memref<10000x64xf32, #tpu.memory_space<hbm>>
        tpu.wait_indirect_dma semaphore(%run_scoped3A_128 : memref<!tpu.dma_semaphore, #tpu.memory_space<semaphore_mem>>) src(%dma_wait3A_140 : memref<10000x64xf32, #tpu.memory_space<hbm>>) dst(%arg13 : memref<128x64xf32, #tpu.memory_space<vmem>>)
        tpu.yield
      }) : () -> ()
      %run_scoped3A_126 = arith.constant 0 : i32
      %run_scoped3A_127 = arith.constant 1 : i32
      "tpu.region"() ({
        %run_scoped3A_128 = tpu.sem_alloc : memref<!tpu.dma_semaphore, #tpu.memory_space<semaphore_mem>>
        %dma_start3A_129 = arith.constant 0 : i32
        %dma_start3A_130 = tpu.memref_slice %arg7[%run_scoped3A_126, %run_scoped3A_127, %dma_start3A_129] : memref<1x2x128xi32, #tpu.memory_space<vmem>> -> memref<1x1x128xi32, #tpu.memory_space<vmem>>
        %dma_start3A_131 = tpu.memref_squeeze %dma_start3A_130 : memref<1x1x128xi32, #tpu.memory_space<vmem>> -> memref<128xi32, #tpu.memory_space<vmem>>
        %dma_start3A_132 = arith.constant 0 : i32
        %dma_start3A_133 = arith.constant 0 : i32
        %dma_start3A_134 = tpu.memref_slice %arg26[%dma_start3A_132, %dma_start3A_133] : memref<10000x64xf32, #tpu.memory_space<vmem_shared>> -> memref<10000x64xf32, #tpu.memory_space<vmem_shared>>
        tpu.enqueue_indirect_dma source(%arg13 : memref<128x64xf32, #tpu.memory_space<vmem>>) target(%dma_start3A_134 : memref<10000x64xf32, #tpu.memory_space<vmem_shared>>) offsets(%dma_start3A_131 : memref<128xi32, #tpu.memory_space<vmem>>) semaphore(%run_scoped3A_128 : memref<!tpu.dma_semaphore, #tpu.memory_space<semaphore_mem>>) {add = true}
        %dma_wait3A_135 = arith.constant 0 : i32
        %dma_wait3A_136 = tpu.memref_slice %arg7[%run_scoped3A_126, %run_scoped3A_127, %dma_wait3A_135] : memref<1x2x128xi32, #tpu.memory_space<vmem>> -> memref<1x1x128xi32, #tpu.memory_space<vmem>>
        %dma_wait3A_137 = tpu.memref_squeeze %dma_wait3A_136 : memref<1x1x128xi32, #tpu.memory_space<vmem>> -> memref<128xi32, #tpu.memory_space<vmem>>
        %dma_wait3A_138 = arith.constant 0 : i32
        %dma_wait3A_139 = arith.constant 0 : i32
        %dma_wait3A_140 = tpu.memref_slice %arg26[%dma_wait3A_138, %dma_wait3A_139] : memref<10000x64xf32, #tpu.memory_space<vmem_shared>> -> memref<10000x64xf32, #tpu.memory_space<vmem_shared>>
        tpu.wait_indirect_dma semaphore(%run_scoped3A_128 : memref<!tpu.dma_semaphore, #tpu.memory_space<semaphore_mem>>) src(%arg13 : memref<128x64xf32, #tpu.memory_space<vmem>>) dst(%dma_wait3A_140 : memref<10000x64xf32, #tpu.memory_space<vmem_shared>>)
        tpu.yield
      }) : () -> ()
    } else {
    }
    %dma_start3A_29 = arith.constant 0 : i32
    %dma_start3A_30 = arith.constant 0 : i32
    %dma_start3A_31 = arith.constant 0 : i32
    %dma_start3A_32 = tpu.memref_slice %arg6[%dma_start3A_29, %dma_start3A_30, %dma_start3A_31] : memref<78x2x128xi32, #tpu.memory_space<vmem>> -> memref<1x1x128xi32, #tpu.memory_space<vmem>>
    %dma_start3A_33 = tpu.memref_squeeze %dma_start3A_32 : memref<1x1x128xi32, #tpu.memory_space<vmem>> -> memref<128xi32, #tpu.memory_space<vmem>>
    %dma_start3A_34 = arith.constant 0 : i32
    %dma_start3A_35 = arith.constant 0 : i32
    %dma_start3A_36 = tpu.memref_slice %arg2[%dma_start3A_34, %dma_start3A_35] : memref<10000x64xf32, #tpu.memory_space<hbm>> -> memref<10000x64xf32, #tpu.memory_space<hbm>>
    tpu.enqueue_indirect_dma source(%dma_start3A_36 : memref<10000x64xf32, #tpu.memory_space<hbm>>) target(%arg8 : memref<128x64xf32, #tpu.memory_space<vmem>>) offsets(%dma_start3A_33 : memref<128xi32, #tpu.memory_space<vmem>>) semaphore(%arg14 : memref<!tpu.dma_semaphore, #tpu.memory_space<semaphore_mem>>)
    %dma_start3A_37 = arith.constant 1 : i32
    %dma_start3A_38 = arith.constant 0 : i32
    %dma_start3A_39 = arith.constant 0 : i32
    %dma_start3A_40 = tpu.memref_slice %arg6[%dma_start3A_37, %dma_start3A_38, %dma_start3A_39] : memref<78x2x128xi32, #tpu.memory_space<vmem>> -> memref<1x1x128xi32, #tpu.memory_space<vmem>>
    %dma_start3A_41 = tpu.memref_squeeze %dma_start3A_40 : memref<1x1x128xi32, #tpu.memory_space<vmem>> -> memref<128xi32, #tpu.memory_space<vmem>>
    %dma_start3A_42 = arith.constant 0 : i32
    %dma_start3A_43 = arith.constant 0 : i32
    %dma_start3A_44 = tpu.memref_slice %arg2[%dma_start3A_42, %dma_start3A_43] : memref<10000x64xf32, #tpu.memory_space<hbm>> -> memref<10000x64xf32, #tpu.memory_space<hbm>>
    tpu.enqueue_indirect_dma source(%dma_start3A_44 : memref<10000x64xf32, #tpu.memory_space<hbm>>) target(%arg9 : memref<128x64xf32, #tpu.memory_space<vmem>>) offsets(%dma_start3A_41 : memref<128xi32, #tpu.memory_space<vmem>>) semaphore(%arg15 : memref<!tpu.dma_semaphore, #tpu.memory_space<semaphore_mem>>)
    %dma_start3A_45 = arith.constant 2 : i32
    %dma_start3A_46 = arith.constant 0 : i32
    %dma_start3A_47 = arith.constant 0 : i32
    %dma_start3A_48 = tpu.memref_slice %arg6[%dma_start3A_45, %dma_start3A_46, %dma_start3A_47] : memref<78x2x128xi32, #tpu.memory_space<vmem>> -> memref<1x1x128xi32, #tpu.memory_space<vmem>>
    %dma_start3A_49 = tpu.memref_squeeze %dma_start3A_48 : memref<1x1x128xi32, #tpu.memory_space<vmem>> -> memref<128xi32, #tpu.memory_space<vmem>>
    %dma_start3A_50 = arith.constant 0 : i32
    %dma_start3A_51 = arith.constant 0 : i32
    %dma_start3A_52 = tpu.memref_slice %arg2[%dma_start3A_50, %dma_start3A_51] : memref<10000x64xf32, #tpu.memory_space<hbm>> -> memref<10000x64xf32, #tpu.memory_space<hbm>>
    tpu.enqueue_indirect_dma source(%dma_start3A_52 : memref<10000x64xf32, #tpu.memory_space<hbm>>) target(%arg10 : memref<128x64xf32, #tpu.memory_space<vmem>>) offsets(%dma_start3A_49 : memref<128xi32, #tpu.memory_space<vmem>>) semaphore(%arg16 : memref<!tpu.dma_semaphore, #tpu.memory_space<semaphore_mem>>)
    %dma_start3A_53 = arith.constant 3 : i32
    %dma_start3A_54 = arith.constant 0 : i32
    %dma_start3A_55 = arith.constant 0 : i32
    %dma_start3A_56 = tpu.memref_slice %arg6[%dma_start3A_53, %dma_start3A_54, %dma_start3A_55] : memref<78x2x128xi32, #tpu.memory_space<vmem>> -> memref<1x1x128xi32, #tpu.memory_space<vmem>>
    %dma_start3A_57 = tpu.memref_squeeze %dma_start3A_56 : memref<1x1x128xi32, #tpu.memory_space<vmem>> -> memref<128xi32, #tpu.memory_space<vmem>>
    %dma_start3A_58 = arith.constant 0 : i32
    %dma_start3A_59 = arith.constant 0 : i32
    %dma_start3A_60 = tpu.memref_slice %arg2[%dma_start3A_58, %dma_start3A_59] : memref<10000x64xf32, #tpu.memory_space<hbm>> -> memref<10000x64xf32, #tpu.memory_space<hbm>>
    tpu.enqueue_indirect_dma source(%dma_start3A_60 : memref<10000x64xf32, #tpu.memory_space<hbm>>) target(%arg11 : memref<128x64xf32, #tpu.memory_space<vmem>>) offsets(%dma_start3A_57 : memref<128xi32, #tpu.memory_space<vmem>>) semaphore(%arg17 : memref<!tpu.dma_semaphore, #tpu.memory_space<semaphore_mem>>)
    %scan3A = arith.constant 0 : i32
    %scan3A_61 = arith.constant 0 : i32
    %scan3A_62 = arith.constant 13 : i32
    %scan3A_63 = arith.addi %scan3A_61, %scan3A_62 : i32
    %scan3A_64 = arith.constant 1 : i32
    scf.for %scan3A_125 = %scan3A_61 to %scan3A_63 step %scan3A_64  : i32 {
      %mul3A_126 = arith.constant 6 : i32
      %mul3A_127 = arith.muli %scan3A_125, %mul3A_126 : i32
      %add3A_128 = arith.constant 0 : i32
      %add3A_129 = arith.addi %mul3A_127, %add3A_128 : i32
      %dma_wait3A_130 = arith.constant 0 : i32
      %dma_wait3A_131 = arith.constant 0 : i32
      %dma_wait3A_132 = tpu.memref_slice %arg6[%add3A_129, %dma_wait3A_130, %dma_wait3A_131] : memref<78x2x128xi32, #tpu.memory_space<vmem>> -> memref<1x1x128xi32, #tpu.memory_space<vmem>>
      %dma_wait3A_133 = tpu.memref_squeeze %dma_wait3A_132 : memref<1x1x128xi32, #tpu.memory_space<vmem>> -> memref<128xi32, #tpu.memory_space<vmem>>
      %dma_wait3A_134 = arith.constant 0 : i32
      %dma_wait3A_135 = arith.constant 0 : i32
      %dma_wait3A_136 = tpu.memref_slice %arg2[%dma_wait3A_134, %dma_wait3A_135] : memref<10000x64xf32, #tpu.memory_space<hbm>> -> memref<10000x64xf32, #tpu.memory_space<hbm>>
      tpu.wait_indirect_dma semaphore(%arg14 : memref<!tpu.dma_semaphore, #tpu.memory_space<semaphore_mem>>) src(%dma_wait3A_136 : memref<10000x64xf32, #tpu.memory_space<hbm>>) dst(%arg8 : memref<128x64xf32, #tpu.memory_space<vmem>>)
      %dma_start3A_137 = arith.constant 1 : i32
      %dma_start3A_138 = arith.constant 0 : i32
      %dma_start3A_139 = tpu.memref_slice %arg6[%add3A_129, %dma_start3A_137, %dma_start3A_138] : memref<78x2x128xi32, #tpu.memory_space<vmem>> -> memref<1x1x128xi32, #tpu.memory_space<vmem>>
      %dma_start3A_140 = tpu.memref_squeeze %dma_start3A_139 : memref<1x1x128xi32, #tpu.memory_space<vmem>> -> memref<128xi32, #tpu.memory_space<vmem>>
      %dma_start3A_141 = arith.constant 0 : i32
      %dma_start3A_142 = arith.constant 0 : i32
      %dma_start3A_143 = tpu.memref_slice %arg26[%dma_start3A_141, %dma_start3A_142] : memref<10000x64xf32, #tpu.memory_space<vmem_shared>> -> memref<10000x64xf32, #tpu.memory_space<vmem_shared>>
      tpu.enqueue_indirect_dma source(%arg8 : memref<128x64xf32, #tpu.memory_space<vmem>>) target(%dma_start3A_143 : memref<10000x64xf32, #tpu.memory_space<vmem_shared>>) offsets(%dma_start3A_140 : memref<128xi32, #tpu.memory_space<vmem>>) semaphore(%arg20 : memref<!tpu.dma_semaphore, #tpu.memory_space<semaphore_mem>>) {add = true}
      %add3A_144 = arith.constant 4 : i32
      %add3A_145 = arith.addi %add3A_129, %add3A_144 : i32
      %sub3A = arith.constant 6 : i32
      %sub3A_146 = arith.subi %add3A_145, %sub3A : i32
      %gt3A = arith.constant 0 : i32
      %gt3A_147 = arith.cmpi sgt, %scan3A_125, %gt3A : i32
      %convert_element_type3A_148 = arith.extui %gt3A_147 : i1 to i32
      %cond3A_149 = arith.constant 0 : i32
      %cond3A_150 = arith.cmpi ne, %convert_element_type3A_148, %cond3A_149 : i32
      scf.if %cond3A_150 {
        %dma_wait3A_296 = arith.constant 1 : i32
        %dma_wait3A_297 = arith.constant 0 : i32
        %dma_wait3A_298 = tpu.memref_slice %arg6[%sub3A_146, %dma_wait3A_296, %dma_wait3A_297] : memref<78x2x128xi32, #tpu.memory_space<vmem>> -> memref<1x1x128xi32, #tpu.memory_space<vmem>>
        %dma_wait3A_299 = tpu.memref_squeeze %dma_wait3A_298 : memref<1x1x128xi32, #tpu.memory_space<vmem>> -> memref<128xi32, #tpu.memory_space<vmem>>
        %dma_wait3A_300 = arith.constant 0 : i32
        %dma_wait3A_301 = arith.constant 0 : i32
        %dma_wait3A_302 = tpu.memref_slice %arg26[%dma_wait3A_300, %dma_wait3A_301] : memref<10000x64xf32, #tpu.memory_space<vmem_shared>> -> memref<10000x64xf32, #tpu.memory_space<vmem_shared>>
        tpu.wait_indirect_dma semaphore(%arg24 : memref<!tpu.dma_semaphore, #tpu.memory_space<semaphore_mem>>) src(%arg12 : memref<128x64xf32, #tpu.memory_space<vmem>>) dst(%dma_wait3A_302 : memref<10000x64xf32, #tpu.memory_space<vmem_shared>>)
        %dma_start3A_303 = arith.constant 0 : i32
        %dma_start3A_304 = arith.constant 0 : i32
        %dma_start3A_305 = tpu.memref_slice %arg6[%add3A_145, %dma_start3A_303, %dma_start3A_304] : memref<78x2x128xi32, #tpu.memory_space<vmem>> -> memref<1x1x128xi32, #tpu.memory_space<vmem>>
        %dma_start3A_306 = tpu.memref_squeeze %dma_start3A_305 : memref<1x1x128xi32, #tpu.memory_space<vmem>> -> memref<128xi32, #tpu.memory_space<vmem>>
        %dma_start3A_307 = arith.constant 0 : i32
        %dma_start3A_308 = arith.constant 0 : i32
        %dma_start3A_309 = tpu.memref_slice %arg2[%dma_start3A_307, %dma_start3A_308] : memref<10000x64xf32, #tpu.memory_space<hbm>> -> memref<10000x64xf32, #tpu.memory_space<hbm>>
        tpu.enqueue_indirect_dma source(%dma_start3A_309 : memref<10000x64xf32, #tpu.memory_space<hbm>>) target(%arg12 : memref<128x64xf32, #tpu.memory_space<vmem>>) offsets(%dma_start3A_306 : memref<128xi32, #tpu.memory_space<vmem>>) semaphore(%arg18 : memref<!tpu.dma_semaphore, #tpu.memory_space<semaphore_mem>>)
      } else {
      }
      %eq3A_151 = arith.constant 0 : i32
      %eq3A_152 = arith.cmpi eq, %scan3A_125, %eq3A_151 : i32
      %convert_element_type3A_153 = arith.extui %eq3A_152 : i1 to i32
      %cond3A_154 = arith.constant 0 : i32
      %cond3A_155 = arith.cmpi ne, %convert_element_type3A_153, %cond3A_154 : i32
      scf.if %cond3A_155 {
        %dma_start3A_296 = arith.constant 0 : i32
        %dma_start3A_297 = arith.constant 0 : i32
        %dma_start3A_298 = tpu.memref_slice %arg6[%add3A_145, %dma_start3A_296, %dma_start3A_297] : memref<78x2x128xi32, #tpu.memory_space<vmem>> -> memref<1x1x128xi32, #tpu.memory_space<vmem>>
        %dma_start3A_299 = tpu.memref_squeeze %dma_start3A_298 : memref<1x1x128xi32, #tpu.memory_space<vmem>> -> memref<128xi32, #tpu.memory_space<vmem>>
        %dma_start3A_300 = arith.constant 0 : i32
        %dma_start3A_301 = arith.constant 0 : i32
        %dma_start3A_302 = tpu.memref_slice %arg2[%dma_start3A_300, %dma_start3A_301] : memref<10000x64xf32, #tpu.memory_space<hbm>> -> memref<10000x64xf32, #tpu.memory_space<hbm>>
        tpu.enqueue_indirect_dma source(%dma_start3A_302 : memref<10000x64xf32, #tpu.memory_space<hbm>>) target(%arg12 : memref<128x64xf32, #tpu.memory_space<vmem>>) offsets(%dma_start3A_299 : memref<128xi32, #tpu.memory_space<vmem>>) semaphore(%arg18 : memref<!tpu.dma_semaphore, #tpu.memory_space<semaphore_mem>>)
      } else {
      }
      %mul3A_156 = arith.constant 6 : i32
      %mul3A_157 = arith.muli %scan3A_125, %mul3A_156 : i32
      %add3A_158 = arith.constant 1 : i32
      %add3A_159 = arith.addi %mul3A_157, %add3A_158 : i32
      %dma_wait3A_160 = arith.constant 0 : i32
      %dma_wait3A_161 = arith.constant 0 : i32
      %dma_wait3A_162 = tpu.memref_slice %arg6[%add3A_159, %dma_wait3A_160, %dma_wait3A_161] : memref<78x2x128xi32, #tpu.memory_space<vmem>> -> memref<1x1x128xi32, #tpu.memory_space<vmem>>
      %dma_wait3A_163 = tpu.memref_squeeze %dma_wait3A_162 : memref<1x1x128xi32, #tpu.memory_space<vmem>> -> memref<128xi32, #tpu.memory_space<vmem>>
      %dma_wait3A_164 = arith.constant 0 : i32
      %dma_wait3A_165 = arith.constant 0 : i32
      %dma_wait3A_166 = tpu.memref_slice %arg2[%dma_wait3A_164, %dma_wait3A_165] : memref<10000x64xf32, #tpu.memory_space<hbm>> -> memref<10000x64xf32, #tpu.memory_space<hbm>>
      tpu.wait_indirect_dma semaphore(%arg15 : memref<!tpu.dma_semaphore, #tpu.memory_space<semaphore_mem>>) src(%dma_wait3A_166 : memref<10000x64xf32, #tpu.memory_space<hbm>>) dst(%arg9 : memref<128x64xf32, #tpu.memory_space<vmem>>)
      %dma_start3A_167 = arith.constant 1 : i32
      %dma_start3A_168 = arith.constant 0 : i32
      %dma_start3A_169 = tpu.memref_slice %arg6[%add3A_159, %dma_start3A_167, %dma_start3A_168] : memref<78x2x128xi32, #tpu.memory_space<vmem>> -> memref<1x1x128xi32, #tpu.memory_space<vmem>>
      %dma_start3A_170 = tpu.memref_squeeze %dma_start3A_169 : memref<1x1x128xi32, #tpu.memory_space<vmem>> -> memref<128xi32, #tpu.memory_space<vmem>>
      %dma_start3A_171 = arith.constant 0 : i32
      %dma_start3A_172 = arith.constant 0 : i32
      %dma_start3A_173 = tpu.memref_slice %arg26[%dma_start3A_171, %dma_start3A_172] : memref<10000x64xf32, #tpu.memory_space<vmem_shared>> -> memref<10000x64xf32, #tpu.memory_space<vmem_shared>>
      tpu.enqueue_indirect_dma source(%arg9 : memref<128x64xf32, #tpu.memory_space<vmem>>) target(%dma_start3A_173 : memref<10000x64xf32, #tpu.memory_space<vmem_shared>>) offsets(%dma_start3A_170 : memref<128xi32, #tpu.memory_space<vmem>>) semaphore(%arg21 : memref<!tpu.dma_semaphore, #tpu.memory_space<semaphore_mem>>) {add = true}
      %add3A_174 = arith.constant 4 : i32
      %add3A_175 = arith.addi %add3A_159, %add3A_174 : i32
      %sub3A_176 = arith.constant 6 : i32
      %sub3A_177 = arith.subi %add3A_175, %sub3A_176 : i32
      %gt3A_178 = arith.constant 0 : i32
      %gt3A_179 = arith.cmpi sgt, %scan3A_125, %gt3A_178 : i32
      %convert_element_type3A_180 = arith.extui %gt3A_179 : i1 to i32
      %cond3A_181 = arith.constant 0 : i32
      %cond3A_182 = arith.cmpi ne, %convert_element_type3A_180, %cond3A_181 : i32
      scf.if %cond3A_182 {
        %dma_wait3A_296 = arith.constant 1 : i32
        %dma_wait3A_297 = arith.constant 0 : i32
        %dma_wait3A_298 = tpu.memref_slice %arg6[%sub3A_177, %dma_wait3A_296, %dma_wait3A_297] : memref<78x2x128xi32, #tpu.memory_space<vmem>> -> memref<1x1x128xi32, #tpu.memory_space<vmem>>
        %dma_wait3A_299 = tpu.memref_squeeze %dma_wait3A_298 : memref<1x1x128xi32, #tpu.memory_space<vmem>> -> memref<128xi32, #tpu.memory_space<vmem>>
        %dma_wait3A_300 = arith.constant 0 : i32
        %dma_wait3A_301 = arith.constant 0 : i32
        %dma_wait3A_302 = tpu.memref_slice %arg26[%dma_wait3A_300, %dma_wait3A_301] : memref<10000x64xf32, #tpu.memory_space<vmem_shared>> -> memref<10000x64xf32, #tpu.memory_space<vmem_shared>>
        tpu.wait_indirect_dma semaphore(%arg25 : memref<!tpu.dma_semaphore, #tpu.memory_space<semaphore_mem>>) src(%arg13 : memref<128x64xf32, #tpu.memory_space<vmem>>) dst(%dma_wait3A_302 : memref<10000x64xf32, #tpu.memory_space<vmem_shared>>)
        %dma_start3A_303 = arith.constant 0 : i32
        %dma_start3A_304 = arith.constant 0 : i32
        %dma_start3A_305 = tpu.memref_slice %arg6[%add3A_175, %dma_start3A_303, %dma_start3A_304] : memref<78x2x128xi32, #tpu.memory_space<vmem>> -> memref<1x1x128xi32, #tpu.memory_space<vmem>>
        %dma_start3A_306 = tpu.memref_squeeze %dma_start3A_305 : memref<1x1x128xi32, #tpu.memory_space<vmem>> -> memref<128xi32, #tpu.memory_space<vmem>>
        %dma_start3A_307 = arith.constant 0 : i32
        %dma_start3A_308 = arith.constant 0 : i32
        %dma_start3A_309 = tpu.memref_slice %arg2[%dma_start3A_307, %dma_start3A_308] : memref<10000x64xf32, #tpu.memory_space<hbm>> -> memref<10000x64xf32, #tpu.memory_space<hbm>>
        tpu.enqueue_indirect_dma source(%dma_start3A_309 : memref<10000x64xf32, #tpu.memory_space<hbm>>) target(%arg13 : memref<128x64xf32, #tpu.memory_space<vmem>>) offsets(%dma_start3A_306 : memref<128xi32, #tpu.memory_space<vmem>>) semaphore(%arg19 : memref<!tpu.dma_semaphore, #tpu.memory_space<semaphore_mem>>)
      } else {
      }
      %eq3A_183 = arith.constant 0 : i32
      %eq3A_184 = arith.cmpi eq, %scan3A_125, %eq3A_183 : i32
      %convert_element_type3A_185 = arith.extui %eq3A_184 : i1 to i32
      %cond3A_186 = arith.constant 0 : i32
      %cond3A_187 = arith.cmpi ne, %convert_element_type3A_185, %cond3A_186 : i32
      scf.if %cond3A_187 {
        %dma_start3A_296 = arith.constant 0 : i32
        %dma_start3A_297 = arith.constant 0 : i32
        %dma_start3A_298 = tpu.memref_slice %arg6[%add3A_175, %dma_start3A_296, %dma_start3A_297] : memref<78x2x128xi32, #tpu.memory_space<vmem>> -> memref<1x1x128xi32, #tpu.memory_space<vmem>>
        %dma_start3A_299 = tpu.memref_squeeze %dma_start3A_298 : memref<1x1x128xi32, #tpu.memory_space<vmem>> -> memref<128xi32, #tpu.memory_space<vmem>>
        %dma_start3A_300 = arith.constant 0 : i32
        %dma_start3A_301 = arith.constant 0 : i32
        %dma_start3A_302 = tpu.memref_slice %arg2[%dma_start3A_300, %dma_start3A_301] : memref<10000x64xf32, #tpu.memory_space<hbm>> -> memref<10000x64xf32, #tpu.memory_space<hbm>>
        tpu.enqueue_indirect_dma source(%dma_start3A_302 : memref<10000x64xf32, #tpu.memory_space<hbm>>) target(%arg13 : memref<128x64xf32, #tpu.memory_space<vmem>>) offsets(%dma_start3A_299 : memref<128xi32, #tpu.memory_space<vmem>>) semaphore(%arg19 : memref<!tpu.dma_semaphore, #tpu.memory_space<semaphore_mem>>)
      } else {
      }
      %mul3A_188 = arith.constant 6 : i32
      %mul3A_189 = arith.muli %scan3A_125, %mul3A_188 : i32
      %add3A_190 = arith.constant 2 : i32
      %add3A_191 = arith.addi %mul3A_189, %add3A_190 : i32
      %dma_wait3A_192 = arith.constant 0 : i32
      %dma_wait3A_193 = arith.constant 0 : i32
      %dma_wait3A_194 = tpu.memref_slice %arg6[%add3A_191, %dma_wait3A_192, %dma_wait3A_193] : memref<78x2x128xi32, #tpu.memory_space<vmem>> -> memref<1x1x128xi32, #tpu.memory_space<vmem>>
      %dma_wait3A_195 = tpu.memref_squeeze %dma_wait3A_194 : memref<1x1x128xi32, #tpu.memory_space<vmem>> -> memref<128xi32, #tpu.memory_space<vmem>>
      %dma_wait3A_196 = arith.constant 0 : i32
      %dma_wait3A_197 = arith.constant 0 : i32
      %dma_wait3A_198 = tpu.memref_slice %arg2[%dma_wait3A_196, %dma_wait3A_197] : memref<10000x64xf32, #tpu.memory_space<hbm>> -> memref<10000x64xf32, #tpu.memory_space<hbm>>
      tpu.wait_indirect_dma semaphore(%arg16 : memref<!tpu.dma_semaphore, #tpu.memory_space<semaphore_mem>>) src(%dma_wait3A_198 : memref<10000x64xf32, #tpu.memory_space<hbm>>) dst(%arg10 : memref<128x64xf32, #tpu.memory_space<vmem>>)
      %dma_start3A_199 = arith.constant 1 : i32
      %dma_start3A_200 = arith.constant 0 : i32
      %dma_start3A_201 = tpu.memref_slice %arg6[%add3A_191, %dma_start3A_199, %dma_start3A_200] : memref<78x2x128xi32, #tpu.memory_space<vmem>> -> memref<1x1x128xi32, #tpu.memory_space<vmem>>
      %dma_start3A_202 = tpu.memref_squeeze %dma_start3A_201 : memref<1x1x128xi32, #tpu.memory_space<vmem>> -> memref<128xi32, #tpu.memory_space<vmem>>
      %dma_start3A_203 = arith.constant 0 : i32
      %dma_start3A_204 = arith.constant 0 : i32
      %dma_start3A_205 = tpu.memref_slice %arg26[%dma_start3A_203, %dma_start3A_204] : memref<10000x64xf32, #tpu.memory_space<vmem_shared>> -> memref<10000x64xf32, #tpu.memory_space<vmem_shared>>
      tpu.enqueue_indirect_dma source(%arg10 : memref<128x64xf32, #tpu.memory_space<vmem>>) target(%dma_start3A_205 : memref<10000x64xf32, #tpu.memory_space<vmem_shared>>) offsets(%dma_start3A_202 : memref<128xi32, #tpu.memory_space<vmem>>) semaphore(%arg22 : memref<!tpu.dma_semaphore, #tpu.memory_space<semaphore_mem>>) {add = true}
      %add3A_206 = arith.constant 4 : i32
      %add3A_207 = arith.addi %add3A_191, %add3A_206 : i32
      %sub3A_208 = arith.constant 6 : i32
      %sub3A_209 = arith.subi %add3A_207, %sub3A_208 : i32
      %lt3A_210 = arith.constant 78 : i32
      %lt3A_211 = arith.cmpi slt, %add3A_207, %lt3A_210 : i32
      %convert_element_type3A_212 = arith.extui %lt3A_211 : i1 to i32
      %cond3A_213 = arith.constant 0 : i32
      %cond3A_214 = arith.cmpi ne, %convert_element_type3A_212, %cond3A_213 : i32
      scf.if %cond3A_214 {
        %dma_wait3A_296 = arith.constant 1 : i32
        %dma_wait3A_297 = arith.constant 0 : i32
        %dma_wait3A_298 = tpu.memref_slice %arg6[%sub3A_209, %dma_wait3A_296, %dma_wait3A_297] : memref<78x2x128xi32, #tpu.memory_space<vmem>> -> memref<1x1x128xi32, #tpu.memory_space<vmem>>
        %dma_wait3A_299 = tpu.memref_squeeze %dma_wait3A_298 : memref<1x1x128xi32, #tpu.memory_space<vmem>> -> memref<128xi32, #tpu.memory_space<vmem>>
        %dma_wait3A_300 = arith.constant 0 : i32
        %dma_wait3A_301 = arith.constant 0 : i32
        %dma_wait3A_302 = tpu.memref_slice %arg26[%dma_wait3A_300, %dma_wait3A_301] : memref<10000x64xf32, #tpu.memory_space<vmem_shared>> -> memref<10000x64xf32, #tpu.memory_space<vmem_shared>>
        tpu.wait_indirect_dma semaphore(%arg20 : memref<!tpu.dma_semaphore, #tpu.memory_space<semaphore_mem>>) src(%arg8 : memref<128x64xf32, #tpu.memory_space<vmem>>) dst(%dma_wait3A_302 : memref<10000x64xf32, #tpu.memory_space<vmem_shared>>)
        %dma_start3A_303 = arith.constant 0 : i32
        %dma_start3A_304 = arith.constant 0 : i32
        %dma_start3A_305 = tpu.memref_slice %arg6[%add3A_207, %dma_start3A_303, %dma_start3A_304] : memref<78x2x128xi32, #tpu.memory_space<vmem>> -> memref<1x1x128xi32, #tpu.memory_space<vmem>>
        %dma_start3A_306 = tpu.memref_squeeze %dma_start3A_305 : memref<1x1x128xi32, #tpu.memory_space<vmem>> -> memref<128xi32, #tpu.memory_space<vmem>>
        %dma_start3A_307 = arith.constant 0 : i32
        %dma_start3A_308 = arith.constant 0 : i32
        %dma_start3A_309 = tpu.memref_slice %arg2[%dma_start3A_307, %dma_start3A_308] : memref<10000x64xf32, #tpu.memory_space<hbm>> -> memref<10000x64xf32, #tpu.memory_space<hbm>>
        tpu.enqueue_indirect_dma source(%dma_start3A_309 : memref<10000x64xf32, #tpu.memory_space<hbm>>) target(%arg8 : memref<128x64xf32, #tpu.memory_space<vmem>>) offsets(%dma_start3A_306 : memref<128xi32, #tpu.memory_space<vmem>>) semaphore(%arg14 : memref<!tpu.dma_semaphore, #tpu.memory_space<semaphore_mem>>)
      } else {
      }
      %mul3A_215 = arith.constant 6 : i32
      %mul3A_216 = arith.muli %scan3A_125, %mul3A_215 : i32
      %add3A_217 = arith.constant 3 : i32
      %add3A_218 = arith.addi %mul3A_216, %add3A_217 : i32
      %dma_wait3A_219 = arith.constant 0 : i32
      %dma_wait3A_220 = arith.constant 0 : i32
      %dma_wait3A_221 = tpu.memref_slice %arg6[%add3A_218, %dma_wait3A_219, %dma_wait3A_220] : memref<78x2x128xi32, #tpu.memory_space<vmem>> -> memref<1x1x128xi32, #tpu.memory_space<vmem>>
      %dma_wait3A_222 = tpu.memref_squeeze %dma_wait3A_221 : memref<1x1x128xi32, #tpu.memory_space<vmem>> -> memref<128xi32, #tpu.memory_space<vmem>>
      %dma_wait3A_223 = arith.constant 0 : i32
      %dma_wait3A_224 = arith.constant 0 : i32
      %dma_wait3A_225 = tpu.memref_slice %arg2[%dma_wait3A_223, %dma_wait3A_224] : memref<10000x64xf32, #tpu.memory_space<hbm>> -> memref<10000x64xf32, #tpu.memory_space<hbm>>
      tpu.wait_indirect_dma semaphore(%arg17 : memref<!tpu.dma_semaphore, #tpu.memory_space<semaphore_mem>>) src(%dma_wait3A_225 : memref<10000x64xf32, #tpu.memory_space<hbm>>) dst(%arg11 : memref<128x64xf32, #tpu.memory_space<vmem>>)
      %dma_start3A_226 = arith.constant 1 : i32
      %dma_start3A_227 = arith.constant 0 : i32
      %dma_start3A_228 = tpu.memref_slice %arg6[%add3A_218, %dma_start3A_226, %dma_start3A_227] : memref<78x2x128xi32, #tpu.memory_space<vmem>> -> memref<1x1x128xi32, #tpu.memory_space<vmem>>
      %dma_start3A_229 = tpu.memref_squeeze %dma_start3A_228 : memref<1x1x128xi32, #tpu.memory_space<vmem>> -> memref<128xi32, #tpu.memory_space<vmem>>
      %dma_start3A_230 = arith.constant 0 : i32
      %dma_start3A_231 = arith.constant 0 : i32
      %dma_start3A_232 = tpu.memref_slice %arg26[%dma_start3A_230, %dma_start3A_231] : memref<10000x64xf32, #tpu.memory_space<vmem_shared>> -> memref<10000x64xf32, #tpu.memory_space<vmem_shared>>
      tpu.enqueue_indirect_dma source(%arg11 : memref<128x64xf32, #tpu.memory_space<vmem>>) target(%dma_start3A_232 : memref<10000x64xf32, #tpu.memory_space<vmem_shared>>) offsets(%dma_start3A_229 : memref<128xi32, #tpu.memory_space<vmem>>) semaphore(%arg23 : memref<!tpu.dma_semaphore, #tpu.memory_space<semaphore_mem>>) {add = true}
      %add3A_233 = arith.constant 4 : i32
      %add3A_234 = arith.addi %add3A_218, %add3A_233 : i32
      %sub3A_235 = arith.constant 6 : i32
      %sub3A_236 = arith.subi %add3A_234, %sub3A_235 : i32
      %lt3A_237 = arith.constant 78 : i32
      %lt3A_238 = arith.cmpi slt, %add3A_234, %lt3A_237 : i32
      %convert_element_type3A_239 = arith.extui %lt3A_238 : i1 to i32
      %cond3A_240 = arith.constant 0 : i32
      %cond3A_241 = arith.cmpi ne, %convert_element_type3A_239, %cond3A_240 : i32
      scf.if %cond3A_241 {
        %dma_wait3A_296 = arith.constant 1 : i32
        %dma_wait3A_297 = arith.constant 0 : i32
        %dma_wait3A_298 = tpu.memref_slice %arg6[%sub3A_236, %dma_wait3A_296, %dma_wait3A_297] : memref<78x2x128xi32, #tpu.memory_space<vmem>> -> memref<1x1x128xi32, #tpu.memory_space<vmem>>
        %dma_wait3A_299 = tpu.memref_squeeze %dma_wait3A_298 : memref<1x1x128xi32, #tpu.memory_space<vmem>> -> memref<128xi32, #tpu.memory_space<vmem>>
        %dma_wait3A_300 = arith.constant 0 : i32
        %dma_wait3A_301 = arith.constant 0 : i32
        %dma_wait3A_302 = tpu.memref_slice %arg26[%dma_wait3A_300, %dma_wait3A_301] : memref<10000x64xf32, #tpu.memory_space<vmem_shared>> -> memref<10000x64xf32, #tpu.memory_space<vmem_shared>>
        tpu.wait_indirect_dma semaphore(%arg21 : memref<!tpu.dma_semaphore, #tpu.memory_space<semaphore_mem>>) src(%arg9 : memref<128x64xf32, #tpu.memory_space<vmem>>) dst(%dma_wait3A_302 : memref<10000x64xf32, #tpu.memory_space<vmem_shared>>)
        %dma_start3A_303 = arith.constant 0 : i32
        %dma_start3A_304 = arith.constant 0 : i32
        %dma_start3A_305 = tpu.memref_slice %arg6[%add3A_234, %dma_start3A_303, %dma_start3A_304] : memref<78x2x128xi32, #tpu.memory_space<vmem>> -> memref<1x1x128xi32, #tpu.memory_space<vmem>>
        %dma_start3A_306 = tpu.memref_squeeze %dma_start3A_305 : memref<1x1x128xi32, #tpu.memory_space<vmem>> -> memref<128xi32, #tpu.memory_space<vmem>>
        %dma_start3A_307 = arith.constant 0 : i32
        %dma_start3A_308 = arith.constant 0 : i32
        %dma_start3A_309 = tpu.memref_slice %arg2[%dma_start3A_307, %dma_start3A_308] : memref<10000x64xf32, #tpu.memory_space<hbm>> -> memref<10000x64xf32, #tpu.memory_space<hbm>>
        tpu.enqueue_indirect_dma source(%dma_start3A_309 : memref<10000x64xf32, #tpu.memory_space<hbm>>) target(%arg9 : memref<128x64xf32, #tpu.memory_space<vmem>>) offsets(%dma_start3A_306 : memref<128xi32, #tpu.memory_space<vmem>>) semaphore(%arg15 : memref<!tpu.dma_semaphore, #tpu.memory_space<semaphore_mem>>)
      } else {
      }
      %mul3A_242 = arith.constant 6 : i32
      %mul3A_243 = arith.muli %scan3A_125, %mul3A_242 : i32
      %add3A_244 = arith.constant 4 : i32
      %add3A_245 = arith.addi %mul3A_243, %add3A_244 : i32
      %dma_wait3A_246 = arith.constant 0 : i32
      %dma_wait3A_247 = arith.constant 0 : i32
      %dma_wait3A_248 = tpu.memref_slice %arg6[%add3A_245, %dma_wait3A_246, %dma_wait3A_247] : memref<78x2x128xi32, #tpu.memory_space<vmem>> -> memref<1x1x128xi32, #tpu.memory_space<vmem>>
      %dma_wait3A_249 = tpu.memref_squeeze %dma_wait3A_248 : memref<1x1x128xi32, #tpu.memory_space<vmem>> -> memref<128xi32, #tpu.memory_space<vmem>>
      %dma_wait3A_250 = arith.constant 0 : i32
      %dma_wait3A_251 = arith.constant 0 : i32
      %dma_wait3A_252 = tpu.memref_slice %arg2[%dma_wait3A_250, %dma_wait3A_251] : memref<10000x64xf32, #tpu.memory_space<hbm>> -> memref<10000x64xf32, #tpu.memory_space<hbm>>
      tpu.wait_indirect_dma semaphore(%arg18 : memref<!tpu.dma_semaphore, #tpu.memory_space<semaphore_mem>>) src(%dma_wait3A_252 : memref<10000x64xf32, #tpu.memory_space<hbm>>) dst(%arg12 : memref<128x64xf32, #tpu.memory_space<vmem>>)
      %dma_start3A_253 = arith.constant 1 : i32
      %dma_start3A_254 = arith.constant 0 : i32
      %dma_start3A_255 = tpu.memref_slice %arg6[%add3A_245, %dma_start3A_253, %dma_start3A_254] : memref<78x2x128xi32, #tpu.memory_space<vmem>> -> memref<1x1x128xi32, #tpu.memory_space<vmem>>
      %dma_start3A_256 = tpu.memref_squeeze %dma_start3A_255 : memref<1x1x128xi32, #tpu.memory_space<vmem>> -> memref<128xi32, #tpu.memory_space<vmem>>
      %dma_start3A_257 = arith.constant 0 : i32
      %dma_start3A_258 = arith.constant 0 : i32
      %dma_start3A_259 = tpu.memref_slice %arg26[%dma_start3A_257, %dma_start3A_258] : memref<10000x64xf32, #tpu.memory_space<vmem_shared>> -> memref<10000x64xf32, #tpu.memory_space<vmem_shared>>
      tpu.enqueue_indirect_dma source(%arg12 : memref<128x64xf32, #tpu.memory_space<vmem>>) target(%dma_start3A_259 : memref<10000x64xf32, #tpu.memory_space<vmem_shared>>) offsets(%dma_start3A_256 : memref<128xi32, #tpu.memory_space<vmem>>) semaphore(%arg24 : memref<!tpu.dma_semaphore, #tpu.memory_space<semaphore_mem>>) {add = true}
      %add3A_260 = arith.constant 4 : i32
      %add3A_261 = arith.addi %add3A_245, %add3A_260 : i32
      %sub3A_262 = arith.constant 6 : i32
      %sub3A_263 = arith.subi %add3A_261, %sub3A_262 : i32
      %lt3A_264 = arith.constant 78 : i32
      %lt3A_265 = arith.cmpi slt, %add3A_261, %lt3A_264 : i32
      %convert_element_type3A_266 = arith.extui %lt3A_265 : i1 to i32
      %cond3A_267 = arith.constant 0 : i32
      %cond3A_268 = arith.cmpi ne, %convert_element_type3A_266, %cond3A_267 : i32
      scf.if %cond3A_268 {
        %dma_wait3A_296 = arith.constant 1 : i32
        %dma_wait3A_297 = arith.constant 0 : i32
        %dma_wait3A_298 = tpu.memref_slice %arg6[%sub3A_263, %dma_wait3A_296, %dma_wait3A_297] : memref<78x2x128xi32, #tpu.memory_space<vmem>> -> memref<1x1x128xi32, #tpu.memory_space<vmem>>
        %dma_wait3A_299 = tpu.memref_squeeze %dma_wait3A_298 : memref<1x1x128xi32, #tpu.memory_space<vmem>> -> memref<128xi32, #tpu.memory_space<vmem>>
        %dma_wait3A_300 = arith.constant 0 : i32
        %dma_wait3A_301 = arith.constant 0 : i32
        %dma_wait3A_302 = tpu.memref_slice %arg26[%dma_wait3A_300, %dma_wait3A_301] : memref<10000x64xf32, #tpu.memory_space<vmem_shared>> -> memref<10000x64xf32, #tpu.memory_space<vmem_shared>>
        tpu.wait_indirect_dma semaphore(%arg22 : memref<!tpu.dma_semaphore, #tpu.memory_space<semaphore_mem>>) src(%arg10 : memref<128x64xf32, #tpu.memory_space<vmem>>) dst(%dma_wait3A_302 : memref<10000x64xf32, #tpu.memory_space<vmem_shared>>)
        %dma_start3A_303 = arith.constant 0 : i32
        %dma_start3A_304 = arith.constant 0 : i32
        %dma_start3A_305 = tpu.memref_slice %arg6[%add3A_261, %dma_start3A_303, %dma_start3A_304] : memref<78x2x128xi32, #tpu.memory_space<vmem>> -> memref<1x1x128xi32, #tpu.memory_space<vmem>>
        %dma_start3A_306 = tpu.memref_squeeze %dma_start3A_305 : memref<1x1x128xi32, #tpu.memory_space<vmem>> -> memref<128xi32, #tpu.memory_space<vmem>>
        %dma_start3A_307 = arith.constant 0 : i32
        %dma_start3A_308 = arith.constant 0 : i32
        %dma_start3A_309 = tpu.memref_slice %arg2[%dma_start3A_307, %dma_start3A_308] : memref<10000x64xf32, #tpu.memory_space<hbm>> -> memref<10000x64xf32, #tpu.memory_space<hbm>>
        tpu.enqueue_indirect_dma source(%dma_start3A_309 : memref<10000x64xf32, #tpu.memory_space<hbm>>) target(%arg10 : memref<128x64xf32, #tpu.memory_space<vmem>>) offsets(%dma_start3A_306 : memref<128xi32, #tpu.memory_space<vmem>>) semaphore(%arg16 : memref<!tpu.dma_semaphore, #tpu.memory_space<semaphore_mem>>)
      } else {
      }
      %mul3A_269 = arith.constant 6 : i32
      %mul3A_270 = arith.muli %scan3A_125, %mul3A_269 : i32
      %add3A_271 = arith.constant 5 : i32
      %add3A_272 = arith.addi %mul3A_270, %add3A_271 : i32
      %dma_wait3A_273 = arith.constant 0 : i32
      %dma_wait3A_274 = arith.constant 0 : i32
      %dma_wait3A_275 = tpu.memref_slice %arg6[%add3A_272, %dma_wait3A_273, %dma_wait3A_274] : memref<78x2x128xi32, #tpu.memory_space<vmem>> -> memref<1x1x128xi32, #tpu.memory_space<vmem>>
      %dma_wait3A_276 = tpu.memref_squeeze %dma_wait3A_275 : memref<1x1x128xi32, #tpu.memory_space<vmem>> -> memref<128xi32, #tpu.memory_space<vmem>>
      %dma_wait3A_277 = arith.constant 0 : i32
      %dma_wait3A_278 = arith.constant 0 : i32
      %dma_wait3A_279 = tpu.memref_slice %arg2[%dma_wait3A_277, %dma_wait3A_278] : memref<10000x64xf32, #tpu.memory_space<hbm>> -> memref<10000x64xf32, #tpu.memory_space<hbm>>
      tpu.wait_indirect_dma semaphore(%arg19 : memref<!tpu.dma_semaphore, #tpu.memory_space<semaphore_mem>>) src(%dma_wait3A_279 : memref<10000x64xf32, #tpu.memory_space<hbm>>) dst(%arg13 : memref<128x64xf32, #tpu.memory_space<vmem>>)
      %dma_start3A_280 = arith.constant 1 : i32
      %dma_start3A_281 = arith.constant 0 : i32
      %dma_start3A_282 = tpu.memref_slice %arg6[%add3A_272, %dma_start3A_280, %dma_start3A_281] : memref<78x2x128xi32, #tpu.memory_space<vmem>> -> memref<1x1x128xi32, #tpu.memory_space<vmem>>
      %dma_start3A_283 = tpu.memref_squeeze %dma_start3A_282 : memref<1x1x128xi32, #tpu.memory_space<vmem>> -> memref<128xi32, #tpu.memory_space<vmem>>
      %dma_start3A_284 = arith.constant 0 : i32
      %dma_start3A_285 = arith.constant 0 : i32
      %dma_start3A_286 = tpu.memref_slice %arg26[%dma_start3A_284, %dma_start3A_285] : memref<10000x64xf32, #tpu.memory_space<vmem_shared>> -> memref<10000x64xf32, #tpu.memory_space<vmem_shared>>
      tpu.enqueue_indirect_dma source(%arg13 : memref<128x64xf32, #tpu.memory_space<vmem>>) target(%dma_start3A_286 : memref<10000x64xf32, #tpu.memory_space<vmem_shared>>) offsets(%dma_start3A_283 : memref<128xi32, #tpu.memory_space<vmem>>) semaphore(%arg25 : memref<!tpu.dma_semaphore, #tpu.memory_space<semaphore_mem>>) {add = true}
      %add3A_287 = arith.constant 4 : i32
      %add3A_288 = arith.addi %add3A_272, %add3A_287 : i32
      %sub3A_289 = arith.constant 6 : i32
      %sub3A_290 = arith.subi %add3A_288, %sub3A_289 : i32
      %lt3A_291 = arith.constant 78 : i32
      %lt3A_292 = arith.cmpi slt, %add3A_288, %lt3A_291 : i32
      %convert_element_type3A_293 = arith.extui %lt3A_292 : i1 to i32
      %cond3A_294 = arith.constant 0 : i32
      %cond3A_295 = arith.cmpi ne, %convert_element_type3A_293, %cond3A_294 : i32
      scf.if %cond3A_295 {
        %dma_wait3A_296 = arith.constant 1 : i32
        %dma_wait3A_297 = arith.constant 0 : i32
        %dma_wait3A_298 = tpu.memref_slice %arg6[%sub3A_290, %dma_wait3A_296, %dma_wait3A_297] : memref<78x2x128xi32, #tpu.memory_space<vmem>> -> memref<1x1x128xi32, #tpu.memory_space<vmem>>
        %dma_wait3A_299 = tpu.memref_squeeze %dma_wait3A_298 : memref<1x1x128xi32, #tpu.memory_space<vmem>> -> memref<128xi32, #tpu.memory_space<vmem>>
        %dma_wait3A_300 = arith.constant 0 : i32
        %dma_wait3A_301 = arith.constant 0 : i32
        %dma_wait3A_302 = tpu.memref_slice %arg26[%dma_wait3A_300, %dma_wait3A_301] : memref<10000x64xf32, #tpu.memory_space<vmem_shared>> -> memref<10000x64xf32, #tpu.memory_space<vmem_shared>>
        tpu.wait_indirect_dma semaphore(%arg23 : memref<!tpu.dma_semaphore, #tpu.memory_space<semaphore_mem>>) src(%arg11 : memref<128x64xf32, #tpu.memory_space<vmem>>) dst(%dma_wait3A_302 : memref<10000x64xf32, #tpu.memory_space<vmem_shared>>)
        %dma_start3A_303 = arith.constant 0 : i32
        %dma_start3A_304 = arith.constant 0 : i32
        %dma_start3A_305 = tpu.memref_slice %arg6[%add3A_288, %dma_start3A_303, %dma_start3A_304] : memref<78x2x128xi32, #tpu.memory_space<vmem>> -> memref<1x1x128xi32, #tpu.memory_space<vmem>>
        %dma_start3A_306 = tpu.memref_squeeze %dma_start3A_305 : memref<1x1x128xi32, #tpu.memory_space<vmem>> -> memref<128xi32, #tpu.memory_space<vmem>>
        %dma_start3A_307 = arith.constant 0 : i32
        %dma_start3A_308 = arith.constant 0 : i32
        %dma_start3A_309 = tpu.memref_slice %arg2[%dma_start3A_307, %dma_start3A_308] : memref<10000x64xf32, #tpu.memory_space<hbm>> -> memref<10000x64xf32, #tpu.memory_space<hbm>>
        tpu.enqueue_indirect_dma source(%dma_start3A_309 : memref<10000x64xf32, #tpu.memory_space<hbm>>) target(%arg11 : memref<128x64xf32, #tpu.memory_space<vmem>>) offsets(%dma_start3A_306 : memref<128xi32, #tpu.memory_space<vmem>>) semaphore(%arg17 : memref<!tpu.dma_semaphore, #tpu.memory_space<semaphore_mem>>)
      } else {
      }
    }
    %scan3A_65 = arith.constant 13 : i32
    %dma_wait3A_66 = arith.constant 72 : i32
    %dma_wait3A_67 = arith.constant 1 : i32
    %dma_wait3A_68 = arith.constant 0 : i32
    %dma_wait3A_69 = tpu.memref_slice %arg6[%dma_wait3A_66, %dma_wait3A_67, %dma_wait3A_68] : memref<78x2x128xi32, #tpu.memory_space<vmem>> -> memref<1x1x128xi32, #tpu.memory_space<vmem>>
    %dma_wait3A_70 = tpu.memref_squeeze %dma_wait3A_69 : memref<1x1x128xi32, #tpu.memory_space<vmem>> -> memref<128xi32, #tpu.memory_space<vmem>>
    %dma_wait3A_71 = arith.constant 0 : i32
    %dma_wait3A_72 = arith.constant 0 : i32
    %dma_wait3A_73 = tpu.memref_slice %arg26[%dma_wait3A_71, %dma_wait3A_72] : memref<10000x64xf32, #tpu.memory_space<vmem_shared>> -> memref<10000x64xf32, #tpu.memory_space<vmem_shared>>
    tpu.wait_indirect_dma semaphore(%arg20 : memref<!tpu.dma_semaphore, #tpu.memory_space<semaphore_mem>>) src(%arg8 : memref<128x64xf32, #tpu.memory_space<vmem>>) dst(%dma_wait3A_73 : memref<10000x64xf32, #tpu.memory_space<vmem_shared>>)
    %dma_wait3A_74 = arith.constant 73 : i32
    %dma_wait3A_75 = arith.constant 1 : i32
    %dma_wait3A_76 = arith.constant 0 : i32
    %dma_wait3A_77 = tpu.memref_slice %arg6[%dma_wait3A_74, %dma_wait3A_75, %dma_wait3A_76] : memref<78x2x128xi32, #tpu.memory_space<vmem>> -> memref<1x1x128xi32, #tpu.memory_space<vmem>>
    %dma_wait3A_78 = tpu.memref_squeeze %dma_wait3A_77 : memref<1x1x128xi32, #tpu.memory_space<vmem>> -> memref<128xi32, #tpu.memory_space<vmem>>
    %dma_wait3A_79 = arith.constant 0 : i32
    %dma_wait3A_80 = arith.constant 0 : i32
    %dma_wait3A_81 = tpu.memref_slice %arg26[%dma_wait3A_79, %dma_wait3A_80] : memref<10000x64xf32, #tpu.memory_space<vmem_shared>> -> memref<10000x64xf32, #tpu.memory_space<vmem_shared>>
    tpu.wait_indirect_dma semaphore(%arg21 : memref<!tpu.dma_semaphore, #tpu.memory_space<semaphore_mem>>) src(%arg9 : memref<128x64xf32, #tpu.memory_space<vmem>>) dst(%dma_wait3A_81 : memref<10000x64xf32, #tpu.memory_space<vmem_shared>>)
    %dma_wait3A_82 = arith.constant 74 : i32
    %dma_wait3A_83 = arith.constant 1 : i32
    %dma_wait3A_84 = arith.constant 0 : i32
    %dma_wait3A_85 = tpu.memref_slice %arg6[%dma_wait3A_82, %dma_wait3A_83, %dma_wait3A_84] : memref<78x2x128xi32, #tpu.memory_space<vmem>> -> memref<1x1x128xi32, #tpu.memory_space<vmem>>
    %dma_wait3A_86 = tpu.memref_squeeze %dma_wait3A_85 : memref<1x1x128xi32, #tpu.memory_space<vmem>> -> memref<128xi32, #tpu.memory_space<vmem>>
    %dma_wait3A_87 = arith.constant 0 : i32
    %dma_wait3A_88 = arith.constant 0 : i32
    %dma_wait3A_89 = tpu.memref_slice %arg26[%dma_wait3A_87, %dma_wait3A_88] : memref<10000x64xf32, #tpu.memory_space<vmem_shared>> -> memref<10000x64xf32, #tpu.memory_space<vmem_shared>>
    tpu.wait_indirect_dma semaphore(%arg22 : memref<!tpu.dma_semaphore, #tpu.memory_space<semaphore_mem>>) src(%arg10 : memref<128x64xf32, #tpu.memory_space<vmem>>) dst(%dma_wait3A_89 : memref<10000x64xf32, #tpu.memory_space<vmem_shared>>)
    %dma_wait3A_90 = arith.constant 75 : i32
    %dma_wait3A_91 = arith.constant 1 : i32
    %dma_wait3A_92 = arith.constant 0 : i32
    %dma_wait3A_93 = tpu.memref_slice %arg6[%dma_wait3A_90, %dma_wait3A_91, %dma_wait3A_92] : memref<78x2x128xi32, #tpu.memory_space<vmem>> -> memref<1x1x128xi32, #tpu.memory_space<vmem>>
    %dma_wait3A_94 = tpu.memref_squeeze %dma_wait3A_93 : memref<1x1x128xi32, #tpu.memory_space<vmem>> -> memref<128xi32, #tpu.memory_space<vmem>>
    %dma_wait3A_95 = arith.constant 0 : i32
    %dma_wait3A_96 = arith.constant 0 : i32
    %dma_wait3A_97 = tpu.memref_slice %arg26[%dma_wait3A_95, %dma_wait3A_96] : memref<10000x64xf32, #tpu.memory_space<vmem_shared>> -> memref<10000x64xf32, #tpu.memory_space<vmem_shared>>
    tpu.wait_indirect_dma semaphore(%arg23 : memref<!tpu.dma_semaphore, #tpu.memory_space<semaphore_mem>>) src(%arg11 : memref<128x64xf32, #tpu.memory_space<vmem>>) dst(%dma_wait3A_97 : memref<10000x64xf32, #tpu.memory_space<vmem_shared>>)
    %dma_wait3A_98 = arith.constant 76 : i32
    %dma_wait3A_99 = arith.constant 1 : i32
    %dma_wait3A_100 = arith.constant 0 : i32
    %dma_wait3A_101 = tpu.memref_slice %arg6[%dma_wait3A_98, %dma_wait3A_99, %dma_wait3A_100] : memref<78x2x128xi32, #tpu.memory_space<vmem>> -> memref<1x1x128xi32, #tpu.memory_space<vmem>>
    %dma_wait3A_102 = tpu.memref_squeeze %dma_wait3A_101 : memref<1x1x128xi32, #tpu.memory_space<vmem>> -> memref<128xi32, #tpu.memory_space<vmem>>
    %dma_wait3A_103 = arith.constant 0 : i32
    %dma_wait3A_104 = arith.constant 0 : i32
    %dma_wait3A_105 = tpu.memref_slice %arg26[%dma_wait3A_103, %dma_wait3A_104] : memref<10000x64xf32, #tpu.memory_space<vmem_shared>> -> memref<10000x64xf32, #tpu.memory_space<vmem_shared>>
    tpu.wait_indirect_dma semaphore(%arg24 : memref<!tpu.dma_semaphore, #tpu.memory_space<semaphore_mem>>) src(%arg12 : memref<128x64xf32, #tpu.memory_space<vmem>>) dst(%dma_wait3A_105 : memref<10000x64xf32, #tpu.memory_space<vmem_shared>>)
    %dma_wait3A_106 = arith.constant 77 : i32
    %dma_wait3A_107 = arith.constant 1 : i32
    %dma_wait3A_108 = arith.constant 0 : i32
    %dma_wait3A_109 = tpu.memref_slice %arg6[%dma_wait3A_106, %dma_wait3A_107, %dma_wait3A_108] : memref<78x2x128xi32, #tpu.memory_space<vmem>> -> memref<1x1x128xi32, #tpu.memory_space<vmem>>
    %dma_wait3A_110 = tpu.memref_squeeze %dma_wait3A_109 : memref<1x1x128xi32, #tpu.memory_space<vmem>> -> memref<128xi32, #tpu.memory_space<vmem>>
    %dma_wait3A_111 = arith.constant 0 : i32
    %dma_wait3A_112 = arith.constant 0 : i32
    %dma_wait3A_113 = tpu.memref_slice %arg26[%dma_wait3A_111, %dma_wait3A_112] : memref<10000x64xf32, #tpu.memory_space<vmem_shared>> -> memref<10000x64xf32, #tpu.memory_space<vmem_shared>>
    tpu.wait_indirect_dma semaphore(%arg25 : memref<!tpu.dma_semaphore, #tpu.memory_space<semaphore_mem>>) src(%arg13 : memref<128x64xf32, #tpu.memory_space<vmem>>) dst(%dma_wait3A_113 : memref<10000x64xf32, #tpu.memory_space<vmem_shared>>)
    %barrier3A_114 = arith.constant 0 : index
    tpu.barrier barrier_id(%barrier3A_114)
    %lt3A_115 = arith.constant 15 : i32
    %lt3A_116 = arith.cmpi slt, %arg1, %lt3A_115 : i32
    %convert_element_type3A_117 = arith.extui %lt3A_116 : i1 to i32
    %cond3A_118 = arith.constant 0 : i32
    %cond3A_119 = arith.cmpi ne, %convert_element_type3A_117, %cond3A_118 : i32
    scf.if %cond3A_119 {
      %mul3A_125 = arith.constant 624 : i32
      %mul3A_126 = arith.muli %arg1, %mul3A_125 : i32
      %multiple_of3A = tpu.assume_multiple %mul3A_126, 8 : i32
      "tpu.region"() ({
        %run_scoped3A = tpu.sem_alloc : memref<!tpu.dma_semaphore, #tpu.memory_space<semaphore_mem>>
        %dma_start3A_127 = arith.constant 0 : i32
        %dma_start3A_128 = arith.constant 0 : i32
        %dma_start3A_129 = tpu.memref_slice %arg5[%arg0, %dma_start3A_127, %dma_start3A_128] : memref<2x10000x64xf32, #tpu.memory_space<hbm>> -> memref<1x10000x64xf32, #tpu.memory_space<hbm>>
        %dma_start3A_130 = tpu.memref_squeeze %dma_start3A_129 : memref<1x10000x64xf32, #tpu.memory_space<hbm>> -> memref<10000x64xf32, #tpu.memory_space<hbm>>
        %dma_start3A_131 = arith.constant 0 : i32
        %dma_start3A_132 = tpu.memref_slice %dma_start3A_130[%multiple_of3A, %dma_start3A_131] : memref<10000x64xf32, #tpu.memory_space<hbm>> -> memref<624x64xf32, #tpu.memory_space<hbm>>
        %dma_start3A_133 = arith.constant 0 : i32
        %dma_start3A_134 = tpu.memref_slice %arg26[%multiple_of3A, %dma_start3A_133] : memref<10000x64xf32, #tpu.memory_space<vmem_shared>> -> memref<624x64xf32, #tpu.memory_space<vmem_shared>>
        tpu.enqueue_dma source(%dma_start3A_134 : memref<624x64xf32, #tpu.memory_space<vmem_shared>>) target(%dma_start3A_132 : memref<624x64xf32, #tpu.memory_space<hbm>>) target_semaphore(%run_scoped3A : memref<!tpu.dma_semaphore, #tpu.memory_space<semaphore_mem>>)
        %dma_wait3A_135 = arith.constant 0 : i32
        %dma_wait3A_136 = arith.constant 0 : i32
        %dma_wait3A_137 = tpu.memref_slice %arg5[%arg0, %dma_wait3A_135, %dma_wait3A_136] : memref<2x10000x64xf32, #tpu.memory_space<hbm>> -> memref<1x10000x64xf32, #tpu.memory_space<hbm>>
        %dma_wait3A_138 = tpu.memref_squeeze %dma_wait3A_137 : memref<1x10000x64xf32, #tpu.memory_space<hbm>> -> memref<10000x64xf32, #tpu.memory_space<hbm>>
        %dma_wait3A_139 = arith.constant 0 : i32
        %dma_wait3A_140 = tpu.memref_slice %dma_wait3A_138[%multiple_of3A, %dma_wait3A_139] : memref<10000x64xf32, #tpu.memory_space<hbm>> -> memref<624x64xf32, #tpu.memory_space<hbm>>
        %dma_wait3A_141 = arith.constant 0 : i32
        %dma_wait3A_142 = tpu.memref_slice %arg26[%multiple_of3A, %dma_wait3A_141] : memref<10000x64xf32, #tpu.memory_space<vmem_shared>> -> memref<624x64xf32, #tpu.memory_space<vmem_shared>>
        tpu.wait_dma2 semaphore(%run_scoped3A : memref<!tpu.dma_semaphore, #tpu.memory_space<semaphore_mem>>) src(%dma_wait3A_142 : memref<624x64xf32, #tpu.memory_space<vmem_shared>>) dst(%dma_wait3A_140 : memref<624x64xf32, #tpu.memory_space<hbm>>)
        tpu.yield
      }) : () -> ()
    } else {
    }
    %eq3A_120 = arith.constant 15 : i32
    %eq3A_121 = arith.cmpi eq, %arg1, %eq3A_120 : i32
    %convert_element_type3A_122 = arith.extui %eq3A_121 : i1 to i32
    %cond3A_123 = arith.constant 0 : i32
    %cond3A_124 = arith.cmpi ne, %convert_element_type3A_122, %cond3A_123 : i32
    scf.if %cond3A_124 {
      "tpu.region"() ({
        %run_scoped3A = tpu.sem_alloc : memref<!tpu.dma_semaphore, #tpu.memory_space<semaphore_mem>>
        %dma_start3A_125 = arith.constant 0 : i32
        %dma_start3A_126 = arith.constant 0 : i32
        %dma_start3A_127 = tpu.memref_slice %arg5[%arg0, %dma_start3A_125, %dma_start3A_126] : memref<2x10000x64xf32, #tpu.memory_space<hbm>> -> memref<1x10000x64xf32, #tpu.memory_space<hbm>>
        %dma_start3A_128 = tpu.memref_squeeze %dma_start3A_127 : memref<1x10000x64xf32, #tpu.memory_space<hbm>> -> memref<10000x64xf32, #tpu.memory_space<hbm>>
        %dma_start3A_129 = arith.constant 9360 : i32
        %dma_start3A_130 = arith.constant 0 : i32
        %dma_start3A_131 = tpu.memref_slice %dma_start3A_128[%dma_start3A_129, %dma_start3A_130] : memref<10000x64xf32, #tpu.memory_space<hbm>> -> memref<640x64xf32, #tpu.memory_space<hbm>>
        %dma_start3A_132 = arith.constant 9360 : i32
        %dma_start3A_133 = arith.constant 0 : i32
        %dma_start3A_134 = tpu.memref_slice %arg26[%dma_start3A_132, %dma_start3A_133] : memref<10000x64xf32, #tpu.memory_space<vmem_shared>> -> memref<640x64xf32, #tpu.memory_space<vmem_shared>>
        tpu.enqueue_dma source(%dma_start3A_134 : memref<640x64xf32, #tpu.memory_space<vmem_shared>>) target(%dma_start3A_131 : memref<640x64xf32, #tpu.memory_space<hbm>>) target_semaphore(%run_scoped3A : memref<!tpu.dma_semaphore, #tpu.memory_space<semaphore_mem>>)
        %dma_wait3A_135 = arith.constant 0 : i32
        %dma_wait3A_136 = arith.constant 0 : i32
        %dma_wait3A_137 = tpu.memref_slice %arg5[%arg0, %dma_wait3A_135, %dma_wait3A_136] : memref<2x10000x64xf32, #tpu.memory_space<hbm>> -> memref<1x10000x64xf32, #tpu.memory_space<hbm>>
        %dma_wait3A_138 = tpu.memref_squeeze %dma_wait3A_137 : memref<1x10000x64xf32, #tpu.memory_space<hbm>> -> memref<10000x64xf32, #tpu.memory_space<hbm>>
        %dma_wait3A_139 = arith.constant 9360 : i32
        %dma_wait3A_140 = arith.constant 0 : i32
        %dma_wait3A_141 = tpu.memref_slice %dma_wait3A_138[%dma_wait3A_139, %dma_wait3A_140] : memref<10000x64xf32, #tpu.memory_space<hbm>> -> memref<640x64xf32, #tpu.memory_space<hbm>>
        %dma_wait3A_142 = arith.constant 9360 : i32
        %dma_wait3A_143 = arith.constant 0 : i32
        %dma_wait3A_144 = tpu.memref_slice %arg26[%dma_wait3A_142, %dma_wait3A_143] : memref<10000x64xf32, #tpu.memory_space<vmem_shared>> -> memref<640x64xf32, #tpu.memory_space<vmem_shared>>
        tpu.wait_dma2 semaphore(%run_scoped3A : memref<!tpu.dma_semaphore, #tpu.memory_space<semaphore_mem>>) src(%dma_wait3A_144 : memref<640x64xf32, #tpu.memory_space<vmem_shared>>) dst(%dma_wait3A_141 : memref<640x64xf32, #tpu.memory_space<hbm>>)
        tpu.yield
      }) : () -> ()
    } else {
    }
    return
  }
}

module attributes {stable_mosaic.version = 14 : i64} {
  func.func @body(%arg0: memref<2x5000x128xf32, #tpu.memory_space<vmem>>, %arg1: memref<5000x128xf32, #tpu.memory_space<vmem>>, %arg2: memref<5000x128xf32, #tpu.memory_space<vmem>>, %arg3: memref<1x64xf32, #tpu.memory_space<vmem>>, %arg4: memref<64x64xf32, #tpu.memory_space<vmem>>, %arg5: memref<5000x128xf32, #tpu.memory_space<vmem>>) attributes {dimension_semantics = [], scalar_prefetch = 0 : i64, scratch_operands = 0 : i64, tpu.core_type = #tpu.core_type<tc>} {
    %get3A = arith.constant 0 : index
    %get3A_0 = arith.constant 0 : index
    %get3A_1 = vector.load %arg3[%get3A, %get3A_0] : memref<1x64xf32, #tpu.memory_space<vmem>>, vector<1x64xf32>
    %get3A_2 = arith.constant 0 : index
    %get3A_3 = arith.constant 0 : index
    %get3A_4 = vector.load %arg3[%get3A_2, %get3A_3] : memref<1x64xf32, #tpu.memory_space<vmem>>, vector<1x64xf32>
    %concatenate3A = tpu.concatenate %get3A_1, %get3A_4 in 1 : vector<1x64xf32>, vector<1x64xf32> -> vector<1x128xf32>
    %get3A_5 = arith.constant 0 : index
    %get3A_6 = arith.constant 0 : index
    %get3A_7 = arith.constant 0 : index
    %get3A_8 = vector.load %arg0[%get3A_5, %get3A_6, %get3A_7] : memref<2x5000x128xf32, #tpu.memory_space<vmem>>, vector<1x5000x128xf32>
    %get3A_9 = vector.shape_cast %get3A_8 : vector<1x5000x128xf32> to vector<5000x128xf32>
    %get3A_10 = arith.constant 1 : index
    %get3A_11 = arith.constant 0 : index
    %get3A_12 = arith.constant 0 : index
    %get3A_13 = vector.load %arg0[%get3A_10, %get3A_11, %get3A_12] : memref<2x5000x128xf32, #tpu.memory_space<vmem>>, vector<1x5000x128xf32>
    %get3A_14 = vector.shape_cast %get3A_13 : vector<1x5000x128xf32> to vector<5000x128xf32>
    %add3A = arith.addf %get3A_9, %get3A_14 : vector<5000x128xf32>
    %get3A_15 = arith.constant 0 : index
    %get3A_16 = arith.constant 0 : index
    %get3A_17 = vector.load %arg1[%get3A_15, %get3A_16] : memref<5000x128xf32, #tpu.memory_space<vmem>>, vector<5000x128xf32>
    %add3A_18 = arith.addf %add3A, %get3A_17 : vector<5000x128xf32>
    %get3A_19 = arith.constant 0 : index
    %get3A_20 = arith.constant 0 : index
    %get3A_21 = vector.load %arg2[%get3A_19, %get3A_20] : memref<5000x128xf32, #tpu.memory_space<vmem>>, vector<5000x128xf32>
    %mul3A = arith.mulf %add3A_18, %get3A_21 : vector<5000x128xf32>
    %add3A_22 = vector.broadcast %concatenate3A : vector<1x128xf32> to vector<5000x128xf32>
    %add3A_23 = arith.addf %mul3A, %add3A_22 : vector<5000x128xf32>
    %broadcast_in_dim3A = arith.constant 0.000000e+00 : f32
    %broadcast_in_dim3A_24 = vector.broadcast %broadcast_in_dim3A : f32 to vector<64x64xf32>
    %get3A_25 = arith.constant 0 : index
    %get3A_26 = arith.constant 0 : index
    %get3A_27 = vector.load %arg4[%get3A_25, %get3A_26] : memref<64x64xf32, #tpu.memory_space<vmem>>, vector<64x64xf32>
    %concatenate3A_28 = tpu.concatenate %get3A_27, %broadcast_in_dim3A_24 in 1 : vector<64x64xf32>, vector<64x64xf32> -> vector<64x128xf32>
    %concatenate3A_29 = tpu.concatenate %broadcast_in_dim3A_24, %get3A_27 in 1 : vector<64x64xf32>, vector<64x64xf32> -> vector<64x128xf32>
    %concatenate3A_30 = tpu.concatenate %concatenate3A_28, %concatenate3A_29 in 0 : vector<64x128xf32>, vector<64x128xf32> -> vector<128x128xf32>
    %dot_general3A = arith.constant dense<0.000000e+00> : vector<5000x128xf32>
    %dot_general3A_31 = tpu.matmul %add3A_23, %concatenate3A_30, %dot_general3A {dimension_numbers = #tpu.dot_dimension_numbers<[1], [0], [0], [1], [0, 0, 1, 1], [], []>, transpose_lhs_hint = false} : vector<5000x128xf32>, vector<128x128xf32>, vector<5000x128xf32> -> vector<5000x128xf32>
    %get3A_32 = arith.constant 0 : index
    %get3A_33 = arith.constant 0 : index
    %get3A_34 = vector.load %arg2[%get3A_32, %get3A_33] : memref<5000x128xf32, #tpu.memory_space<vmem>>, vector<5000x128xf32>
    %mul3A_35 = arith.mulf %dot_general3A_31, %get3A_34 : vector<5000x128xf32>
    %swap3A = arith.constant 0 : index
    %swap3A_36 = arith.constant 0 : index
    %swap3A_37 = vector.load %arg5[%swap3A, %swap3A_36] : memref<5000x128xf32, #tpu.memory_space<vmem>>, vector<5000x128xf32>
    tpu.vector_store %arg5[%swap3A, %swap3A_36], %mul3A_35 {strides = array<i32>} : memref<5000x128xf32, #tpu.memory_space<vmem>>, vector<5000x128xf32>,
    return
  }
}

module attributes {stable_mosaic.version = 14 : i64} {
  func.func @body(%arg0: memref<5000x256xf32, #tpu.memory_space<vmem>>, %arg1: memref<128x64xf32, #tpu.memory_space<vmem>>, %arg2: memref<2x5000x16xf32, #tpu.memory_space<vmem>>, %arg3: memref<5000x128xf32, #tpu.memory_space<vmem>>, %arg4: memref<5000x128xf32, #tpu.memory_space<vmem>>) attributes {dimension_semantics = [], scalar_prefetch = 0 : i64, scratch_operands = 0 : i64, tpu.core_type = #tpu.core_type<tc>} {
    %get3A = arith.constant 0 : index
    %get3A_0 = arith.constant 0 : index
    %get3A_1 = arith.constant 0 : index
    %get3A_2 = vector.load %arg2[%get3A, %get3A_0, %get3A_1] : memref<2x5000x16xf32, #tpu.memory_space<vmem>>, vector<1x5000x16xf32>
    %get3A_3 = vector.shape_cast %get3A_2 : vector<1x5000x16xf32> to vector<5000x16xf32>
    %get3A_4 = arith.constant 1 : index
    %get3A_5 = arith.constant 0 : index
    %get3A_6 = arith.constant 0 : index
    %get3A_7 = vector.load %arg2[%get3A_4, %get3A_5, %get3A_6] : memref<2x5000x16xf32, #tpu.memory_space<vmem>>, vector<1x5000x16xf32>
    %get3A_8 = vector.shape_cast %get3A_7 : vector<1x5000x16xf32> to vector<5000x16xf32>
    %add3A = arith.addf %get3A_3, %get3A_8 : vector<5000x16xf32>
    %slice3A = vector.extract_strided_slice %add3A {offsets = [0, 0], sizes = [5000, 1], strides = [1, 1]} : vector<5000x16xf32> to vector<5000x1xf32>
    %add3A_9 = arith.constant 1.000000e+00 : f32
    %add3A_10 = vector.broadcast %add3A_9 : f32 to vector<5000x1xf32>
    %add3A_11 = arith.addf %slice3A, %add3A_10 : vector<5000x1xf32>
    %rsqrt3A = math.rsqrt %add3A_11 : vector<5000x1xf32>
    %slice3A_12 = vector.extract_strided_slice %add3A {offsets = [0, 8], sizes = [5000, 1], strides = [1, 1]} : vector<5000x16xf32> to vector<5000x1xf32>
    %add3A_13 = arith.constant 1.000000e+00 : f32
    %add3A_14 = vector.broadcast %add3A_13 : f32 to vector<5000x1xf32>
    %add3A_15 = arith.addf %slice3A_12, %add3A_14 : vector<5000x1xf32>
    %rsqrt3A_16 = math.rsqrt %add3A_15 : vector<5000x1xf32>
    %broadcast_in_dim3A = vector.shape_cast %rsqrt3A : vector<5000x1xf32> to vector<5000x1xf32>
    %broadcast_in_dim3A_17 = vector.broadcast %broadcast_in_dim3A : vector<5000x1xf32> to vector<5000x64xf32>
    %broadcast_in_dim3A_18 = vector.shape_cast %rsqrt3A_16 : vector<5000x1xf32> to vector<5000x1xf32>
    %broadcast_in_dim3A_19 = vector.broadcast %broadcast_in_dim3A_18 : vector<5000x1xf32> to vector<5000x64xf32>
    %concatenate3A = tpu.concatenate %broadcast_in_dim3A_17, %broadcast_in_dim3A_19 in 1 : vector<5000x64xf32>, vector<5000x64xf32> -> vector<5000x128xf32>
    %swap3A = arith.constant 0 : index
    %swap3A_20 = arith.constant 0 : index
    %swap3A_21 = vector.load %arg3[%swap3A, %swap3A_20] : memref<5000x128xf32, #tpu.memory_space<vmem>>, vector<5000x128xf32>
    tpu.vector_store %arg3[%swap3A, %swap3A_20], %concatenate3A {strides = array<i32>} : memref<5000x128xf32, #tpu.memory_space<vmem>>, vector<5000x128xf32>,
    %broadcast_in_dim3A_22 = arith.constant 0.000000e+00 : f32
    %broadcast_in_dim3A_23 = vector.broadcast %broadcast_in_dim3A_22 : f32 to vector<128x64xf32>
    %get3A_24 = arith.constant 0 : index
    %get3A_25 = arith.constant 0 : index
    %get3A_26 = vector.load %arg0[%get3A_24, %get3A_25] : memref<5000x256xf32, #tpu.memory_space<vmem>>, vector<5000x256xf32>
    %get3A_27 = arith.constant 0 : index
    %get3A_28 = arith.constant 0 : index
    %get3A_29 = vector.load %arg1[%get3A_27, %get3A_28] : memref<128x64xf32, #tpu.memory_space<vmem>>, vector<128x64xf32>
    %concatenate3A_30 = tpu.concatenate %get3A_29, %broadcast_in_dim3A_23 in 1 : vector<128x64xf32>, vector<128x64xf32> -> vector<128x128xf32>
    %concatenate3A_31 = tpu.concatenate %broadcast_in_dim3A_23, %get3A_29 in 1 : vector<128x64xf32>, vector<128x64xf32> -> vector<128x128xf32>
    %concatenate3A_32 = tpu.concatenate %concatenate3A_30, %concatenate3A_31 in 0 : vector<128x128xf32>, vector<128x128xf32> -> vector<256x128xf32>
    %dot_general3A = arith.constant dense<0.000000e+00> : vector<5000x128xf32>
    %dot_general3A_33 = tpu.matmul %get3A_26, %concatenate3A_32, %dot_general3A {dimension_numbers = #tpu.dot_dimension_numbers<[1], [0], [0], [1], [0, 0, 1, 1], [], []>, transpose_lhs_hint = false} : vector<5000x256xf32>, vector<256x128xf32>, vector<5000x128xf32> -> vector<5000x128xf32>
    %mul3A = arith.mulf %dot_general3A_33, %concatenate3A : vector<5000x128xf32>
    %swap3A_34 = arith.constant 0 : index
    %swap3A_35 = arith.constant 0 : index
    %swap3A_36 = vector.load %arg4[%swap3A_34, %swap3A_35] : memref<5000x128xf32, #tpu.memory_space<vmem>>, vector<5000x128xf32>
    tpu.vector_store %arg4[%swap3A_34, %swap3A_35], %mul3A {strides = array<i32>} : memref<5000x128xf32, #tpu.memory_space<vmem>>, vector<5000x128xf32>,
    return
  }
}

module attributes {stable_mosaic.version = 14 : i64} {
  func.func @body(%arg0: memref<2x5000x128xf32, #tpu.memory_space<vmem>>, %arg1: memref<5000x128xf32, #tpu.memory_space<vmem>>, %arg2: memref<5000x128xf32, #tpu.memory_space<vmem>>, %arg3: memref<1x64xf32, #tpu.memory_space<vmem>>, %arg4: memref<1x5000xi32, #tpu.memory_space<vmem>>, %arg5: memref<1x5000xi32, #tpu.memory_space<vmem>>, %arg6: memref<64x16xf32, #tpu.memory_space<vmem>>, %arg7: memref<1x16xf32, #tpu.memory_space<vmem>>, %arg8: memref<64x16xf32, #tpu.memory_space<vmem>>) attributes {dimension_semantics = [], scalar_prefetch = 0 : i64, scratch_operands = 0 : i64, tpu.core_type = #tpu.core_type<tc>} {
    %get3A = arith.constant 0 : index
    %get3A_0 = arith.constant 0 : index
    %get3A_1 = vector.load %arg3[%get3A, %get3A_0] : memref<1x64xf32, #tpu.memory_space<vmem>>, vector<1x64xf32>
    %get3A_2 = arith.constant 0 : index
    %get3A_3 = arith.constant 0 : index
    %get3A_4 = vector.load %arg3[%get3A_2, %get3A_3] : memref<1x64xf32, #tpu.memory_space<vmem>>, vector<1x64xf32>
    %concatenate3A = tpu.concatenate %get3A_1, %get3A_4 in 1 : vector<1x64xf32>, vector<1x64xf32> -> vector<1x128xf32>
    %get3A_5 = arith.constant 0 : index
    %get3A_6 = arith.constant 0 : index
    %get3A_7 = arith.constant 0 : index
    %get3A_8 = vector.load %arg0[%get3A_5, %get3A_6, %get3A_7] : memref<2x5000x128xf32, #tpu.memory_space<vmem>>, vector<1x5000x128xf32>
    %get3A_9 = vector.shape_cast %get3A_8 : vector<1x5000x128xf32> to vector<5000x128xf32>
    %get3A_10 = arith.constant 1 : index
    %get3A_11 = arith.constant 0 : index
    %get3A_12 = arith.constant 0 : index
    %get3A_13 = vector.load %arg0[%get3A_10, %get3A_11, %get3A_12] : memref<2x5000x128xf32, #tpu.memory_space<vmem>>, vector<1x5000x128xf32>
    %get3A_14 = vector.shape_cast %get3A_13 : vector<1x5000x128xf32> to vector<5000x128xf32>
    %add3A = arith.addf %get3A_9, %get3A_14 : vector<5000x128xf32>
    %get3A_15 = arith.constant 0 : index
    %get3A_16 = arith.constant 0 : index
    %get3A_17 = vector.load %arg1[%get3A_15, %get3A_16] : memref<5000x128xf32, #tpu.memory_space<vmem>>, vector<5000x128xf32>
    %add3A_18 = arith.addf %add3A, %get3A_17 : vector<5000x128xf32>
    %get3A_19 = arith.constant 0 : index
    %get3A_20 = arith.constant 0 : index
    %get3A_21 = vector.load %arg2[%get3A_19, %get3A_20] : memref<5000x128xf32, #tpu.memory_space<vmem>>, vector<5000x128xf32>
    %mul3A = arith.mulf %add3A_18, %get3A_21 : vector<5000x128xf32>
    %add3A_22 = vector.broadcast %concatenate3A : vector<1x128xf32> to vector<5000x128xf32>
    %add3A_23 = arith.addf %mul3A, %add3A_22 : vector<5000x128xf32>
    %iota3A = tpu.iota {dimensions = array<i32: 0>} : vector<64x5000xi32>
    %get3A_24 = arith.constant 0 : index
    %get3A_25 = arith.constant 0 : index
    %get3A_26 = vector.load %arg4[%get3A_24, %get3A_25] : memref<1x5000xi32, #tpu.memory_space<vmem>>, vector<1x5000xi32>
    %eq3A = vector.broadcast %get3A_26 : vector<1x5000xi32> to vector<64x5000xi32>
    %eq3A_27 = arith.cmpi eq, %eq3A, %iota3A : vector<64x5000xi32>
    %convert_element_type3A = arith.extui %eq3A_27 : vector<64x5000xi1> to vector<64x5000xi32>
    %convert_element_type3A_28 = arith.sitofp %convert_element_type3A : vector<64x5000xi32> to vector<64x5000xf32>
    %get3A_29 = arith.constant 0 : index
    %get3A_30 = arith.constant 0 : index
    %get3A_31 = vector.load %arg5[%get3A_29, %get3A_30] : memref<1x5000xi32, #tpu.memory_space<vmem>>, vector<1x5000xi32>
    %eq3A_32 = vector.broadcast %get3A_31 : vector<1x5000xi32> to vector<64x5000xi32>
    %eq3A_33 = arith.cmpi eq, %eq3A_32, %iota3A : vector<64x5000xi32>
    %convert_element_type3A_34 = arith.extui %eq3A_33 : vector<64x5000xi1> to vector<64x5000xi32>
    %convert_element_type3A_35 = arith.sitofp %convert_element_type3A_34 : vector<64x5000xi32> to vector<64x5000xf32>
    %slice3A = vector.extract_strided_slice %add3A_23 {offsets = [0, 0], sizes = [5000, 64], strides = [1, 1]} : vector<5000x128xf32> to vector<5000x64xf32>
    %dot_general3A = arith.constant dense<0.000000e+00> : vector<64x64xf32>
    %dot_general3A_36 = tpu.matmul %convert_element_type3A_28, %slice3A, %dot_general3A {dimension_numbers = #tpu.dot_dimension_numbers<[1], [0], [0], [1], [0, 0, 1, 1], [], []>, transpose_lhs_hint = false} : vector<64x5000xf32>, vector<5000x64xf32>, vector<64x64xf32> -> vector<64x64xf32>
    %slice3A_37 = vector.extract_strided_slice %add3A_23 {offsets = [0, 64], sizes = [5000, 64], strides = [1, 1]} : vector<5000x128xf32> to vector<5000x64xf32>
    %dot_general3A_38 = arith.constant dense<0.000000e+00> : vector<64x64xf32>
    %dot_general3A_39 = tpu.matmul %convert_element_type3A_35, %slice3A_37, %dot_general3A_38 {dimension_numbers = #tpu.dot_dimension_numbers<[1], [0], [0], [1], [0, 0, 1, 1], [], []>, transpose_lhs_hint = false} : vector<64x5000xf32>, vector<5000x64xf32>, vector<64x64xf32> -> vector<64x64xf32>
    %add3A_40 = arith.addf %dot_general3A_36, %dot_general3A_39 : vector<64x64xf32>
    %reduce_sum3A = arith.constant dense<0.000000e+00> : vector<64xf32>
    %reduce_sum3A_41 = vector.multi_reduction <add>, %convert_element_type3A_28, %reduce_sum3A [1] : vector<64x5000xf32> to vector<64xf32>
    %broadcast_in_dim3A = vector.shape_cast %reduce_sum3A_41 : vector<64xf32> to vector<64x1xf32>
    %reduce_sum3A_42 = arith.constant dense<0.000000e+00> : vector<64xf32>
    %reduce_sum3A_43 = vector.multi_reduction <add>, %convert_element_type3A_35, %reduce_sum3A_42 [1] : vector<64x5000xf32> to vector<64xf32>
    %broadcast_in_dim3A_44 = vector.shape_cast %reduce_sum3A_43 : vector<64xf32> to vector<64x1xf32>
    %add3A_45 = arith.addf %broadcast_in_dim3A, %broadcast_in_dim3A_44 : vector<64x1xf32>
    %max3A = arith.constant 1.000000e+00 : f32
    %max3A_46 = vector.broadcast %max3A : f32 to vector<64x1xf32>
    %max3A_47 = arith.maximumf %add3A_45, %max3A_46 : vector<64x1xf32>
    %div3A = vector.broadcast %max3A_47 : vector<64x1xf32> to vector<64x64xf32>
    %div3A_48 = arith.divf %add3A_40, %div3A : vector<64x64xf32>
    %get3A_49 = arith.constant 0 : index
    %get3A_50 = arith.constant 0 : index
    %get3A_51 = vector.load %arg6[%get3A_49, %get3A_50] : memref<64x16xf32, #tpu.memory_space<vmem>>, vector<64x16xf32>
    %dot_general3A_52 = arith.constant dense<0.000000e+00> : vector<64x16xf32>
    %dot_general3A_53 = tpu.matmul %div3A_48, %get3A_51, %dot_general3A_52 {dimension_numbers = #tpu.dot_dimension_numbers<[1], [0], [0], [1], [0, 0, 1, 1], [], []>, transpose_lhs_hint = false} : vector<64x64xf32>, vector<64x16xf32>, vector<64x16xf32> -> vector<64x16xf32>
    %get3A_54 = arith.constant 0 : index
    %get3A_55 = arith.constant 0 : index
    %get3A_56 = vector.load %arg7[%get3A_54, %get3A_55] : memref<1x16xf32, #tpu.memory_space<vmem>>, vector<1x16xf32>
    %add3A_57 = vector.broadcast %get3A_56 : vector<1x16xf32> to vector<64x16xf32>
    %add3A_58 = arith.addf %dot_general3A_53, %add3A_57 : vector<64x16xf32>
    %swap3A = arith.constant 0 : index
    %swap3A_59 = arith.constant 0 : index
    %swap3A_60 = vector.load %arg8[%swap3A, %swap3A_59] : memref<64x16xf32, #tpu.memory_space<vmem>>, vector<64x16xf32>
    tpu.vector_store %arg8[%swap3A, %swap3A_59], %add3A_58 {strides = array<i32>} : memref<64x16xf32, #tpu.memory_space<vmem>>, vector<64x16xf32>,
    return
  }
}

</mosaic_0001>

<sc_bundles>
// kernel: kernel.10.cloned.1.call-start
scs
__scs_entry_jumppad:
0x0: {  	(pc) =	sbr.rel $0x88, $3  }
0x1: {  	(tag) =	ssettag $0x0;
	lr =	simm.s32 $0x1  }
0x2: {  	[smem:$0x3F96] =	sst lr;
	_ =	strace $0xD0000000  }
0x3: {  	_ = 	snop  }
0x4: {  	_ = 	snop  }
0x5: {  	_ = 	snop  }
0x6: {  	_ = 	snop  }
0x7: {  	_ = 	snop  }
__scs_overlays_trampoline_lowered:
0x8: {  	[smem:$0x3FA5] =	sst s0  }
0x9: {  	[smem:$0x3FA6] =	sst s1  }
0xa: {  	[smem:$0x3FA7] =	sst s2  }
0xb: {  	[smem:$0x3FA8] =	sst s3  }
0xc: {  	[smem:$0x3FA9] =	sst s4  }
0xd: {  	[smem:$0x3FAA] =	sst s5  }
0xe: {  	[smem:$0x3FAB] =	sst s6  }
0xf: {  	[smem:$0x3FAC] =	sst s7  }
0x10: {  	[smem:$0x3FAD] =	sst s8  }
0x11: {  	[smem:$0x3FAE] =	sst s9;
	s0 =	simm.s32 @!p0 $0x0  }
0x12: {  	s1 =	sld [smem:$0x3F94];
	s0 =	simm.s32 @p0 $0x1  }
0x13: {  	[smem:$0x3FAF] =	sst s0;
	s0 =	simm.s32 @!p1 $0x0  }
0x14: {  	s2 =	sld [smem:$0x3F93];
	s0 =	simm.s32 @p1 $0x1  }
0x15: {  	[smem:$0x3FB0] =	sst s0;
	s0 =	simm.s32 @!p2 $0x0  }
0x16: {  	s3 =	sld [smem:$0x3FDB];
	s0 =	simm.s32 @p2 $0x1  }
0x17: {  	s4 =	simm.s32 $0x1BF5;
	[smem:$0x3FB2] =	sst s0  }
0x18: {  	s0 =	sld [smem:$0x3F95];
	_ =	swait.ge [sflag:s4], $0x0  }
0x19: {  	s7 =	sld [smem:$0x3F96]  }
0x1a: {  	s8 =	sadd.s32 $0xFFFFE003, lr  }
0x1b: {  	s9 =	sadd.s32 $0xFFFFFEF7, lr;
	s5 =	simm.s32 $0xFFFFFFFF;
	p2 =	slt.u32 s8, $0xFFFFF086  }
0x1c: {  	p1 =	slt.u32 s9, $0xF7A;
	s5 =	simm.s32 @!p2 $0x0  }
0x1d: {  	s5 =	simm.s32 @p1 $0x1;
	p0 =	seq.s32 s7, s2  }
0x1e: {  	s7 =	smul.u32 @!p0 $0xF7A, s2;
	p2 =	seq.s32 @!p0 s5, $0x0  }
0x1f: {  	s9 =	smul.u32 $0xF7A, s1;
	s8 =	simm.s32 @!p0 $0x1BF5;
	p2 =	por !p2, p0  }
0x20: {  	[sflag:s8] =	ssyncset.s32 @!p0 $0xFFFFF086;
	s6 =	sadd.s32 @!p0 s3, s7;
	s7 =	simm.s32 @!p0 $0x108  }
0x21: {  	s3 =	sadd.s32 s3, s9;
	s6 =	sadd.s32 @!p0 $0x88, s6;
	s7 =	simm.s32 @p2 $0x1082  }
0x22: {  	[simem:s7], [sflag:s8] =	dma.local @!p0 [hbm:s6], $0xF7A  }
0x23: {  	s9 =	sor.u32 $0xD0000000, s2;
	s6 =	simm.s32 $0x108;
	_ =	swait.ge @!p0 [sflag:s8], $0x0  }
0x24: {  	s3 =	sadd.s32 $0x88, s3;
	s6 =	simm.s32 @!p1 $0x1082;
	[sflag:s4] =	ssyncset.s32 $0xFFFFF086  }
0x25: {  	[simem:s6], [sflag:s4] =	dma.local [hbm:s3], $0xF7A  }
0x26: {  	[smem:$0x3F96] =	sst s1;
	(tag) =	ssettag s2;
	_ =	strace s9  }
0x27: {  	s1 =	sld [smem:$0x3FA6]  }
0x28: {  	s2 =	sld [smem:$0x3FA7]  }
0x29: {  	s4 =	sld [smem:$0x3FA9]  }
0x2a: {  	p0 =	seq.s32 s5, $0x0;
	s5 =	sld [smem:$0x3FAA]  }
0x2b: {  	s6 =	sld [smem:$0x3FAB]  }
0x2c: {  	s7 =	sld [smem:$0x3FAC]  }
0x2d: {  	s3 =	simm.s32 $0x108;
	s8 =	sld [smem:$0x3FAD]  }
0x2e: {  	s3 =	simm.s32 @!p0 $0x1082;
	s9 =	sld [smem:$0x3FAE]  }
0x2f: {  	lr =	sadd.s32 s0, s3;
	s0 =	sld [smem:$0x3FA5]  }
0x30: {  	s3 =	sld [smem:$0x3FA8]  }
0x31: {  	[smem:$0x3FB1] =	sst s10  }
0x32: {  	s10 =	sld [smem:$0x3FAF];
	_ =	sdelay $0x3  }
0x33: {  	p0 =	seq.s32 s10, $0x1;
	s10 =	sld [smem:$0x3FB1];
	_ =	sdelay $0x3  }
0x34: {  	[smem:$0x3FB1] =	sst s10  }
0x35: {  	s10 =	sld [smem:$0x3FB0];
	_ =	sdelay $0x3  }
0x36: {  	p1 =	seq.s32 s10, $0x1;
	s10 =	sld [smem:$0x3FB1];
	_ =	sdelay $0x3  }
0x37: {  	[smem:$0x3FB1] =	sst s10  }
0x38: {  	s10 =	sld [smem:$0x3FB2]  }
0x39: {  	_ = 	snop;
	(pc) =	sbr.ind lr, $3  }
0x3a: {  	_ = 	snop  }
0x3b: {  	_ = 	snop  }
0x3c: {  	p2 =	seq.s32 s10, $0x1;
	s10 =	sld [smem:$0x3FB1]  }
0x3d: {  	_ =	shalt  }
0x3e: {  	_ =	shalt  }
0x3f: {  	_ =	shalt  }
0x40: {  	_ =	shalt  }
0x41: {  	_ =	shalt  }
0x42: {  	_ =	shalt  }
0x43: {  	_ =	shalt  }
0x44: {  	_ =	shalt  }
0x45: {  	_ =	shalt  }
0x46: {  	_ =	shalt  }
0x47: {  	_ =	shalt  }
0x48: {  	_ =	shalt  }
0x49: {  	_ =	shalt  }
0x4a: {  	_ =	shalt  }
0x4b: {  	_ =	shalt  }
0x4c: {  	_ =	shalt  }
0x4d: {  	_ =	shalt  }
0x4e: {  	_ =	shalt  }
0x4f: {  	_ =	shalt  }
0x50: {  	_ =	shalt  }
0x51: {  	_ =	shalt  }
0x52: {  	_ =	shalt  }
0x53: {  	_ =	shalt  }
0x54: {  	_ =	shalt  }
0x55: {  	_ =	shalt  }
0x56: {  	_ =	shalt  }
0x57: {  	_ =	shalt  }
0x58: {  	_ =	shalt  }
0x59: {  	_ =	shalt  }
0x5a: {  	_ =	shalt  }
0x5b: {  	_ =	shalt  }
0x5c: {  	_ =	shalt  }
0x5d: {  	_ =	shalt  }
0x5e: {  	_ =	shalt  }
0x5f: {  	_ =	shalt  }
0x60: {  	_ =	shalt  }
0x61: {  	_ =	shalt  }
0x62: {  	_ =	shalt  }
0x63: {  	_ =	shalt  }
0x64: {  	_ =	shalt  }
0x65: {  	_ =	shalt  }
0x66: {  	_ =	shalt  }
0x67: {  	_ =	shalt  }
0x68: {  	_ =	shalt  }
0x69: {  	_ =	shalt  }
0x6a: {  	_ =	shalt  }
0x6b: {  	_ =	shalt  }
0x6c: {  	_ =	shalt  }
0x6d: {  	_ =	shalt  }
0x6e: {  	_ =	shalt  }
0x6f: {  	_ =	shalt  }
0x70: {  	_ =	shalt  }
0x71: {  	_ =	shalt  }
0x72: {  	_ =	shalt  }
0x73: {  	_ =	shalt  }
0x74: {  	_ =	shalt  }
0x75: {  	_ =	shalt  }
0x76: {  	_ =	shalt  }
0x77: {  	_ =	shalt  }
0x78: {  	_ =	shalt  }
0x79: {  	_ =	shalt  }
0x7a: {  	_ =	shalt  }
0x7b: {  	_ =	shalt  }
0x7c: {  	_ =	shalt  }
0x7d: {  	_ =	shalt  }
0x7e: {  	_ =	shalt  }
0x7f: {  	_ =	shalt  }
0x80: {  	_ =	shalt  }
0x81: {  	_ =	shalt  }
0x82: {  	_ =	shalt  }
0x83: {  	_ =	shalt  }
0x84: {  	_ =	shalt  }
0x85: {  	_ =	shalt  }
0x86: {  	_ =	shalt  }
0x87: {  	_ =	shalt  }
.Lfunc_end0:
.L_simem_size_0:
called_computation_lowered:
.L_overlay_start_0:
0x88: {  	s2 =	sld [smem:$0x3FD9]  }
0x89: {  	s3 =	sld [smem:$0x3FFE];
	_ =	sdelay $0x1  }
0x8a: {  	s1 =	srdreg.scid  }
0x8b: {  	s0 =	sand.u32 $0x1, s1  }
0x8c: {  	s17 =	sshll.u32 s0, $0xA;
	s2 =	sadd.s32 s3, s2  }
0x8d: {  	s2 =	sadd.s32 s2, s17  }
0x8e: {  	[smem:$0x3FBD] =	sst s2  }
0x8f: {  	_ = 	snop  }
0x90: {  	s2 =	sld [smem:$0x3FC8]  }
0x91: {  	s18 =	sld [smem:$0x3FD0];
	(tm) =	ssettm $0x1  }
0x92: {  	s4 =	sld [smem:$0x3FFB];
	_ =	sdelay $0x3  }
0x93: {  	_ =	strace s4  }
0x94: {  	s4 =	sld [smem:$0x3FFC];
	_ =	sdelay $0x3  }
0x95: {  	_ =	strace s4  }
0x96: {  	s4 =	sld [smem:$0x3FFD];
	_ =	sdelay $0x3  }
0x97: {  	_ =	strace s4  }
0x98: {  	_ =	strace $0x8FFFFFFF  }
0x99: {  	s19 =	sld [smem:$0x3FDB];
	_ =	sdelay $0x1  }
0x9a: {  	s5 =	simm.s32 $_scs_section_size  }
0x9b: {  	s6 =	simm.s32 $_size__tile_overlayer_lowered;
	s7 =	simm.s32 $_tile_overlayer_lowered  }
0x9c: {  	s22 =	simm.s32 $0x1BFF;
	s21 =	sshll.u32 s7, $0x1;
	s4 =	sadd.s32 s5, s19  }
0x9d: {  	s8 =	simm.s32 $0x0;
	s20 =	sshll.u32 s6, $0x1;
	s6 =	sadd.s32 s21, s4  }
0x9e: {  	[timem:s8], [sflag:s22] =	dma.local [hbm:s6], s20  }
0x9f: {  	_ =	swait.ge [sflag:s22], s20  }
0xa0: {  	s5 =	ssub.s32 $0x0, s20;
	[sflag:s22] =	ssyncset.done $0x0  }
0xa1: {  	[sflag:s22] =	ssyncadd.s32 s5;
	_ =	sdelay $0x1  }
0xa2: {  	s23 =	simm.s32 $0x1B8B  }
0xa3: {  	_ =	swait.ge [sflag:s23], $0x1  }
0xa4: {  	[sflag:s23] =	ssyncset.done $0x0  }
0xa5: {  	s25 =	simm.s32 $0x1B8E;
	s24 =	sld [smem:$0x3FFE];
	[sflag:s23] =	ssyncadd.s32 $0xFFFFFFFF  }
0xa6: {  	s26 =	simm.s32 $execute0_lowered;
	[smem:$0x3FD2] =	sst s25  }
0xa7: {  	s6 =	sshll.u32 s26, $0x1;
	_ =	strace $0x80000046;
	[dreg:$0x1] =	wrdreg $0xFFFFFFFF  }
0xa8: {  	s28 =	simm.s32 $_size_execute0_lowered;
	s4 =	sadd.s32 s4, s6;
	[dreg:$0x0] =	wrdreg $0x0  }
0xa9: {  	s6 =	sshll.u32 s28, $0x1;
	[dreg:$0x2] =	wrdreg s4  }
0xaa: {  	[dreg:$0x3] =	wrdreg s6  }
0xab: {  	[dreg:$0x4] =	wrdreg $0xC0  }
0xac: {  	_ =	task [dreg:s8], $0x5FFFF  }
0xad: {  	[dreg:$0x1] =	wrdreg $0xFFFFFFFF  }
0xae: {  	[dreg:$0x0] =	wrdreg $0x60  }
0xaf: {  	[dreg:$0x2] =	wrdreg s2  }
0xb0: {  	[dreg:$0x3] =	wrdreg s18  }
0xb1: {  	[dreg:$0x4] =	wrdreg s24  }
0xb2: {  	[dreg:$0x5] =	wrdreg $0x53000  }
0xb3: {  	[dreg:$0x6] =	wrdreg $0x9  }
0xb4: {  	_ =	task.clear_ibuf [dreg:s8], $0x7FFFF;
	_ =	strace $0x90000046  }
0xb5: {  	s29 =	simm.s32 $0x9;
	_ =	strace $0x80000048  }
0xb6: {  	_ =	swait.ge [sflag:s29], $0x1  }
0xb7: {  	[sflag:s29] =	ssyncadd.s32 $0xFFFFFFFF  }
0xb8: {  	_ =	strace $0x90000048  }
0xb9: {  	_ =	sfence  }
0xba: {  	s30 =	sld [smem:$0x0];
	_ =	sdelay $0x2  }
0xbb: {  	s31 =	sshll.u32 s1, $0xD;
	s1 =	sshrl.u32 s1, $0x2  }
0xbc: {  	s3 =	sand.u32 $0x4000, s31;
	s1 =	sadd.s32 s1, s30  }
0xbd: {  	s0 =	sor.u32 s3, s0;
	s1 =	sshll.u32 s1, $0x11  }
0xbe: {  	s0 =	sor.u32 s1, s0  }
0xbf: {  	s0 =	sadd.s32 $0x8F2B, s0  }
0xc0: {  	[sflag:s0] =	ssyncadd.remote.s32 $0x1  }
0xc1: {  	_ =	sfence.sel $0xFFFF  }
0xc2: {  	[dreg:$0x0] =	wrdreg $0xFFFFFFFF;
	(pc) =	sbr.abs _section_cstart, $3  }
0xc3: {  	[dreg:$0x1] =	wrdreg $0xFFFFFFFF  }
0xc4: {  	_ =	task.clear_ibuf [dreg:s8], $0x2FFFF;
	_ =	strace $0x9FFFFFFF  }
0xc5: {  	(tm) =	ssettm $0x7FFFFFFF  }
tec
execute0_lowered:
.L_overlay_start_1:
0x0: {  	(tag) =	ssettag $0x1  }
0x1: {  	s0 =	rddreg [dreg:$0x0]  }
0x2: {  	s6 =	rddreg [dreg:$0x2]  }
0x3: {  	s2 =	rddreg [dreg:$0x3]  }
0x4: {  	s3 =	simm.s32 $0x0;
	s4 =	srdreg.scid;
	s15 =	simm.s32 $0x7  }
0x5: {  	s18 =	simm.s32 $0x1;
	s19 =	simm.s32 $0x3;
	s20 =	simm.s32 $0x80  }
0x6: {  	s21 =	simm.s32 $0x180;
	s22 =	simm.s32 $0x280;
	s28 =	simm.s32 $0x4  }
0x7: {  	s29 =	simm.s32 $0x5;
	s30 =	simm.s32 $0x6;
	[smem:$0x7FF] =	sst s3  }
0x8: {  	s7 =	sand.u32 $0x1, s4;
	s4 =	stileid.u32;
	s5 =	sadd.s32 $0x3800, s6  }
0x9: {  	_ =	strace $0x80000047;
	s8 =	smul.u32 $0x2710, s7;
	s9 =	sshll.u32 s7, $0x4  }
0xa: {  	s7 =	ssub.s32 $0x2, s7;
	s26 =	sshll.u32 s4, $0x5;
	s10 =	smul.u32 $0x4E00, s4  }
0xb: {  	s11 =	smul.u32 $0x1380, s4;
	s14 =	sshll.u32 s4, $0x6;
	p1 =	seq.s32 s4, $0xF  }
0xc: {  	s13 =	sor.u32 s4, s9;
	s24 =	sshrl.u32 s7, $0x1;
	s16 =	sor.u32 $0x1C07, s14  }
0xd: {  	s23 =	sadd.s32 s8, s6;
	s25 =	smul.u32 $0x9C0, s13;
	s12 =	ssub.s32 s7, s24  }
0xe: {  	s7 =	sadd.s32 $0x12480, s2;
	s31 =	sshrl.u32 s10, $0x2;
	s10 =	sshrl.u32 s11, $0x3  }
0xf: {  	s11 =	sadd.s32 s11, s2;
	p0 =	sgt.u32 s13, $0x3;
	s13 =	simm.s32 $0x4F00  }
0x10: {  	s24 =	simm.s32 $0x480;
	s9 =	sadd.s32 $0x3C00, s23;
	s12 =	smax.u32 s12, $0x1  }
0x11: {  	s23 =	simm.s32 $0x380;
	s6 =	sadd.s32 s0, s25;
	s0 =	sadd.s32 s26, s0  }
0x12: {  	s25 =	simm.s32 $0x580;
	s8 =	sadd.s32 $0x13800, s0;
	s0 =	sadd.s32 s31, s2  }
0x13: {  	s26 =	simm.s32 $0x2;
	s17 =	sshrl.u32 s0, $0x3;
	s0 =	simm.s32 $0x0  }
.LBB2_1:
.Ltmp0:
0x14: {  	(pc) =	sbr.rel @p0 .LBB2_3-.Ltmp0, $4  }
0x15: {  	_ = 	snop  }
0x16: {  	[tilespmem:s3], [sflag:$0x1] =	stream.linear.gather [hbm4b:s6+s3], $0x4E00, $0x38;
	[tilespmem:$0x6688] =	vst v63  }
0x17: {  	s1 =	rddreg [dreg:$0x1]  }
0x18: {  	[tilespmem:s13], [sflag:$0x3] =	stream.linear.gather [hbm4b:s1+s3], $0x400, $0x38;
	[tilespmem:$0x6688] =	vst v63  }
.Ltmp1:
0x19: {  	s1 =	simm.s32 $0x4E00;
	(pc) =	sbr.rel .LBB2_4-.Ltmp1, $4  }
0x1a: {  	[tilespmem:s1], [sflag:$0x7] =	stream.linear.gather [hbm4b:s8+s3], $0x100, $0x38;
	[tilespmem:$0x6688] =	vst v63  }
0x1b: {  	_ =	swait.ge [sflag:s15], $0x100  }
0x1c: {  	[sflag:s15] =	ssyncset.done $0x0  }
0x1d: {  	[sflag:s15] =	ssyncadd.s32 $0xFFFFFF00  }
.LBB2_3:
.Ltmp2:
0x1e: {  	(pc) =	sbr.rel @!p1 .LBB2_4-.Ltmp2, $1  }
0x1f: {  	_ =	sdelay $0x3  }
.Ltmp3:
0x20: {  	s14 =	sshrl.u32 s7, $0x3;
	s1 =	simm.s32 $0x1FC7;
	(pc) =	sbr.rel .LBB2_6-.Ltmp3, $4  }
0x21: {  	[spmem:s14], [sflag:s1] =	dma.local [hbm:s5], $0x280  }
0x22: {  	_ =	swait.ge [sflag:s15], $0x280  }
0x23: {  	[sflag:s15] =	ssyncset.done $0x0  }
0x24: {  	p2 =	por $0x1, $0x1;
	[sflag:s15] =	ssyncadd.s32 $0xFFFFFD80  }
.LBB2_4:
0x25: {  	[spmem:s17], [sflag:s16] =	dma.local [hbm:s5], $0x270  }
0x26: {  	_ =	swait.ge [sflag:s15], $0x270  }
0x27: {  	[sflag:s15] =	ssyncset.done $0x0  }
0x28: {  	p2 =	por $0x0, $0x0;
	[sflag:s15] =	ssyncadd.s32 $0xFFFFFD90  }
.LBB2_6:
0x29: {  	_ =	swait.ge [sflag:s18], $0x4E00  }
0x2a: {  	[sflag:s18] =	ssyncset.done $0x0  }
0x2b: {  	[sflag:s18] =	ssyncadd.s32 $0xFFFFB200  }
0x2c: {  	_ =	swait.ge [sflag:s19], $0x400  }
0x2d: {  	[sflag:s19] =	ssyncset.done $0x0  }
0x2e: {  	s14 =	simm.s32 @!p0 $0x80;
	[sflag:s19] =	ssyncadd.s32 $0xFFFFFC00  }
0x2f: {  	s31 =	simm.s32 @!p0 $0x4E80;
	s1 =	simm.s32 @!p0 $0x4F00;
	[bflag:$0x0] =	sbarrier.arrive $0xFFFF  }
0x30: {  	[spmem:s2] =	stream.indirect.scatter.add.f32 @!p0 [tilespmem:s1], [sflag:$0x7], $0x8, s31, s14, $0xb8;
	[tilespmem:$0x6688] =	vst v63  }
0x31: {  	s1 =	simm.s32 @!p0 $0x7  }
0x32: {  	_ =	swait.ge @!p0 [sflag:s1], $0x400  }
0x33: {  	[sflag:s1] =	ssyncset.done @!p0 $0x0  }
0x34: {  	[sflag:s1] =	ssyncadd.s32 @!p0 $0xFFFFFC00  }
0x35: {  	[spmem:s2] =	stream.indirect.scatter.add.f32 [tilespmem:s13], [sflag:$0x1], $0x8, s20, s20, $0xb8;
	[tilespmem:$0x6688] =	vst v63  }
0x36: {  	_ = 	snop  }
0x37: {  	[spmem:s2] =	stream.indirect.scatter.add.f32 [tilespmem:s13], [sflag:$0x2], $0x8, s21, s20, $0xb8;
	[tilespmem:$0x6688] =	vst v63  }
0x38: {  	_ = 	snop  }
0x39: {  	[spmem:s2] =	stream.indirect.scatter.add.f32 [tilespmem:s13], [sflag:$0x3], $0x8, s22, s20, $0xb8;
	[tilespmem:$0x6688] =	vst v63  }
0x3a: {  	_ = 	snop  }
0x3b: {  	[spmem:s2] =	stream.indirect.scatter.add.f32 [tilespmem:s13], [sflag:$0x4], $0x8, s23, s20, $0xb8;
	[tilespmem:$0x6688] =	vst v63  }
0x3c: {  	_ = 	snop  }
0x3d: {  	[spmem:s2] =	stream.indirect.scatter.add.f32 [tilespmem:s13], [sflag:$0x5], $0x8, s24, s20, $0xb8;
	[tilespmem:$0x6688] =	vst v63  }
0x3e: {  	_ = 	snop  }
0x3f: {  	[spmem:s2] =	stream.indirect.scatter.add.f32 [tilespmem:s13], [sflag:$0x6], $0x8, s25, s20, $0xb8;
	[tilespmem:$0x6688] =	vst v63  }
0x40: {  	_ =	swait.ge [sflag:s18], $0x400  }
0x41: {  	[sflag:s18] =	ssyncset.done $0x0  }
0x42: {  	s14 =	simm.s32 $0x680;
	[sflag:s18] =	ssyncadd.s32 $0xFFFFFC00  }
0x43: {  	[spmem:s2] =	stream.indirect.scatter.add.f32 [tilespmem:s13], [sflag:$0x1], $0x8, s14, s20, $0xb8;
	[tilespmem:$0x6688] =	vst v63  }
0x44: {  	_ =	swait.ge [sflag:s26], $0x400  }
0x45: {  	[sflag:s26] =	ssyncset.done $0x0  }
0x46: {  	s14 =	simm.s32 $0x780;
	[sflag:s26] =	ssyncadd.s32 $0xFFFFFC00  }
0x47: {  	[spmem:s2] =	stream.indirect.scatter.add.f32 [tilespmem:s13], [sflag:$0x2], $0x8, s14, s20, $0xb8;
	[tilespmem:$0x6688] =	vst v63  }
0x48: {  	_ =	swait.ge [sflag:s19], $0x400  }
0x49: {  	[sflag:s19] =	ssyncset.done $0x0  }
0x4a: {  	s14 =	simm.s32 $0x880;
	[sflag:s19] =	ssyncadd.s32 $0xFFFFFC00  }
0x4b: {  	[spmem:s2] =	stream.indirect.scatter.add.f32 [tilespmem:s13], [sflag:$0x3], $0x8, s14, s20, $0xb8;
	[tilespmem:$0x6688] =	vst v63  }
0x4c: {  	_ =	swait.ge [sflag:s28], $0x400  }
0x4d: {  	[sflag:s28] =	ssyncset.done $0x0  }
0x4e: {  	s14 =	simm.s32 $0x980;
	[sflag:s28] =	ssyncadd.s32 $0xFFFFFC00  }
0x4f: {  	[spmem:s2] =	stream.indirect.scatter.add.f32 [tilespmem:s13], [sflag:$0x4], $0x8, s14, s20, $0xb8;
	[tilespmem:$0x6688] =	vst v63  }
0x50: {  	_ =	swait.ge [sflag:s29], $0x400  }
0x51: {  	[sflag:s29] =	ssyncset.done $0x0  }
0x52: {  	s14 =	simm.s32 $0xA80;
	[sflag:s29] =	ssyncadd.s32 $0xFFFFFC00  }
0x53: {  	[spmem:s2] =	stream.indirect.scatter.add.f32 [tilespmem:s13], [sflag:$0x5], $0x8, s14, s20, $0xb8;
	[tilespmem:$0x6688] =	vst v63  }
0x54: {  	_ =	swait.ge [sflag:s30], $0x400  }
0x55: {  	[sflag:s30] =	ssyncset.done $0x0  }
0x56: {  	s31 =	simm.s32 $0x1800;
	s14 =	simm.s32 $0xB80;
	[sflag:s30] =	ssyncadd.s32 $0xFFFFFC00  }
.LBB2_7:
0x57: {  	[spmem:s2] =	stream.indirect.scatter.add.f32 [tilespmem:s13], [sflag:$0x6], $0x8, s14, s20, $0xb8;
	[tilespmem:$0x6688] =	vst v63  }
0x58: {  	s1 =	smov.u32 s31  }
0x59: {  	p3 =	sne.s32 s31, $0x10800;
	s31 =	sadd.s32 $0x1800, s31;
	_ =	swait.ge [sflag:s18], $0x400  }
0x5a: {  	s1 =	sshra.s32 s1, $0x2;
	[sflag:s18] =	ssyncset.done $0x0  }
0x5b: {  	s14 =	sadd.s32 $0x680, s1;
	[sflag:s18] =	ssyncadd.s32 $0xFFFFFC00  }
0x5c: {  	[spmem:s2] =	stream.indirect.scatter.add.f32 [tilespmem:s13], [sflag:$0x1], $0x8, s14, s20, $0xb8;
	[tilespmem:$0x6688] =	vst v63  }
0x5d: {  	_ =	swait.ge [sflag:s26], $0x400  }
0x5e: {  	[sflag:s26] =	ssyncset.done $0x0  }
0x5f: {  	s14 =	sadd.s32 $0x780, s1;
	[sflag:s26] =	ssyncadd.s32 $0xFFFFFC00  }
0x60: {  	[spmem:s2] =	stream.indirect.scatter.add.f32 [tilespmem:s13], [sflag:$0x2], $0x8, s14, s20, $0xb8;
	[tilespmem:$0x6688] =	vst v63  }
0x61: {  	_ =	swait.ge [sflag:s19], $0x400  }
0x62: {  	[sflag:s19] =	ssyncset.done $0x0  }
0x63: {  	s14 =	sadd.s32 $0x880, s1;
	[sflag:s19] =	ssyncadd.s32 $0xFFFFFC00  }
0x64: {  	[spmem:s2] =	stream.indirect.scatter.add.f32 [tilespmem:s13], [sflag:$0x3], $0x8, s14, s20, $0xb8;
	[tilespmem:$0x6688] =	vst v63  }
0x65: {  	_ =	swait.ge [sflag:s28], $0x400  }
0x66: {  	[sflag:s28] =	ssyncset.done $0x0  }
0x67: {  	s14 =	sadd.s32 $0x980, s1;
	[sflag:s28] =	ssyncadd.s32 $0xFFFFFC00  }
0x68: {  	[spmem:s2] =	stream.indirect.scatter.add.f32 [tilespmem:s13], [sflag:$0x4], $0x8, s14, s20, $0xb8;
	[tilespmem:$0x6688] =	vst v63  }
0x69: {  	_ =	swait.ge [sflag:s29], $0x400  }
0x6a: {  	[sflag:s29] =	ssyncset.done $0x0  }
.Ltmp4:
0x6b: {  	s14 =	sadd.s32 $0xA80, s1;
	[sflag:s29] =	ssyncadd.s32 $0xFFFFFC00;
	(pc) =	sbr.rel @p3 .LBB2_7-.Ltmp4, $4  }
0x6c: {  	[spmem:s2] =	stream.indirect.scatter.add.f32 [tilespmem:s13], [sflag:$0x5], $0x8, s14, s20, $0xb8;
	[tilespmem:$0x6688] =	vst v63  }
0x6d: {  	_ =	swait.ge [sflag:s30], $0x400  }
0x6e: {  	[sflag:s30] =	ssyncset.done $0x0  }
0x6f: {  	s14 =	sadd.s32 $0xB80, s1;
	[sflag:s30] =	ssyncadd.s32 $0xFFFFFC00  }
0x70: {  	[spmem:s2] =	stream.indirect.scatter.add.f32 [tilespmem:s13], [sflag:$0x6], $0x8, s14, s20, $0xb8;
	[tilespmem:$0x6688] =	vst v63  }
0x71: {  	_ =	swait.ge [sflag:s18], $0x400  }
0x72: {  	[sflag:s18] =	ssyncset.done $0x0  }
0x73: {  	[sflag:s18] =	ssyncadd.s32 $0xFFFFFC00  }
0x74: {  	_ =	swait.ge [sflag:s26], $0x400  }
0x75: {  	[sflag:s26] =	ssyncset.done $0x0  }
0x76: {  	[sflag:s26] =	ssyncadd.s32 $0xFFFFFC00  }
0x77: {  	_ =	swait.ge [sflag:s19], $0x400  }
0x78: {  	[sflag:s19] =	ssyncset.done $0x0  }
0x79: {  	[sflag:s19] =	ssyncadd.s32 $0xFFFFFC00  }
0x7a: {  	_ =	swait.ge [sflag:s28], $0x400  }
0x7b: {  	[sflag:s28] =	ssyncset.done $0x0  }
0x7c: {  	[sflag:s28] =	ssyncadd.s32 $0xFFFFFC00  }
0x7d: {  	_ =	swait.ge [sflag:s29], $0x400  }
0x7e: {  	[sflag:s29] =	ssyncset.done $0x0  }
0x7f: {  	[sflag:s29] =	ssyncadd.s32 $0xFFFFFC00  }
0x80: {  	_ =	swait.ge [sflag:s30], $0x400  }
0x81: {  	[sflag:s30] =	ssyncset.done $0x0  }
0x82: {  	s1 =	sshll.u32 @p2 s4, $0x6;
	s14 =	sadd.s32 @p2 $0x2490, s9;
	[sflag:s30] =	ssyncadd.s32 $0xFFFFFC00  }
0x83: {  	s31 =	sshrl.u32 @p2 s7, $0x3;
	s1 =	sor.u32 @p2 $0x1C07, s1;
	[bflag:$0x0] =	sbarrier.arrive $0xFFFF  }
0x84: {  	[hbm:s14], [sflag:s1] =	dma.local @p2 [spmem:s31], $0x280  }
0x85: {  	s1 =	simm.s32 @p2 $0x7  }
0x86: {  	_ =	swait.ge @p2 [sflag:s1], $0x280  }
0x87: {  	s0 =	sadd.s32 $0x1, s0;
	[sflag:s1] =	ssyncset.done @p2 $0x0  }
0x88: {  	p3 =	sne.s32 s0, s12;
	[sflag:s1] =	ssyncadd.s32 @p2 $0xFFFFFD80;
	s1 =	sshll.u32 @!p2 s4, $0x6  }
0x89: {  	s14 =	sadd.s32 @!p2 s10, s9;
	s31 =	sshrl.u32 @!p2 s11, $0x3;
	s1 =	sor.u32 @!p2 $0x1C07, s1  }
0x8a: {  	[hbm:s14], [sflag:s1] =	dma.local @!p2 [spmem:s31], $0x270  }
.Ltmp5:
0x8b: {  	_ = 	snop;
	(pc) =	sbr.rel @p3 .LBB2_1-.Ltmp5, $4  }
0x8c: {  	s1 =	simm.s32 @!p2 $0x7  }
0x8d: {  	_ =	swait.ge @!p2 [sflag:s1], $0x270  }
0x8e: {  	[sflag:s1] =	ssyncset.done @!p2 $0x0  }
0x8f: {  	[sflag:s1] =	ssyncadd.s32 @!p2 $0xFFFFFD90  }
0x90: {  	_ =	sfence.sel $0x180000  }
0x91: {  	[bflag:$0x0] =	sbarrier.arrive $0xFFFF  }
0x92: {  	_ =	strace $0x90000047  }
0x93: {  	[bflag:$0x2] =	sbarrier.arrive $0xFFFF  }
0x94: {  	p0 =	sne.s32 s4, $0x0;
	s0 =	rddreg [dreg:$0x4]  }
0x95: {  	s0 =	sadd.s32 @!p0 $0x100000, s0  }
0x96: {  	[sflag:s0] =	ssyncadd.tile.s32 @!p0 $0x1;
	_ =	shalt  }
.Lfunc_end2:
_tile_overlayer_lowered:
.L_overlay_start_2:
0x97: {  	(tag) =	ssettag $0x2  }
0x98: {  	s0 =	rddreg [dreg:$0x0];
	s2 =	stileid.u32  }
0x99: {  	s1 =	rddreg [dreg:$0x1];
	p0 =	sne.s32 s2, $0x0  }
0x9a: {  	s3 =	rddreg [dreg:$0x2];
	[bflag:$0x3] =	sbarrier.arrive $0xFFFF;
	s2 =	simm.s32 @!p0 $0x1C07  }
0x9b: {  	[timem:s3], [sflag:s2] =	dma.local @!p0 [hbm:s0], s1  }
0x9c: {  	s0 =	simm.s32 @!p0 $0x7  }
0x9d: {  	_ =	swait.ge @!p0 [sflag:s0], s1  }
0x9e: {  	s1 =	ssub.s32 @!p0 $0x0, s1;
	[sflag:s0] =	ssyncset.done @!p0 $0x0  }
0x9f: {  	[sflag:s0] =	ssyncadd.s32 @!p0 s1  }
0xa0: {  	[bflag:$0x3] =	sbarrier.arrive $0xFFFF  }
0xa1: {  	_ =	shalt  }

// kernel: kernel.13.cloned.1.call-start
scs
__scs_entry_jumppad:
0x0: {  	(pc) =	sbr.rel $0x88, $3  }
0x1: {  	(tag) =	ssettag $0x0;
	lr =	simm.s32 $0x1  }
0x2: {  	[smem:$0x3F96] =	sst lr;
	_ =	strace $0xD0000000  }
0x3: {  	_ = 	snop  }
0x4: {  	_ = 	snop  }
0x5: {  	_ = 	snop  }
0x6: {  	_ = 	snop  }
0x7: {  	_ = 	snop  }
__scs_overlays_trampoline_lowered:
0x8: {  	[smem:$0x3FA5] =	sst s0  }
0x9: {  	[smem:$0x3FA6] =	sst s1  }
0xa: {  	[smem:$0x3FA7] =	sst s2  }
0xb: {  	[smem:$0x3FA8] =	sst s3  }
0xc: {  	[smem:$0x3FA9] =	sst s4  }
0xd: {  	[smem:$0x3FAA] =	sst s5  }
0xe: {  	[smem:$0x3FAB] =	sst s6  }
0xf: {  	[smem:$0x3FAC] =	sst s7  }
0x10: {  	[smem:$0x3FAD] =	sst s8  }
0x11: {  	[smem:$0x3FAE] =	sst s9;
	s0 =	simm.s32 @!p0 $0x0  }
0x12: {  	s1 =	sld [smem:$0x3F94];
	s0 =	simm.s32 @p0 $0x1  }
0x13: {  	[smem:$0x3FAF] =	sst s0;
	s0 =	simm.s32 @!p1 $0x0  }
0x14: {  	s2 =	sld [smem:$0x3F93];
	s0 =	simm.s32 @p1 $0x1  }
0x15: {  	[smem:$0x3FB0] =	sst s0;
	s0 =	simm.s32 @!p2 $0x0  }
0x16: {  	s3 =	sld [smem:$0x3FDB];
	s0 =	simm.s32 @p2 $0x1  }
0x17: {  	s4 =	simm.s32 $0x1BF5;
	[smem:$0x3FB2] =	sst s0  }
0x18: {  	s0 =	sld [smem:$0x3F95];
	_ =	swait.ge [sflag:s4], $0x0  }
0x19: {  	s7 =	sld [smem:$0x3F96]  }
0x1a: {  	s8 =	sadd.s32 $0xFFFFE003, lr  }
0x1b: {  	s9 =	sadd.s32 $0xFFFFFEF7, lr;
	s5 =	simm.s32 $0xFFFFFFFF;
	p2 =	slt.u32 s8, $0xFFFFF086  }
0x1c: {  	p1 =	slt.u32 s9, $0xF7A;
	s5 =	simm.s32 @!p2 $0x0  }
0x1d: {  	s5 =	simm.s32 @p1 $0x1;
	p0 =	seq.s32 s7, s2  }
0x1e: {  	s7 =	smul.u32 @!p0 $0xF7A, s2;
	p2 =	seq.s32 @!p0 s5, $0x0  }
0x1f: {  	s9 =	smul.u32 $0xF7A, s1;
	s8 =	simm.s32 @!p0 $0x1BF5;
	p2 =	por !p2, p0  }
0x20: {  	[sflag:s8] =	ssyncset.s32 @!p0 $0xFFFFF086;
	s6 =	sadd.s32 @!p0 s3, s7;
	s7 =	simm.s32 @!p0 $0x108  }
0x21: {  	s3 =	sadd.s32 s3, s9;
	s6 =	sadd.s32 @!p0 $0x88, s6;
	s7 =	simm.s32 @p2 $0x1082  }
0x22: {  	[simem:s7], [sflag:s8] =	dma.local @!p0 [hbm:s6], $0xF7A  }
0x23: {  	s9 =	sor.u32 $0xD0000000, s2;
	s6 =	simm.s32 $0x108;
	_ =	swait.ge @!p0 [sflag:s8], $0x0  }
0x24: {  	s3 =	sadd.s32 $0x88, s3;
	s6 =	simm.s32 @!p1 $0x1082;
	[sflag:s4] =	ssyncset.s32 $0xFFFFF086  }
0x25: {  	[simem:s6], [sflag:s4] =	dma.local [hbm:s3], $0xF7A  }
0x26: {  	[smem:$0x3F96] =	sst s1;
	(tag) =	ssettag s2;
	_ =	strace s9  }
0x27: {  	s1 =	sld [smem:$0x3FA6]  }
0x28: {  	s2 =	sld [smem:$0x3FA7]  }
0x29: {  	s4 =	sld [smem:$0x3FA9]  }
0x2a: {  	p0 =	seq.s32 s5, $0x0;
	s5 =	sld [smem:$0x3FAA]  }
0x2b: {  	s6 =	sld [smem:$0x3FAB]  }
0x2c: {  	s7 =	sld [smem:$0x3FAC]  }
0x2d: {  	s3 =	simm.s32 $0x108;
	s8 =	sld [smem:$0x3FAD]  }
0x2e: {  	s3 =	simm.s32 @!p0 $0x1082;
	s9 =	sld [smem:$0x3FAE]  }
0x2f: {  	lr =	sadd.s32 s0, s3;
	s0 =	sld [smem:$0x3FA5]  }
0x30: {  	s3 =	sld [smem:$0x3FA8]  }
0x31: {  	[smem:$0x3FB1] =	sst s10  }
0x32: {  	s10 =	sld [smem:$0x3FAF];
	_ =	sdelay $0x3  }
0x33: {  	p0 =	seq.s32 s10, $0x1;
	s10 =	sld [smem:$0x3FB1];
	_ =	sdelay $0x3  }
0x34: {  	[smem:$0x3FB1] =	sst s10  }
0x35: {  	s10 =	sld [smem:$0x3FB0];
	_ =	sdelay $0x3  }
0x36: {  	p1 =	seq.s32 s10, $0x1;
	s10 =	sld [smem:$0x3FB1];
	_ =	sdelay $0x3  }
0x37: {  	[smem:$0x3FB1] =	sst s10  }
0x38: {  	s10 =	sld [smem:$0x3FB2]  }
0x39: {  	_ = 	snop;
	(pc) =	sbr.ind lr, $3  }
0x3a: {  	_ = 	snop  }
0x3b: {  	_ = 	snop  }
0x3c: {  	p2 =	seq.s32 s10, $0x1;
	s10 =	sld [smem:$0x3FB1]  }
0x3d: {  	_ =	shalt  }
0x3e: {  	_ =	shalt  }
0x3f: {  	_ =	shalt  }
0x40: {  	_ =	shalt  }
0x41: {  	_ =	shalt  }
0x42: {  	_ =	shalt  }
0x43: {  	_ =	shalt  }
0x44: {  	_ =	shalt  }
0x45: {  	_ =	shalt  }
0x46: {  	_ =	shalt  }
0x47: {  	_ =	shalt  }
0x48: {  	_ =	shalt  }
0x49: {  	_ =	shalt  }
0x4a: {  	_ =	shalt  }
0x4b: {  	_ =	shalt  }
0x4c: {  	_ =	shalt  }
0x4d: {  	_ =	shalt  }
0x4e: {  	_ =	shalt  }
0x4f: {  	_ =	shalt  }
0x50: {  	_ =	shalt  }
0x51: {  	_ =	shalt  }
0x52: {  	_ =	shalt  }
0x53: {  	_ =	shalt  }
0x54: {  	_ =	shalt  }
0x55: {  	_ =	shalt  }
0x56: {  	_ =	shalt  }
0x57: {  	_ =	shalt  }
0x58: {  	_ =	shalt  }
0x59: {  	_ =	shalt  }
0x5a: {  	_ =	shalt  }
0x5b: {  	_ =	shalt  }
0x5c: {  	_ =	shalt  }
0x5d: {  	_ =	shalt  }
0x5e: {  	_ =	shalt  }
0x5f: {  	_ =	shalt  }
0x60: {  	_ =	shalt  }
0x61: {  	_ =	shalt  }
0x62: {  	_ =	shalt  }
0x63: {  	_ =	shalt  }
0x64: {  	_ =	shalt  }
0x65: {  	_ =	shalt  }
0x66: {  	_ =	shalt  }
0x67: {  	_ =	shalt  }
0x68: {  	_ =	shalt  }
0x69: {  	_ =	shalt  }
0x6a: {  	_ =	shalt  }
0x6b: {  	_ =	shalt  }
0x6c: {  	_ =	shalt  }
0x6d: {  	_ =	shalt  }
0x6e: {  	_ =	shalt  }
0x6f: {  	_ =	shalt  }
0x70: {  	_ =	shalt  }
0x71: {  	_ =	shalt  }
0x72: {  	_ =	shalt  }
0x73: {  	_ =	shalt  }
0x74: {  	_ =	shalt  }
0x75: {  	_ =	shalt  }
0x76: {  	_ =	shalt  }
0x77: {  	_ =	shalt  }
0x78: {  	_ =	shalt  }
0x79: {  	_ =	shalt  }
0x7a: {  	_ =	shalt  }
0x7b: {  	_ =	shalt  }
0x7c: {  	_ =	shalt  }
0x7d: {  	_ =	shalt  }
0x7e: {  	_ =	shalt  }
0x7f: {  	_ =	shalt  }
0x80: {  	_ =	shalt  }
0x81: {  	_ =	shalt  }
0x82: {  	_ =	shalt  }
0x83: {  	_ =	shalt  }
0x84: {  	_ =	shalt  }
0x85: {  	_ =	shalt  }
0x86: {  	_ =	shalt  }
0x87: {  	_ =	shalt  }
.Lfunc_end0:
.L_simem_size_0:
called_computation.1_lowered:
.L_overlay_start_0:
0x88: {  	s2 =	sld [smem:$0x3FD9]  }
0x89: {  	s3 =	sld [smem:$0x3FFE];
	_ =	sdelay $0x1  }
0x8a: {  	s1 =	srdreg.scid  }
0x8b: {  	s0 =	sand.u32 $0x1, s1  }
0x8c: {  	s17 =	sshll.u32 s0, $0xA;
	s2 =	sadd.s32 s3, s2  }
0x8d: {  	s2 =	sadd.s32 s2, s17  }
0x8e: {  	[smem:$0x3FBD] =	sst s2  }
0x8f: {  	_ = 	snop  }
0x90: {  	s2 =	sld [smem:$0x3FC8];
	(tm) =	ssettm $0x1  }
0x91: {  	s18 =	sld [smem:$0x3FFB];
	_ =	sdelay $0x3  }
0x92: {  	_ =	strace s18  }
0x93: {  	s3 =	sld [smem:$0x3FFC];
	_ =	sdelay $0x3  }
0x94: {  	_ =	strace s3  }
0x95: {  	s3 =	sld [smem:$0x3FFD];
	_ =	sdelay $0x3  }
0x96: {  	_ =	strace s3  }
0x97: {  	_ =	strace $0x8FFFFFFF  }
0x98: {  	s19 =	sld [smem:$0x3FDB];
	_ =	sdelay $0x1  }
0x99: {  	s4 =	simm.s32 $_scs_section_size  }
0x9a: {  	s5 =	simm.s32 $_size__tile_overlayer_lowered;
	s6 =	simm.s32 $_tile_overlayer_lowered  }
0x9b: {  	s22 =	simm.s32 $0x1BFF;
	s21 =	sshll.u32 s6, $0x1;
	s3 =	sadd.s32 s4, s19  }
0x9c: {  	s7 =	simm.s32 $0x0;
	s20 =	sshll.u32 s5, $0x1;
	s5 =	sadd.s32 s21, s3  }
0x9d: {  	[timem:s7], [sflag:s22] =	dma.local [hbm:s5], s20  }
0x9e: {  	_ =	swait.ge [sflag:s22], s20  }
0x9f: {  	s4 =	ssub.s32 $0x0, s20;
	[sflag:s22] =	ssyncset.done $0x0  }
0xa0: {  	[sflag:s22] =	ssyncadd.s32 s4;
	_ =	sdelay $0x1  }
0xa1: {  	s23 =	simm.s32 $0x1B8B  }
0xa2: {  	_ =	swait.ge [sflag:s23], $0x1  }
0xa3: {  	[sflag:s23] =	ssyncset.done $0x0  }
0xa4: {  	s25 =	simm.s32 $0x1B8E;
	s24 =	sld [smem:$0x3FFE];
	[sflag:s23] =	ssyncadd.s32 $0xFFFFFFFF  }
0xa5: {  	s26 =	simm.s32 $execute0_lowered;
	[smem:$0x3FD2] =	sst s25  }
0xa6: {  	s5 =	sshll.u32 s26, $0x1;
	_ =	strace $0x80000049;
	[dreg:$0x1] =	wrdreg $0xFFFFFFFF  }
0xa7: {  	s28 =	simm.s32 $_size_execute0_lowered;
	s3 =	sadd.s32 s3, s5;
	[dreg:$0x0] =	wrdreg $0x0  }
0xa8: {  	s5 =	sshll.u32 s28, $0x1;
	[dreg:$0x2] =	wrdreg s3  }
0xa9: {  	[dreg:$0x3] =	wrdreg s5  }
0xaa: {  	[dreg:$0x4] =	wrdreg $0xC0  }
0xab: {  	_ =	task [dreg:s7], $0x5FFFF  }
0xac: {  	[dreg:$0x1] =	wrdreg $0xFFFFFFFF  }
0xad: {  	[dreg:$0x0] =	wrdreg $0x60  }
0xae: {  	[dreg:$0x2] =	wrdreg s24  }
0xaf: {  	[dreg:$0x3] =	wrdreg s2  }
0xb0: {  	[dreg:$0x4] =	wrdreg $0x10F000  }
0xb1: {  	[dreg:$0x5] =	wrdreg $0x9  }
0xb2: {  	_ =	task.clear_ibuf [dreg:s7], $0x6FFFF;
	_ =	strace $0x90000049  }
0xb3: {  	s29 =	simm.s32 $0x9;
	_ =	strace $0x8000004B  }
0xb4: {  	_ =	swait.ge [sflag:s29], $0x1  }
0xb5: {  	[sflag:s29] =	ssyncadd.s32 $0xFFFFFFFF  }
0xb6: {  	_ =	strace $0x9000004B  }
0xb7: {  	_ =	sfence  }
0xb8: {  	s30 =	sld [smem:$0x0];
	_ =	sdelay $0x2  }
0xb9: {  	s31 =	sshll.u32 s1, $0xD;
	s1 =	sshrl.u32 s1, $0x2  }
0xba: {  	s3 =	sand.u32 $0x4000, s31;
	s1 =	sadd.s32 s1, s30  }
0xbb: {  	s0 =	sor.u32 s3, s0;
	s1 =	sshll.u32 s1, $0x11  }
0xbc: {  	s0 =	sor.u32 s1, s0  }
0xbd: {  	s0 =	sadd.s32 $0x8F2B, s0  }
0xbe: {  	[sflag:s0] =	ssyncadd.remote.s32 $0x1  }
0xbf: {  	_ =	sfence.sel $0xFFFF  }
0xc0: {  	[dreg:$0x0] =	wrdreg $0xFFFFFFFF;
	(pc) =	sbr.abs _section_cstart, $3  }
0xc1: {  	[dreg:$0x1] =	wrdreg $0xFFFFFFFF  }
0xc2: {  	_ =	task.clear_ibuf [dreg:s7], $0x2FFFF;
	_ =	strace $0x9FFFFFFF  }
0xc3: {  	(tm) =	ssettm $0x7FFFFFFF  }
tec
execute0_lowered:
.L_overlay_start_1:
0x0: {  	(tag) =	ssettag $0x1  }
0x1: {  	s0 =	rddreg [dreg:$0x0]  }
0x2: {  	s2 =	rddreg [dreg:$0x1]  }
0x3: {  	s1 =	rddreg [dreg:$0x2];
	s10 =	simm.s32 $0x0  }
0x4: {  	s3 =	srdreg.scid;
	s16 =	stileid.u32;
	s14 =	simm.s32 $0xD  }
0x5: {  	s28 =	simm.s32 $0xCF00;
	s29 =	simm.s32 $0x2;
	s13 =	simm.s32 $0x3  }
0x6: {  	s30 =	simm.s32 $0x8;
	s31 =	simm.s32 $0xA;
	s15 =	simm.s32 $0xC  }
0x7: {  	[smem:$0x7FF] =	sst s10;
	s4 =	sadd.s32 $0x3800, s0;
	s5 =	sand.u32 $0x1, s3  }
0x8: {  	s8 =	sadd.s32 $0x17200, s0;
	s19 =	sshll.u32 s16, $0x5;
	s9 =	smul.u32 $0x27000, s16  }
0x9: {  	s20 =	smul.u32 $0x9C00, s16;
	s25 =	sshll.u32 s16, $0x6;
	p1 =	seq.s32 s16, $0xF  }
0xa: {  	_ =	strace $0x8000004A;
	s6 =	smul.u32 $0x13880, s5;
	s7 =	sshll.u32 s5, $0x4  }
0xb: {  	[dreg:$0x4] =	wrdreg s8;
	s5 =	ssub.s32 $0x2, s5;
	s8 =	simm.s32 $0x5  }
0xc: {  	s17 =	sor.u32 s16, s7;
	s18 =	sshrl.u32 s5, $0x1;
	s21 =	sshrl.u32 s9, $0x2  }
0xd: {  	s22 =	sshrl.u32 s20, $0x3;
	s23 =	sadd.s32 s20, s1;
	s20 =	simm.s32 $0x7  }
0xe: {  	s16 =	simm.s32 $0x0;
	s0 =	sadd.s32 s6, s0;
	[dreg:$0x7] =	wrdreg s22  }
0xf: {  	s7 =	smul.u32 $0x9C0, s17;
	s5 =	ssub.s32 s5, s18;
	[dreg:$0x8] =	wrdreg s23  }
0x10: {  	p0 =	sgt.u32 s17, $0x3;
	s17 =	simm.s32 $0x1;
	s18 =	simm.s32 $0x80  }
0x11: {  	s23 =	simm.s32 $0x8F00;
	s22 =	simm.s32 $0x6;
	s9 =	sadd.s32 $0x18600, s0  }
0x12: {  	s24 =	smax.u32 s5, $0x1;
	s0 =	sor.u32 $0x1C0D, s25;
	s25 =	simm.s32 $0xAF00  }
0x13: {  	s7 =	sadd.s32 s2, s7;
	s2 =	sadd.s32 s19, s2;
	[dreg:$0x9] =	wrdreg s24  }
.Ltmp0:
0x14: {  	[dreg:$0xa] =	wrdreg s0;
	s19 =	simm.s32 $0x4F00;
	(pc) =	sbr.rel .LBB2_1-.Ltmp0, $4  }
0x15: {  	s0 =	simm.s32 $0xEF00;
	[dreg:$0x5] =	wrdreg s7;
	s2 =	sadd.s32 $0x13800, s2  }
0x16: {  	s24 =	simm.s32 $0x4;
	[dreg:$0x6] =	wrdreg s2;
	s2 =	sadd.s32 s21, s1  }
0x17: {  	s7 =	sadd.s32 $0x92400, s1;
	s21 =	simm.s32 $0x6F00;
	s26 =	sshrl.u32 s2, $0x3  }
0x18: {  	s2 =	simm.s32 $0xB;
	[dreg:$0xb] =	wrdreg s26;
	s26 =	simm.s32 $0x9  }
.LBB2_9:
0x19: {  	_ =	swait.ge [sflag:s22], $0x2000  }
0x1a: {  	[sflag:s22] =	ssyncset.done $0x0  }
0x1b: {  	s3 =	simm.s32 $0x4D80;
	[sflag:s22] =	ssyncadd.s32 $0xFFFFE000  }
0x1c: {  	[spmem:s1] =	stream.indirect.scatter.add.f32 [tilespmem:s0], [sflag:$0xC], $0x40, s3, s18, $0xb8;
	[tilespmem:$0x1AB40] =	vst v63  }
0x1d: {  	_ =	swait.ge [sflag:s20], $0x2000  }
0x1e: {  	[sflag:s20] =	ssyncset.done $0x0  }
0x1f: {  	[sflag:s20] =	ssyncadd.s32 $0xFFFFE000  }
0x20: {  	_ =	swait.ge [sflag:s30], $0x2000  }
0x21: {  	[sflag:s30] =	ssyncset.done $0x0  }
0x22: {  	[sflag:s30] =	ssyncadd.s32 $0xFFFFE000  }
0x23: {  	_ =	swait.ge [sflag:s26], $0x2000  }
0x24: {  	[sflag:s26] =	ssyncset.done $0x0  }
0x25: {  	[sflag:s26] =	ssyncadd.s32 $0xFFFFE000  }
0x26: {  	_ =	swait.ge [sflag:s31], $0x2000  }
0x27: {  	[sflag:s31] =	ssyncset.done $0x0  }
0x28: {  	[sflag:s31] =	ssyncadd.s32 $0xFFFFE000  }
0x29: {  	_ =	swait.ge [sflag:s2], $0x2000  }
0x2a: {  	[sflag:s2] =	ssyncset.done $0x0  }
0x2b: {  	[sflag:s2] =	ssyncadd.s32 $0xFFFFE000  }
0x2c: {  	_ =	swait.ge [sflag:s15], $0x2000  }
0x2d: {  	s10 =	stileid.u32;
	[sflag:s15] =	ssyncset.done $0x0  }
0x2e: {  	s5 =	sadd.s32 @p2 $0x12480, s9;
	s3 =	sshll.u32 @p2 s10, $0x6;
	[sflag:s15] =	ssyncadd.s32 $0xFFFFE000  }
0x2f: {  	s6 =	sshrl.u32 @p2 s7, $0x3;
	s3 =	sor.u32 @p2 $0x1C0D, s3;
	[bflag:$0x0] =	sbarrier.arrive $0xFFFF  }
0x30: {  	[hbm:s5], [sflag:s3] =	dma.local @p2 [spmem:s6], $0x1400  }
0x31: {  	s3 =	simm.s32 @p2 $0xD  }
0x32: {  	_ =	swait.ge @p2 [sflag:s3], $0x1400  }
0x33: {  	[sflag:s3] =	ssyncset.done @p2 $0x0;
	s5 =	rddreg [dreg:$0x7]  }
0x34: {  	s6 =	rddreg [dreg:$0x8];
	[sflag:s3] =	ssyncadd.s32 @p2 $0xFFFFEC00;
	s3 =	sshll.u32 @!p2 s10, $0x6  }
0x35: {  	s5 =	sadd.s32 @!p2 s5, s9;
	s6 =	sshrl.u32 @!p2 s6, $0x3;
	s3 =	sor.u32 @!p2 $0x1C0D, s3  }
0x36: {  	[hbm:s5], [sflag:s3] =	dma.local @!p2 [spmem:s6], $0x1380  }
0x37: {  	s3 =	simm.s32 @!p2 $0xD  }
0x38: {  	_ =	swait.ge @!p2 [sflag:s3], $0x1380  }
0x39: {  	s16 =	sadd.s32 $0x1, s16;
	s12 =	rddreg [dreg:$0x9]  }
0x3a: {  	p3 =	sne.s32 s16, s12  }
.Ltmp1:
0x3b: {  	_ = 	snop;
	(pc) =	sbr.rel @!p3 .LBB2_10-.Ltmp1, $3  }
0x3c: {  	_ =	sdelay $0x1  }
0x3d: {  	[sflag:s3] =	ssyncset.done @!p2 $0x0  }
0x3e: {  	s11 =	stileid.u32;
	s10 =	simm.s32 $0x0;
	[sflag:s3] =	ssyncadd.s32 @!p2 $0xFFFFEC80  }
.LBB2_1:
.Ltmp2:
0x3f: {  	(pc) =	sbr.rel @p0 .LBB2_3-.Ltmp2, $3  }
0x40: {  	_ =	sdelay $0x1  }
0x41: {  	s3 =	rddreg [dreg:$0x5]  }
0x42: {  	[tilespmem:s10], [sflag:$0x1] =	stream.linear.gather [hbm4b:s3+s10], $0x4E00, $0x38;
	[tilespmem:$0x1AB40] =	vst v63  }
.Ltmp3:
0x43: {  	s3 =	rddreg [dreg:$0x6];
	s5 =	simm.s32 $0x4E00;
	(pc) =	sbr.rel .LBB2_4-.Ltmp3, $4  }
0x44: {  	[tilespmem:s5], [sflag:$0xD] =	stream.linear.gather [hbm4b:s3+s10], $0x100, $0x38;
	[tilespmem:$0x1AB40] =	vst v63  }
0x45: {  	_ =	swait.ge [sflag:s14], $0x100  }
0x46: {  	[sflag:s14] =	ssyncset.done $0x0  }
0x47: {  	[sflag:s14] =	ssyncadd.s32 $0xFFFFFF00  }
.LBB2_3:
.Ltmp4:
0x48: {  	(pc) =	sbr.rel @!p1 .LBB2_4-.Ltmp4, $1  }
0x49: {  	_ =	sdelay $0x3  }
0x4a: {  	s5 =	sshrl.u32 s7, $0x3  }
.Ltmp5:
0x4b: {  	s3 =	rddreg [dreg:$0x4];
	s6 =	simm.s32 $0x1FCD;
	(pc) =	sbr.rel .LBB2_6-.Ltmp5, $4  }
0x4c: {  	[spmem:s5], [sflag:s6] =	dma.local [hbm:s3], $0x1400  }
0x4d: {  	_ =	swait.ge [sflag:s14], $0x1400  }
0x4e: {  	[sflag:s14] =	ssyncset.done $0x0  }
0x4f: {  	p2 =	por $0x1, $0x1;
	[sflag:s14] =	ssyncadd.s32 $0xFFFFEC00  }
.LBB2_4:
0x50: {  	s3 =	rddreg [dreg:$0x4]  }
0x51: {  	s5 =	rddreg [dreg:$0xa]  }
0x52: {  	s6 =	rddreg [dreg:$0xb]  }
0x53: {  	[spmem:s6], [sflag:s5] =	dma.local [hbm:s3], $0x1380  }
0x54: {  	_ =	swait.ge [sflag:s14], $0x1380  }
0x55: {  	[sflag:s14] =	ssyncset.done $0x0  }
0x56: {  	p2 =	por $0x0, $0x0;
	[sflag:s14] =	ssyncadd.s32 $0xFFFFEC80  }
.LBB2_6:
0x57: {  	_ =	swait.ge [sflag:s17], $0x4E00  }
0x58: {  	[sflag:s17] =	ssyncset.done $0x0  }
0x59: {  	s5 =	simm.s32 @!p0 $0x80;
	[sflag:s17] =	ssyncadd.s32 $0xFFFFB200  }
0x5a: {  	s6 =	simm.s32 @!p0 $0x4E00;
	s10 =	simm.s32 @!p0 $0xEF00;
	[bflag:$0x0] =	sbarrier.arrive $0xFFFF  }
0x5b: {  	[tilespmem:s10], [sflag:$0xD] =	stream.indirect.gather @!p0 [hbm4b:s4+s5], $0x40, s6, s5, $0xb8;
	[tilespmem:$0x1AB40] =	vst v63  }
0x5c: {  	s6 =	simm.s32 @!p0 $0xD  }
0x5d: {  	_ =	swait.ge @!p0 [sflag:s6], $0x2000  }
0x5e: {  	[sflag:s6] =	ssyncset.done @!p0 $0x0  }
0x5f: {  	s11 =	simm.s32 @!p0 $0x4E80;
	[sflag:s6] =	ssyncadd.s32 @!p0 $0xFFFFE000  }
0x60: {  	[spmem:s1] =	stream.indirect.scatter.add.f32 @!p0 [tilespmem:s10], [sflag:$0xD], $0x40, s11, s5, $0xb8;
	[tilespmem:$0x1AB40] =	vst v63  }
0x61: {  	_ =	swait.ge @!p0 [sflag:s6], $0x2000  }
0x62: {  	[sflag:s6] =	ssyncset.done @!p0 $0x0  }
0x63: {  	s5 =	simm.s32 $0x0;
	[sflag:s6] =	ssyncadd.s32 @!p0 $0xFFFFE000  }
0x64: {  	[tilespmem:s19], [sflag:$0x1] =	stream.indirect.gather [hbm4b:s4+s18], $0x40, s5, s18, $0xb8;
	[tilespmem:$0x1AB40] =	vst v63  }
0x65: {  	s3 =	simm.s32 $0x100  }
0x66: {  	[tilespmem:s21], [sflag:$0x2] =	stream.indirect.gather [hbm4b:s4+s18], $0x40, s3, s18, $0xb8;
	[tilespmem:$0x1AB40] =	vst v63  }
0x67: {  	s12 =	simm.s32 $0x200  }
0x68: {  	[tilespmem:s23], [sflag:$0x3] =	stream.indirect.gather [hbm4b:s4+s18], $0x40, s12, s18, $0xb8;
	[tilespmem:$0x1AB40] =	vst v63  }
0x69: {  	s6 =	simm.s32 $0x300  }
0x6a: {  	[tilespmem:s25], [sflag:$0x4] =	stream.indirect.gather [hbm4b:s4+s18], $0x40, s6, s18, $0xb8;
	[tilespmem:$0x1AB40] =	vst v63  }
0x6b: {  	_ =	swait.ge [sflag:s17], $0x2000  }
0x6c: {  	[sflag:s17] =	ssyncset.done $0x0  }
0x6d: {  	[sflag:s17] =	ssyncadd.s32 $0xFFFFE000  }
0x6e: {  	[spmem:s1] =	stream.indirect.scatter.add.f32 [tilespmem:s19], [sflag:$0x7], $0x40, s18, s18, $0xb8;
	[tilespmem:$0x1AB40] =	vst v63  }
0x6f: {  	s10 =	simm.s32 $0x400  }
0x70: {  	[tilespmem:s28], [sflag:$0x5] =	stream.indirect.gather [hbm4b:s4+s18], $0x40, s10, s18, $0xb8;
	[tilespmem:$0x1AB40] =	vst v63  }
0x71: {  	_ =	swait.ge [sflag:s29], $0x2000  }
0x72: {  	[sflag:s29] =	ssyncset.done $0x0  }
0x73: {  	s11 =	simm.s32 $0x180;
	[sflag:s29] =	ssyncadd.s32 $0xFFFFE000  }
0x74: {  	[spmem:s1] =	stream.indirect.scatter.add.f32 [tilespmem:s21], [sflag:$0x8], $0x40, s11, s18, $0xb8;
	[tilespmem:$0x1AB40] =	vst v63  }
0x75: {  	s12 =	simm.s32 $0x500  }
0x76: {  	[tilespmem:s0], [sflag:$0x6] =	stream.indirect.gather [hbm4b:s4+s18], $0x40, s12, s18, $0xb8;
	[tilespmem:$0x1AB40] =	vst v63  }
0x77: {  	_ =	swait.ge [sflag:s13], $0x2000  }
0x78: {  	[sflag:s13] =	ssyncset.done $0x0  }
0x79: {  	s6 =	simm.s32 $0x280;
	[sflag:s13] =	ssyncadd.s32 $0xFFFFE000  }
0x7a: {  	[spmem:s1] =	stream.indirect.scatter.add.f32 [tilespmem:s23], [sflag:$0x9], $0x40, s6, s18, $0xb8;
	[tilespmem:$0x1AB40] =	vst v63  }
0x7b: {  	_ =	swait.ge [sflag:s20], $0x2000  }
0x7c: {  	[sflag:s20] =	ssyncset.done $0x0  }
0x7d: {  	s10 =	simm.s32 $0x600;
	[sflag:s20] =	ssyncadd.s32 $0xFFFFE000  }
0x7e: {  	[tilespmem:s19], [sflag:$0x1] =	stream.indirect.gather [hbm4b:s4+s18], $0x40, s10, s18, $0xb8;
	[tilespmem:$0x1AB40] =	vst v63  }
0x7f: {  	_ =	swait.ge [sflag:s24], $0x2000  }
0x80: {  	[sflag:s24] =	ssyncset.done $0x0  }
0x81: {  	s11 =	simm.s32 $0x380;
	[sflag:s24] =	ssyncadd.s32 $0xFFFFE000  }
0x82: {  	[spmem:s1] =	stream.indirect.scatter.add.f32 [tilespmem:s25], [sflag:$0xA], $0x40, s11, s18, $0xb8;
	[tilespmem:$0x1AB40] =	vst v63  }
0x83: {  	_ =	swait.ge [sflag:s30], $0x2000  }
0x84: {  	[sflag:s30] =	ssyncset.done $0x0  }
0x85: {  	s12 =	simm.s32 $0x700;
	[sflag:s30] =	ssyncadd.s32 $0xFFFFE000  }
0x86: {  	[tilespmem:s21], [sflag:$0x2] =	stream.indirect.gather [hbm4b:s4+s18], $0x40, s12, s18, $0xb8;
	[tilespmem:$0x1AB40] =	vst v63  }
0x87: {  	_ =	swait.ge [sflag:s8], $0x2000  }
0x88: {  	[sflag:s8] =	ssyncset.done $0x0  }
0x89: {  	s6 =	simm.s32 $0x480;
	[sflag:s8] =	ssyncadd.s32 $0xFFFFE000  }
0x8a: {  	[spmem:s1] =	stream.indirect.scatter.add.f32 [tilespmem:s28], [sflag:$0xB], $0x40, s6, s18, $0xb8;
	[tilespmem:$0x1AB40] =	vst v63  }
0x8b: {  	_ =	swait.ge [sflag:s26], $0x2000  }
0x8c: {  	[sflag:s26] =	ssyncset.done $0x0  }
0x8d: {  	s10 =	simm.s32 $0x800;
	[sflag:s26] =	ssyncadd.s32 $0xFFFFE000  }
0x8e: {  	[tilespmem:s23], [sflag:$0x3] =	stream.indirect.gather [hbm4b:s4+s18], $0x40, s10, s18, $0xb8;
	[tilespmem:$0x1AB40] =	vst v63  }
0x8f: {  	_ =	swait.ge [sflag:s22], $0x2000  }
0x90: {  	[sflag:s22] =	ssyncset.done $0x0  }
0x91: {  	s11 =	simm.s32 $0x580;
	[sflag:s22] =	ssyncadd.s32 $0xFFFFE000  }
0x92: {  	[spmem:s1] =	stream.indirect.scatter.add.f32 [tilespmem:s0], [sflag:$0xC], $0x40, s11, s18, $0xb8;
	[tilespmem:$0x1AB40] =	vst v63  }
0x93: {  	_ =	swait.ge [sflag:s31], $0x2000  }
0x94: {  	[sflag:s31] =	ssyncset.done $0x0  }
0x95: {  	s12 =	simm.s32 $0x900;
	[sflag:s31] =	ssyncadd.s32 $0xFFFFE000  }
0x96: {  	[tilespmem:s25], [sflag:$0x4] =	stream.indirect.gather [hbm4b:s4+s18], $0x40, s12, s18, $0xb8;
	[tilespmem:$0x1AB40] =	vst v63  }
.LBB2_7:
0x97: {  	_ =	swait.ge [sflag:s17], $0x2000  }
0x98: {  	s6 =	sshra.s32 s5, $0x2;
	[sflag:s17] =	ssyncset.done $0x0  }
0x99: {  	s10 =	sadd.s32 $0x680, s6;
	[sflag:s17] =	ssyncadd.s32 $0xFFFFE000  }
0x9a: {  	[spmem:s1] =	stream.indirect.scatter.add.f32 [tilespmem:s19], [sflag:$0x7], $0x40, s10, s18, $0xb8;
	[tilespmem:$0x1AB40] =	vst v63  }
0x9b: {  	_ =	swait.ge [sflag:s2], $0x2000  }
0x9c: {  	[sflag:s2] =	ssyncset.done $0x0  }
0x9d: {  	s11 =	sadd.s32 $0xA00, s6;
	[sflag:s2] =	ssyncadd.s32 $0xFFFFE000  }
0x9e: {  	[tilespmem:s28], [sflag:$0x5] =	stream.indirect.gather [hbm4b:s4+s18], $0x40, s11, s18, $0xb8;
	[tilespmem:$0x1AB40] =	vst v63  }
0x9f: {  	_ =	swait.ge [sflag:s29], $0x2000  }
0xa0: {  	[sflag:s29] =	ssyncset.done $0x0  }
0xa1: {  	s12 =	sadd.s32 $0x780, s6;
	[sflag:s29] =	ssyncadd.s32 $0xFFFFE000  }
0xa2: {  	[spmem:s1] =	stream.indirect.scatter.add.f32 [tilespmem:s21], [sflag:$0x8], $0x40, s12, s18, $0xb8;
	[tilespmem:$0x1AB40] =	vst v63  }
0xa3: {  	_ =	swait.ge [sflag:s15], $0x2000  }
0xa4: {  	[sflag:s15] =	ssyncset.done $0x0  }
0xa5: {  	s3 =	sadd.s32 $0xB00, s6;
	[sflag:s15] =	ssyncadd.s32 $0xFFFFE000  }
0xa6: {  	[tilespmem:s0], [sflag:$0x6] =	stream.indirect.gather [hbm4b:s4+s18], $0x40, s3, s18, $0xb8;
	[tilespmem:$0x1AB40] =	vst v63  }
0xa7: {  	_ =	swait.ge [sflag:s13], $0x2000  }
0xa8: {  	p3 =	seq.s32 s5, $0x10800;
	[sflag:s13] =	ssyncset.done $0x0  }
0xa9: {  	s10 =	simm.s32 @p3 $0x4;
	s11 =	sadd.s32 $0x880, s6;
	[sflag:s13] =	ssyncadd.s32 $0xFFFFE000  }
0xaa: {  	[spmem:s1] =	stream.indirect.scatter.add.f32 [tilespmem:s23], [sflag:$0x9], $0x40, s11, s18, $0xb8;
	[tilespmem:$0x1AB40] =	vst v63  }
0xab: {  	_ =	swait.ge @p3 [sflag:s10], $0x2000  }
0xac: {  	[sflag:s10] =	ssyncset.done @p3 $0x0  }
0xad: {  	[sflag:s10] =	ssyncadd.s32 @p3 $0xFFFFE000;
	s10 =	sshra.s32 @p3 s5, $0x2  }
0xae: {  	s12 =	simm.s32 @p3 $0xAF00;
	s11 =	simm.s32 @p3 $0x80;
	s10 =	sadd.s32 @p3 $0x980, s10  }
0xaf: {  	[spmem:s1] =	stream.indirect.scatter.add.f32 @p3 [tilespmem:s12], [sflag:$0xA], $0x40, s10, s11, $0xb8;
	[tilespmem:$0x1AB40] =	vst v63  }
0xb0: {  	s10 =	simm.s32 @!p3 $0x7  }
0xb1: {  	_ =	swait.ge @!p3 [sflag:s10], $0x2000  }
0xb2: {  	[sflag:s10] =	ssyncset.done @!p3 $0x0  }
0xb3: {  	[sflag:s10] =	ssyncadd.s32 @!p3 $0xFFFFE000;
	s10 =	sshra.s32 @!p3 s5, $0x2  }
0xb4: {  	s3 =	simm.s32 @!p3 $0x4F00;
	s12 =	simm.s32 @!p3 $0x80;
	s11 =	sadd.s32 @!p3 $0xC00, s10  }
0xb5: {  	[tilespmem:s3], [sflag:$0x1] =	stream.indirect.gather @!p3 [hbm4b:s4+s12], $0x40, s11, s12, $0xb8;
	[tilespmem:$0x1AB40] =	vst v63  }
0xb6: {  	s3 =	simm.s32 @!p3 $0x4  }
0xb7: {  	_ =	swait.ge @!p3 [sflag:s3], $0x2000  }
0xb8: {  	[sflag:s3] =	ssyncset.done @!p3 $0x0  }
0xb9: {  	s11 =	simm.s32 @!p3 $0xAF00;
	[sflag:s3] =	ssyncadd.s32 @!p3 $0xFFFFE000;
	s3 =	sadd.s32 @!p3 $0x980, s10  }
0xba: {  	[spmem:s1] =	stream.indirect.scatter.add.f32 @!p3 [tilespmem:s11], [sflag:$0xA], $0x40, s3, s12, $0xb8;
	[tilespmem:$0x1AB40] =	vst v63  }
0xbb: {  	s3 =	simm.s32 @!p3 $0x8  }
0xbc: {  	_ =	swait.ge @!p3 [sflag:s3], $0x2000  }
0xbd: {  	[sflag:s3] =	ssyncset.done @!p3 $0x0  }
0xbe: {  	[sflag:s3] =	ssyncadd.s32 @!p3 $0xFFFFE000;
	s3 =	sadd.s32 @!p3 $0xD00, s10;
	s10 =	simm.s32 @!p3 $0x6F00  }
0xbf: {  	[tilespmem:s10], [sflag:$0x2] =	stream.indirect.gather @!p3 [hbm4b:s4+s12], $0x40, s3, s12, $0xb8;
	[tilespmem:$0x1AB40] =	vst v63  }
.Ltmp6:
0xc0: {  	_ = 	snop;
	(pc) =	sbr.rel @p3 .LBB2_9-.Ltmp6, $4  }
0xc1: {  	_ =	swait.ge [sflag:s8], $0x2000  }
0xc2: {  	[sflag:s8] =	ssyncset.done $0x0  }
0xc3: {  	s12 =	sadd.s32 $0xA80, s6;
	[sflag:s8] =	ssyncadd.s32 $0xFFFFE000  }
0xc4: {  	[spmem:s1] =	stream.indirect.scatter.add.f32 [tilespmem:s28], [sflag:$0xB], $0x40, s12, s18, $0xb8;
	[tilespmem:$0x1AB40] =	vst v63  }
0xc5: {  	_ =	swait.ge [sflag:s26], $0x2000  }
0xc6: {  	[sflag:s26] =	ssyncset.done $0x0  }
0xc7: {  	s3 =	sadd.s32 $0xE00, s6;
	[sflag:s26] =	ssyncadd.s32 $0xFFFFE000  }
0xc8: {  	[tilespmem:s23], [sflag:$0x3] =	stream.indirect.gather [hbm4b:s4+s18], $0x40, s3, s18, $0xb8;
	[tilespmem:$0x1AB40] =	vst v63  }
0xc9: {  	_ =	swait.ge [sflag:s22], $0x2000  }
0xca: {  	[sflag:s22] =	ssyncset.done $0x0  }
0xcb: {  	s11 =	sadd.s32 $0xB80, s6;
	[sflag:s22] =	ssyncadd.s32 $0xFFFFE000  }
0xcc: {  	[spmem:s1] =	stream.indirect.scatter.add.f32 [tilespmem:s0], [sflag:$0xC], $0x40, s11, s18, $0xb8;
	[tilespmem:$0x1AB40] =	vst v63  }
.Ltmp7:
0xcd: {  	_ = 	snop;
	(pc) =	sbr.rel .LBB2_7-.Ltmp7, $4  }
0xce: {  	_ =	swait.ge [sflag:s31], $0x2000  }
0xcf: {  	[sflag:s31] =	ssyncset.done $0x0  }
0xd0: {  	s12 =	sadd.s32 $0xF00, s6;
	s5 =	sadd.s32 $0x1800, s5;
	[sflag:s31] =	ssyncadd.s32 $0xFFFFE000  }
0xd1: {  	[tilespmem:s25], [sflag:$0x4] =	stream.indirect.gather [hbm4b:s4+s18], $0x40, s12, s18, $0xb8;
	[tilespmem:$0x1AB40] =	vst v63  }
.LBB2_10:
0xd2: {  	_ =	sfence.sel $0x180000  }
0xd3: {  	[bflag:$0x0] =	sbarrier.arrive $0xFFFF  }
0xd4: {  	_ =	strace $0x9000004A  }
0xd5: {  	[bflag:$0x2] =	sbarrier.arrive $0xFFFF  }
0xd6: {  	p0 =	sne.s32 s11, $0x0;
	s0 =	rddreg [dreg:$0x3]  }
0xd7: {  	s0 =	sadd.s32 @!p0 $0x100000, s0  }
0xd8: {  	[sflag:s0] =	ssyncadd.tile.s32 @!p0 $0x1;
	_ =	shalt  }
.Lfunc_end2:
_tile_overlayer_lowered:
.L_overlay_start_2:
0xd9: {  	(tag) =	ssettag $0x2  }
0xda: {  	s0 =	rddreg [dreg:$0x0];
	s2 =	stileid.u32  }
0xdb: {  	s1 =	rddreg [dreg:$0x1];
	p0 =	sne.s32 s2, $0x0  }
0xdc: {  	s3 =	rddreg [dreg:$0x2];
	[bflag:$0x3] =	sbarrier.arrive $0xFFFF;
	s2 =	simm.s32 @!p0 $0x1C0D  }
0xdd: {  	[timem:s3], [sflag:s2] =	dma.local @!p0 [hbm:s0], s1  }
0xde: {  	s0 =	simm.s32 @!p0 $0xD  }
0xdf: {  	_ =	swait.ge @!p0 [sflag:s0], s1  }
0xe0: {  	s1 =	ssub.s32 @!p0 $0x0, s1;
	[sflag:s0] =	ssyncset.done @!p0 $0x0  }
0xe1: {  	[sflag:s0] =	ssyncadd.s32 @!p0 s1  }
0xe2: {  	[bflag:$0x3] =	sbarrier.arrive $0xFFFF  }
0xe3: {  	_ =	shalt  }

// kernel: kernel.16.cloned.1.call-start
scs
__scs_entry_jumppad:
0x0: {  	(pc) =	sbr.rel $0x88, $3  }
0x1: {  	(tag) =	ssettag $0x0;
	lr =	simm.s32 $0x1  }
0x2: {  	[smem:$0x3F96] =	sst lr;
	_ =	strace $0xD0000000  }
0x3: {  	_ = 	snop  }
0x4: {  	_ = 	snop  }
0x5: {  	_ = 	snop  }
0x6: {  	_ = 	snop  }
0x7: {  	_ = 	snop  }
__scs_overlays_trampoline_lowered:
0x8: {  	[smem:$0x3FA5] =	sst s0  }
0x9: {  	[smem:$0x3FA6] =	sst s1  }
0xa: {  	[smem:$0x3FA7] =	sst s2  }
0xb: {  	[smem:$0x3FA8] =	sst s3  }
0xc: {  	[smem:$0x3FA9] =	sst s4  }
0xd: {  	[smem:$0x3FAA] =	sst s5  }
0xe: {  	[smem:$0x3FAB] =	sst s6  }
0xf: {  	[smem:$0x3FAC] =	sst s7  }
0x10: {  	[smem:$0x3FAD] =	sst s8  }
0x11: {  	[smem:$0x3FAE] =	sst s9;
	s0 =	simm.s32 @!p0 $0x0  }
0x12: {  	s1 =	sld [smem:$0x3F94];
	s0 =	simm.s32 @p0 $0x1  }
0x13: {  	[smem:$0x3FAF] =	sst s0;
	s0 =	simm.s32 @!p1 $0x0  }
0x14: {  	s2 =	sld [smem:$0x3F93];
	s0 =	simm.s32 @p1 $0x1  }
0x15: {  	[smem:$0x3FB0] =	sst s0;
	s0 =	simm.s32 @!p2 $0x0  }
0x16: {  	s3 =	sld [smem:$0x3FDB];
	s0 =	simm.s32 @p2 $0x1  }
0x17: {  	s4 =	simm.s32 $0x1BF5;
	[smem:$0x3FB2] =	sst s0  }
0x18: {  	s0 =	sld [smem:$0x3F95];
	_ =	swait.ge [sflag:s4], $0x0  }
0x19: {  	s7 =	sld [smem:$0x3F96]  }
0x1a: {  	s8 =	sadd.s32 $0xFFFFE003, lr  }
0x1b: {  	s9 =	sadd.s32 $0xFFFFFEF7, lr;
	s5 =	simm.s32 $0xFFFFFFFF;
	p2 =	slt.u32 s8, $0xFFFFF086  }
0x1c: {  	p1 =	slt.u32 s9, $0xF7A;
	s5 =	simm.s32 @!p2 $0x0  }
0x1d: {  	s5 =	simm.s32 @p1 $0x1;
	p0 =	seq.s32 s7, s2  }
0x1e: {  	s7 =	smul.u32 @!p0 $0xF7A, s2;
	p2 =	seq.s32 @!p0 s5, $0x0  }
0x1f: {  	s9 =	smul.u32 $0xF7A, s1;
	s8 =	simm.s32 @!p0 $0x1BF5;
	p2 =	por !p2, p0  }
0x20: {  	[sflag:s8] =	ssyncset.s32 @!p0 $0xFFFFF086;
	s6 =	sadd.s32 @!p0 s3, s7;
	s7 =	simm.s32 @!p0 $0x108  }
0x21: {  	s3 =	sadd.s32 s3, s9;
	s6 =	sadd.s32 @!p0 $0x88, s6;
	s7 =	simm.s32 @p2 $0x1082  }
0x22: {  	[simem:s7], [sflag:s8] =	dma.local @!p0 [hbm:s6], $0xF7A  }
0x23: {  	s9 =	sor.u32 $0xD0000000, s2;
	s6 =	simm.s32 $0x108;
	_ =	swait.ge @!p0 [sflag:s8], $0x0  }
0x24: {  	s3 =	sadd.s32 $0x88, s3;
	s6 =	simm.s32 @!p1 $0x1082;
	[sflag:s4] =	ssyncset.s32 $0xFFFFF086  }
0x25: {  	[simem:s6], [sflag:s4] =	dma.local [hbm:s3], $0xF7A  }
0x26: {  	[smem:$0x3F96] =	sst s1;
	(tag) =	ssettag s2;
	_ =	strace s9  }
0x27: {  	s1 =	sld [smem:$0x3FA6]  }
0x28: {  	s2 =	sld [smem:$0x3FA7]  }
0x29: {  	s4 =	sld [smem:$0x3FA9]  }
0x2a: {  	p0 =	seq.s32 s5, $0x0;
	s5 =	sld [smem:$0x3FAA]  }
0x2b: {  	s6 =	sld [smem:$0x3FAB]  }
0x2c: {  	s7 =	sld [smem:$0x3FAC]  }
0x2d: {  	s3 =	simm.s32 $0x108;
	s8 =	sld [smem:$0x3FAD]  }
0x2e: {  	s3 =	simm.s32 @!p0 $0x1082;
	s9 =	sld [smem:$0x3FAE]  }
0x2f: {  	lr =	sadd.s32 s0, s3;
	s0 =	sld [smem:$0x3FA5]  }
0x30: {  	s3 =	sld [smem:$0x3FA8]  }
0x31: {  	[smem:$0x3FB1] =	sst s10  }
0x32: {  	s10 =	sld [smem:$0x3FAF];
	_ =	sdelay $0x3  }
0x33: {  	p0 =	seq.s32 s10, $0x1;
	s10 =	sld [smem:$0x3FB1];
	_ =	sdelay $0x3  }
0x34: {  	[smem:$0x3FB1] =	sst s10  }
0x35: {  	s10 =	sld [smem:$0x3FB0];
	_ =	sdelay $0x3  }
0x36: {  	p1 =	seq.s32 s10, $0x1;
	s10 =	sld [smem:$0x3FB1];
	_ =	sdelay $0x3  }
0x37: {  	[smem:$0x3FB1] =	sst s10  }
0x38: {  	s10 =	sld [smem:$0x3FB2]  }
0x39: {  	_ = 	snop;
	(pc) =	sbr.ind lr, $3  }
0x3a: {  	_ = 	snop  }
0x3b: {  	_ = 	snop  }
0x3c: {  	p2 =	seq.s32 s10, $0x1;
	s10 =	sld [smem:$0x3FB1]  }
0x3d: {  	_ =	shalt  }
0x3e: {  	_ =	shalt  }
0x3f: {  	_ =	shalt  }
0x40: {  	_ =	shalt  }
0x41: {  	_ =	shalt  }
0x42: {  	_ =	shalt  }
0x43: {  	_ =	shalt  }
0x44: {  	_ =	shalt  }
0x45: {  	_ =	shalt  }
0x46: {  	_ =	shalt  }
0x47: {  	_ =	shalt  }
0x48: {  	_ =	shalt  }
0x49: {  	_ =	shalt  }
0x4a: {  	_ =	shalt  }
0x4b: {  	_ =	shalt  }
0x4c: {  	_ =	shalt  }
0x4d: {  	_ =	shalt  }
0x4e: {  	_ =	shalt  }
0x4f: {  	_ =	shalt  }
0x50: {  	_ =	shalt  }
0x51: {  	_ =	shalt  }
0x52: {  	_ =	shalt  }
0x53: {  	_ =	shalt  }
0x54: {  	_ =	shalt  }
0x55: {  	_ =	shalt  }
0x56: {  	_ =	shalt  }
0x57: {  	_ =	shalt  }
0x58: {  	_ =	shalt  }
0x59: {  	_ =	shalt  }
0x5a: {  	_ =	shalt  }
0x5b: {  	_ =	shalt  }
0x5c: {  	_ =	shalt  }
0x5d: {  	_ =	shalt  }
0x5e: {  	_ =	shalt  }
0x5f: {  	_ =	shalt  }
0x60: {  	_ =	shalt  }
0x61: {  	_ =	shalt  }
0x62: {  	_ =	shalt  }
0x63: {  	_ =	shalt  }
0x64: {  	_ =	shalt  }
0x65: {  	_ =	shalt  }
0x66: {  	_ =	shalt  }
0x67: {  	_ =	shalt  }
0x68: {  	_ =	shalt  }
0x69: {  	_ =	shalt  }
0x6a: {  	_ =	shalt  }
0x6b: {  	_ =	shalt  }
0x6c: {  	_ =	shalt  }
0x6d: {  	_ =	shalt  }
0x6e: {  	_ =	shalt  }
0x6f: {  	_ =	shalt  }
0x70: {  	_ =	shalt  }
0x71: {  	_ =	shalt  }
0x72: {  	_ =	shalt  }
0x73: {  	_ =	shalt  }
0x74: {  	_ =	shalt  }
0x75: {  	_ =	shalt  }
0x76: {  	_ =	shalt  }
0x77: {  	_ =	shalt  }
0x78: {  	_ =	shalt  }
0x79: {  	_ =	shalt  }
0x7a: {  	_ =	shalt  }
0x7b: {  	_ =	shalt  }
0x7c: {  	_ =	shalt  }
0x7d: {  	_ =	shalt  }
0x7e: {  	_ =	shalt  }
0x7f: {  	_ =	shalt  }
0x80: {  	_ =	shalt  }
0x81: {  	_ =	shalt  }
0x82: {  	_ =	shalt  }
0x83: {  	_ =	shalt  }
0x84: {  	_ =	shalt  }
0x85: {  	_ =	shalt  }
0x86: {  	_ =	shalt  }
0x87: {  	_ =	shalt  }
.Lfunc_end0:
.L_simem_size_0:
called_computation.2_lowered:
.L_overlay_start_0:
0x88: {  	s2 =	sld [smem:$0x3FD9]  }
0x89: {  	s3 =	sld [smem:$0x3FFE];
	_ =	sdelay $0x1  }
0x8a: {  	s1 =	srdreg.scid  }
0x8b: {  	s0 =	sand.u32 $0x1, s1  }
0x8c: {  	s17 =	sshll.u32 s0, $0xA;
	s2 =	sadd.s32 s3, s2  }
0x8d: {  	s2 =	sadd.s32 s2, s17  }
0x8e: {  	[smem:$0x3FBD] =	sst s2  }
0x8f: {  	_ = 	snop  }
0x90: {  	s2 =	sld [smem:$0x3FC8];
	(tm) =	ssettm $0x1  }
0x91: {  	s18 =	sld [smem:$0x3FFB];
	_ =	sdelay $0x3  }
0x92: {  	_ =	strace s18  }
0x93: {  	s3 =	sld [smem:$0x3FFC];
	_ =	sdelay $0x3  }
0x94: {  	_ =	strace s3  }
0x95: {  	s3 =	sld [smem:$0x3FFD];
	_ =	sdelay $0x3  }
0x96: {  	_ =	strace s3  }
0x97: {  	_ =	strace $0x8FFFFFFF  }
0x98: {  	s19 =	sld [smem:$0x3FDB];
	_ =	sdelay $0x1  }
0x99: {  	s4 =	simm.s32 $_scs_section_size  }
0x9a: {  	s5 =	simm.s32 $_size__tile_overlayer_lowered;
	s6 =	simm.s32 $_tile_overlayer_lowered  }
0x9b: {  	s22 =	simm.s32 $0x1BFF;
	s21 =	sshll.u32 s6, $0x1;
	s3 =	sadd.s32 s4, s19  }
0x9c: {  	s7 =	simm.s32 $0x0;
	s20 =	sshll.u32 s5, $0x1;
	s5 =	sadd.s32 s21, s3  }
0x9d: {  	[timem:s7], [sflag:s22] =	dma.local [hbm:s5], s20  }
0x9e: {  	_ =	swait.ge [sflag:s22], s20  }
0x9f: {  	s4 =	ssub.s32 $0x0, s20;
	[sflag:s22] =	ssyncset.done $0x0  }
0xa0: {  	[sflag:s22] =	ssyncadd.s32 s4;
	_ =	sdelay $0x1  }
0xa1: {  	s23 =	simm.s32 $0x1B8B  }
0xa2: {  	_ =	swait.ge [sflag:s23], $0x1  }
0xa3: {  	[sflag:s23] =	ssyncset.done $0x0  }
0xa4: {  	s25 =	simm.s32 $0x1B8E;
	s24 =	sld [smem:$0x3FFE];
	[sflag:s23] =	ssyncadd.s32 $0xFFFFFFFF  }
0xa5: {  	s26 =	simm.s32 $execute0_lowered;
	[smem:$0x3FD2] =	sst s25  }
0xa6: {  	s5 =	sshll.u32 s26, $0x1;
	_ =	strace $0x8000004C;
	[dreg:$0x1] =	wrdreg $0xFFFFFFFF  }
0xa7: {  	s28 =	simm.s32 $_size_execute0_lowered;
	s3 =	sadd.s32 s3, s5;
	[dreg:$0x0] =	wrdreg $0x0  }
0xa8: {  	s5 =	sshll.u32 s28, $0x1;
	[dreg:$0x2] =	wrdreg s3  }
0xa9: {  	[dreg:$0x3] =	wrdreg s5  }
0xaa: {  	[dreg:$0x4] =	wrdreg $0xC0  }
0xab: {  	_ =	task [dreg:s7], $0x5FFFF  }
0xac: {  	[dreg:$0x1] =	wrdreg $0xFFFFFFFF  }
0xad: {  	[dreg:$0x0] =	wrdreg $0x60  }
0xae: {  	[dreg:$0x2] =	wrdreg s24  }
0xaf: {  	[dreg:$0x3] =	wrdreg s2  }
0xb0: {  	[dreg:$0x4] =	wrdreg $0x10F000  }
0xb1: {  	[dreg:$0x5] =	wrdreg $0x9  }
0xb2: {  	_ =	task.clear_ibuf [dreg:s7], $0x6FFFF;
	_ =	strace $0x9000004C  }
0xb3: {  	s29 =	simm.s32 $0x9;
	_ =	strace $0x8000004E  }
0xb4: {  	_ =	swait.ge [sflag:s29], $0x1  }
0xb5: {  	[sflag:s29] =	ssyncadd.s32 $0xFFFFFFFF  }
0xb6: {  	_ =	strace $0x9000004E  }
0xb7: {  	_ =	sfence  }
0xb8: {  	s30 =	sld [smem:$0x0];
	_ =	sdelay $0x2  }
0xb9: {  	s31 =	sshll.u32 s1, $0xD;
	s1 =	sshrl.u32 s1, $0x2  }
0xba: {  	s3 =	sand.u32 $0x4000, s31;
	s1 =	sadd.s32 s1, s30  }
0xbb: {  	s0 =	sor.u32 s3, s0;
	s1 =	sshll.u32 s1, $0x11  }
0xbc: {  	s0 =	sor.u32 s1, s0  }
0xbd: {  	s0 =	sadd.s32 $0x8F2B, s0  }
0xbe: {  	[sflag:s0] =	ssyncadd.remote.s32 $0x1  }
0xbf: {  	_ =	sfence.sel $0xFFFF  }
0xc0: {  	[dreg:$0x0] =	wrdreg $0xFFFFFFFF;
	(pc) =	sbr.abs _section_cstart, $3  }
0xc1: {  	[dreg:$0x1] =	wrdreg $0xFFFFFFFF  }
0xc2: {  	_ =	task.clear_ibuf [dreg:s7], $0x2FFFF;
	_ =	strace $0x9FFFFFFF  }
0xc3: {  	(tm) =	ssettm $0x7FFFFFFF  }
tec
execute0_lowered:
.L_overlay_start_1:
0x0: {  	(tag) =	ssettag $0x1  }
0x1: {  	s0 =	rddreg [dreg:$0x0]  }
0x2: {  	s2 =	rddreg [dreg:$0x1]  }
0x3: {  	s1 =	rddreg [dreg:$0x2];
	s10 =	simm.s32 $0x0  }
0x4: {  	s3 =	srdreg.scid;
	s16 =	stileid.u32;
	s14 =	simm.s32 $0xD  }
0x5: {  	s28 =	simm.s32 $0xCF00;
	s29 =	simm.s32 $0x2;
	s13 =	simm.s32 $0x3  }
0x6: {  	s30 =	simm.s32 $0x8;
	s31 =	simm.s32 $0xA;
	s15 =	simm.s32 $0xC  }
0x7: {  	[smem:$0x7FF] =	sst s10;
	s4 =	sadd.s32 $0x3800, s0;
	s5 =	sand.u32 $0x1, s3  }
0x8: {  	s8 =	sadd.s32 $0x17200, s0;
	s19 =	sshll.u32 s16, $0x5;
	s9 =	smul.u32 $0x27000, s16  }
0x9: {  	s20 =	smul.u32 $0x9C00, s16;
	s25 =	sshll.u32 s16, $0x6;
	p1 =	seq.s32 s16, $0xF  }
0xa: {  	_ =	strace $0x8000004D;
	s6 =	smul.u32 $0x13880, s5;
	s7 =	sshll.u32 s5, $0x4  }
0xb: {  	[dreg:$0x4] =	wrdreg s8;
	s5 =	ssub.s32 $0x2, s5;
	s8 =	simm.s32 $0x5  }
0xc: {  	s17 =	sor.u32 s16, s7;
	s18 =	sshrl.u32 s5, $0x1;
	s21 =	sshrl.u32 s9, $0x2  }
0xd: {  	s22 =	sshrl.u32 s20, $0x3;
	s23 =	sadd.s32 s20, s1;
	s20 =	simm.s32 $0x7  }
0xe: {  	s16 =	simm.s32 $0x0;
	s0 =	sadd.s32 s6, s0;
	[dreg:$0x7] =	wrdreg s22  }
0xf: {  	s7 =	smul.u32 $0x9C0, s17;
	s5 =	ssub.s32 s5, s18;
	[dreg:$0x8] =	wrdreg s23  }
0x10: {  	p0 =	sgt.u32 s17, $0x3;
	s17 =	simm.s32 $0x1;
	s18 =	simm.s32 $0x80  }
0x11: {  	s23 =	simm.s32 $0x8F00;
	s22 =	simm.s32 $0x6;
	s9 =	sadd.s32 $0x18600, s0  }
0x12: {  	s24 =	smax.u32 s5, $0x1;
	s0 =	sor.u32 $0x1C0D, s25;
	s25 =	simm.s32 $0xAF00  }
0x13: {  	s7 =	sadd.s32 s2, s7;
	s2 =	sadd.s32 s19, s2;
	[dreg:$0x9] =	wrdreg s24  }
.Ltmp0:
0x14: {  	[dreg:$0xa] =	wrdreg s0;
	s19 =	simm.s32 $0x4F00;
	(pc) =	sbr.rel .LBB2_1-.Ltmp0, $4  }
0x15: {  	s0 =	simm.s32 $0xEF00;
	[dreg:$0x5] =	wrdreg s7;
	s2 =	sadd.s32 $0x13800, s2  }
0x16: {  	s24 =	simm.s32 $0x4;
	[dreg:$0x6] =	wrdreg s2;
	s2 =	sadd.s32 s21, s1  }
0x17: {  	s7 =	sadd.s32 $0x92400, s1;
	s21 =	simm.s32 $0x6F00;
	s26 =	sshrl.u32 s2, $0x3  }
0x18: {  	s2 =	simm.s32 $0xB;
	[dreg:$0xb] =	wrdreg s26;
	s26 =	simm.s32 $0x9  }
.LBB2_9:
0x19: {  	_ =	swait.ge [sflag:s22], $0x2000  }
0x1a: {  	[sflag:s22] =	ssyncset.done $0x0  }
0x1b: {  	s3 =	simm.s32 $0x4D80;
	[sflag:s22] =	ssyncadd.s32 $0xFFFFE000  }
0x1c: {  	[spmem:s1] =	stream.indirect.scatter.add.f32 [tilespmem:s0], [sflag:$0xC], $0x40, s3, s18, $0xb8;
	[tilespmem:$0x1AB40] =	vst v63  }
0x1d: {  	_ =	swait.ge [sflag:s20], $0x2000  }
0x1e: {  	[sflag:s20] =	ssyncset.done $0x0  }
0x1f: {  	[sflag:s20] =	ssyncadd.s32 $0xFFFFE000  }
0x20: {  	_ =	swait.ge [sflag:s30], $0x2000  }
0x21: {  	[sflag:s30] =	ssyncset.done $0x0  }
0x22: {  	[sflag:s30] =	ssyncadd.s32 $0xFFFFE000  }
0x23: {  	_ =	swait.ge [sflag:s26], $0x2000  }
0x24: {  	[sflag:s26] =	ssyncset.done $0x0  }
0x25: {  	[sflag:s26] =	ssyncadd.s32 $0xFFFFE000  }
0x26: {  	_ =	swait.ge [sflag:s31], $0x2000  }
0x27: {  	[sflag:s31] =	ssyncset.done $0x0  }
0x28: {  	[sflag:s31] =	ssyncadd.s32 $0xFFFFE000  }
0x29: {  	_ =	swait.ge [sflag:s2], $0x2000  }
0x2a: {  	[sflag:s2] =	ssyncset.done $0x0  }
0x2b: {  	[sflag:s2] =	ssyncadd.s32 $0xFFFFE000  }
0x2c: {  	_ =	swait.ge [sflag:s15], $0x2000  }
0x2d: {  	s10 =	stileid.u32;
	[sflag:s15] =	ssyncset.done $0x0  }
0x2e: {  	s5 =	sadd.s32 @p2 $0x12480, s9;
	s3 =	sshll.u32 @p2 s10, $0x6;
	[sflag:s15] =	ssyncadd.s32 $0xFFFFE000  }
0x2f: {  	s6 =	sshrl.u32 @p2 s7, $0x3;
	s3 =	sor.u32 @p2 $0x1C0D, s3;
	[bflag:$0x0] =	sbarrier.arrive $0xFFFF  }
0x30: {  	[hbm:s5], [sflag:s3] =	dma.local @p2 [spmem:s6], $0x1400  }
0x31: {  	s3 =	simm.s32 @p2 $0xD  }
0x32: {  	_ =	swait.ge @p2 [sflag:s3], $0x1400  }
0x33: {  	[sflag:s3] =	ssyncset.done @p2 $0x0;
	s5 =	rddreg [dreg:$0x7]  }
0x34: {  	s6 =	rddreg [dreg:$0x8];
	[sflag:s3] =	ssyncadd.s32 @p2 $0xFFFFEC00;
	s3 =	sshll.u32 @!p2 s10, $0x6  }
0x35: {  	s5 =	sadd.s32 @!p2 s5, s9;
	s6 =	sshrl.u32 @!p2 s6, $0x3;
	s3 =	sor.u32 @!p2 $0x1C0D, s3  }
0x36: {  	[hbm:s5], [sflag:s3] =	dma.local @!p2 [spmem:s6], $0x1380  }
0x37: {  	s3 =	simm.s32 @!p2 $0xD  }
0x38: {  	_ =	swait.ge @!p2 [sflag:s3], $0x1380  }
0x39: {  	s16 =	sadd.s32 $0x1, s16;
	s12 =	rddreg [dreg:$0x9]  }
0x3a: {  	p3 =	sne.s32 s16, s12  }
.Ltmp1:
0x3b: {  	_ = 	snop;
	(pc) =	sbr.rel @!p3 .LBB2_10-.Ltmp1, $3  }
0x3c: {  	_ =	sdelay $0x1  }
0x3d: {  	[sflag:s3] =	ssyncset.done @!p2 $0x0  }
0x3e: {  	s11 =	stileid.u32;
	s10 =	simm.s32 $0x0;
	[sflag:s3] =	ssyncadd.s32 @!p2 $0xFFFFEC80  }
.LBB2_1:
.Ltmp2:
0x3f: {  	(pc) =	sbr.rel @p0 .LBB2_3-.Ltmp2, $3  }
0x40: {  	_ =	sdelay $0x1  }
0x41: {  	s3 =	rddreg [dreg:$0x5]  }
0x42: {  	[tilespmem:s10], [sflag:$0x1] =	stream.linear.gather [hbm4b:s3+s10], $0x4E00, $0x38;
	[tilespmem:$0x1AB40] =	vst v63  }
.Ltmp3:
0x43: {  	s3 =	rddreg [dreg:$0x6];
	s5 =	simm.s32 $0x4E00;
	(pc) =	sbr.rel .LBB2_4-.Ltmp3, $4  }
0x44: {  	[tilespmem:s5], [sflag:$0xD] =	stream.linear.gather [hbm4b:s3+s10], $0x100, $0x38;
	[tilespmem:$0x1AB40] =	vst v63  }
0x45: {  	_ =	swait.ge [sflag:s14], $0x100  }
0x46: {  	[sflag:s14] =	ssyncset.done $0x0  }
0x47: {  	[sflag:s14] =	ssyncadd.s32 $0xFFFFFF00  }
.LBB2_3:
.Ltmp4:
0x48: {  	(pc) =	sbr.rel @!p1 .LBB2_4-.Ltmp4, $1  }
0x49: {  	_ =	sdelay $0x3  }
0x4a: {  	s5 =	sshrl.u32 s7, $0x3  }
.Ltmp5:
0x4b: {  	s3 =	rddreg [dreg:$0x4];
	s6 =	simm.s32 $0x1FCD;
	(pc) =	sbr.rel .LBB2_6-.Ltmp5, $4  }
0x4c: {  	[spmem:s5], [sflag:s6] =	dma.local [hbm:s3], $0x1400  }
0x4d: {  	_ =	swait.ge [sflag:s14], $0x1400  }
0x4e: {  	[sflag:s14] =	ssyncset.done $0x0  }
0x4f: {  	p2 =	por $0x1, $0x1;
	[sflag:s14] =	ssyncadd.s32 $0xFFFFEC00  }
.LBB2_4:
0x50: {  	s3 =	rddreg [dreg:$0x4]  }
0x51: {  	s5 =	rddreg [dreg:$0xa]  }
0x52: {  	s6 =	rddreg [dreg:$0xb]  }
0x53: {  	[spmem:s6], [sflag:s5] =	dma.local [hbm:s3], $0x1380  }
0x54: {  	_ =	swait.ge [sflag:s14], $0x1380  }
0x55: {  	[sflag:s14] =	ssyncset.done $0x0  }
0x56: {  	p2 =	por $0x0, $0x0;
	[sflag:s14] =	ssyncadd.s32 $0xFFFFEC80  }
.LBB2_6:
0x57: {  	_ =	swait.ge [sflag:s17], $0x4E00  }
0x58: {  	[sflag:s17] =	ssyncset.done $0x0  }
0x59: {  	s5 =	simm.s32 @!p0 $0x80;
	[sflag:s17] =	ssyncadd.s32 $0xFFFFB200  }
0x5a: {  	s6 =	simm.s32 @!p0 $0x4E00;
	s10 =	simm.s32 @!p0 $0xEF00;
	[bflag:$0x0] =	sbarrier.arrive $0xFFFF  }
0x5b: {  	[tilespmem:s10], [sflag:$0xD] =	stream.indirect.gather @!p0 [hbm4b:s4+s5], $0x40, s6, s5, $0xb8;
	[tilespmem:$0x1AB40] =	vst v63  }
0x5c: {  	s6 =	simm.s32 @!p0 $0xD  }
0x5d: {  	_ =	swait.ge @!p0 [sflag:s6], $0x2000  }
0x5e: {  	[sflag:s6] =	ssyncset.done @!p0 $0x0  }
0x5f: {  	s11 =	simm.s32 @!p0 $0x4E80;
	[sflag:s6] =	ssyncadd.s32 @!p0 $0xFFFFE000  }
0x60: {  	[spmem:s1] =	stream.indirect.scatter.add.f32 @!p0 [tilespmem:s10], [sflag:$0xD], $0x40, s11, s5, $0xb8;
	[tilespmem:$0x1AB40] =	vst v63  }
0x61: {  	_ =	swait.ge @!p0 [sflag:s6], $0x2000  }
0x62: {  	[sflag:s6] =	ssyncset.done @!p0 $0x0  }
0x63: {  	s5 =	simm.s32 $0x0;
	[sflag:s6] =	ssyncadd.s32 @!p0 $0xFFFFE000  }
0x64: {  	[tilespmem:s19], [sflag:$0x1] =	stream.indirect.gather [hbm4b:s4+s18], $0x40, s5, s18, $0xb8;
	[tilespmem:$0x1AB40] =	vst v63  }
0x65: {  	s3 =	simm.s32 $0x100  }
0x66: {  	[tilespmem:s21], [sflag:$0x2] =	stream.indirect.gather [hbm4b:s4+s18], $0x40, s3, s18, $0xb8;
	[tilespmem:$0x1AB40] =	vst v63  }
0x67: {  	s12 =	simm.s32 $0x200  }
0x68: {  	[tilespmem:s23], [sflag:$0x3] =	stream.indirect.gather [hbm4b:s4+s18], $0x40, s12, s18, $0xb8;
	[tilespmem:$0x1AB40] =	vst v63  }
0x69: {  	s6 =	simm.s32 $0x300  }
0x6a: {  	[tilespmem:s25], [sflag:$0x4] =	stream.indirect.gather [hbm4b:s4+s18], $0x40, s6, s18, $0xb8;
	[tilespmem:$0x1AB40] =	vst v63  }
0x6b: {  	_ =	swait.ge [sflag:s17], $0x2000  }
0x6c: {  	[sflag:s17] =	ssyncset.done $0x0  }
0x6d: {  	[sflag:s17] =	ssyncadd.s32 $0xFFFFE000  }
0x6e: {  	[spmem:s1] =	stream.indirect.scatter.add.f32 [tilespmem:s19], [sflag:$0x7], $0x40, s18, s18, $0xb8;
	[tilespmem:$0x1AB40] =	vst v63  }
0x6f: {  	s10 =	simm.s32 $0x400  }
0x70: {  	[tilespmem:s28], [sflag:$0x5] =	stream.indirect.gather [hbm4b:s4+s18], $0x40, s10, s18, $0xb8;
	[tilespmem:$0x1AB40] =	vst v63  }
0x71: {  	_ =	swait.ge [sflag:s29], $0x2000  }
0x72: {  	[sflag:s29] =	ssyncset.done $0x0  }
0x73: {  	s11 =	simm.s32 $0x180;
	[sflag:s29] =	ssyncadd.s32 $0xFFFFE000  }
0x74: {  	[spmem:s1] =	stream.indirect.scatter.add.f32 [tilespmem:s21], [sflag:$0x8], $0x40, s11, s18, $0xb8;
	[tilespmem:$0x1AB40] =	vst v63  }
0x75: {  	s12 =	simm.s32 $0x500  }
0x76: {  	[tilespmem:s0], [sflag:$0x6] =	stream.indirect.gather [hbm4b:s4+s18], $0x40, s12, s18, $0xb8;
	[tilespmem:$0x1AB40] =	vst v63  }
0x77: {  	_ =	swait.ge [sflag:s13], $0x2000  }
0x78: {  	[sflag:s13] =	ssyncset.done $0x0  }
0x79: {  	s6 =	simm.s32 $0x280;
	[sflag:s13] =	ssyncadd.s32 $0xFFFFE000  }
0x7a: {  	[spmem:s1] =	stream.indirect.scatter.add.f32 [tilespmem:s23], [sflag:$0x9], $0x40, s6, s18, $0xb8;
	[tilespmem:$0x1AB40] =	vst v63  }
0x7b: {  	_ =	swait.ge [sflag:s20], $0x2000  }
0x7c: {  	[sflag:s20] =	ssyncset.done $0x0  }
0x7d: {  	s10 =	simm.s32 $0x600;
	[sflag:s20] =	ssyncadd.s32 $0xFFFFE000  }
0x7e: {  	[tilespmem:s19], [sflag:$0x1] =	stream.indirect.gather [hbm4b:s4+s18], $0x40, s10, s18, $0xb8;
	[tilespmem:$0x1AB40] =	vst v63  }
0x7f: {  	_ =	swait.ge [sflag:s24], $0x2000  }
0x80: {  	[sflag:s24] =	ssyncset.done $0x0  }
0x81: {  	s11 =	simm.s32 $0x380;
	[sflag:s24] =	ssyncadd.s32 $0xFFFFE000  }
0x82: {  	[spmem:s1] =	stream.indirect.scatter.add.f32 [tilespmem:s25], [sflag:$0xA], $0x40, s11, s18, $0xb8;
	[tilespmem:$0x1AB40] =	vst v63  }
0x83: {  	_ =	swait.ge [sflag:s30], $0x2000  }
0x84: {  	[sflag:s30] =	ssyncset.done $0x0  }
0x85: {  	s12 =	simm.s32 $0x700;
	[sflag:s30] =	ssyncadd.s32 $0xFFFFE000  }
0x86: {  	[tilespmem:s21], [sflag:$0x2] =	stream.indirect.gather [hbm4b:s4+s18], $0x40, s12, s18, $0xb8;
	[tilespmem:$0x1AB40] =	vst v63  }
0x87: {  	_ =	swait.ge [sflag:s8], $0x2000  }
0x88: {  	[sflag:s8] =	ssyncset.done $0x0  }
0x89: {  	s6 =	simm.s32 $0x480;
	[sflag:s8] =	ssyncadd.s32 $0xFFFFE000  }
0x8a: {  	[spmem:s1] =	stream.indirect.scatter.add.f32 [tilespmem:s28], [sflag:$0xB], $0x40, s6, s18, $0xb8;
	[tilespmem:$0x1AB40] =	vst v63  }
0x8b: {  	_ =	swait.ge [sflag:s26], $0x2000  }
0x8c: {  	[sflag:s26] =	ssyncset.done $0x0  }
0x8d: {  	s10 =	simm.s32 $0x800;
	[sflag:s26] =	ssyncadd.s32 $0xFFFFE000  }
0x8e: {  	[tilespmem:s23], [sflag:$0x3] =	stream.indirect.gather [hbm4b:s4+s18], $0x40, s10, s18, $0xb8;
	[tilespmem:$0x1AB40] =	vst v63  }
0x8f: {  	_ =	swait.ge [sflag:s22], $0x2000  }
0x90: {  	[sflag:s22] =	ssyncset.done $0x0  }
0x91: {  	s11 =	simm.s32 $0x580;
	[sflag:s22] =	ssyncadd.s32 $0xFFFFE000  }
0x92: {  	[spmem:s1] =	stream.indirect.scatter.add.f32 [tilespmem:s0], [sflag:$0xC], $0x40, s11, s18, $0xb8;
	[tilespmem:$0x1AB40] =	vst v63  }
0x93: {  	_ =	swait.ge [sflag:s31], $0x2000  }
0x94: {  	[sflag:s31] =	ssyncset.done $0x0  }
0x95: {  	s12 =	simm.s32 $0x900;
	[sflag:s31] =	ssyncadd.s32 $0xFFFFE000  }
0x96: {  	[tilespmem:s25], [sflag:$0x4] =	stream.indirect.gather [hbm4b:s4+s18], $0x40, s12, s18, $0xb8;
	[tilespmem:$0x1AB40] =	vst v63  }
.LBB2_7:
0x97: {  	_ =	swait.ge [sflag:s17], $0x2000  }
0x98: {  	s6 =	sshra.s32 s5, $0x2;
	[sflag:s17] =	ssyncset.done $0x0  }
0x99: {  	s10 =	sadd.s32 $0x680, s6;
	[sflag:s17] =	ssyncadd.s32 $0xFFFFE000  }
0x9a: {  	[spmem:s1] =	stream.indirect.scatter.add.f32 [tilespmem:s19], [sflag:$0x7], $0x40, s10, s18, $0xb8;
	[tilespmem:$0x1AB40] =	vst v63  }
0x9b: {  	_ =	swait.ge [sflag:s2], $0x2000  }
0x9c: {  	[sflag:s2] =	ssyncset.done $0x0  }
0x9d: {  	s11 =	sadd.s32 $0xA00, s6;
	[sflag:s2] =	ssyncadd.s32 $0xFFFFE000  }
0x9e: {  	[tilespmem:s28], [sflag:$0x5] =	stream.indirect.gather [hbm4b:s4+s18], $0x40, s11, s18, $0xb8;
	[tilespmem:$0x1AB40] =	vst v63  }
0x9f: {  	_ =	swait.ge [sflag:s29], $0x2000  }
0xa0: {  	[sflag:s29] =	ssyncset.done $0x0  }
0xa1: {  	s12 =	sadd.s32 $0x780, s6;
	[sflag:s29] =	ssyncadd.s32 $0xFFFFE000  }
0xa2: {  	[spmem:s1] =	stream.indirect.scatter.add.f32 [tilespmem:s21], [sflag:$0x8], $0x40, s12, s18, $0xb8;
	[tilespmem:$0x1AB40] =	vst v63  }
0xa3: {  	_ =	swait.ge [sflag:s15], $0x2000  }
0xa4: {  	[sflag:s15] =	ssyncset.done $0x0  }
0xa5: {  	s3 =	sadd.s32 $0xB00, s6;
	[sflag:s15] =	ssyncadd.s32 $0xFFFFE000  }
0xa6: {  	[tilespmem:s0], [sflag:$0x6] =	stream.indirect.gather [hbm4b:s4+s18], $0x40, s3, s18, $0xb8;
	[tilespmem:$0x1AB40] =	vst v63  }
0xa7: {  	_ =	swait.ge [sflag:s13], $0x2000  }
0xa8: {  	p3 =	seq.s32 s5, $0x10800;
	[sflag:s13] =	ssyncset.done $0x0  }
0xa9: {  	s10 =	simm.s32 @p3 $0x4;
	s11 =	sadd.s32 $0x880, s6;
	[sflag:s13] =	ssyncadd.s32 $0xFFFFE000  }
0xaa: {  	[spmem:s1] =	stream.indirect.scatter.add.f32 [tilespmem:s23], [sflag:$0x9], $0x40, s11, s18, $0xb8;
	[tilespmem:$0x1AB40] =	vst v63  }
0xab: {  	_ =	swait.ge @p3 [sflag:s10], $0x2000  }
0xac: {  	[sflag:s10] =	ssyncset.done @p3 $0x0  }
0xad: {  	[sflag:s10] =	ssyncadd.s32 @p3 $0xFFFFE000;
	s10 =	sshra.s32 @p3 s5, $0x2  }
0xae: {  	s12 =	simm.s32 @p3 $0xAF00;
	s11 =	simm.s32 @p3 $0x80;
	s10 =	sadd.s32 @p3 $0x980, s10  }
0xaf: {  	[spmem:s1] =	stream.indirect.scatter.add.f32 @p3 [tilespmem:s12], [sflag:$0xA], $0x40, s10, s11, $0xb8;
	[tilespmem:$0x1AB40] =	vst v63  }
0xb0: {  	s10 =	simm.s32 @!p3 $0x7  }
0xb1: {  	_ =	swait.ge @!p3 [sflag:s10], $0x2000  }
0xb2: {  	[sflag:s10] =	ssyncset.done @!p3 $0x0  }
0xb3: {  	[sflag:s10] =	ssyncadd.s32 @!p3 $0xFFFFE000;
	s10 =	sshra.s32 @!p3 s5, $0x2  }
0xb4: {  	s3 =	simm.s32 @!p3 $0x4F00;
	s12 =	simm.s32 @!p3 $0x80;
	s11 =	sadd.s32 @!p3 $0xC00, s10  }
0xb5: {  	[tilespmem:s3], [sflag:$0x1] =	stream.indirect.gather @!p3 [hbm4b:s4+s12], $0x40, s11, s12, $0xb8;
	[tilespmem:$0x1AB40] =	vst v63  }
0xb6: {  	s3 =	simm.s32 @!p3 $0x4  }
0xb7: {  	_ =	swait.ge @!p3 [sflag:s3], $0x2000  }
0xb8: {  	[sflag:s3] =	ssyncset.done @!p3 $0x0  }
0xb9: {  	s11 =	simm.s32 @!p3 $0xAF00;
	[sflag:s3] =	ssyncadd.s32 @!p3 $0xFFFFE000;
	s3 =	sadd.s32 @!p3 $0x980, s10  }
0xba: {  	[spmem:s1] =	stream.indirect.scatter.add.f32 @!p3 [tilespmem:s11], [sflag:$0xA], $0x40, s3, s12, $0xb8;
	[tilespmem:$0x1AB40] =	vst v63  }
0xbb: {  	s3 =	simm.s32 @!p3 $0x8  }
0xbc: {  	_ =	swait.ge @!p3 [sflag:s3], $0x2000  }
0xbd: {  	[sflag:s3] =	ssyncset.done @!p3 $0x0  }
0xbe: {  	[sflag:s3] =	ssyncadd.s32 @!p3 $0xFFFFE000;
	s3 =	sadd.s32 @!p3 $0xD00, s10;
	s10 =	simm.s32 @!p3 $0x6F00  }
0xbf: {  	[tilespmem:s10], [sflag:$0x2] =	stream.indirect.gather @!p3 [hbm4b:s4+s12], $0x40, s3, s12, $0xb8;
	[tilespmem:$0x1AB40] =	vst v63  }
.Ltmp6:
0xc0: {  	_ = 	snop;
	(pc) =	sbr.rel @p3 .LBB2_9-.Ltmp6, $4  }
0xc1: {  	_ =	swait.ge [sflag:s8], $0x2000  }
0xc2: {  	[sflag:s8] =	ssyncset.done $0x0  }
0xc3: {  	s12 =	sadd.s32 $0xA80, s6;
	[sflag:s8] =	ssyncadd.s32 $0xFFFFE000  }
0xc4: {  	[spmem:s1] =	stream.indirect.scatter.add.f32 [tilespmem:s28], [sflag:$0xB], $0x40, s12, s18, $0xb8;
	[tilespmem:$0x1AB40] =	vst v63  }
0xc5: {  	_ =	swait.ge [sflag:s26], $0x2000  }
0xc6: {  	[sflag:s26] =	ssyncset.done $0x0  }
0xc7: {  	s3 =	sadd.s32 $0xE00, s6;
	[sflag:s26] =	ssyncadd.s32 $0xFFFFE000  }
0xc8: {  	[tilespmem:s23], [sflag:$0x3] =	stream.indirect.gather [hbm4b:s4+s18], $0x40, s3, s18, $0xb8;
	[tilespmem:$0x1AB40] =	vst v63  }
0xc9: {  	_ =	swait.ge [sflag:s22], $0x2000  }
0xca: {  	[sflag:s22] =	ssyncset.done $0x0  }
0xcb: {  	s11 =	sadd.s32 $0xB80, s6;
	[sflag:s22] =	ssyncadd.s32 $0xFFFFE000  }
0xcc: {  	[spmem:s1] =	stream.indirect.scatter.add.f32 [tilespmem:s0], [sflag:$0xC], $0x40, s11, s18, $0xb8;
	[tilespmem:$0x1AB40] =	vst v63  }
.Ltmp7:
0xcd: {  	_ = 	snop;
	(pc) =	sbr.rel .LBB2_7-.Ltmp7, $4  }
0xce: {  	_ =	swait.ge [sflag:s31], $0x2000  }
0xcf: {  	[sflag:s31] =	ssyncset.done $0x0  }
0xd0: {  	s12 =	sadd.s32 $0xF00, s6;
	s5 =	sadd.s32 $0x1800, s5;
	[sflag:s31] =	ssyncadd.s32 $0xFFFFE000  }
0xd1: {  	[tilespmem:s25], [sflag:$0x4] =	stream.indirect.gather [hbm4b:s4+s18], $0x40, s12, s18, $0xb8;
	[tilespmem:$0x1AB40] =	vst v63  }
.LBB2_10:
0xd2: {  	_ =	sfence.sel $0x180000  }
0xd3: {  	[bflag:$0x0] =	sbarrier.arrive $0xFFFF  }
0xd4: {  	_ =	strace $0x9000004D  }
0xd5: {  	[bflag:$0x2] =	sbarrier.arrive $0xFFFF  }
0xd6: {  	p0 =	sne.s32 s11, $0x0;
	s0 =	rddreg [dreg:$0x3]  }
0xd7: {  	s0 =	sadd.s32 @!p0 $0x100000, s0  }
0xd8: {  	[sflag:s0] =	ssyncadd.tile.s32 @!p0 $0x1;
	_ =	shalt  }
.Lfunc_end2:
_tile_overlayer_lowered:
.L_overlay_start_2:
0xd9: {  	(tag) =	ssettag $0x2  }
0xda: {  	s0 =	rddreg [dreg:$0x0];
	s2 =	stileid.u32  }
0xdb: {  	s1 =	rddreg [dreg:$0x1];
	p0 =	sne.s32 s2, $0x0  }
0xdc: {  	s3 =	rddreg [dreg:$0x2];
	[bflag:$0x3] =	sbarrier.arrive $0xFFFF;
	s2 =	simm.s32 @!p0 $0x1C0D  }
0xdd: {  	[timem:s3], [sflag:s2] =	dma.local @!p0 [hbm:s0], s1  }
0xde: {  	s0 =	simm.s32 @!p0 $0xD  }
0xdf: {  	_ =	swait.ge @!p0 [sflag:s0], s1  }
0xe0: {  	s1 =	ssub.s32 @!p0 $0x0, s1;
	[sflag:s0] =	ssyncset.done @!p0 $0x0  }
0xe1: {  	[sflag:s0] =	ssyncadd.s32 @!p0 s1  }
0xe2: {  	[bflag:$0x3] =	sbarrier.arrive $0xFFFF  }
0xe3: {  	_ =	shalt  }

// kernel: kernel.19.cloned.1.call-start
scs
__scs_entry_jumppad:
0x0: {  	(pc) =	sbr.rel $0x88, $3  }
0x1: {  	(tag) =	ssettag $0x0;
	lr =	simm.s32 $0x1  }
0x2: {  	[smem:$0x3F96] =	sst lr;
	_ =	strace $0xD0000000  }
0x3: {  	_ = 	snop  }
0x4: {  	_ = 	snop  }
0x5: {  	_ = 	snop  }
0x6: {  	_ = 	snop  }
0x7: {  	_ = 	snop  }
__scs_overlays_trampoline_lowered:
0x8: {  	[smem:$0x3FA5] =	sst s0  }
0x9: {  	[smem:$0x3FA6] =	sst s1  }
0xa: {  	[smem:$0x3FA7] =	sst s2  }
0xb: {  	[smem:$0x3FA8] =	sst s3  }
0xc: {  	[smem:$0x3FA9] =	sst s4  }
0xd: {  	[smem:$0x3FAA] =	sst s5  }
0xe: {  	[smem:$0x3FAB] =	sst s6  }
0xf: {  	[smem:$0x3FAC] =	sst s7  }
0x10: {  	[smem:$0x3FAD] =	sst s8  }
0x11: {  	[smem:$0x3FAE] =	sst s9;
	s0 =	simm.s32 @!p0 $0x0  }
0x12: {  	s1 =	sld [smem:$0x3F94];
	s0 =	simm.s32 @p0 $0x1  }
0x13: {  	[smem:$0x3FAF] =	sst s0;
	s0 =	simm.s32 @!p1 $0x0  }
0x14: {  	s2 =	sld [smem:$0x3F93];
	s0 =	simm.s32 @p1 $0x1  }
0x15: {  	[smem:$0x3FB0] =	sst s0;
	s0 =	simm.s32 @!p2 $0x0  }
0x16: {  	s3 =	sld [smem:$0x3FDB];
	s0 =	simm.s32 @p2 $0x1  }
0x17: {  	s4 =	simm.s32 $0x1BF5;
	[smem:$0x3FB2] =	sst s0  }
0x18: {  	s0 =	sld [smem:$0x3F95];
	_ =	swait.ge [sflag:s4], $0x0  }
0x19: {  	s7 =	sld [smem:$0x3F96]  }
0x1a: {  	s8 =	sadd.s32 $0xFFFFE003, lr  }
0x1b: {  	s9 =	sadd.s32 $0xFFFFFEF7, lr;
	s5 =	simm.s32 $0xFFFFFFFF;
	p2 =	slt.u32 s8, $0xFFFFF086  }
0x1c: {  	p1 =	slt.u32 s9, $0xF7A;
	s5 =	simm.s32 @!p2 $0x0  }
0x1d: {  	s5 =	simm.s32 @p1 $0x1;
	p0 =	seq.s32 s7, s2  }
0x1e: {  	s7 =	smul.u32 @!p0 $0xF7A, s2;
	p2 =	seq.s32 @!p0 s5, $0x0  }
0x1f: {  	s9 =	smul.u32 $0xF7A, s1;
	s8 =	simm.s32 @!p0 $0x1BF5;
	p2 =	por !p2, p0  }
0x20: {  	[sflag:s8] =	ssyncset.s32 @!p0 $0xFFFFF086;
	s6 =	sadd.s32 @!p0 s3, s7;
	s7 =	simm.s32 @!p0 $0x108  }
0x21: {  	s3 =	sadd.s32 s3, s9;
	s6 =	sadd.s32 @!p0 $0x88, s6;
	s7 =	simm.s32 @p2 $0x1082  }
0x22: {  	[simem:s7], [sflag:s8] =	dma.local @!p0 [hbm:s6], $0xF7A  }
0x23: {  	s9 =	sor.u32 $0xD0000000, s2;
	s6 =	simm.s32 $0x108;
	_ =	swait.ge @!p0 [sflag:s8], $0x0  }
0x24: {  	s3 =	sadd.s32 $0x88, s3;
	s6 =	simm.s32 @!p1 $0x1082;
	[sflag:s4] =	ssyncset.s32 $0xFFFFF086  }
0x25: {  	[simem:s6], [sflag:s4] =	dma.local [hbm:s3], $0xF7A  }
0x26: {  	[smem:$0x3F96] =	sst s1;
	(tag) =	ssettag s2;
	_ =	strace s9  }
0x27: {  	s1 =	sld [smem:$0x3FA6]  }
0x28: {  	s2 =	sld [smem:$0x3FA7]  }
0x29: {  	s4 =	sld [smem:$0x3FA9]  }
0x2a: {  	p0 =	seq.s32 s5, $0x0;
	s5 =	sld [smem:$0x3FAA]  }
0x2b: {  	s6 =	sld [smem:$0x3FAB]  }
0x2c: {  	s7 =	sld [smem:$0x3FAC]  }
0x2d: {  	s3 =	simm.s32 $0x108;
	s8 =	sld [smem:$0x3FAD]  }
0x2e: {  	s3 =	simm.s32 @!p0 $0x1082;
	s9 =	sld [smem:$0x3FAE]  }
0x2f: {  	lr =	sadd.s32 s0, s3;
	s0 =	sld [smem:$0x3FA5]  }
0x30: {  	s3 =	sld [smem:$0x3FA8]  }
0x31: {  	[smem:$0x3FB1] =	sst s10  }
0x32: {  	s10 =	sld [smem:$0x3FAF];
	_ =	sdelay $0x3  }
0x33: {  	p0 =	seq.s32 s10, $0x1;
	s10 =	sld [smem:$0x3FB1];
	_ =	sdelay $0x3  }
0x34: {  	[smem:$0x3FB1] =	sst s10  }
0x35: {  	s10 =	sld [smem:$0x3FB0];
	_ =	sdelay $0x3  }
0x36: {  	p1 =	seq.s32 s10, $0x1;
	s10 =	sld [smem:$0x3FB1];
	_ =	sdelay $0x3  }
0x37: {  	[smem:$0x3FB1] =	sst s10  }
0x38: {  	s10 =	sld [smem:$0x3FB2]  }
0x39: {  	_ = 	snop;
	(pc) =	sbr.ind lr, $3  }
0x3a: {  	_ = 	snop  }
0x3b: {  	_ = 	snop  }
0x3c: {  	p2 =	seq.s32 s10, $0x1;
	s10 =	sld [smem:$0x3FB1]  }
0x3d: {  	_ =	shalt  }
0x3e: {  	_ =	shalt  }
0x3f: {  	_ =	shalt  }
0x40: {  	_ =	shalt  }
0x41: {  	_ =	shalt  }
0x42: {  	_ =	shalt  }
0x43: {  	_ =	shalt  }
0x44: {  	_ =	shalt  }
0x45: {  	_ =	shalt  }
0x46: {  	_ =	shalt  }
0x47: {  	_ =	shalt  }
0x48: {  	_ =	shalt  }
0x49: {  	_ =	shalt  }
0x4a: {  	_ =	shalt  }
0x4b: {  	_ =	shalt  }
0x4c: {  	_ =	shalt  }
0x4d: {  	_ =	shalt  }
0x4e: {  	_ =	shalt  }
0x4f: {  	_ =	shalt  }
0x50: {  	_ =	shalt  }
0x51: {  	_ =	shalt  }
0x52: {  	_ =	shalt  }
0x53: {  	_ =	shalt  }
0x54: {  	_ =	shalt  }
0x55: {  	_ =	shalt  }
0x56: {  	_ =	shalt  }
0x57: {  	_ =	shalt  }
0x58: {  	_ =	shalt  }
0x59: {  	_ =	shalt  }
0x5a: {  	_ =	shalt  }
0x5b: {  	_ =	shalt  }
0x5c: {  	_ =	shalt  }
0x5d: {  	_ =	shalt  }
0x5e: {  	_ =	shalt  }
0x5f: {  	_ =	shalt  }
0x60: {  	_ =	shalt  }
0x61: {  	_ =	shalt  }
0x62: {  	_ =	shalt  }
0x63: {  	_ =	shalt  }
0x64: {  	_ =	shalt  }
0x65: {  	_ =	shalt  }
0x66: {  	_ =	shalt  }
0x67: {  	_ =	shalt  }
0x68: {  	_ =	shalt  }
0x69: {  	_ =	shalt  }
0x6a: {  	_ =	shalt  }
0x6b: {  	_ =	shalt  }
0x6c: {  	_ =	shalt  }
0x6d: {  	_ =	shalt  }
0x6e: {  	_ =	shalt  }
0x6f: {  	_ =	shalt  }
0x70: {  	_ =	shalt  }
0x71: {  	_ =	shalt  }
0x72: {  	_ =	shalt  }
0x73: {  	_ =	shalt  }
0x74: {  	_ =	shalt  }
0x75: {  	_ =	shalt  }
0x76: {  	_ =	shalt  }
0x77: {  	_ =	shalt  }
0x78: {  	_ =	shalt  }
0x79: {  	_ =	shalt  }
0x7a: {  	_ =	shalt  }
0x7b: {  	_ =	shalt  }
0x7c: {  	_ =	shalt  }
0x7d: {  	_ =	shalt  }
0x7e: {  	_ =	shalt  }
0x7f: {  	_ =	shalt  }
0x80: {  	_ =	shalt  }
0x81: {  	_ =	shalt  }
0x82: {  	_ =	shalt  }
0x83: {  	_ =	shalt  }
0x84: {  	_ =	shalt  }
0x85: {  	_ =	shalt  }
0x86: {  	_ =	shalt  }
0x87: {  	_ =	shalt  }
.Lfunc_end0:
.L_simem_size_0:
called_computation.3_lowered:
.L_overlay_start_0:
0x88: {  	s2 =	sld [smem:$0x3FD9]  }
0x89: {  	s3 =	sld [smem:$0x3FFE];
	_ =	sdelay $0x1  }
0x8a: {  	s1 =	srdreg.scid  }
0x8b: {  	s0 =	sand.u32 $0x1, s1  }
0x8c: {  	s17 =	sshll.u32 s0, $0xA;
	s2 =	sadd.s32 s3, s2  }
0x8d: {  	s2 =	sadd.s32 s2, s17  }
0x8e: {  	[smem:$0x3FBD] =	sst s2  }
0x8f: {  	_ = 	snop  }
0x90: {  	s2 =	sld [smem:$0x3FC8];
	(tm) =	ssettm $0x1  }
0x91: {  	s18 =	sld [smem:$0x3FFB];
	_ =	sdelay $0x3  }
0x92: {  	_ =	strace s18  }
0x93: {  	s3 =	sld [smem:$0x3FFC];
	_ =	sdelay $0x3  }
0x94: {  	_ =	strace s3  }
0x95: {  	s3 =	sld [smem:$0x3FFD];
	_ =	sdelay $0x3  }
0x96: {  	_ =	strace s3  }
0x97: {  	_ =	strace $0x8FFFFFFF  }
0x98: {  	s19 =	sld [smem:$0x3FDB];
	_ =	sdelay $0x1  }
0x99: {  	s4 =	simm.s32 $_scs_section_size  }
0x9a: {  	s5 =	simm.s32 $_size__tile_overlayer_lowered;
	s6 =	simm.s32 $_tile_overlayer_lowered  }
0x9b: {  	s22 =	simm.s32 $0x1BFF;
	s21 =	sshll.u32 s6, $0x1;
	s3 =	sadd.s32 s4, s19  }
0x9c: {  	s7 =	simm.s32 $0x0;
	s20 =	sshll.u32 s5, $0x1;
	s5 =	sadd.s32 s21, s3  }
0x9d: {  	[timem:s7], [sflag:s22] =	dma.local [hbm:s5], s20  }
0x9e: {  	_ =	swait.ge [sflag:s22], s20  }
0x9f: {  	s4 =	ssub.s32 $0x0, s20;
	[sflag:s22] =	ssyncset.done $0x0  }
0xa0: {  	[sflag:s22] =	ssyncadd.s32 s4;
	_ =	sdelay $0x1  }
0xa1: {  	s23 =	simm.s32 $0x1B8B  }
0xa2: {  	_ =	swait.ge [sflag:s23], $0x1  }
0xa3: {  	[sflag:s23] =	ssyncset.done $0x0  }
0xa4: {  	s25 =	simm.s32 $0x1B8E;
	s24 =	sld [smem:$0x3FFE];
	[sflag:s23] =	ssyncadd.s32 $0xFFFFFFFF  }
0xa5: {  	s26 =	simm.s32 $execute0_lowered;
	[smem:$0x3FD2] =	sst s25  }
0xa6: {  	s5 =	sshll.u32 s26, $0x1;
	_ =	strace $0x8000004F;
	[dreg:$0x1] =	wrdreg $0xFFFFFFFF  }
0xa7: {  	s28 =	simm.s32 $_size_execute0_lowered;
	s3 =	sadd.s32 s3, s5;
	[dreg:$0x0] =	wrdreg $0x0  }
0xa8: {  	s5 =	sshll.u32 s28, $0x1;
	[dreg:$0x2] =	wrdreg s3  }
0xa9: {  	[dreg:$0x3] =	wrdreg s5  }
0xaa: {  	[dreg:$0x4] =	wrdreg $0xC0  }
0xab: {  	_ =	task [dreg:s7], $0x5FFFF  }
0xac: {  	[dreg:$0x1] =	wrdreg $0xFFFFFFFF  }
0xad: {  	[dreg:$0x0] =	wrdreg $0x60  }
0xae: {  	[dreg:$0x2] =	wrdreg s24  }
0xaf: {  	[dreg:$0x3] =	wrdreg s2  }
0xb0: {  	[dreg:$0x4] =	wrdreg $0x10F000  }
0xb1: {  	[dreg:$0x5] =	wrdreg $0x9  }
0xb2: {  	_ =	task.clear_ibuf [dreg:s7], $0x6FFFF;
	_ =	strace $0x9000004F  }
0xb3: {  	s29 =	simm.s32 $0x9;
	_ =	strace $0x80000051  }
0xb4: {  	_ =	swait.ge [sflag:s29], $0x1  }
0xb5: {  	[sflag:s29] =	ssyncadd.s32 $0xFFFFFFFF  }
0xb6: {  	_ =	strace $0x90000051  }
0xb7: {  	_ =	sfence  }
0xb8: {  	s30 =	sld [smem:$0x0];
	_ =	sdelay $0x2  }
0xb9: {  	s31 =	sshll.u32 s1, $0xD;
	s1 =	sshrl.u32 s1, $0x2  }
0xba: {  	s3 =	sand.u32 $0x4000, s31;
	s1 =	sadd.s32 s1, s30  }
0xbb: {  	s0 =	sor.u32 s3, s0;
	s1 =	sshll.u32 s1, $0x11  }
0xbc: {  	s0 =	sor.u32 s1, s0  }
0xbd: {  	s0 =	sadd.s32 $0x8F2B, s0  }
0xbe: {  	[sflag:s0] =	ssyncadd.remote.s32 $0x1  }
0xbf: {  	_ =	sfence.sel $0xFFFF  }
0xc0: {  	[dreg:$0x0] =	wrdreg $0xFFFFFFFF;
	(pc) =	sbr.abs _section_cstart, $3  }
0xc1: {  	[dreg:$0x1] =	wrdreg $0xFFFFFFFF  }
0xc2: {  	_ =	task.clear_ibuf [dreg:s7], $0x2FFFF;
	_ =	strace $0x9FFFFFFF  }
0xc3: {  	(tm) =	ssettm $0x7FFFFFFF  }
tec
execute0_lowered:
.L_overlay_start_1:
0x0: {  	(tag) =	ssettag $0x1  }
0x1: {  	s0 =	rddreg [dreg:$0x0]  }
0x2: {  	s2 =	rddreg [dreg:$0x1]  }
0x3: {  	s1 =	rddreg [dreg:$0x2];
	s10 =	simm.s32 $0x0  }
0x4: {  	s3 =	srdreg.scid;
	s16 =	stileid.u32;
	s14 =	simm.s32 $0xD  }
0x5: {  	s28 =	simm.s32 $0xCF00;
	s29 =	simm.s32 $0x2;
	s13 =	simm.s32 $0x3  }
0x6: {  	s30 =	simm.s32 $0x8;
	s31 =	simm.s32 $0xA;
	s15 =	simm.s32 $0xC  }
0x7: {  	[smem:$0x7FF] =	sst s10;
	s4 =	sadd.s32 $0x3800, s0;
	s5 =	sand.u32 $0x1, s3  }
0x8: {  	s8 =	sadd.s32 $0x17200, s0;
	s19 =	sshll.u32 s16, $0x5;
	s9 =	smul.u32 $0x27000, s16  }
0x9: {  	s20 =	smul.u32 $0x9C00, s16;
	s25 =	sshll.u32 s16, $0x6;
	p1 =	seq.s32 s16, $0xF  }
0xa: {  	_ =	strace $0x80000050;
	s6 =	smul.u32 $0x13880, s5;
	s7 =	sshll.u32 s5, $0x4  }
0xb: {  	[dreg:$0x4] =	wrdreg s8;
	s5 =	ssub.s32 $0x2, s5;
	s8 =	simm.s32 $0x5  }
0xc: {  	s17 =	sor.u32 s16, s7;
	s18 =	sshrl.u32 s5, $0x1;
	s21 =	sshrl.u32 s9, $0x2  }
0xd: {  	s22 =	sshrl.u32 s20, $0x3;
	s23 =	sadd.s32 s20, s1;
	s20 =	simm.s32 $0x7  }
0xe: {  	s16 =	simm.s32 $0x0;
	s0 =	sadd.s32 s6, s0;
	[dreg:$0x7] =	wrdreg s22  }
0xf: {  	s7 =	smul.u32 $0x9C0, s17;
	s5 =	ssub.s32 s5, s18;
	[dreg:$0x8] =	wrdreg s23  }
0x10: {  	p0 =	sgt.u32 s17, $0x3;
	s17 =	simm.s32 $0x1;
	s18 =	simm.s32 $0x80  }
0x11: {  	s23 =	simm.s32 $0x8F00;
	s22 =	simm.s32 $0x6;
	s9 =	sadd.s32 $0x18600, s0  }
0x12: {  	s24 =	smax.u32 s5, $0x1;
	s0 =	sor.u32 $0x1C0D, s25;
	s25 =	simm.s32 $0xAF00  }
0x13: {  	s7 =	sadd.s32 s2, s7;
	s2 =	sadd.s32 s19, s2;
	[dreg:$0x9] =	wrdreg s24  }
.Ltmp0:
0x14: {  	[dreg:$0xa] =	wrdreg s0;
	s19 =	simm.s32 $0x4F00;
	(pc) =	sbr.rel .LBB2_1-.Ltmp0, $4  }
0x15: {  	s0 =	simm.s32 $0xEF00;
	[dreg:$0x5] =	wrdreg s7;
	s2 =	sadd.s32 $0x13800, s2  }
0x16: {  	s24 =	simm.s32 $0x4;
	[dreg:$0x6] =	wrdreg s2;
	s2 =	sadd.s32 s21, s1  }
0x17: {  	s7 =	sadd.s32 $0x92400, s1;
	s21 =	simm.s32 $0x6F00;
	s26 =	sshrl.u32 s2, $0x3  }
0x18: {  	s2 =	simm.s32 $0xB;
	[dreg:$0xb] =	wrdreg s26;
	s26 =	simm.s32 $0x9  }
.LBB2_9:
0x19: {  	_ =	swait.ge [sflag:s22], $0x2000  }
0x1a: {  	[sflag:s22] =	ssyncset.done $0x0  }
0x1b: {  	s3 =	simm.s32 $0x4D80;
	[sflag:s22] =	ssyncadd.s32 $0xFFFFE000  }
0x1c: {  	[spmem:s1] =	stream.indirect.scatter.add.f32 [tilespmem:s0], [sflag:$0xC], $0x40, s3, s18, $0xb8;
	[tilespmem:$0x1AB40] =	vst v63  }
0x1d: {  	_ =	swait.ge [sflag:s20], $0x2000  }
0x1e: {  	[sflag:s20] =	ssyncset.done $0x0  }
0x1f: {  	[sflag:s20] =	ssyncadd.s32 $0xFFFFE000  }
0x20: {  	_ =	swait.ge [sflag:s30], $0x2000  }
0x21: {  	[sflag:s30] =	ssyncset.done $0x0  }
0x22: {  	[sflag:s30] =	ssyncadd.s32 $0xFFFFE000  }
0x23: {  	_ =	swait.ge [sflag:s26], $0x2000  }
0x24: {  	[sflag:s26] =	ssyncset.done $0x0  }
0x25: {  	[sflag:s26] =	ssyncadd.s32 $0xFFFFE000  }
0x26: {  	_ =	swait.ge [sflag:s31], $0x2000  }
0x27: {  	[sflag:s31] =	ssyncset.done $0x0  }
0x28: {  	[sflag:s31] =	ssyncadd.s32 $0xFFFFE000  }
0x29: {  	_ =	swait.ge [sflag:s2], $0x2000  }
0x2a: {  	[sflag:s2] =	ssyncset.done $0x0  }
0x2b: {  	[sflag:s2] =	ssyncadd.s32 $0xFFFFE000  }
0x2c: {  	_ =	swait.ge [sflag:s15], $0x2000  }
0x2d: {  	s10 =	stileid.u32;
	[sflag:s15] =	ssyncset.done $0x0  }
0x2e: {  	s5 =	sadd.s32 @p2 $0x12480, s9;
	s3 =	sshll.u32 @p2 s10, $0x6;
	[sflag:s15] =	ssyncadd.s32 $0xFFFFE000  }
0x2f: {  	s6 =	sshrl.u32 @p2 s7, $0x3;
	s3 =	sor.u32 @p2 $0x1C0D, s3;
	[bflag:$0x0] =	sbarrier.arrive $0xFFFF  }
0x30: {  	[hbm:s5], [sflag:s3] =	dma.local @p2 [spmem:s6], $0x1400  }
0x31: {  	s3 =	simm.s32 @p2 $0xD  }
0x32: {  	_ =	swait.ge @p2 [sflag:s3], $0x1400  }
0x33: {  	[sflag:s3] =	ssyncset.done @p2 $0x0;
	s5 =	rddreg [dreg:$0x7]  }
0x34: {  	s6 =	rddreg [dreg:$0x8];
	[sflag:s3] =	ssyncadd.s32 @p2 $0xFFFFEC00;
	s3 =	sshll.u32 @!p2 s10, $0x6  }
0x35: {  	s5 =	sadd.s32 @!p2 s5, s9;
	s6 =	sshrl.u32 @!p2 s6, $0x3;
	s3 =	sor.u32 @!p2 $0x1C0D, s3  }
0x36: {  	[hbm:s5], [sflag:s3] =	dma.local @!p2 [spmem:s6], $0x1380  }
0x37: {  	s3 =	simm.s32 @!p2 $0xD  }
0x38: {  	_ =	swait.ge @!p2 [sflag:s3], $0x1380  }
0x39: {  	s16 =	sadd.s32 $0x1, s16;
	s12 =	rddreg [dreg:$0x9]  }
0x3a: {  	p3 =	sne.s32 s16, s12  }
.Ltmp1:
0x3b: {  	_ = 	snop;
	(pc) =	sbr.rel @!p3 .LBB2_10-.Ltmp1, $3  }
0x3c: {  	_ =	sdelay $0x1  }
0x3d: {  	[sflag:s3] =	ssyncset.done @!p2 $0x0  }
0x3e: {  	s11 =	stileid.u32;
	s10 =	simm.s32 $0x0;
	[sflag:s3] =	ssyncadd.s32 @!p2 $0xFFFFEC80  }
.LBB2_1:
.Ltmp2:
0x3f: {  	(pc) =	sbr.rel @p0 .LBB2_3-.Ltmp2, $3  }
0x40: {  	_ =	sdelay $0x1  }
0x41: {  	s3 =	rddreg [dreg:$0x5]  }
0x42: {  	[tilespmem:s10], [sflag:$0x1] =	stream.linear.gather [hbm4b:s3+s10], $0x4E00, $0x38;
	[tilespmem:$0x1AB40] =	vst v63  }
.Ltmp3:
0x43: {  	s3 =	rddreg [dreg:$0x6];
	s5 =	simm.s32 $0x4E00;
	(pc) =	sbr.rel .LBB2_4-.Ltmp3, $4  }
0x44: {  	[tilespmem:s5], [sflag:$0xD] =	stream.linear.gather [hbm4b:s3+s10], $0x100, $0x38;
	[tilespmem:$0x1AB40] =	vst v63  }
0x45: {  	_ =	swait.ge [sflag:s14], $0x100  }
0x46: {  	[sflag:s14] =	ssyncset.done $0x0  }
0x47: {  	[sflag:s14] =	ssyncadd.s32 $0xFFFFFF00  }
.LBB2_3:
.Ltmp4:
0x48: {  	(pc) =	sbr.rel @!p1 .LBB2_4-.Ltmp4, $1  }
0x49: {  	_ =	sdelay $0x3  }
0x4a: {  	s5 =	sshrl.u32 s7, $0x3  }
.Ltmp5:
0x4b: {  	s3 =	rddreg [dreg:$0x4];
	s6 =	simm.s32 $0x1FCD;
	(pc) =	sbr.rel .LBB2_6-.Ltmp5, $4  }
0x4c: {  	[spmem:s5], [sflag:s6] =	dma.local [hbm:s3], $0x1400  }
0x4d: {  	_ =	swait.ge [sflag:s14], $0x1400  }
0x4e: {  	[sflag:s14] =	ssyncset.done $0x0  }
0x4f: {  	p2 =	por $0x1, $0x1;
	[sflag:s14] =	ssyncadd.s32 $0xFFFFEC00  }
.LBB2_4:
0x50: {  	s3 =	rddreg [dreg:$0x4]  }
0x51: {  	s5 =	rddreg [dreg:$0xa]  }
0x52: {  	s6 =	rddreg [dreg:$0xb]  }
0x53: {  	[spmem:s6], [sflag:s5] =	dma.local [hbm:s3], $0x1380  }
0x54: {  	_ =	swait.ge [sflag:s14], $0x1380  }
0x55: {  	[sflag:s14] =	ssyncset.done $0x0  }
0x56: {  	p2 =	por $0x0, $0x0;
	[sflag:s14] =	ssyncadd.s32 $0xFFFFEC80  }
.LBB2_6:
0x57: {  	_ =	swait.ge [sflag:s17], $0x4E00  }
0x58: {  	[sflag:s17] =	ssyncset.done $0x0  }
0x59: {  	s5 =	simm.s32 @!p0 $0x80;
	[sflag:s17] =	ssyncadd.s32 $0xFFFFB200  }
0x5a: {  	s6 =	simm.s32 @!p0 $0x4E00;
	s10 =	simm.s32 @!p0 $0xEF00;
	[bflag:$0x0] =	sbarrier.arrive $0xFFFF  }
0x5b: {  	[tilespmem:s10], [sflag:$0xD] =	stream.indirect.gather @!p0 [hbm4b:s4+s5], $0x40, s6, s5, $0xb8;
	[tilespmem:$0x1AB40] =	vst v63  }
0x5c: {  	s6 =	simm.s32 @!p0 $0xD  }
0x5d: {  	_ =	swait.ge @!p0 [sflag:s6], $0x2000  }
0x5e: {  	[sflag:s6] =	ssyncset.done @!p0 $0x0  }
0x5f: {  	s11 =	simm.s32 @!p0 $0x4E80;
	[sflag:s6] =	ssyncadd.s32 @!p0 $0xFFFFE000  }
0x60: {  	[spmem:s1] =	stream.indirect.scatter.add.f32 @!p0 [tilespmem:s10], [sflag:$0xD], $0x40, s11, s5, $0xb8;
	[tilespmem:$0x1AB40] =	vst v63  }
0x61: {  	_ =	swait.ge @!p0 [sflag:s6], $0x2000  }
0x62: {  	[sflag:s6] =	ssyncset.done @!p0 $0x0  }
0x63: {  	s5 =	simm.s32 $0x0;
	[sflag:s6] =	ssyncadd.s32 @!p0 $0xFFFFE000  }
0x64: {  	[tilespmem:s19], [sflag:$0x1] =	stream.indirect.gather [hbm4b:s4+s18], $0x40, s5, s18, $0xb8;
	[tilespmem:$0x1AB40] =	vst v63  }
0x65: {  	s3 =	simm.s32 $0x100  }
0x66: {  	[tilespmem:s21], [sflag:$0x2] =	stream.indirect.gather [hbm4b:s4+s18], $0x40, s3, s18, $0xb8;
	[tilespmem:$0x1AB40] =	vst v63  }
0x67: {  	s12 =	simm.s32 $0x200  }
0x68: {  	[tilespmem:s23], [sflag:$0x3] =	stream.indirect.gather [hbm4b:s4+s18], $0x40, s12, s18, $0xb8;
	[tilespmem:$0x1AB40] =	vst v63  }
0x69: {  	s6 =	simm.s32 $0x300  }
0x6a: {  	[tilespmem:s25], [sflag:$0x4] =	stream.indirect.gather [hbm4b:s4+s18], $0x40, s6, s18, $0xb8;
	[tilespmem:$0x1AB40] =	vst v63  }
0x6b: {  	_ =	swait.ge [sflag:s17], $0x2000  }
0x6c: {  	[sflag:s17] =	ssyncset.done $0x0  }
0x6d: {  	[sflag:s17] =	ssyncadd.s32 $0xFFFFE000  }
0x6e: {  	[spmem:s1] =	stream.indirect.scatter.add.f32 [tilespmem:s19], [sflag:$0x7], $0x40, s18, s18, $0xb8;
	[tilespmem:$0x1AB40] =	vst v63  }
0x6f: {  	s10 =	simm.s32 $0x400  }
0x70: {  	[tilespmem:s28], [sflag:$0x5] =	stream.indirect.gather [hbm4b:s4+s18], $0x40, s10, s18, $0xb8;
	[tilespmem:$0x1AB40] =	vst v63  }
0x71: {  	_ =	swait.ge [sflag:s29], $0x2000  }
0x72: {  	[sflag:s29] =	ssyncset.done $0x0  }
0x73: {  	s11 =	simm.s32 $0x180;
	[sflag:s29] =	ssyncadd.s32 $0xFFFFE000  }
0x74: {  	[spmem:s1] =	stream.indirect.scatter.add.f32 [tilespmem:s21], [sflag:$0x8], $0x40, s11, s18, $0xb8;
	[tilespmem:$0x1AB40] =	vst v63  }
0x75: {  	s12 =	simm.s32 $0x500  }
0x76: {  	[tilespmem:s0], [sflag:$0x6] =	stream.indirect.gather [hbm4b:s4+s18], $0x40, s12, s18, $0xb8;
	[tilespmem:$0x1AB40] =	vst v63  }
0x77: {  	_ =	swait.ge [sflag:s13], $0x2000  }
0x78: {  	[sflag:s13] =	ssyncset.done $0x0  }
0x79: {  	s6 =	simm.s32 $0x280;
	[sflag:s13] =	ssyncadd.s32 $0xFFFFE000  }
0x7a: {  	[spmem:s1] =	stream.indirect.scatter.add.f32 [tilespmem:s23], [sflag:$0x9], $0x40, s6, s18, $0xb8;
	[tilespmem:$0x1AB40] =	vst v63  }
0x7b: {  	_ =	swait.ge [sflag:s20], $0x2000  }
0x7c: {  	[sflag:s20] =	ssyncset.done $0x0  }
0x7d: {  	s10 =	simm.s32 $0x600;
	[sflag:s20] =	ssyncadd.s32 $0xFFFFE000  }
0x7e: {  	[tilespmem:s19], [sflag:$0x1] =	stream.indirect.gather [hbm4b:s4+s18], $0x40, s10, s18, $0xb8;
	[tilespmem:$0x1AB40] =	vst v63  }
0x7f: {  	_ =	swait.ge [sflag:s24], $0x2000  }
0x80: {  	[sflag:s24] =	ssyncset.done $0x0  }
0x81: {  	s11 =	simm.s32 $0x380;
	[sflag:s24] =	ssyncadd.s32 $0xFFFFE000  }
0x82: {  	[spmem:s1] =	stream.indirect.scatter.add.f32 [tilespmem:s25], [sflag:$0xA], $0x40, s11, s18, $0xb8;
	[tilespmem:$0x1AB40] =	vst v63  }
0x83: {  	_ =	swait.ge [sflag:s30], $0x2000  }
0x84: {  	[sflag:s30] =	ssyncset.done $0x0  }
0x85: {  	s12 =	simm.s32 $0x700;
	[sflag:s30] =	ssyncadd.s32 $0xFFFFE000  }
0x86: {  	[tilespmem:s21], [sflag:$0x2] =	stream.indirect.gather [hbm4b:s4+s18], $0x40, s12, s18, $0xb8;
	[tilespmem:$0x1AB40] =	vst v63  }
0x87: {  	_ =	swait.ge [sflag:s8], $0x2000  }
0x88: {  	[sflag:s8] =	ssyncset.done $0x0  }
0x89: {  	s6 =	simm.s32 $0x480;
	[sflag:s8] =	ssyncadd.s32 $0xFFFFE000  }
0x8a: {  	[spmem:s1] =	stream.indirect.scatter.add.f32 [tilespmem:s28], [sflag:$0xB], $0x40, s6, s18, $0xb8;
	[tilespmem:$0x1AB40] =	vst v63  }
0x8b: {  	_ =	swait.ge [sflag:s26], $0x2000  }
0x8c: {  	[sflag:s26] =	ssyncset.done $0x0  }
0x8d: {  	s10 =	simm.s32 $0x800;
	[sflag:s26] =	ssyncadd.s32 $0xFFFFE000  }
0x8e: {  	[tilespmem:s23], [sflag:$0x3] =	stream.indirect.gather [hbm4b:s4+s18], $0x40, s10, s18, $0xb8;
	[tilespmem:$0x1AB40] =	vst v63  }
0x8f: {  	_ =	swait.ge [sflag:s22], $0x2000  }
0x90: {  	[sflag:s22] =	ssyncset.done $0x0  }
0x91: {  	s11 =	simm.s32 $0x580;
	[sflag:s22] =	ssyncadd.s32 $0xFFFFE000  }
0x92: {  	[spmem:s1] =	stream.indirect.scatter.add.f32 [tilespmem:s0], [sflag:$0xC], $0x40, s11, s18, $0xb8;
	[tilespmem:$0x1AB40] =	vst v63  }
0x93: {  	_ =	swait.ge [sflag:s31], $0x2000  }
0x94: {  	[sflag:s31] =	ssyncset.done $0x0  }
0x95: {  	s12 =	simm.s32 $0x900;
	[sflag:s31] =	ssyncadd.s32 $0xFFFFE000  }
0x96: {  	[tilespmem:s25], [sflag:$0x4] =	stream.indirect.gather [hbm4b:s4+s18], $0x40, s12, s18, $0xb8;
	[tilespmem:$0x1AB40] =	vst v63  }
.LBB2_7:
0x97: {  	_ =	swait.ge [sflag:s17], $0x2000  }
0x98: {  	s6 =	sshra.s32 s5, $0x2;
	[sflag:s17] =	ssyncset.done $0x0  }
0x99: {  	s10 =	sadd.s32 $0x680, s6;
	[sflag:s17] =	ssyncadd.s32 $0xFFFFE000  }
0x9a: {  	[spmem:s1] =	stream.indirect.scatter.add.f32 [tilespmem:s19], [sflag:$0x7], $0x40, s10, s18, $0xb8;
	[tilespmem:$0x1AB40] =	vst v63  }
0x9b: {  	_ =	swait.ge [sflag:s2], $0x2000  }
0x9c: {  	[sflag:s2] =	ssyncset.done $0x0  }
0x9d: {  	s11 =	sadd.s32 $0xA00, s6;
	[sflag:s2] =	ssyncadd.s32 $0xFFFFE000  }
0x9e: {  	[tilespmem:s28], [sflag:$0x5] =	stream.indirect.gather [hbm4b:s4+s18], $0x40, s11, s18, $0xb8;
	[tilespmem:$0x1AB40] =	vst v63  }
0x9f: {  	_ =	swait.ge [sflag:s29], $0x2000  }
0xa0: {  	[sflag:s29] =	ssyncset.done $0x0  }
0xa1: {  	s12 =	sadd.s32 $0x780, s6;
	[sflag:s29] =	ssyncadd.s32 $0xFFFFE000  }
0xa2: {  	[spmem:s1] =	stream.indirect.scatter.add.f32 [tilespmem:s21], [sflag:$0x8], $0x40, s12, s18, $0xb8;
	[tilespmem:$0x1AB40] =	vst v63  }
0xa3: {  	_ =	swait.ge [sflag:s15], $0x2000  }
0xa4: {  	[sflag:s15] =	ssyncset.done $0x0  }
0xa5: {  	s3 =	sadd.s32 $0xB00, s6;
	[sflag:s15] =	ssyncadd.s32 $0xFFFFE000  }
0xa6: {  	[tilespmem:s0], [sflag:$0x6] =	stream.indirect.gather [hbm4b:s4+s18], $0x40, s3, s18, $0xb8;
	[tilespmem:$0x1AB40] =	vst v63  }
0xa7: {  	_ =	swait.ge [sflag:s13], $0x2000  }
0xa8: {  	p3 =	seq.s32 s5, $0x10800;
	[sflag:s13] =	ssyncset.done $0x0  }
0xa9: {  	s10 =	simm.s32 @p3 $0x4;
	s11 =	sadd.s32 $0x880, s6;
	[sflag:s13] =	ssyncadd.s32 $0xFFFFE000  }
0xaa: {  	[spmem:s1] =	stream.indirect.scatter.add.f32 [tilespmem:s23], [sflag:$0x9], $0x40, s11, s18, $0xb8;
	[tilespmem:$0x1AB40] =	vst v63  }
0xab: {  	_ =	swait.ge @p3 [sflag:s10], $0x2000  }
0xac: {  	[sflag:s10] =	ssyncset.done @p3 $0x0  }
0xad: {  	[sflag:s10] =	ssyncadd.s32 @p3 $0xFFFFE000;
	s10 =	sshra.s32 @p3 s5, $0x2  }
0xae: {  	s12 =	simm.s32 @p3 $0xAF00;
	s11 =	simm.s32 @p3 $0x80;
	s10 =	sadd.s32 @p3 $0x980, s10  }
0xaf: {  	[spmem:s1] =	stream.indirect.scatter.add.f32 @p3 [tilespmem:s12], [sflag:$0xA], $0x40, s10, s11, $0xb8;
	[tilespmem:$0x1AB40] =	vst v63  }
0xb0: {  	s10 =	simm.s32 @!p3 $0x7  }
0xb1: {  	_ =	swait.ge @!p3 [sflag:s10], $0x2000  }
0xb2: {  	[sflag:s10] =	ssyncset.done @!p3 $0x0  }
0xb3: {  	[sflag:s10] =	ssyncadd.s32 @!p3 $0xFFFFE000;
	s10 =	sshra.s32 @!p3 s5, $0x2  }
0xb4: {  	s3 =	simm.s32 @!p3 $0x4F00;
	s12 =	simm.s32 @!p3 $0x80;
	s11 =	sadd.s32 @!p3 $0xC00, s10  }
0xb5: {  	[tilespmem:s3], [sflag:$0x1] =	stream.indirect.gather @!p3 [hbm4b:s4+s12], $0x40, s11, s12, $0xb8;
	[tilespmem:$0x1AB40] =	vst v63  }
0xb6: {  	s3 =	simm.s32 @!p3 $0x4  }
0xb7: {  	_ =	swait.ge @!p3 [sflag:s3], $0x2000  }
0xb8: {  	[sflag:s3] =	ssyncset.done @!p3 $0x0  }
0xb9: {  	s11 =	simm.s32 @!p3 $0xAF00;
	[sflag:s3] =	ssyncadd.s32 @!p3 $0xFFFFE000;
	s3 =	sadd.s32 @!p3 $0x980, s10  }
0xba: {  	[spmem:s1] =	stream.indirect.scatter.add.f32 @!p3 [tilespmem:s11], [sflag:$0xA], $0x40, s3, s12, $0xb8;
	[tilespmem:$0x1AB40] =	vst v63  }
0xbb: {  	s3 =	simm.s32 @!p3 $0x8  }
0xbc: {  	_ =	swait.ge @!p3 [sflag:s3], $0x2000  }
0xbd: {  	[sflag:s3] =	ssyncset.done @!p3 $0x0  }
0xbe: {  	[sflag:s3] =	ssyncadd.s32 @!p3 $0xFFFFE000;
	s3 =	sadd.s32 @!p3 $0xD00, s10;
	s10 =	simm.s32 @!p3 $0x6F00  }
0xbf: {  	[tilespmem:s10], [sflag:$0x2] =	stream.indirect.gather @!p3 [hbm4b:s4+s12], $0x40, s3, s12, $0xb8;
	[tilespmem:$0x1AB40] =	vst v63  }
.Ltmp6:
0xc0: {  	_ = 	snop;
	(pc) =	sbr.rel @p3 .LBB2_9-.Ltmp6, $4  }
0xc1: {  	_ =	swait.ge [sflag:s8], $0x2000  }
0xc2: {  	[sflag:s8] =	ssyncset.done $0x0  }
0xc3: {  	s12 =	sadd.s32 $0xA80, s6;
	[sflag:s8] =	ssyncadd.s32 $0xFFFFE000  }
0xc4: {  	[spmem:s1] =	stream.indirect.scatter.add.f32 [tilespmem:s28], [sflag:$0xB], $0x40, s12, s18, $0xb8;
	[tilespmem:$0x1AB40] =	vst v63  }
0xc5: {  	_ =	swait.ge [sflag:s26], $0x2000  }
0xc6: {  	[sflag:s26] =	ssyncset.done $0x0  }
0xc7: {  	s3 =	sadd.s32 $0xE00, s6;
	[sflag:s26] =	ssyncadd.s32 $0xFFFFE000  }
0xc8: {  	[tilespmem:s23], [sflag:$0x3] =	stream.indirect.gather [hbm4b:s4+s18], $0x40, s3, s18, $0xb8;
	[tilespmem:$0x1AB40] =	vst v63  }
0xc9: {  	_ =	swait.ge [sflag:s22], $0x2000  }
0xca: {  	[sflag:s22] =	ssyncset.done $0x0  }
0xcb: {  	s11 =	sadd.s32 $0xB80, s6;
	[sflag:s22] =	ssyncadd.s32 $0xFFFFE000  }
0xcc: {  	[spmem:s1] =	stream.indirect.scatter.add.f32 [tilespmem:s0], [sflag:$0xC], $0x40, s11, s18, $0xb8;
	[tilespmem:$0x1AB40] =	vst v63  }
.Ltmp7:
0xcd: {  	_ = 	snop;
	(pc) =	sbr.rel .LBB2_7-.Ltmp7, $4  }
0xce: {  	_ =	swait.ge [sflag:s31], $0x2000  }
0xcf: {  	[sflag:s31] =	ssyncset.done $0x0  }
0xd0: {  	s12 =	sadd.s32 $0xF00, s6;
	s5 =	sadd.s32 $0x1800, s5;
	[sflag:s31] =	ssyncadd.s32 $0xFFFFE000  }
0xd1: {  	[tilespmem:s25], [sflag:$0x4] =	stream.indirect.gather [hbm4b:s4+s18], $0x40, s12, s18, $0xb8;
	[tilespmem:$0x1AB40] =	vst v63  }
.LBB2_10:
0xd2: {  	_ =	sfence.sel $0x180000  }
0xd3: {  	[bflag:$0x0] =	sbarrier.arrive $0xFFFF  }
0xd4: {  	_ =	strace $0x90000050  }
0xd5: {  	[bflag:$0x2] =	sbarrier.arrive $0xFFFF  }
0xd6: {  	p0 =	sne.s32 s11, $0x0;
	s0 =	rddreg [dreg:$0x3]  }
0xd7: {  	s0 =	sadd.s32 @!p0 $0x100000, s0  }
0xd8: {  	[sflag:s0] =	ssyncadd.tile.s32 @!p0 $0x1;
	_ =	shalt  }
.Lfunc_end2:
_tile_overlayer_lowered:
.L_overlay_start_2:
0xd9: {  	(tag) =	ssettag $0x2  }
0xda: {  	s0 =	rddreg [dreg:$0x0];
	s2 =	stileid.u32  }
0xdb: {  	s1 =	rddreg [dreg:$0x1];
	p0 =	sne.s32 s2, $0x0  }
0xdc: {  	s3 =	rddreg [dreg:$0x2];
	[bflag:$0x3] =	sbarrier.arrive $0xFFFF;
	s2 =	simm.s32 @!p0 $0x1C0D  }
0xdd: {  	[timem:s3], [sflag:s2] =	dma.local @!p0 [hbm:s0], s1  }
0xde: {  	s0 =	simm.s32 @!p0 $0xD  }
0xdf: {  	_ =	swait.ge @!p0 [sflag:s0], s1  }
0xe0: {  	s1 =	ssub.s32 @!p0 $0x0, s1;
	[sflag:s0] =	ssyncset.done @!p0 $0x0  }
0xe1: {  	[sflag:s0] =	ssyncadd.s32 @!p0 s1  }
0xe2: {  	[bflag:$0x3] =	sbarrier.arrive $0xFFFF  }
0xe3: {  	_ =	shalt  }

</sc_bundles>
